<compile_context>
chip_gen: v7x
topology: tpu7x:2x2x1
jax: 0.10.2.dev20260603
libtpu: 0.0.44.dev20260713+nightly
codegen_flags: <defaults>
</compile_context>

<pallas_src>
import functools

import jax
import jax.numpy as jnp
from jax import lax
from jax.experimental import pallas as pl
from jax.experimental.pallas import tpu as pltpu
from jax.experimental.pallas import tpu_sc as plsc

N = 10000
E = 320000
D = 128

NC = 2
NS = 16
NW = NC * NS

SUB = 80
NSUB = 4
OWN = NSUB * SUB
NPAD = NW * OWN
CH = 3200
NCH = E // CH
MAXM = 16384
CAP = 6144
GB = 32
PADN = 16512

_mesh = plsc.VectorSubcoreMesh(core_axis_name="c", subcore_axis_name="s")


@functools.partial(
    pl.kernel,
    mesh=_mesh,
    compiler_params=pltpu.CompilerParams(needs_layout_passes=False),
    out_type=[jax.ShapeDtypeStruct((NPAD, D), jnp.float32) for _ in range(3)],
    scratch_types=[
        pltpu.VMEM((CH,), jnp.int32),
        pltpu.VMEM((CH,), jnp.int32),
        pltpu.VMEM((CH,), jnp.int32),
        pltpu.VMEM((CH,), jnp.int32),
        pltpu.VMEM((MAXM,), jnp.int32),
        pltpu.VMEM((MAXM,), jnp.int32),
        pltpu.VMEM((CAP,), jnp.int32),
        pltpu.VMEM((CAP,), jnp.int32),
        pltpu.VMEM((GB, D), jnp.float32),
        pltpu.VMEM((GB, D), jnp.float32),
        pltpu.VMEM((GB, D), jnp.float32),
        pltpu.VMEM((GB, D), jnp.float32),
        pltpu.VMEM((SUB + 1, D), jnp.float32),
        pltpu.VMEM((SUB + 1, D), jnp.float32),
        pltpu.VMEM((SUB + 1, D), jnp.float32),
        pltpu.SemaphoreType.DMA,
        pltpu.SemaphoreType.DMA,
        pltpu.SemaphoreType.DMA,
        pltpu.SemaphoreType.DMA,
        pltpu.SemaphoreType.DMA,
        pltpu.SemaphoreType.DMA,
    ],
)
def _sc_agg(dst, src, feat, sum_o, max_o, min_o,
            db0, sb0, db1, sb1, locsW, srcsW, locsS, srcsS,
            rows0, rows1, rows2, rows3,
            accs, accx, accn, semc0, semc1, sem0, sem1, sem2, sem3):
    wid = lax.axis_index("s") * NC + lax.axis_index("c")
    base = wid * OWN
    iota = lax.iota(jnp.int32, 16)

    def issue_chunk(g, db, sb, sem):
        pltpu.async_copy(dst.at[pl.ds(g * CH, CH)], db, sem)
        pltpu.async_copy(src.at[pl.ds(g * CH, CH)], sb, sem)

    def drain_chunk(db, sb, sem):
        pltpu.make_async_copy(dst.at[pl.ds(0, CH)], db, sem).wait()
        pltpu.make_async_copy(src.at[pl.ds(0, CH)], sb, sem).wait()

    issue_chunk(0, db0, sb0, semc0)
    issue_chunk(1, db1, sb1, semc1)

    def initw(i, _):
        locsW[pl.ds(i * 16, 16)] = jnp.full((16,), OWN, jnp.int32)
        return 0
    lax.fori_loop(0, MAXM // 16, initw, 0)

    trashW = jnp.full((16,), MAXM - 16, jnp.int32) + iota

    def scan_vec(db, sb, i, cv):
        d = db[pl.ds(i * 16, 16)]
        s = sb[pl.ds(i * 16, 16)]
        loc = d - base
        m = (loc >= 0) & (loc < OWN)
        cum = plsc.cumsum(m.astype(jnp.int32))
        pos = jnp.where(m, jnp.minimum(cv + cum - 1, MAXM - 17), trashW)
        plsc.store_scatter(locsW, [pos], loc)
        plsc.store_scatter(srcsW, [pos], s)
        return cv + plsc.all_reduce_population_count(m)

    def scan_buf(db, sb, cv):
        def vec_body(i, cv):
            for u in range(4):
                cv = scan_vec(db, sb, i * 4 + u, cv)
            return cv
        return lax.fori_loop(0, CH // 64, vec_body, cv)

    def chunk_pair(j, cv):
        g0 = j * 2
        drain_chunk(db0, sb0, semc0)
        cv = scan_buf(db0, sb0, cv)

        @pl.when(g0 + 2 < NCH)
        def _():
            issue_chunk(g0 + 2, db0, sb0, semc0)

        drain_chunk(db1, sb1, semc1)
        cv = scan_buf(db1, sb1, cv)

        @pl.when(g0 + 3 < NCH)
        def _():
            issue_chunk(g0 + 3, db1, sb1, semc1)
        return cv

    cv = lax.fori_loop(0, NCH // 2, chunk_pair, jnp.zeros((16,), jnp.int32))
    nba = jnp.clip((jnp.max(cv) + 15) // 16, 1, (MAXM - 16) // 16)

    trashS = jnp.full((16,), CAP - 16, jnp.int32) + iota

    for r in range(NSUB):
        def inits(i, _):
            sl = pl.ds(i * 16, 16)
            locsS[sl] = jnp.full((16,), SUB, jnp.int32)
            srcsS[sl] = jnp.full((16,), i * 16, jnp.int32) + iota
            return 0
        lax.fori_loop(0, CAP // 16, inits, 0)

        def acc_init(rr, _):
            for g in range(D // 16):
                sl = pl.ds(g * 16, 16)
                accs[rr, sl] = jnp.zeros((16,), jnp.float32)
                accx[rr, sl] = jnp.full((16,), -jnp.inf, jnp.float32)
                accn[rr, sl] = jnp.full((16,), jnp.inf, jnp.float32)
            return 0
        lax.fori_loop(0, SUB + 1, acc_init, 0)

        def split_vec(i, cs):
            lv = locsW[pl.ds(i * 16, 16)]
            sv = srcsW[pl.ds(i * 16, 16)]
            lr = lv - r * SUB
            m = (lr >= 0) & (lr < SUB)
            cum = plsc.cumsum(m.astype(jnp.int32))
            pos = jnp.where(m, jnp.minimum(cs + cum - 1, CAP - 17), trashS)
            plsc.store_scatter(locsS, [pos], lr)
            plsc.store_scatter(srcsS, [pos], sv)
            return cs + plsc.all_reduce_population_count(m)

        def split_body(i, cs):
            for u in range(4):
                cs = split_vec(i * 4 + u, cs)
            return cs

        cs = lax.fori_loop(0, (nba + 3) // 4, split_body,
                           jnp.zeros((16,), jnp.int32))
        nbb = jnp.clip((jnp.max(cs) + 4 * GB - 1) // (4 * GB) * 4, 4,
                       (CAP - 16) // GB // 4 * 4)

        def issue(k, buf, sem):
            return pltpu.async_copy(feat.at[srcsS.at[pl.ds(k * GB, GB)]],
                                    buf, sem)

        def drain(buf, sem):
            pltpu.make_async_copy(feat.at[srcsS.at[pl.ds(0, GB)]],
                                  buf, sem).wait()

        def process(k, buf):
            if True:
                return
            for half in range(GB // 16):
                lov = locsS[pl.ds(k * GB + half * 16, 16)]

                def edge_body(j, _):
                    e0 = j * 2
                    lo0 = jnp.sum(jnp.where(iota == e0, lov, 0))
                    lo1 = jnp.sum(jnp.where(iota == e0 + 1, lov, 0))
                    for g in range(D // 16):
                        sl = pl.ds(g * 16, 16)
                        rv0 = buf[half * 16 + e0, sl]
                        rv1 = buf[half * 16 + e0 + 1, sl]
                        plsc.addupdate(accs.at[lo0, sl], rv0)
                        accx[lo0, sl] = jnp.maximum(accx[lo0, sl], rv0)
                        accn[lo0, sl] = jnp.minimum(accn[lo0, sl], rv0)
                        plsc.addupdate(accs.at[lo1, sl], rv1)
                        accx[lo1, sl] = jnp.maximum(accx[lo1, sl], rv1)
                        accn[lo1, sl] = jnp.minimum(accn[lo1, sl], rv1)
                    return 0
                lax.fori_loop(0, 8, edge_body, 0)

        bufs = ((rows0, sem0), (rows1, sem1), (rows2, sem2), (rows3, sem3))
        for u, (buf, sem) in enumerate(bufs):
            issue(u, buf, sem)

        def quad_body(j, _):
            k0 = j * 4
            for u, (buf, sem) in enumerate(bufs):
                drain(buf, sem)
                process(k0 + u, buf)

                @pl.when(k0 + u + 4 < nbb)
                def _():
                    issue(k0 + u + 4, buf, sem)
            return 0

        lax.fori_loop(0, nbb // 4, quad_body, 0)

        rsl = pl.ds(base + r * SUB, SUB)
        asl = pl.ds(0, SUB)
        pltpu.sync_copy(accs.at[asl], sum_o.at[rsl])
        pltpu.sync_copy(accx.at[asl], max_o.at[rsl])
        pltpu.sync_copy(accn.at[asl], min_o.at[rsl])


def _mlp_body(s_ref, x_ref, n_ref, w1_ref, w2_ref, w3_ref, b_ref, o_ref):
    x = x_ref[...]
    n = n_ref[...]
    x = jnp.where(jnp.isfinite(x), x, 0.0)
    n = jnp.where(jnp.isfinite(n), n, 0.0)
    acc = jnp.dot(s_ref[...], w1_ref[...], preferred_element_type=jnp.float32)
    acc = acc + jnp.dot(x, w2_ref[...], preferred_element_type=jnp.float32)
    acc = acc + jnp.dot(n, w3_ref[...], preferred_element_type=jnp.float32)
    o_ref[...] = jnp.tanh(acc + b_ref[...])


def _mlp(s, x, n, w1, w2, w3, b2):
    R = 1000
    aspec = pl.BlockSpec((R, D), lambda i: (i, 0))
    wspec = pl.BlockSpec((D, D), lambda i: (0, 0))
    return pl.pallas_call(
        _mlp_body,
        grid=(N // R,),
        in_specs=[aspec, aspec, aspec, wspec, wspec, wspec,
                  pl.BlockSpec((1, D), lambda i: (0, 0))],
        out_specs=aspec,
        out_shape=jax.ShapeDtypeStruct((N, D), jnp.float32),
    )(s, x, n, w1, w2, w3, b2)


def kernel(edge_index, features, W, b):
    ei = edge_index.astype(jnp.int32)
    feat_pad = jnp.concatenate(
        [features, jnp.zeros((PADN - N, D), jnp.float32)], axis=0)
    s_pad, x_pad, n_pad = _sc_agg(ei[0], ei[1], feat_pad)
    w1 = W[:, :D].T
    w2 = W[:, D:2 * D].T
    w3 = W[:, 2 * D:].T
    return _mlp(s_pad[:N], x_pad[:N], n_pad[:N], w1, w2, w3, b.reshape(1, D))

# --- scband reference (transcript-rebuilt; emitter-appended) ---
"""Pipeline reference for scband-pnaaggregator-38723425140760 (READ-ONLY COPY).

The authoritative reference and input builder live on the scoring server;
editing this copy changes nothing except your own understanding.
"""

import jax, jax.numpy as jnp
import numpy as np

N = 10000
E = 320000
D_IN = 128
D_OUT = 128
N_AGG = 3  # sum, max, min


def setup_inputs(seed: int = 0) -> dict:
    key = jax.random.key(seed)
    k1, k2, k3, k4 = jax.random.split(key, 4)
    # sparse neighborhood matrix represented as COO edge_index (row=dst, col=src), values implicitly 1.0
    edge_index = jax.random.randint(k1, (2, E), 0, N)
    features = jax.random.normal(k2, (N, D_IN), dtype=jnp.float32)
    # nn.Linear(3*D_IN, D_OUT) parameters (torch layout: W [out, in], b [out])
    bound = 1.0 / np.sqrt(N_AGG * D_IN)
    W = jax.random.uniform(k3, (D_OUT, N_AGG * D_IN), minval=-bound, maxval=bound, dtype=jnp.float32)
    b = jax.random.uniform(k4, (D_OUT,), minval=-bound, maxval=bound, dtype=jnp.float32)
    return {"edge_index": edge_index, "features": features, "W": W, "b": b}


def reference(edge_index, features, W, b):
    row = edge_index[0]  # destination node of each edge
    col = edge_index[1]  # source node of each edge
    gathered = features[col]  # [E, D_IN] gather (spmm message construction)
    # spmm_sum
    agg_sum = jax.ops.segment_sum(gathered, row, num_segments=N)
    # spmm_max (empty rows -> 0, matching torch_sparse behavior)
    agg_max = jax.ops.segment_max(gathered, row, num_segments=N)
    agg_max = jnp.where(jnp.isfinite(agg_max), agg_max, 0.0)
    # spmm_min (empty rows -> 0)
    agg_min = jax.ops.segment_min(gathered, row, num_segments=N)
    agg_min = jnp.where(jnp.isfinite(agg_min), agg_min, 0.0)
    # identity scaler only; concat aggregations along feature dim
    combined = jnp.concatenate([agg_sum, agg_max, agg_min], axis=1)  # [N, 3*D_IN]
    out = combined @ W.T + b
    return jnp.tanh(out)

if __name__ == "__main__":
    import jax
    _d = setup_inputs()
    print(jax.jit(kernel)(*tuple(_d.values())))

</pallas_src>

<mosaic_0001>
#map = affine_map<(d0, d1) -> (0)>
#map1 = affine_map<(d0, d1) -> (0, 0)>
module attributes {stable_mosaic.version = 14 : i64} {
  func.func @_sc_agg(%arg0: i32, %arg1: i32, %arg2: memref<320000xi32, #tpu.memory_space<hbm>>, %arg3: memref<320000xi32, #tpu.memory_space<hbm>>, %arg4: memref<16512x128xf32, #tpu.memory_space<hbm>>, %arg5: memref<10240x128xf32, #tpu.memory_space<hbm>>, %arg6: memref<10240x128xf32, #tpu.memory_space<hbm>>, %arg7: memref<10240x128xf32, #tpu.memory_space<hbm>>, %arg8: memref<3200xi32, #tpu.memory_space<vmem>>, %arg9: memref<3200xi32, #tpu.memory_space<vmem>>, %arg10: memref<3200xi32, #tpu.memory_space<vmem>>, %arg11: memref<3200xi32, #tpu.memory_space<vmem>>, %arg12: memref<16384xi32, #tpu.memory_space<vmem>>, %arg13: memref<16384xi32, #tpu.memory_space<vmem>>, %arg14: memref<6144xi32, #tpu.memory_space<vmem>>, %arg15: memref<6144xi32, #tpu.memory_space<vmem>>, %arg16: memref<32x128xf32, #tpu.memory_space<vmem>>, %arg17: memref<32x128xf32, #tpu.memory_space<vmem>>, %arg18: memref<32x128xf32, #tpu.memory_space<vmem>>, %arg19: memref<32x128xf32, #tpu.memory_space<vmem>>, %arg20: memref<81x128xf32, #tpu.memory_space<vmem>>, %arg21: memref<81x128xf32, #tpu.memory_space<vmem>>, %arg22: memref<81x128xf32, #tpu.memory_space<vmem>>, %arg23: memref<!tpu.dma_semaphore, #tpu.memory_space<semaphore_mem>>, %arg24: memref<!tpu.dma_semaphore, #tpu.memory_space<semaphore_mem>>, %arg25: memref<!tpu.dma_semaphore, #tpu.memory_space<semaphore_mem>>, %arg26: memref<!tpu.dma_semaphore, #tpu.memory_space<semaphore_mem>>, %arg27: memref<!tpu.dma_semaphore, #tpu.memory_space<semaphore_mem>>, %arg28: memref<!tpu.dma_semaphore, #tpu.memory_space<semaphore_mem>>) attributes {dimension_semantics = [#tpu.dimension_semantics<core_parallel>, #tpu.dimension_semantics<subcore_parallel>], iteration_bounds = array<i64: 2, 16>, scalar_prefetch = 0 : i64, scratch_operands = 21 : i64, tpu.core_type = #tpu.core_type<sc_vector_subcore>, window_params = [{transform_indices = #map}, {transform_indices = #map}, {transform_indices = #map1}, {transform_indices = #map1}, {transform_indices = #map1}, {transform_indices = #map1}]} {
    %mul3A = arith.constant 2 : i32
    %mul3A_0 = arith.muli %arg1, %mul3A : i32
    %add3A = arith.addi %mul3A_0, %arg0 : i32
    %mul3A_1 = arith.constant 320 : i32
    %mul3A_2 = arith.muli %add3A, %mul3A_1 : i32
    %iota3A = tpu.iota {dimensions = array<i32: 0>} : vector<16xi32>
    %dma_start3A = arith.constant 0 : i32
    %dma_start3A_3 = tpu.memref_slice %arg2[%dma_start3A] : memref<320000xi32, #tpu.memory_space<hbm>> -> memref<3200xi32, #tpu.memory_space<hbm>>
    %dma_start3A_4 = arith.constant 0 : i32
    %dma_start3A_5 = tpu.memref_slice %arg2[%dma_start3A_4] : memref<320000xi32, #tpu.memory_space<hbm>> -> memref<3200xi32, #tpu.memory_space<hbm>>
    tpu.enqueue_dma source(%dma_start3A_5 : memref<3200xi32, #tpu.memory_space<hbm>>) target(%arg8 : memref<3200xi32, #tpu.memory_space<vmem>>) target_semaphore(%arg23 : memref<!tpu.dma_semaphore, #tpu.memory_space<semaphore_mem>>)
    %dma_start3A_6 = arith.constant 0 : i32
    %dma_start3A_7 = tpu.memref_slice %arg3[%dma_start3A_6] : memref<320000xi32, #tpu.memory_space<hbm>> -> memref<3200xi32, #tpu.memory_space<hbm>>
    %dma_start3A_8 = arith.constant 0 : i32
    %dma_start3A_9 = tpu.memref_slice %arg3[%dma_start3A_8] : memref<320000xi32, #tpu.memory_space<hbm>> -> memref<3200xi32, #tpu.memory_space<hbm>>
    tpu.enqueue_dma source(%dma_start3A_9 : memref<3200xi32, #tpu.memory_space<hbm>>) target(%arg9 : memref<3200xi32, #tpu.memory_space<vmem>>) target_semaphore(%arg23 : memref<!tpu.dma_semaphore, #tpu.memory_space<semaphore_mem>>)
    %dma_start3A_10 = arith.constant 3200 : i32
    %dma_start3A_11 = tpu.memref_slice %arg2[%dma_start3A_10] : memref<320000xi32, #tpu.memory_space<hbm>> -> memref<3200xi32, #tpu.memory_space<hbm>>
    %dma_start3A_12 = arith.constant 3200 : i32
    %dma_start3A_13 = tpu.memref_slice %arg2[%dma_start3A_12] : memref<320000xi32, #tpu.memory_space<hbm>> -> memref<3200xi32, #tpu.memory_space<hbm>>
    tpu.enqueue_dma source(%dma_start3A_13 : memref<3200xi32, #tpu.memory_space<hbm>>) target(%arg10 : memref<3200xi32, #tpu.memory_space<vmem>>) target_semaphore(%arg24 : memref<!tpu.dma_semaphore, #tpu.memory_space<semaphore_mem>>)
    %dma_start3A_14 = arith.constant 3200 : i32
    %dma_start3A_15 = tpu.memref_slice %arg3[%dma_start3A_14] : memref<320000xi32, #tpu.memory_space<hbm>> -> memref<3200xi32, #tpu.memory_space<hbm>>
    %dma_start3A_16 = arith.constant 3200 : i32
    %dma_start3A_17 = tpu.memref_slice %arg3[%dma_start3A_16] : memref<320000xi32, #tpu.memory_space<hbm>> -> memref<3200xi32, #tpu.memory_space<hbm>>
    tpu.enqueue_dma source(%dma_start3A_17 : memref<3200xi32, #tpu.memory_space<hbm>>) target(%arg11 : memref<3200xi32, #tpu.memory_space<vmem>>) target_semaphore(%arg24 : memref<!tpu.dma_semaphore, #tpu.memory_space<semaphore_mem>>)
    %scan3A = arith.constant 0 : i32
    %scan3A_18 = arith.constant 0 : i32
    %scan3A_19 = arith.constant 1024 : i32
    %scan3A_20 = arith.addi %scan3A_18, %scan3A_19 : i32
    %scan3A_21 = arith.constant 1 : i32
    %scan3A_22 = scf.for %scan3A_675 = %scan3A_18 to %scan3A_20 step %scan3A_21 iter_args(%scan3A_676 = %scan3A) -> (i32)  : i32 {
      %broadcast_in_dim3A_677 = arith.constant 320 : i32
      %broadcast_in_dim3A_678 = vector.broadcast %broadcast_in_dim3A_677 : i32 to vector<16xi32>
      %mul3A_679 = arith.constant 16 : i32
      %mul3A_680 = arith.muli %scan3A_675, %mul3A_679 : i32
      %swap3A = arith.index_cast %mul3A_680 : i32 to index
      %swap3A_681 = tpu.vector_load %arg12[%swap3A] {strides = array<i32>} : memref<16384xi32, #tpu.memory_space<vmem>>, vector<16xi32>,
      tpu.vector_store %arg12[%swap3A], %broadcast_in_dim3A_678 {strides = array<i32>} : memref<16384xi32, #tpu.memory_space<vmem>>, vector<16xi32>,
      %scan3A_682 = arith.constant 0 : i32
      scf.yield %scan3A_682 : i32
    }
    %scan3A_23 = arith.constant 1024 : i32
    %broadcast_in_dim3A = arith.constant 16368 : i32
    %broadcast_in_dim3A_24 = vector.broadcast %broadcast_in_dim3A : i32 to vector<16xi32>
    %add3A_25 = arith.addi %broadcast_in_dim3A_24, %iota3A : vector<16xi32>
    %broadcast_in_dim3A_26 = arith.constant 0 : i32
    %broadcast_in_dim3A_27 = vector.broadcast %broadcast_in_dim3A_26 : i32 to vector<16xi32>
    %scan3A_28 = arith.constant 0 : i32
    %scan3A_29 = arith.constant 50 : i32
    %scan3A_30 = arith.addi %scan3A_28, %scan3A_29 : i32
    %scan3A_31 = arith.constant 1 : i32
    %scan3A_32 = scf.for %scan3A_675 = %scan3A_28 to %scan3A_30 step %scan3A_31 iter_args(%scan3A_676 = %broadcast_in_dim3A_27) -> (vector<16xi32>)  : i32 {
      %mul3A_677 = arith.constant 2 : i32
      %mul3A_678 = arith.muli %scan3A_675, %mul3A_677 : i32
      %dma_wait3A = arith.constant 0 : i32
      %dma_wait3A_679 = tpu.memref_slice %arg2[%dma_wait3A] : memref<320000xi32, #tpu.memory_space<hbm>> -> memref<3200xi32, #tpu.memory_space<hbm>>
      %dma_wait3A_680 = arith.constant 0 : i32
      %dma_wait3A_681 = tpu.memref_slice %arg2[%dma_wait3A_680] : memref<320000xi32, #tpu.memory_space<hbm>> -> memref<3200xi32, #tpu.memory_space<hbm>>
      tpu.wait_dma2 semaphore(%arg23 : memref<!tpu.dma_semaphore, #tpu.memory_space<semaphore_mem>>) src(%dma_wait3A_681 : memref<3200xi32, #tpu.memory_space<hbm>>) dst(%arg8 : memref<3200xi32, #tpu.memory_space<vmem>>)
      %dma_wait3A_682 = arith.constant 0 : i32
      %dma_wait3A_683 = tpu.memref_slice %arg3[%dma_wait3A_682] : memref<320000xi32, #tpu.memory_space<hbm>> -> memref<3200xi32, #tpu.memory_space<hbm>>
      %dma_wait3A_684 = arith.constant 0 : i32
      %dma_wait3A_685 = tpu.memref_slice %arg3[%dma_wait3A_684] : memref<320000xi32, #tpu.memory_space<hbm>> -> memref<3200xi32, #tpu.memory_space<hbm>>
      tpu.wait_dma2 semaphore(%arg23 : memref<!tpu.dma_semaphore, #tpu.memory_space<semaphore_mem>>) src(%dma_wait3A_685 : memref<3200xi32, #tpu.memory_space<hbm>>) dst(%arg9 : memref<3200xi32, #tpu.memory_space<vmem>>)
      %scan3A_686 = arith.constant 0 : i32
      %scan3A_687 = arith.constant 50 : i32
      %scan3A_688 = arith.addi %scan3A_686, %scan3A_687 : i32
      %scan3A_689 = arith.constant 1 : i32
      %scan3A_690 = scf.for %scan3A_717 = %scan3A_686 to %scan3A_688 step %scan3A_689 iter_args(%scan3A_718 = %scan3A_676) -> (vector<16xi32>)  : i32 {
        %mul3A_719 = arith.constant 4 : i32
        %mul3A_720 = arith.muli %scan3A_717, %mul3A_719 : i32
        %add3A_721 = arith.constant 0 : i32
        %add3A_722 = arith.addi %mul3A_720, %add3A_721 : i32
        %mul3A_723 = arith.constant 16 : i32
        %mul3A_724 = arith.muli %add3A_722, %mul3A_723 : i32
        %get3A = arith.index_cast %mul3A_724 : i32 to index
        %get3A_725 = tpu.vector_load %arg8[%get3A] {strides = array<i32>} : memref<3200xi32, #tpu.memory_space<vmem>>, vector<16xi32>,
        %mul3A_726 = arith.constant 16 : i32
        %mul3A_727 = arith.muli %add3A_722, %mul3A_726 : i32
        %get3A_728 = arith.index_cast %mul3A_727 : i32 to index
        %get3A_729 = tpu.vector_load %arg9[%get3A_728] {strides = array<i32>} : memref<3200xi32, #tpu.memory_space<vmem>>, vector<16xi32>,
        %sub3A_730 = vector.broadcast %mul3A_2 : i32 to vector<16xi32>
        %sub3A_731 = arith.subi %get3A_725, %sub3A_730 : vector<16xi32>
        %ge3A = arith.constant 0 : i32
        %ge3A_732 = vector.broadcast %ge3A : i32 to vector<16xi32>
        %ge3A_733 = arith.cmpi sge, %sub3A_731, %ge3A_732 : vector<16xi32>
        %lt3A_734 = arith.constant 320 : i32
        %lt3A_735 = vector.broadcast %lt3A_734 : i32 to vector<16xi32>
        %lt3A_736 = arith.cmpi slt, %sub3A_731, %lt3A_735 : vector<16xi32>
        %and3A_737 = arith.andi %ge3A_733, %lt3A_736 : vector<16xi1>
        %convert_element_type3A_738 = arith.extui %and3A_737 : vector<16xi1> to vector<16xi32>
        %broadcast_in_dim3A_739 = arith.constant true
        %broadcast_in_dim3A_740 = vector.broadcast %broadcast_in_dim3A_739 : i1 to vector<16xi1>
        %masked_cumsum3A = tpu.scan <sum>, %convert_element_type3A_738 masked %broadcast_in_dim3A_740 : vector<16xi32>, vector<16xi1> -> vector<16xi32>
        %add3A_741 = arith.addi %scan3A_718, %masked_cumsum3A : vector<16xi32>
        %sub3A_742 = arith.constant 1 : i32
        %sub3A_743 = vector.broadcast %sub3A_742 : i32 to vector<16xi32>
        %sub3A_744 = arith.subi %add3A_741, %sub3A_743 : vector<16xi32>
        %min3A_745 = arith.constant 16367 : i32
        %min3A_746 = vector.broadcast %min3A_745 : i32 to vector<16xi32>
        %min3A_747 = arith.minsi %sub3A_744, %min3A_746 : vector<16xi32>
        %select_n3A_748 = arith.select %and3A_737, %min3A_747, %add3A_25 : vector<16xi1>, vector<16xi32>
        tpu.vector_store_idx %arg12[%select_n3A_748], %sub3A_731 : memref<16384xi32, #tpu.memory_space<vmem>>[vector<16xi32>], vector<16xi32>,
        tpu.vector_store_idx %arg13[%select_n3A_748], %get3A_729 : memref<16384xi32, #tpu.memory_space<vmem>>[vector<16xi32>], vector<16xi32>,
        %all_reduce_population_count3A = tpu.all_reduce %and3A_737 {dim = 0 : i64, kind = #tpu.reduction_kind<sum>} : vector<16xi1> -> vector<16xi32>
        %add3A_749 = arith.addi %scan3A_718, %all_reduce_population_count3A : vector<16xi32>
        %mul3A_750 = arith.constant 4 : i32
        %mul3A_751 = arith.muli %scan3A_717, %mul3A_750 : i32
        %add3A_752 = arith.constant 1 : i32
        %add3A_753 = arith.addi %mul3A_751, %add3A_752 : i32
        %mul3A_754 = arith.constant 16 : i32
        %mul3A_755 = arith.muli %add3A_753, %mul3A_754 : i32
        %get3A_756 = arith.index_cast %mul3A_755 : i32 to index
        %get3A_757 = tpu.vector_load %arg8[%get3A_756] {strides = array<i32>} : memref<3200xi32, #tpu.memory_space<vmem>>, vector<16xi32>,
        %mul3A_758 = arith.constant 16 : i32
        %mul3A_759 = arith.muli %add3A_753, %mul3A_758 : i32
        %get3A_760 = arith.index_cast %mul3A_759 : i32 to index
        %get3A_761 = tpu.vector_load %arg9[%get3A_760] {strides = array<i32>} : memref<3200xi32, #tpu.memory_space<vmem>>, vector<16xi32>,
        %sub3A_762 = vector.broadcast %mul3A_2 : i32 to vector<16xi32>
        %sub3A_763 = arith.subi %get3A_757, %sub3A_762 : vector<16xi32>
        %ge3A_764 = arith.constant 0 : i32
        %ge3A_765 = vector.broadcast %ge3A_764 : i32 to vector<16xi32>
        %ge3A_766 = arith.cmpi sge, %sub3A_763, %ge3A_765 : vector<16xi32>
        %lt3A_767 = arith.constant 320 : i32
        %lt3A_768 = vector.broadcast %lt3A_767 : i32 to vector<16xi32>
        %lt3A_769 = arith.cmpi slt, %sub3A_763, %lt3A_768 : vector<16xi32>
        %and3A_770 = arith.andi %ge3A_766, %lt3A_769 : vector<16xi1>
        %convert_element_type3A_771 = arith.extui %and3A_770 : vector<16xi1> to vector<16xi32>
        %broadcast_in_dim3A_772 = arith.constant true
        %broadcast_in_dim3A_773 = vector.broadcast %broadcast_in_dim3A_772 : i1 to vector<16xi1>
        %masked_cumsum3A_774 = tpu.scan <sum>, %convert_element_type3A_771 masked %broadcast_in_dim3A_773 : vector<16xi32>, vector<16xi1> -> vector<16xi32>
        %add3A_775 = arith.addi %add3A_749, %masked_cumsum3A_774 : vector<16xi32>
        %sub3A_776 = arith.constant 1 : i32
        %sub3A_777 = vector.broadcast %sub3A_776 : i32 to vector<16xi32>
        %sub3A_778 = arith.subi %add3A_775, %sub3A_777 : vector<16xi32>
        %min3A_779 = arith.constant 16367 : i32
        %min3A_780 = vector.broadcast %min3A_779 : i32 to vector<16xi32>
        %min3A_781 = arith.minsi %sub3A_778, %min3A_780 : vector<16xi32>
        %select_n3A_782 = arith.select %and3A_770, %min3A_781, %add3A_25 : vector<16xi1>, vector<16xi32>
        tpu.vector_store_idx %arg12[%select_n3A_782], %sub3A_763 : memref<16384xi32, #tpu.memory_space<vmem>>[vector<16xi32>], vector<16xi32>,
        tpu.vector_store_idx %arg13[%select_n3A_782], %get3A_761 : memref<16384xi32, #tpu.memory_space<vmem>>[vector<16xi32>], vector<16xi32>,
        %all_reduce_population_count3A_783 = tpu.all_reduce %and3A_770 {dim = 0 : i64, kind = #tpu.reduction_kind<sum>} : vector<16xi1> -> vector<16xi32>
        %add3A_784 = arith.addi %add3A_749, %all_reduce_population_count3A_783 : vector<16xi32>
        %mul3A_785 = arith.constant 4 : i32
        %mul3A_786 = arith.muli %scan3A_717, %mul3A_785 : i32
        %add3A_787 = arith.constant 2 : i32
        %add3A_788 = arith.addi %mul3A_786, %add3A_787 : i32
        %mul3A_789 = arith.constant 16 : i32
        %mul3A_790 = arith.muli %add3A_788, %mul3A_789 : i32
        %get3A_791 = arith.index_cast %mul3A_790 : i32 to index
        %get3A_792 = tpu.vector_load %arg8[%get3A_791] {strides = array<i32>} : memref<3200xi32, #tpu.memory_space<vmem>>, vector<16xi32>,
        %mul3A_793 = arith.constant 16 : i32
        %mul3A_794 = arith.muli %add3A_788, %mul3A_793 : i32
        %get3A_795 = arith.index_cast %mul3A_794 : i32 to index
        %get3A_796 = tpu.vector_load %arg9[%get3A_795] {strides = array<i32>} : memref<3200xi32, #tpu.memory_space<vmem>>, vector<16xi32>,
        %sub3A_797 = vector.broadcast %mul3A_2 : i32 to vector<16xi32>
        %sub3A_798 = arith.subi %get3A_792, %sub3A_797 : vector<16xi32>
        %ge3A_799 = arith.constant 0 : i32
        %ge3A_800 = vector.broadcast %ge3A_799 : i32 to vector<16xi32>
        %ge3A_801 = arith.cmpi sge, %sub3A_798, %ge3A_800 : vector<16xi32>
        %lt3A_802 = arith.constant 320 : i32
        %lt3A_803 = vector.broadcast %lt3A_802 : i32 to vector<16xi32>
        %lt3A_804 = arith.cmpi slt, %sub3A_798, %lt3A_803 : vector<16xi32>
        %and3A_805 = arith.andi %ge3A_801, %lt3A_804 : vector<16xi1>
        %convert_element_type3A_806 = arith.extui %and3A_805 : vector<16xi1> to vector<16xi32>
        %broadcast_in_dim3A_807 = arith.constant true
        %broadcast_in_dim3A_808 = vector.broadcast %broadcast_in_dim3A_807 : i1 to vector<16xi1>
        %masked_cumsum3A_809 = tpu.scan <sum>, %convert_element_type3A_806 masked %broadcast_in_dim3A_808 : vector<16xi32>, vector<16xi1> -> vector<16xi32>
        %add3A_810 = arith.addi %add3A_784, %masked_cumsum3A_809 : vector<16xi32>
        %sub3A_811 = arith.constant 1 : i32
        %sub3A_812 = vector.broadcast %sub3A_811 : i32 to vector<16xi32>
        %sub3A_813 = arith.subi %add3A_810, %sub3A_812 : vector<16xi32>
        %min3A_814 = arith.constant 16367 : i32
        %min3A_815 = vector.broadcast %min3A_814 : i32 to vector<16xi32>
        %min3A_816 = arith.minsi %sub3A_813, %min3A_815 : vector<16xi32>
        %select_n3A_817 = arith.select %and3A_805, %min3A_816, %add3A_25 : vector<16xi1>, vector<16xi32>
        tpu.vector_store_idx %arg12[%select_n3A_817], %sub3A_798 : memref<16384xi32, #tpu.memory_space<vmem>>[vector<16xi32>], vector<16xi32>,
        tpu.vector_store_idx %arg13[%select_n3A_817], %get3A_796 : memref<16384xi32, #tpu.memory_space<vmem>>[vector<16xi32>], vector<16xi32>,
        %all_reduce_population_count3A_818 = tpu.all_reduce %and3A_805 {dim = 0 : i64, kind = #tpu.reduction_kind<sum>} : vector<16xi1> -> vector<16xi32>
        %add3A_819 = arith.addi %add3A_784, %all_reduce_population_count3A_818 : vector<16xi32>
        %mul3A_820 = arith.constant 4 : i32
        %mul3A_821 = arith.muli %scan3A_717, %mul3A_820 : i32
        %add3A_822 = arith.constant 3 : i32
        %add3A_823 = arith.addi %mul3A_821, %add3A_822 : i32
        %mul3A_824 = arith.constant 16 : i32
        %mul3A_825 = arith.muli %add3A_823, %mul3A_824 : i32
        %get3A_826 = arith.index_cast %mul3A_825 : i32 to index
        %get3A_827 = tpu.vector_load %arg8[%get3A_826] {strides = array<i32>} : memref<3200xi32, #tpu.memory_space<vmem>>, vector<16xi32>,
        %mul3A_828 = arith.constant 16 : i32
        %mul3A_829 = arith.muli %add3A_823, %mul3A_828 : i32
        %get3A_830 = arith.index_cast %mul3A_829 : i32 to index
        %get3A_831 = tpu.vector_load %arg9[%get3A_830] {strides = array<i32>} : memref<3200xi32, #tpu.memory_space<vmem>>, vector<16xi32>,
        %sub3A_832 = vector.broadcast %mul3A_2 : i32 to vector<16xi32>
        %sub3A_833 = arith.subi %get3A_827, %sub3A_832 : vector<16xi32>
        %ge3A_834 = arith.constant 0 : i32
        %ge3A_835 = vector.broadcast %ge3A_834 : i32 to vector<16xi32>
        %ge3A_836 = arith.cmpi sge, %sub3A_833, %ge3A_835 : vector<16xi32>
        %lt3A_837 = arith.constant 320 : i32
        %lt3A_838 = vector.broadcast %lt3A_837 : i32 to vector<16xi32>
        %lt3A_839 = arith.cmpi slt, %sub3A_833, %lt3A_838 : vector<16xi32>
        %and3A_840 = arith.andi %ge3A_836, %lt3A_839 : vector<16xi1>
        %convert_element_type3A_841 = arith.extui %and3A_840 : vector<16xi1> to vector<16xi32>
        %broadcast_in_dim3A_842 = arith.constant true
        %broadcast_in_dim3A_843 = vector.broadcast %broadcast_in_dim3A_842 : i1 to vector<16xi1>
        %masked_cumsum3A_844 = tpu.scan <sum>, %convert_element_type3A_841 masked %broadcast_in_dim3A_843 : vector<16xi32>, vector<16xi1> -> vector<16xi32>
        %add3A_845 = arith.addi %add3A_819, %masked_cumsum3A_844 : vector<16xi32>
        %sub3A_846 = arith.constant 1 : i32
        %sub3A_847 = vector.broadcast %sub3A_846 : i32 to vector<16xi32>
        %sub3A_848 = arith.subi %add3A_845, %sub3A_847 : vector<16xi32>
        %min3A_849 = arith.constant 16367 : i32
        %min3A_850 = vector.broadcast %min3A_849 : i32 to vector<16xi32>
        %min3A_851 = arith.minsi %sub3A_848, %min3A_850 : vector<16xi32>
        %select_n3A_852 = arith.select %and3A_840, %min3A_851, %add3A_25 : vector<16xi1>, vector<16xi32>
        tpu.vector_store_idx %arg12[%select_n3A_852], %sub3A_833 : memref<16384xi32, #tpu.memory_space<vmem>>[vector<16xi32>], vector<16xi32>,
        tpu.vector_store_idx %arg13[%select_n3A_852], %get3A_831 : memref<16384xi32, #tpu.memory_space<vmem>>[vector<16xi32>], vector<16xi32>,
        %all_reduce_population_count3A_853 = tpu.all_reduce %and3A_840 {dim = 0 : i64, kind = #tpu.reduction_kind<sum>} : vector<16xi1> -> vector<16xi32>
        %add3A_854 = arith.addi %add3A_819, %all_reduce_population_count3A_853 : vector<16xi32>
        scf.yield %add3A_854 : vector<16xi32>
      }
      %scan3A_691 = arith.constant 50 : i32
      %add3A_692 = arith.constant 2 : i32
      %add3A_693 = arith.addi %mul3A_678, %add3A_692 : i32
      %lt3A = arith.constant 100 : i32
      %lt3A_694 = arith.cmpi slt, %add3A_693, %lt3A : i32
      %convert_element_type3A = arith.extui %lt3A_694 : i1 to i32
      %cond3A = arith.constant 0 : i32
      %cond3A_695 = arith.cmpi ne, %convert_element_type3A, %cond3A : i32
      scf.if %cond3A_695 {
        %add3A_717 = arith.constant 2 : i32
        %add3A_718 = arith.addi %mul3A_678, %add3A_717 : i32
        %mul3A_719 = arith.constant 3200 : i32
        %mul3A_720 = arith.muli %add3A_718, %mul3A_719 : i32
        %dma_start3A_721 = tpu.memref_slice %arg2[%mul3A_720] : memref<320000xi32, #tpu.memory_space<hbm>> -> memref<3200xi32, #tpu.memory_space<hbm>>
        %dma_start3A_722 = tpu.memref_slice %arg2[%mul3A_720] : memref<320000xi32, #tpu.memory_space<hbm>> -> memref<3200xi32, #tpu.memory_space<hbm>>
        tpu.enqueue_dma source(%dma_start3A_722 : memref<3200xi32, #tpu.memory_space<hbm>>) target(%arg8 : memref<3200xi32, #tpu.memory_space<vmem>>) target_semaphore(%arg23 : memref<!tpu.dma_semaphore, #tpu.memory_space<semaphore_mem>>)
        %mul3A_723 = arith.constant 3200 : i32
        %mul3A_724 = arith.muli %add3A_718, %mul3A_723 : i32
        %dma_start3A_725 = tpu.memref_slice %arg3[%mul3A_724] : memref<320000xi32, #tpu.memory_space<hbm>> -> memref<3200xi32, #tpu.memory_space<hbm>>
        %dma_start3A_726 = tpu.memref_slice %arg3[%mul3A_724] : memref<320000xi32, #tpu.memory_space<hbm>> -> memref<3200xi32, #tpu.memory_space<hbm>>
        tpu.enqueue_dma source(%dma_start3A_726 : memref<3200xi32, #tpu.memory_space<hbm>>) target(%arg9 : memref<3200xi32, #tpu.memory_space<vmem>>) target_semaphore(%arg23 : memref<!tpu.dma_semaphore, #tpu.memory_space<semaphore_mem>>)
      } else {
      }
      %dma_wait3A_696 = arith.constant 0 : i32
      %dma_wait3A_697 = tpu.memref_slice %arg2[%dma_wait3A_696] : memref<320000xi32, #tpu.memory_space<hbm>> -> memref<3200xi32, #tpu.memory_space<hbm>>
      %dma_wait3A_698 = arith.constant 0 : i32
      %dma_wait3A_699 = tpu.memref_slice %arg2[%dma_wait3A_698] : memref<320000xi32, #tpu.memory_space<hbm>> -> memref<3200xi32, #tpu.memory_space<hbm>>
      tpu.wait_dma2 semaphore(%arg24 : memref<!tpu.dma_semaphore, #tpu.memory_space<semaphore_mem>>) src(%dma_wait3A_699 : memref<3200xi32, #tpu.memory_space<hbm>>) dst(%arg10 : memref<3200xi32, #tpu.memory_space<vmem>>)
      %dma_wait3A_700 = arith.constant 0 : i32
      %dma_wait3A_701 = tpu.memref_slice %arg3[%dma_wait3A_700] : memref<320000xi32, #tpu.memory_space<hbm>> -> memref<3200xi32, #tpu.memory_space<hbm>>
      %dma_wait3A_702 = arith.constant 0 : i32
      %dma_wait3A_703 = tpu.memref_slice %arg3[%dma_wait3A_702] : memref<320000xi32, #tpu.memory_space<hbm>> -> memref<3200xi32, #tpu.memory_space<hbm>>
      tpu.wait_dma2 semaphore(%arg24 : memref<!tpu.dma_semaphore, #tpu.memory_space<semaphore_mem>>) src(%dma_wait3A_703 : memref<3200xi32, #tpu.memory_space<hbm>>) dst(%arg11 : memref<3200xi32, #tpu.memory_space<vmem>>)
      %scan3A_704 = arith.constant 0 : i32
      %scan3A_705 = arith.constant 50 : i32
      %scan3A_706 = arith.addi %scan3A_704, %scan3A_705 : i32
      %scan3A_707 = arith.constant 1 : i32
      %scan3A_708 = scf.for %scan3A_717 = %scan3A_704 to %scan3A_706 step %scan3A_707 iter_args(%scan3A_718 = %scan3A_690) -> (vector<16xi32>)  : i32 {
        %mul3A_719 = arith.constant 4 : i32
        %mul3A_720 = arith.muli %scan3A_717, %mul3A_719 : i32
        %add3A_721 = arith.constant 0 : i32
        %add3A_722 = arith.addi %mul3A_720, %add3A_721 : i32
        %mul3A_723 = arith.constant 16 : i32
        %mul3A_724 = arith.muli %add3A_722, %mul3A_723 : i32
        %get3A = arith.index_cast %mul3A_724 : i32 to index
        %get3A_725 = tpu.vector_load %arg10[%get3A] {strides = array<i32>} : memref<3200xi32, #tpu.memory_space<vmem>>, vector<16xi32>,
        %mul3A_726 = arith.constant 16 : i32
        %mul3A_727 = arith.muli %add3A_722, %mul3A_726 : i32
        %get3A_728 = arith.index_cast %mul3A_727 : i32 to index
        %get3A_729 = tpu.vector_load %arg11[%get3A_728] {strides = array<i32>} : memref<3200xi32, #tpu.memory_space<vmem>>, vector<16xi32>,
        %sub3A_730 = vector.broadcast %mul3A_2 : i32 to vector<16xi32>
        %sub3A_731 = arith.subi %get3A_725, %sub3A_730 : vector<16xi32>
        %ge3A = arith.constant 0 : i32
        %ge3A_732 = vector.broadcast %ge3A : i32 to vector<16xi32>
        %ge3A_733 = arith.cmpi sge, %sub3A_731, %ge3A_732 : vector<16xi32>
        %lt3A_734 = arith.constant 320 : i32
        %lt3A_735 = vector.broadcast %lt3A_734 : i32 to vector<16xi32>
        %lt3A_736 = arith.cmpi slt, %sub3A_731, %lt3A_735 : vector<16xi32>
        %and3A_737 = arith.andi %ge3A_733, %lt3A_736 : vector<16xi1>
        %convert_element_type3A_738 = arith.extui %and3A_737 : vector<16xi1> to vector<16xi32>
        %broadcast_in_dim3A_739 = arith.constant true
        %broadcast_in_dim3A_740 = vector.broadcast %broadcast_in_dim3A_739 : i1 to vector<16xi1>
        %masked_cumsum3A = tpu.scan <sum>, %convert_element_type3A_738 masked %broadcast_in_dim3A_740 : vector<16xi32>, vector<16xi1> -> vector<16xi32>
        %add3A_741 = arith.addi %scan3A_718, %masked_cumsum3A : vector<16xi32>
        %sub3A_742 = arith.constant 1 : i32
        %sub3A_743 = vector.broadcast %sub3A_742 : i32 to vector<16xi32>
        %sub3A_744 = arith.subi %add3A_741, %sub3A_743 : vector<16xi32>
        %min3A_745 = arith.constant 16367 : i32
        %min3A_746 = vector.broadcast %min3A_745 : i32 to vector<16xi32>
        %min3A_747 = arith.minsi %sub3A_744, %min3A_746 : vector<16xi32>
        %select_n3A_748 = arith.select %and3A_737, %min3A_747, %add3A_25 : vector<16xi1>, vector<16xi32>
        tpu.vector_store_idx %arg12[%select_n3A_748], %sub3A_731 : memref<16384xi32, #tpu.memory_space<vmem>>[vector<16xi32>], vector<16xi32>,
        tpu.vector_store_idx %arg13[%select_n3A_748], %get3A_729 : memref<16384xi32, #tpu.memory_space<vmem>>[vector<16xi32>], vector<16xi32>,
        %all_reduce_population_count3A = tpu.all_reduce %and3A_737 {dim = 0 : i64, kind = #tpu.reduction_kind<sum>} : vector<16xi1> -> vector<16xi32>
        %add3A_749 = arith.addi %scan3A_718, %all_reduce_population_count3A : vector<16xi32>
        %mul3A_750 = arith.constant 4 : i32
        %mul3A_751 = arith.muli %scan3A_717, %mul3A_750 : i32
        %add3A_752 = arith.constant 1 : i32
        %add3A_753 = arith.addi %mul3A_751, %add3A_752 : i32
        %mul3A_754 = arith.constant 16 : i32
        %mul3A_755 = arith.muli %add3A_753, %mul3A_754 : i32
        %get3A_756 = arith.index_cast %mul3A_755 : i32 to index
        %get3A_757 = tpu.vector_load %arg10[%get3A_756] {strides = array<i32>} : memref<3200xi32, #tpu.memory_space<vmem>>, vector<16xi32>,
        %mul3A_758 = arith.constant 16 : i32
        %mul3A_759 = arith.muli %add3A_753, %mul3A_758 : i32
        %get3A_760 = arith.index_cast %mul3A_759 : i32 to index
        %get3A_761 = tpu.vector_load %arg11[%get3A_760] {strides = array<i32>} : memref<3200xi32, #tpu.memory_space<vmem>>, vector<16xi32>,
        %sub3A_762 = vector.broadcast %mul3A_2 : i32 to vector<16xi32>
        %sub3A_763 = arith.subi %get3A_757, %sub3A_762 : vector<16xi32>
        %ge3A_764 = arith.constant 0 : i32
        %ge3A_765 = vector.broadcast %ge3A_764 : i32 to vector<16xi32>
        %ge3A_766 = arith.cmpi sge, %sub3A_763, %ge3A_765 : vector<16xi32>
        %lt3A_767 = arith.constant 320 : i32
        %lt3A_768 = vector.broadcast %lt3A_767 : i32 to vector<16xi32>
        %lt3A_769 = arith.cmpi slt, %sub3A_763, %lt3A_768 : vector<16xi32>
        %and3A_770 = arith.andi %ge3A_766, %lt3A_769 : vector<16xi1>
        %convert_element_type3A_771 = arith.extui %and3A_770 : vector<16xi1> to vector<16xi32>
        %broadcast_in_dim3A_772 = arith.constant true
        %broadcast_in_dim3A_773 = vector.broadcast %broadcast_in_dim3A_772 : i1 to vector<16xi1>
        %masked_cumsum3A_774 = tpu.scan <sum>, %convert_element_type3A_771 masked %broadcast_in_dim3A_773 : vector<16xi32>, vector<16xi1> -> vector<16xi32>
        %add3A_775 = arith.addi %add3A_749, %masked_cumsum3A_774 : vector<16xi32>
        %sub3A_776 = arith.constant 1 : i32
        %sub3A_777 = vector.broadcast %sub3A_776 : i32 to vector<16xi32>
        %sub3A_778 = arith.subi %add3A_775, %sub3A_777 : vector<16xi32>
        %min3A_779 = arith.constant 16367 : i32
        %min3A_780 = vector.broadcast %min3A_779 : i32 to vector<16xi32>
        %min3A_781 = arith.minsi %sub3A_778, %min3A_780 : vector<16xi32>
        %select_n3A_782 = arith.select %and3A_770, %min3A_781, %add3A_25 : vector<16xi1>, vector<16xi32>
        tpu.vector_store_idx %arg12[%select_n3A_782], %sub3A_763 : memref<16384xi32, #tpu.memory_space<vmem>>[vector<16xi32>], vector<16xi32>,
        tpu.vector_store_idx %arg13[%select_n3A_782], %get3A_761 : memref<16384xi32, #tpu.memory_space<vmem>>[vector<16xi32>], vector<16xi32>,
        %all_reduce_population_count3A_783 = tpu.all_reduce %and3A_770 {dim = 0 : i64, kind = #tpu.reduction_kind<sum>} : vector<16xi1> -> vector<16xi32>
        %add3A_784 = arith.addi %add3A_749, %all_reduce_population_count3A_783 : vector<16xi32>
        %mul3A_785 = arith.constant 4 : i32
        %mul3A_786 = arith.muli %scan3A_717, %mul3A_785 : i32
        %add3A_787 = arith.constant 2 : i32
        %add3A_788 = arith.addi %mul3A_786, %add3A_787 : i32
        %mul3A_789 = arith.constant 16 : i32
        %mul3A_790 = arith.muli %add3A_788, %mul3A_789 : i32
        %get3A_791 = arith.index_cast %mul3A_790 : i32 to index
        %get3A_792 = tpu.vector_load %arg10[%get3A_791] {strides = array<i32>} : memref<3200xi32, #tpu.memory_space<vmem>>, vector<16xi32>,
        %mul3A_793 = arith.constant 16 : i32
        %mul3A_794 = arith.muli %add3A_788, %mul3A_793 : i32
        %get3A_795 = arith.index_cast %mul3A_794 : i32 to index
        %get3A_796 = tpu.vector_load %arg11[%get3A_795] {strides = array<i32>} : memref<3200xi32, #tpu.memory_space<vmem>>, vector<16xi32>,
        %sub3A_797 = vector.broadcast %mul3A_2 : i32 to vector<16xi32>
        %sub3A_798 = arith.subi %get3A_792, %sub3A_797 : vector<16xi32>
        %ge3A_799 = arith.constant 0 : i32
        %ge3A_800 = vector.broadcast %ge3A_799 : i32 to vector<16xi32>
        %ge3A_801 = arith.cmpi sge, %sub3A_798, %ge3A_800 : vector<16xi32>
        %lt3A_802 = arith.constant 320 : i32
        %lt3A_803 = vector.broadcast %lt3A_802 : i32 to vector<16xi32>
        %lt3A_804 = arith.cmpi slt, %sub3A_798, %lt3A_803 : vector<16xi32>
        %and3A_805 = arith.andi %ge3A_801, %lt3A_804 : vector<16xi1>
        %convert_element_type3A_806 = arith.extui %and3A_805 : vector<16xi1> to vector<16xi32>
        %broadcast_in_dim3A_807 = arith.constant true
        %broadcast_in_dim3A_808 = vector.broadcast %broadcast_in_dim3A_807 : i1 to vector<16xi1>
        %masked_cumsum3A_809 = tpu.scan <sum>, %convert_element_type3A_806 masked %broadcast_in_dim3A_808 : vector<16xi32>, vector<16xi1> -> vector<16xi32>
        %add3A_810 = arith.addi %add3A_784, %masked_cumsum3A_809 : vector<16xi32>
        %sub3A_811 = arith.constant 1 : i32
        %sub3A_812 = vector.broadcast %sub3A_811 : i32 to vector<16xi32>
        %sub3A_813 = arith.subi %add3A_810, %sub3A_812 : vector<16xi32>
        %min3A_814 = arith.constant 16367 : i32
        %min3A_815 = vector.broadcast %min3A_814 : i32 to vector<16xi32>
        %min3A_816 = arith.minsi %sub3A_813, %min3A_815 : vector<16xi32>
        %select_n3A_817 = arith.select %and3A_805, %min3A_816, %add3A_25 : vector<16xi1>, vector<16xi32>
        tpu.vector_store_idx %arg12[%select_n3A_817], %sub3A_798 : memref<16384xi32, #tpu.memory_space<vmem>>[vector<16xi32>], vector<16xi32>,
        tpu.vector_store_idx %arg13[%select_n3A_817], %get3A_796 : memref<16384xi32, #tpu.memory_space<vmem>>[vector<16xi32>], vector<16xi32>,
        %all_reduce_population_count3A_818 = tpu.all_reduce %and3A_805 {dim = 0 : i64, kind = #tpu.reduction_kind<sum>} : vector<16xi1> -> vector<16xi32>
        %add3A_819 = arith.addi %add3A_784, %all_reduce_population_count3A_818 : vector<16xi32>
        %mul3A_820 = arith.constant 4 : i32
        %mul3A_821 = arith.muli %scan3A_717, %mul3A_820 : i32
        %add3A_822 = arith.constant 3 : i32
        %add3A_823 = arith.addi %mul3A_821, %add3A_822 : i32
        %mul3A_824 = arith.constant 16 : i32
        %mul3A_825 = arith.muli %add3A_823, %mul3A_824 : i32
        %get3A_826 = arith.index_cast %mul3A_825 : i32 to index
        %get3A_827 = tpu.vector_load %arg10[%get3A_826] {strides = array<i32>} : memref<3200xi32, #tpu.memory_space<vmem>>, vector<16xi32>,
        %mul3A_828 = arith.constant 16 : i32
        %mul3A_829 = arith.muli %add3A_823, %mul3A_828 : i32
        %get3A_830 = arith.index_cast %mul3A_829 : i32 to index
        %get3A_831 = tpu.vector_load %arg11[%get3A_830] {strides = array<i32>} : memref<3200xi32, #tpu.memory_space<vmem>>, vector<16xi32>,
        %sub3A_832 = vector.broadcast %mul3A_2 : i32 to vector<16xi32>
        %sub3A_833 = arith.subi %get3A_827, %sub3A_832 : vector<16xi32>
        %ge3A_834 = arith.constant 0 : i32
        %ge3A_835 = vector.broadcast %ge3A_834 : i32 to vector<16xi32>
        %ge3A_836 = arith.cmpi sge, %sub3A_833, %ge3A_835 : vector<16xi32>
        %lt3A_837 = arith.constant 320 : i32
        %lt3A_838 = vector.broadcast %lt3A_837 : i32 to vector<16xi32>
        %lt3A_839 = arith.cmpi slt, %sub3A_833, %lt3A_838 : vector<16xi32>
        %and3A_840 = arith.andi %ge3A_836, %lt3A_839 : vector<16xi1>
        %convert_element_type3A_841 = arith.extui %and3A_840 : vector<16xi1> to vector<16xi32>
        %broadcast_in_dim3A_842 = arith.constant true
        %broadcast_in_dim3A_843 = vector.broadcast %broadcast_in_dim3A_842 : i1 to vector<16xi1>
        %masked_cumsum3A_844 = tpu.scan <sum>, %convert_element_type3A_841 masked %broadcast_in_dim3A_843 : vector<16xi32>, vector<16xi1> -> vector<16xi32>
        %add3A_845 = arith.addi %add3A_819, %masked_cumsum3A_844 : vector<16xi32>
        %sub3A_846 = arith.constant 1 : i32
        %sub3A_847 = vector.broadcast %sub3A_846 : i32 to vector<16xi32>
        %sub3A_848 = arith.subi %add3A_845, %sub3A_847 : vector<16xi32>
        %min3A_849 = arith.constant 16367 : i32
        %min3A_850 = vector.broadcast %min3A_849 : i32 to vector<16xi32>
        %min3A_851 = arith.minsi %sub3A_848, %min3A_850 : vector<16xi32>
        %select_n3A_852 = arith.select %and3A_840, %min3A_851, %add3A_25 : vector<16xi1>, vector<16xi32>
        tpu.vector_store_idx %arg12[%select_n3A_852], %sub3A_833 : memref<16384xi32, #tpu.memory_space<vmem>>[vector<16xi32>], vector<16xi32>,
        tpu.vector_store_idx %arg13[%select_n3A_852], %get3A_831 : memref<16384xi32, #tpu.memory_space<vmem>>[vector<16xi32>], vector<16xi32>,
        %all_reduce_population_count3A_853 = tpu.all_reduce %and3A_840 {dim = 0 : i64, kind = #tpu.reduction_kind<sum>} : vector<16xi1> -> vector<16xi32>
        %add3A_854 = arith.addi %add3A_819, %all_reduce_population_count3A_853 : vector<16xi32>
        scf.yield %add3A_854 : vector<16xi32>
      }
      %scan3A_709 = arith.constant 50 : i32
      %add3A_710 = arith.constant 3 : i32
      %add3A_711 = arith.addi %mul3A_678, %add3A_710 : i32
      %lt3A_712 = arith.constant 100 : i32
      %lt3A_713 = arith.cmpi slt, %add3A_711, %lt3A_712 : i32
      %convert_element_type3A_714 = arith.extui %lt3A_713 : i1 to i32
      %cond3A_715 = arith.constant 0 : i32
      %cond3A_716 = arith.cmpi ne, %convert_element_type3A_714, %cond3A_715 : i32
      scf.if %cond3A_716 {
        %add3A_717 = arith.constant 3 : i32
        %add3A_718 = arith.addi %mul3A_678, %add3A_717 : i32
        %mul3A_719 = arith.constant 3200 : i32
        %mul3A_720 = arith.muli %add3A_718, %mul3A_719 : i32
        %dma_start3A_721 = tpu.memref_slice %arg2[%mul3A_720] : memref<320000xi32, #tpu.memory_space<hbm>> -> memref<3200xi32, #tpu.memory_space<hbm>>
        %dma_start3A_722 = tpu.memref_slice %arg2[%mul3A_720] : memref<320000xi32, #tpu.memory_space<hbm>> -> memref<3200xi32, #tpu.memory_space<hbm>>
        tpu.enqueue_dma source(%dma_start3A_722 : memref<3200xi32, #tpu.memory_space<hbm>>) target(%arg10 : memref<3200xi32, #tpu.memory_space<vmem>>) target_semaphore(%arg24 : memref<!tpu.dma_semaphore, #tpu.memory_space<semaphore_mem>>)
        %mul3A_723 = arith.constant 3200 : i32
        %mul3A_724 = arith.muli %add3A_718, %mul3A_723 : i32
        %dma_start3A_725 = tpu.memref_slice %arg3[%mul3A_724] : memref<320000xi32, #tpu.memory_space<hbm>> -> memref<3200xi32, #tpu.memory_space<hbm>>
        %dma_start3A_726 = tpu.memref_slice %arg3[%mul3A_724] : memref<320000xi32, #tpu.memory_space<hbm>> -> memref<3200xi32, #tpu.memory_space<hbm>>
        tpu.enqueue_dma source(%dma_start3A_726 : memref<3200xi32, #tpu.memory_space<hbm>>) target(%arg11 : memref<3200xi32, #tpu.memory_space<vmem>>) target_semaphore(%arg24 : memref<!tpu.dma_semaphore, #tpu.memory_space<semaphore_mem>>)
      } else {
      }
      scf.yield %scan3A_708 : vector<16xi32>
    }
    %scan3A_33 = arith.constant 50 : i32
    %reduce_max3A = arith.constant true
    %reduce_max3A_34 = vector.broadcast %reduce_max3A : i1 to vector<16xi1>
    %reduce_max3A_35 = arith.constant -2147483648 : i32
    %reduce_max3A_36 = vector.broadcast %reduce_max3A_35 : i32 to vector<16xi32>
    %reduce_max3A_37 = arith.xori %scan3A_32, %reduce_max3A_36 : vector<16xi32>
    %reduce_max3A_38 = tpu.scan <max>, %reduce_max3A_37 masked %reduce_max3A_34 : vector<16xi32>, vector<16xi1> -> vector<16xi32>
    %reduce_max3A_39 = arith.xori %reduce_max3A_38, %reduce_max3A_36 : vector<16xi32>
    %reduce_max3A_40 = vector.extract %reduce_max3A_39[15] : i32 from vector<16xi32>
    %add3A_41 = arith.constant 15 : i32
    %add3A_42 = arith.addi %reduce_max3A_40, %add3A_41 : i32
    %jit3A = arith.constant 16 : i32
    %div3A = arith.divsi %add3A_42, %jit3A : i32
    %sign3A = arith.constant 0 : i32
    %sign3A_43 = arith.cmpi sgt, %add3A_42, %sign3A : i32
    %sign3A_44 = arith.extui %sign3A_43 : i1 to i32
    %sign3A_45 = arith.constant 0 : i32
    %sign3A_46 = arith.cmpi slt, %add3A_42, %sign3A_45 : i32
    %sign3A_47 = arith.extui %sign3A_46 : i1 to i32
    %sign3A_48 = arith.subi %sign3A_44, %sign3A_47 : i32
    %sign3A_49 = arith.constant 0 : i32
    %sign3A_50 = arith.cmpi sgt, %jit3A, %sign3A_49 : i32
    %sign3A_51 = arith.extui %sign3A_50 : i1 to i32
    %sign3A_52 = arith.constant 0 : i32
    %sign3A_53 = arith.cmpi slt, %jit3A, %sign3A_52 : i32
    %sign3A_54 = arith.extui %sign3A_53 : i1 to i32
    %sign3A_55 = arith.subi %sign3A_51, %sign3A_54 : i32
    %ne3A = arith.cmpi ne, %sign3A_48, %sign3A_55 : i32
    %rem3A = arith.remsi %add3A_42, %jit3A : i32
    %ne3A_56 = arith.constant 0 : i32
    %ne3A_57 = arith.cmpi ne, %rem3A, %ne3A_56 : i32
    %and3A = arith.andi %ne3A, %ne3A_57 : i1
    %sub3A = arith.constant 1 : i32
    %sub3A_58 = arith.subi %div3A, %sub3A : i32
    %select_n3A = arith.select %and3A, %sub3A_58, %div3A : i32
    %jit3A_59 = arith.constant 1 : i32
    %jit3A_60 = arith.constant 1023 : i32
    %max3A = arith.maxsi %jit3A_59, %select_n3A : i32
    %min3A = arith.minsi %jit3A_60, %max3A : i32
    %broadcast_in_dim3A_61 = arith.constant 6128 : i32
    %broadcast_in_dim3A_62 = vector.broadcast %broadcast_in_dim3A_61 : i32 to vector<16xi32>
    %add3A_63 = arith.addi %broadcast_in_dim3A_62, %iota3A : vector<16xi32>
    %scan3A_64 = arith.constant 0 : i32
    %scan3A_65 = arith.constant 0 : i32
    %scan3A_66 = arith.constant 384 : i32
    %scan3A_67 = arith.addi %scan3A_65, %scan3A_66 : i32
    %scan3A_68 = arith.constant 1 : i32
    %scan3A_69 = scf.for %scan3A_675 = %scan3A_65 to %scan3A_67 step %scan3A_68 iter_args(%scan3A_676 = %scan3A_64) -> (i32)  : i32 {
      %mul3A_677 = arith.constant 16 : i32
      %mul3A_678 = arith.muli %scan3A_675, %mul3A_677 : i32
      %broadcast_in_dim3A_679 = arith.constant 80 : i32
      %broadcast_in_dim3A_680 = vector.broadcast %broadcast_in_dim3A_679 : i32 to vector<16xi32>
      %swap3A = arith.index_cast %mul3A_678 : i32 to index
      %swap3A_681 = tpu.vector_load %arg14[%swap3A] {strides = array<i32>} : memref<6144xi32, #tpu.memory_space<vmem>>, vector<16xi32>,
      tpu.vector_store %arg14[%swap3A], %broadcast_in_dim3A_680 {strides = array<i32>} : memref<6144xi32, #tpu.memory_space<vmem>>, vector<16xi32>,
      %mul3A_682 = arith.constant 16 : i32
      %mul3A_683 = arith.muli %scan3A_675, %mul3A_682 : i32
      %broadcast_in_dim3A_684 = vector.broadcast %mul3A_683 : i32 to vector<16xi32>
      %add3A_685 = arith.addi %broadcast_in_dim3A_684, %iota3A : vector<16xi32>
      %swap3A_686 = arith.index_cast %mul3A_678 : i32 to index
      %swap3A_687 = tpu.vector_load %arg15[%swap3A_686] {strides = array<i32>} : memref<6144xi32, #tpu.memory_space<vmem>>, vector<16xi32>,
      tpu.vector_store %arg15[%swap3A_686], %add3A_685 {strides = array<i32>} : memref<6144xi32, #tpu.memory_space<vmem>>, vector<16xi32>,
      %scan3A_688 = arith.constant 0 : i32
      scf.yield %scan3A_688 : i32
    }
    %scan3A_70 = arith.constant 384 : i32
    %scan3A_71 = arith.constant 0 : i32
    %scan3A_72 = arith.constant 0 : i32
    %scan3A_73 = arith.constant 81 : i32
    %scan3A_74 = arith.addi %scan3A_72, %scan3A_73 : i32
    %scan3A_75 = arith.constant 1 : i32
    %scan3A_76 = scf.for %scan3A_675 = %scan3A_72 to %scan3A_74 step %scan3A_75 iter_args(%scan3A_676 = %scan3A_71) -> (i32)  : i32 {
      %broadcast_in_dim3A_677 = arith.constant 0.000000e+00 : f32
      %broadcast_in_dim3A_678 = vector.broadcast %broadcast_in_dim3A_677 : f32 to vector<16xf32>
      %swap3A = arith.index_cast %scan3A_675 : i32 to index
      %swap3A_679 = arith.constant 0 : index
      %swap3A_680 = tpu.vector_load %arg20[%swap3A, %swap3A_679] {strides = array<i32>} : memref<81x128xf32, #tpu.memory_space<vmem>>, vector<16xf32>,
      tpu.vector_store %arg20[%swap3A, %swap3A_679], %broadcast_in_dim3A_678 {strides = array<i32>} : memref<81x128xf32, #tpu.memory_space<vmem>>, vector<16xf32>,
      %broadcast_in_dim3A_681 = arith.constant 0xFF800000 : f32
      %broadcast_in_dim3A_682 = vector.broadcast %broadcast_in_dim3A_681 : f32 to vector<16xf32>
      %swap3A_683 = arith.index_cast %scan3A_675 : i32 to index
      %swap3A_684 = arith.constant 0 : index
      %swap3A_685 = tpu.vector_load %arg21[%swap3A_683, %swap3A_684] {strides = array<i32>} : memref<81x128xf32, #tpu.memory_space<vmem>>, vector<16xf32>,
      tpu.vector_store %arg21[%swap3A_683, %swap3A_684], %broadcast_in_dim3A_682 {strides = array<i32>} : memref<81x128xf32, #tpu.memory_space<vmem>>, vector<16xf32>,
      %broadcast_in_dim3A_686 = arith.constant 0x7F800000 : f32
      %broadcast_in_dim3A_687 = vector.broadcast %broadcast_in_dim3A_686 : f32 to vector<16xf32>
      %swap3A_688 = arith.index_cast %scan3A_675 : i32 to index
      %swap3A_689 = arith.constant 0 : index
      %swap3A_690 = tpu.vector_load %arg22[%swap3A_688, %swap3A_689] {strides = array<i32>} : memref<81x128xf32, #tpu.memory_space<vmem>>, vector<16xf32>,
      tpu.vector_store %arg22[%swap3A_688, %swap3A_689], %broadcast_in_dim3A_687 {strides = array<i32>} : memref<81x128xf32, #tpu.memory_space<vmem>>, vector<16xf32>,
      %broadcast_in_dim3A_691 = arith.constant 0.000000e+00 : f32
      %broadcast_in_dim3A_692 = vector.broadcast %broadcast_in_dim3A_691 : f32 to vector<16xf32>
      %swap3A_693 = arith.index_cast %scan3A_675 : i32 to index
      %swap3A_694 = arith.constant 16 : index
      %swap3A_695 = tpu.vector_load %arg20[%swap3A_693, %swap3A_694] {strides = array<i32>} : memref<81x128xf32, #tpu.memory_space<vmem>>, vector<16xf32>,
      tpu.vector_store %arg20[%swap3A_693, %swap3A_694], %broadcast_in_dim3A_692 {strides = array<i32>} : memref<81x128xf32, #tpu.memory_space<vmem>>, vector<16xf32>,
      %broadcast_in_dim3A_696 = arith.constant 0xFF800000 : f32
      %broadcast_in_dim3A_697 = vector.broadcast %broadcast_in_dim3A_696 : f32 to vector<16xf32>
      %swap3A_698 = arith.index_cast %scan3A_675 : i32 to index
      %swap3A_699 = arith.constant 16 : index
      %swap3A_700 = tpu.vector_load %arg21[%swap3A_698, %swap3A_699] {strides = array<i32>} : memref<81x128xf32, #tpu.memory_space<vmem>>, vector<16xf32>,
      tpu.vector_store %arg21[%swap3A_698, %swap3A_699], %broadcast_in_dim3A_697 {strides = array<i32>} : memref<81x128xf32, #tpu.memory_space<vmem>>, vector<16xf32>,
      %broadcast_in_dim3A_701 = arith.constant 0x7F800000 : f32
      %broadcast_in_dim3A_702 = vector.broadcast %broadcast_in_dim3A_701 : f32 to vector<16xf32>
      %swap3A_703 = arith.index_cast %scan3A_675 : i32 to index
      %swap3A_704 = arith.constant 16 : index
      %swap3A_705 = tpu.vector_load %arg22[%swap3A_703, %swap3A_704] {strides = array<i32>} : memref<81x128xf32, #tpu.memory_space<vmem>>, vector<16xf32>,
      tpu.vector_store %arg22[%swap3A_703, %swap3A_704], %broadcast_in_dim3A_702 {strides = array<i32>} : memref<81x128xf32, #tpu.memory_space<vmem>>, vector<16xf32>,
      %broadcast_in_dim3A_706 = arith.constant 0.000000e+00 : f32
      %broadcast_in_dim3A_707 = vector.broadcast %broadcast_in_dim3A_706 : f32 to vector<16xf32>
      %swap3A_708 = arith.index_cast %scan3A_675 : i32 to index
      %swap3A_709 = arith.constant 32 : index
      %swap3A_710 = tpu.vector_load %arg20[%swap3A_708, %swap3A_709] {strides = array<i32>} : memref<81x128xf32, #tpu.memory_space<vmem>>, vector<16xf32>,
      tpu.vector_store %arg20[%swap3A_708, %swap3A_709], %broadcast_in_dim3A_707 {strides = array<i32>} : memref<81x128xf32, #tpu.memory_space<vmem>>, vector<16xf32>,
      %broadcast_in_dim3A_711 = arith.constant 0xFF800000 : f32
      %broadcast_in_dim3A_712 = vector.broadcast %broadcast_in_dim3A_711 : f32 to vector<16xf32>
      %swap3A_713 = arith.index_cast %scan3A_675 : i32 to index
      %swap3A_714 = arith.constant 32 : index
      %swap3A_715 = tpu.vector_load %arg21[%swap3A_713, %swap3A_714] {strides = array<i32>} : memref<81x128xf32, #tpu.memory_space<vmem>>, vector<16xf32>,
      tpu.vector_store %arg21[%swap3A_713, %swap3A_714], %broadcast_in_dim3A_712 {strides = array<i32>} : memref<81x128xf32, #tpu.memory_space<vmem>>, vector<16xf32>,
      %broadcast_in_dim3A_716 = arith.constant 0x7F800000 : f32
      %broadcast_in_dim3A_717 = vector.broadcast %broadcast_in_dim3A_716 : f32 to vector<16xf32>
      %swap3A_718 = arith.index_cast %scan3A_675 : i32 to index
      %swap3A_719 = arith.constant 32 : index
      %swap3A_720 = tpu.vector_load %arg22[%swap3A_718, %swap3A_719] {strides = array<i32>} : memref<81x128xf32, #tpu.memory_space<vmem>>, vector<16xf32>,
      tpu.vector_store %arg22[%swap3A_718, %swap3A_719], %broadcast_in_dim3A_717 {strides = array<i32>} : memref<81x128xf32, #tpu.memory_space<vmem>>, vector<16xf32>,
      %broadcast_in_dim3A_721 = arith.constant 0.000000e+00 : f32
      %broadcast_in_dim3A_722 = vector.broadcast %broadcast_in_dim3A_721 : f32 to vector<16xf32>
      %swap3A_723 = arith.index_cast %scan3A_675 : i32 to index
      %swap3A_724 = arith.constant 48 : index
      %swap3A_725 = tpu.vector_load %arg20[%swap3A_723, %swap3A_724] {strides = array<i32>} : memref<81x128xf32, #tpu.memory_space<vmem>>, vector<16xf32>,
      tpu.vector_store %arg20[%swap3A_723, %swap3A_724], %broadcast_in_dim3A_722 {strides = array<i32>} : memref<81x128xf32, #tpu.memory_space<vmem>>, vector<16xf32>,
      %broadcast_in_dim3A_726 = arith.constant 0xFF800000 : f32
      %broadcast_in_dim3A_727 = vector.broadcast %broadcast_in_dim3A_726 : f32 to vector<16xf32>
      %swap3A_728 = arith.index_cast %scan3A_675 : i32 to index
      %swap3A_729 = arith.constant 48 : index
      %swap3A_730 = tpu.vector_load %arg21[%swap3A_728, %swap3A_729] {strides = array<i32>} : memref<81x128xf32, #tpu.memory_space<vmem>>, vector<16xf32>,
      tpu.vector_store %arg21[%swap3A_728, %swap3A_729], %broadcast_in_dim3A_727 {strides = array<i32>} : memref<81x128xf32, #tpu.memory_space<vmem>>, vector<16xf32>,
      %broadcast_in_dim3A_731 = arith.constant 0x7F800000 : f32
      %broadcast_in_dim3A_732 = vector.broadcast %broadcast_in_dim3A_731 : f32 to vector<16xf32>
      %swap3A_733 = arith.index_cast %scan3A_675 : i32 to index
      %swap3A_734 = arith.constant 48 : index
      %swap3A_735 = tpu.vector_load %arg22[%swap3A_733, %swap3A_734] {strides = array<i32>} : memref<81x128xf32, #tpu.memory_space<vmem>>, vector<16xf32>,
      tpu.vector_store %arg22[%swap3A_733, %swap3A_734], %broadcast_in_dim3A_732 {strides = array<i32>} : memref<81x128xf32, #tpu.memory_space<vmem>>, vector<16xf32>,
      %broadcast_in_dim3A_736 = arith.constant 0.000000e+00 : f32
      %broadcast_in_dim3A_737 = vector.broadcast %broadcast_in_dim3A_736 : f32 to vector<16xf32>
      %swap3A_738 = arith.index_cast %scan3A_675 : i32 to index
      %swap3A_739 = arith.constant 64 : index
      %swap3A_740 = tpu.vector_load %arg20[%swap3A_738, %swap3A_739] {strides = array<i32>} : memref<81x128xf32, #tpu.memory_space<vmem>>, vector<16xf32>,
      tpu.vector_store %arg20[%swap3A_738, %swap3A_739], %broadcast_in_dim3A_737 {strides = array<i32>} : memref<81x128xf32, #tpu.memory_space<vmem>>, vector<16xf32>,
      %broadcast_in_dim3A_741 = arith.constant 0xFF800000 : f32
      %broadcast_in_dim3A_742 = vector.broadcast %broadcast_in_dim3A_741 : f32 to vector<16xf32>
      %swap3A_743 = arith.index_cast %scan3A_675 : i32 to index
      %swap3A_744 = arith.constant 64 : index
      %swap3A_745 = tpu.vector_load %arg21[%swap3A_743, %swap3A_744] {strides = array<i32>} : memref<81x128xf32, #tpu.memory_space<vmem>>, vector<16xf32>,
      tpu.vector_store %arg21[%swap3A_743, %swap3A_744], %broadcast_in_dim3A_742 {strides = array<i32>} : memref<81x128xf32, #tpu.memory_space<vmem>>, vector<16xf32>,
      %broadcast_in_dim3A_746 = arith.constant 0x7F800000 : f32
      %broadcast_in_dim3A_747 = vector.broadcast %broadcast_in_dim3A_746 : f32 to vector<16xf32>
      %swap3A_748 = arith.index_cast %scan3A_675 : i32 to index
      %swap3A_749 = arith.constant 64 : index
      %swap3A_750 = tpu.vector_load %arg22[%swap3A_748, %swap3A_749] {strides = array<i32>} : memref<81x128xf32, #tpu.memory_space<vmem>>, vector<16xf32>,
      tpu.vector_store %arg22[%swap3A_748, %swap3A_749], %broadcast_in_dim3A_747 {strides = array<i32>} : memref<81x128xf32, #tpu.memory_space<vmem>>, vector<16xf32>,
      %broadcast_in_dim3A_751 = arith.constant 0.000000e+00 : f32
      %broadcast_in_dim3A_752 = vector.broadcast %broadcast_in_dim3A_751 : f32 to vector<16xf32>
      %swap3A_753 = arith.index_cast %scan3A_675 : i32 to index
      %swap3A_754 = arith.constant 80 : index
      %swap3A_755 = tpu.vector_load %arg20[%swap3A_753, %swap3A_754] {strides = array<i32>} : memref<81x128xf32, #tpu.memory_space<vmem>>, vector<16xf32>,
      tpu.vector_store %arg20[%swap3A_753, %swap3A_754], %broadcast_in_dim3A_752 {strides = array<i32>} : memref<81x128xf32, #tpu.memory_space<vmem>>, vector<16xf32>,
      %broadcast_in_dim3A_756 = arith.constant 0xFF800000 : f32
      %broadcast_in_dim3A_757 = vector.broadcast %broadcast_in_dim3A_756 : f32 to vector<16xf32>
      %swap3A_758 = arith.index_cast %scan3A_675 : i32 to index
      %swap3A_759 = arith.constant 80 : index
      %swap3A_760 = tpu.vector_load %arg21[%swap3A_758, %swap3A_759] {strides = array<i32>} : memref<81x128xf32, #tpu.memory_space<vmem>>, vector<16xf32>,
      tpu.vector_store %arg21[%swap3A_758, %swap3A_759], %broadcast_in_dim3A_757 {strides = array<i32>} : memref<81x128xf32, #tpu.memory_space<vmem>>, vector<16xf32>,
      %broadcast_in_dim3A_761 = arith.constant 0x7F800000 : f32
      %broadcast_in_dim3A_762 = vector.broadcast %broadcast_in_dim3A_761 : f32 to vector<16xf32>
      %swap3A_763 = arith.index_cast %scan3A_675 : i32 to index
      %swap3A_764 = arith.constant 80 : index
      %swap3A_765 = tpu.vector_load %arg22[%swap3A_763, %swap3A_764] {strides = array<i32>} : memref<81x128xf32, #tpu.memory_space<vmem>>, vector<16xf32>,
      tpu.vector_store %arg22[%swap3A_763, %swap3A_764], %broadcast_in_dim3A_762 {strides = array<i32>} : memref<81x128xf32, #tpu.memory_space<vmem>>, vector<16xf32>,
      %broadcast_in_dim3A_766 = arith.constant 0.000000e+00 : f32
      %broadcast_in_dim3A_767 = vector.broadcast %broadcast_in_dim3A_766 : f32 to vector<16xf32>
      %swap3A_768 = arith.index_cast %scan3A_675 : i32 to index
      %swap3A_769 = arith.constant 96 : index
      %swap3A_770 = tpu.vector_load %arg20[%swap3A_768, %swap3A_769] {strides = array<i32>} : memref<81x128xf32, #tpu.memory_space<vmem>>, vector<16xf32>,
      tpu.vector_store %arg20[%swap3A_768, %swap3A_769], %broadcast_in_dim3A_767 {strides = array<i32>} : memref<81x128xf32, #tpu.memory_space<vmem>>, vector<16xf32>,
      %broadcast_in_dim3A_771 = arith.constant 0xFF800000 : f32
      %broadcast_in_dim3A_772 = vector.broadcast %broadcast_in_dim3A_771 : f32 to vector<16xf32>
      %swap3A_773 = arith.index_cast %scan3A_675 : i32 to index
      %swap3A_774 = arith.constant 96 : index
      %swap3A_775 = tpu.vector_load %arg21[%swap3A_773, %swap3A_774] {strides = array<i32>} : memref<81x128xf32, #tpu.memory_space<vmem>>, vector<16xf32>,
      tpu.vector_store %arg21[%swap3A_773, %swap3A_774], %broadcast_in_dim3A_772 {strides = array<i32>} : memref<81x128xf32, #tpu.memory_space<vmem>>, vector<16xf32>,
      %broadcast_in_dim3A_776 = arith.constant 0x7F800000 : f32
      %broadcast_in_dim3A_777 = vector.broadcast %broadcast_in_dim3A_776 : f32 to vector<16xf32>
      %swap3A_778 = arith.index_cast %scan3A_675 : i32 to index
      %swap3A_779 = arith.constant 96 : index
      %swap3A_780 = tpu.vector_load %arg22[%swap3A_778, %swap3A_779] {strides = array<i32>} : memref<81x128xf32, #tpu.memory_space<vmem>>, vector<16xf32>,
      tpu.vector_store %arg22[%swap3A_778, %swap3A_779], %broadcast_in_dim3A_777 {strides = array<i32>} : memref<81x128xf32, #tpu.memory_space<vmem>>, vector<16xf32>,
      %broadcast_in_dim3A_781 = arith.constant 0.000000e+00 : f32
      %broadcast_in_dim3A_782 = vector.broadcast %broadcast_in_dim3A_781 : f32 to vector<16xf32>
      %swap3A_783 = arith.index_cast %scan3A_675 : i32 to index
      %swap3A_784 = arith.constant 112 : index
      %swap3A_785 = tpu.vector_load %arg20[%swap3A_783, %swap3A_784] {strides = array<i32>} : memref<81x128xf32, #tpu.memory_space<vmem>>, vector<16xf32>,
      tpu.vector_store %arg20[%swap3A_783, %swap3A_784], %broadcast_in_dim3A_782 {strides = array<i32>} : memref<81x128xf32, #tpu.memory_space<vmem>>, vector<16xf32>,
      %broadcast_in_dim3A_786 = arith.constant 0xFF800000 : f32
      %broadcast_in_dim3A_787 = vector.broadcast %broadcast_in_dim3A_786 : f32 to vector<16xf32>
      %swap3A_788 = arith.index_cast %scan3A_675 : i32 to index
      %swap3A_789 = arith.constant 112 : index
      %swap3A_790 = tpu.vector_load %arg21[%swap3A_788, %swap3A_789] {strides = array<i32>} : memref<81x128xf32, #tpu.memory_space<vmem>>, vector<16xf32>,
      tpu.vector_store %arg21[%swap3A_788, %swap3A_789], %broadcast_in_dim3A_787 {strides = array<i32>} : memref<81x128xf32, #tpu.memory_space<vmem>>, vector<16xf32>,
      %broadcast_in_dim3A_791 = arith.constant 0x7F800000 : f32
      %broadcast_in_dim3A_792 = vector.broadcast %broadcast_in_dim3A_791 : f32 to vector<16xf32>
      %swap3A_793 = arith.index_cast %scan3A_675 : i32 to index
      %swap3A_794 = arith.constant 112 : index
      %swap3A_795 = tpu.vector_load %arg22[%swap3A_793, %swap3A_794] {strides = array<i32>} : memref<81x128xf32, #tpu.memory_space<vmem>>, vector<16xf32>,
      tpu.vector_store %arg22[%swap3A_793, %swap3A_794], %broadcast_in_dim3A_792 {strides = array<i32>} : memref<81x128xf32, #tpu.memory_space<vmem>>, vector<16xf32>,
      %scan3A_796 = arith.constant 0 : i32
      scf.yield %scan3A_796 : i32
    }
    %scan3A_77 = arith.constant 81 : i32
    %add3A_78 = arith.constant 3 : i32
    %add3A_79 = arith.addi %min3A, %add3A_78 : i32
    %jit3A_80 = arith.constant 4 : i32
    %div3A_81 = arith.divsi %add3A_79, %jit3A_80 : i32
    %sign3A_82 = arith.constant 0 : i32
    %sign3A_83 = arith.cmpi sgt, %add3A_79, %sign3A_82 : i32
    %sign3A_84 = arith.extui %sign3A_83 : i1 to i32
    %sign3A_85 = arith.constant 0 : i32
    %sign3A_86 = arith.cmpi slt, %add3A_79, %sign3A_85 : i32
    %sign3A_87 = arith.extui %sign3A_86 : i1 to i32
    %sign3A_88 = arith.subi %sign3A_84, %sign3A_87 : i32
    %sign3A_89 = arith.constant 0 : i32
    %sign3A_90 = arith.cmpi sgt, %jit3A_80, %sign3A_89 : i32
    %sign3A_91 = arith.extui %sign3A_90 : i1 to i32
    %sign3A_92 = arith.constant 0 : i32
    %sign3A_93 = arith.cmpi slt, %jit3A_80, %sign3A_92 : i32
    %sign3A_94 = arith.extui %sign3A_93 : i1 to i32
    %sign3A_95 = arith.subi %sign3A_91, %sign3A_94 : i32
    %ne3A_96 = arith.cmpi ne, %sign3A_88, %sign3A_95 : i32
    %rem3A_97 = arith.remsi %add3A_79, %jit3A_80 : i32
    %ne3A_98 = arith.constant 0 : i32
    %ne3A_99 = arith.cmpi ne, %rem3A_97, %ne3A_98 : i32
    %and3A_100 = arith.andi %ne3A_96, %ne3A_99 : i1
    %sub3A_101 = arith.constant 1 : i32
    %sub3A_102 = arith.subi %div3A_81, %sub3A_101 : i32
    %select_n3A_103 = arith.select %and3A_100, %sub3A_102, %div3A_81 : i32
    %broadcast_in_dim3A_104 = arith.constant 0 : i32
    %broadcast_in_dim3A_105 = vector.broadcast %broadcast_in_dim3A_104 : i32 to vector<16xi32>
    %while3A = arith.constant 0 : i32
    %while3A_106 = arith.subi %select_n3A_103, %while3A : i32
    %while3A_107 = arith.addi %while3A, %while3A_106 : i32
    %while3A_108 = arith.constant 1 : i32
    %while3A_109 = arith.divsi %while3A_106, %while3A_108 : i32
    %while3A_110 = arith.muli %while3A_109, %while3A_108 : i32
    %while3A_111 = arith.addi %while3A, %while3A_110 : i32
    %while3A_112 = arith.constant 1 : i32
    %while3A_113 = scf.for %while3A_675 = %while3A to %while3A_111 step %while3A_112 iter_args(%while3A_676 = %broadcast_in_dim3A_105) -> (vector<16xi32>)  : i32 {
      %mul3A_677 = arith.constant 4 : i32
      %mul3A_678 = arith.muli %while3A_675, %mul3A_677 : i32
      %add3A_679 = arith.constant 0 : i32
      %add3A_680 = arith.addi %mul3A_678, %add3A_679 : i32
      %mul3A_681 = arith.constant 16 : i32
      %mul3A_682 = arith.muli %add3A_680, %mul3A_681 : i32
      %get3A = arith.index_cast %mul3A_682 : i32 to index
      %get3A_683 = tpu.vector_load %arg12[%get3A] {strides = array<i32>} : memref<16384xi32, #tpu.memory_space<vmem>>, vector<16xi32>,
      %mul3A_684 = arith.constant 16 : i32
      %mul3A_685 = arith.muli %add3A_680, %mul3A_684 : i32
      %get3A_686 = arith.index_cast %mul3A_685 : i32 to index
      %get3A_687 = tpu.vector_load %arg13[%get3A_686] {strides = array<i32>} : memref<16384xi32, #tpu.memory_space<vmem>>, vector<16xi32>,
      %sub3A_688 = arith.constant 0 : i32
      %sub3A_689 = vector.broadcast %sub3A_688 : i32 to vector<16xi32>
      %sub3A_690 = arith.subi %get3A_683, %sub3A_689 : vector<16xi32>
      %ge3A = arith.constant 0 : i32
      %ge3A_691 = vector.broadcast %ge3A : i32 to vector<16xi32>
      %ge3A_692 = arith.cmpi sge, %sub3A_690, %ge3A_691 : vector<16xi32>
      %lt3A = arith.constant 80 : i32
      %lt3A_693 = vector.broadcast %lt3A : i32 to vector<16xi32>
      %lt3A_694 = arith.cmpi slt, %sub3A_690, %lt3A_693 : vector<16xi32>
      %and3A_695 = arith.andi %ge3A_692, %lt3A_694 : vector<16xi1>
      %convert_element_type3A = arith.extui %and3A_695 : vector<16xi1> to vector<16xi32>
      %broadcast_in_dim3A_696 = arith.constant true
      %broadcast_in_dim3A_697 = vector.broadcast %broadcast_in_dim3A_696 : i1 to vector<16xi1>
      %masked_cumsum3A = tpu.scan <sum>, %convert_element_type3A masked %broadcast_in_dim3A_697 : vector<16xi32>, vector<16xi1> -> vector<16xi32>
      %add3A_698 = arith.addi %while3A_676, %masked_cumsum3A : vector<16xi32>
      %sub3A_699 = arith.constant 1 : i32
      %sub3A_700 = vector.broadcast %sub3A_699 : i32 to vector<16xi32>
      %sub3A_701 = arith.subi %add3A_698, %sub3A_700 : vector<16xi32>
      %min3A_702 = arith.constant 6127 : i32
      %min3A_703 = vector.broadcast %min3A_702 : i32 to vector<16xi32>
      %min3A_704 = arith.minsi %sub3A_701, %min3A_703 : vector<16xi32>
      %select_n3A_705 = arith.select %and3A_695, %min3A_704, %add3A_63 : vector<16xi1>, vector<16xi32>
      tpu.vector_store_idx %arg14[%select_n3A_705], %sub3A_690 : memref<6144xi32, #tpu.memory_space<vmem>>[vector<16xi32>], vector<16xi32>,
      tpu.vector_store_idx %arg15[%select_n3A_705], %get3A_687 : memref<6144xi32, #tpu.memory_space<vmem>>[vector<16xi32>], vector<16xi32>,
      %all_reduce_population_count3A = tpu.all_reduce %and3A_695 {dim = 0 : i64, kind = #tpu.reduction_kind<sum>} : vector<16xi1> -> vector<16xi32>
      %add3A_706 = arith.addi %while3A_676, %all_reduce_population_count3A : vector<16xi32>
      %mul3A_707 = arith.constant 4 : i32
      %mul3A_708 = arith.muli %while3A_675, %mul3A_707 : i32
      %add3A_709 = arith.constant 1 : i32
      %add3A_710 = arith.addi %mul3A_708, %add3A_709 : i32
      %mul3A_711 = arith.constant 16 : i32
      %mul3A_712 = arith.muli %add3A_710, %mul3A_711 : i32
      %get3A_713 = arith.index_cast %mul3A_712 : i32 to index
      %get3A_714 = tpu.vector_load %arg12[%get3A_713] {strides = array<i32>} : memref<16384xi32, #tpu.memory_space<vmem>>, vector<16xi32>,
      %mul3A_715 = arith.constant 16 : i32
      %mul3A_716 = arith.muli %add3A_710, %mul3A_715 : i32
      %get3A_717 = arith.index_cast %mul3A_716 : i32 to index
      %get3A_718 = tpu.vector_load %arg13[%get3A_717] {strides = array<i32>} : memref<16384xi32, #tpu.memory_space<vmem>>, vector<16xi32>,
      %sub3A_719 = arith.constant 0 : i32
      %sub3A_720 = vector.broadcast %sub3A_719 : i32 to vector<16xi32>
      %sub3A_721 = arith.subi %get3A_714, %sub3A_720 : vector<16xi32>
      %ge3A_722 = arith.constant 0 : i32
      %ge3A_723 = vector.broadcast %ge3A_722 : i32 to vector<16xi32>
      %ge3A_724 = arith.cmpi sge, %sub3A_721, %ge3A_723 : vector<16xi32>
      %lt3A_725 = arith.constant 80 : i32
      %lt3A_726 = vector.broadcast %lt3A_725 : i32 to vector<16xi32>
      %lt3A_727 = arith.cmpi slt, %sub3A_721, %lt3A_726 : vector<16xi32>
      %and3A_728 = arith.andi %ge3A_724, %lt3A_727 : vector<16xi1>
      %convert_element_type3A_729 = arith.extui %and3A_728 : vector<16xi1> to vector<16xi32>
      %broadcast_in_dim3A_730 = arith.constant true
      %broadcast_in_dim3A_731 = vector.broadcast %broadcast_in_dim3A_730 : i1 to vector<16xi1>
      %masked_cumsum3A_732 = tpu.scan <sum>, %convert_element_type3A_729 masked %broadcast_in_dim3A_731 : vector<16xi32>, vector<16xi1> -> vector<16xi32>
      %add3A_733 = arith.addi %add3A_706, %masked_cumsum3A_732 : vector<16xi32>
      %sub3A_734 = arith.constant 1 : i32
      %sub3A_735 = vector.broadcast %sub3A_734 : i32 to vector<16xi32>
      %sub3A_736 = arith.subi %add3A_733, %sub3A_735 : vector<16xi32>
      %min3A_737 = arith.constant 6127 : i32
      %min3A_738 = vector.broadcast %min3A_737 : i32 to vector<16xi32>
      %min3A_739 = arith.minsi %sub3A_736, %min3A_738 : vector<16xi32>
      %select_n3A_740 = arith.select %and3A_728, %min3A_739, %add3A_63 : vector<16xi1>, vector<16xi32>
      tpu.vector_store_idx %arg14[%select_n3A_740], %sub3A_721 : memref<6144xi32, #tpu.memory_space<vmem>>[vector<16xi32>], vector<16xi32>,
      tpu.vector_store_idx %arg15[%select_n3A_740], %get3A_718 : memref<6144xi32, #tpu.memory_space<vmem>>[vector<16xi32>], vector<16xi32>,
      %all_reduce_population_count3A_741 = tpu.all_reduce %and3A_728 {dim = 0 : i64, kind = #tpu.reduction_kind<sum>} : vector<16xi1> -> vector<16xi32>
      %add3A_742 = arith.addi %add3A_706, %all_reduce_population_count3A_741 : vector<16xi32>
      %mul3A_743 = arith.constant 4 : i32
      %mul3A_744 = arith.muli %while3A_675, %mul3A_743 : i32
      %add3A_745 = arith.constant 2 : i32
      %add3A_746 = arith.addi %mul3A_744, %add3A_745 : i32
      %mul3A_747 = arith.constant 16 : i32
      %mul3A_748 = arith.muli %add3A_746, %mul3A_747 : i32
      %get3A_749 = arith.index_cast %mul3A_748 : i32 to index
      %get3A_750 = tpu.vector_load %arg12[%get3A_749] {strides = array<i32>} : memref<16384xi32, #tpu.memory_space<vmem>>, vector<16xi32>,
      %mul3A_751 = arith.constant 16 : i32
      %mul3A_752 = arith.muli %add3A_746, %mul3A_751 : i32
      %get3A_753 = arith.index_cast %mul3A_752 : i32 to index
      %get3A_754 = tpu.vector_load %arg13[%get3A_753] {strides = array<i32>} : memref<16384xi32, #tpu.memory_space<vmem>>, vector<16xi32>,
      %sub3A_755 = arith.constant 0 : i32
      %sub3A_756 = vector.broadcast %sub3A_755 : i32 to vector<16xi32>
      %sub3A_757 = arith.subi %get3A_750, %sub3A_756 : vector<16xi32>
      %ge3A_758 = arith.constant 0 : i32
      %ge3A_759 = vector.broadcast %ge3A_758 : i32 to vector<16xi32>
      %ge3A_760 = arith.cmpi sge, %sub3A_757, %ge3A_759 : vector<16xi32>
      %lt3A_761 = arith.constant 80 : i32
      %lt3A_762 = vector.broadcast %lt3A_761 : i32 to vector<16xi32>
      %lt3A_763 = arith.cmpi slt, %sub3A_757, %lt3A_762 : vector<16xi32>
      %and3A_764 = arith.andi %ge3A_760, %lt3A_763 : vector<16xi1>
      %convert_element_type3A_765 = arith.extui %and3A_764 : vector<16xi1> to vector<16xi32>
      %broadcast_in_dim3A_766 = arith.constant true
      %broadcast_in_dim3A_767 = vector.broadcast %broadcast_in_dim3A_766 : i1 to vector<16xi1>
      %masked_cumsum3A_768 = tpu.scan <sum>, %convert_element_type3A_765 masked %broadcast_in_dim3A_767 : vector<16xi32>, vector<16xi1> -> vector<16xi32>
      %add3A_769 = arith.addi %add3A_742, %masked_cumsum3A_768 : vector<16xi32>
      %sub3A_770 = arith.constant 1 : i32
      %sub3A_771 = vector.broadcast %sub3A_770 : i32 to vector<16xi32>
      %sub3A_772 = arith.subi %add3A_769, %sub3A_771 : vector<16xi32>
      %min3A_773 = arith.constant 6127 : i32
      %min3A_774 = vector.broadcast %min3A_773 : i32 to vector<16xi32>
      %min3A_775 = arith.minsi %sub3A_772, %min3A_774 : vector<16xi32>
      %select_n3A_776 = arith.select %and3A_764, %min3A_775, %add3A_63 : vector<16xi1>, vector<16xi32>
      tpu.vector_store_idx %arg14[%select_n3A_776], %sub3A_757 : memref<6144xi32, #tpu.memory_space<vmem>>[vector<16xi32>], vector<16xi32>,
      tpu.vector_store_idx %arg15[%select_n3A_776], %get3A_754 : memref<6144xi32, #tpu.memory_space<vmem>>[vector<16xi32>], vector<16xi32>,
      %all_reduce_population_count3A_777 = tpu.all_reduce %and3A_764 {dim = 0 : i64, kind = #tpu.reduction_kind<sum>} : vector<16xi1> -> vector<16xi32>
      %add3A_778 = arith.addi %add3A_742, %all_reduce_population_count3A_777 : vector<16xi32>
      %mul3A_779 = arith.constant 4 : i32
      %mul3A_780 = arith.muli %while3A_675, %mul3A_779 : i32
      %add3A_781 = arith.constant 3 : i32
      %add3A_782 = arith.addi %mul3A_780, %add3A_781 : i32
      %mul3A_783 = arith.constant 16 : i32
      %mul3A_784 = arith.muli %add3A_782, %mul3A_783 : i32
      %get3A_785 = arith.index_cast %mul3A_784 : i32 to index
      %get3A_786 = tpu.vector_load %arg12[%get3A_785] {strides = array<i32>} : memref<16384xi32, #tpu.memory_space<vmem>>, vector<16xi32>,
      %mul3A_787 = arith.constant 16 : i32
      %mul3A_788 = arith.muli %add3A_782, %mul3A_787 : i32
      %get3A_789 = arith.index_cast %mul3A_788 : i32 to index
      %get3A_790 = tpu.vector_load %arg13[%get3A_789] {strides = array<i32>} : memref<16384xi32, #tpu.memory_space<vmem>>, vector<16xi32>,
      %sub3A_791 = arith.constant 0 : i32
      %sub3A_792 = vector.broadcast %sub3A_791 : i32 to vector<16xi32>
      %sub3A_793 = arith.subi %get3A_786, %sub3A_792 : vector<16xi32>
      %ge3A_794 = arith.constant 0 : i32
      %ge3A_795 = vector.broadcast %ge3A_794 : i32 to vector<16xi32>
      %ge3A_796 = arith.cmpi sge, %sub3A_793, %ge3A_795 : vector<16xi32>
      %lt3A_797 = arith.constant 80 : i32
      %lt3A_798 = vector.broadcast %lt3A_797 : i32 to vector<16xi32>
      %lt3A_799 = arith.cmpi slt, %sub3A_793, %lt3A_798 : vector<16xi32>
      %and3A_800 = arith.andi %ge3A_796, %lt3A_799 : vector<16xi1>
      %convert_element_type3A_801 = arith.extui %and3A_800 : vector<16xi1> to vector<16xi32>
      %broadcast_in_dim3A_802 = arith.constant true
      %broadcast_in_dim3A_803 = vector.broadcast %broadcast_in_dim3A_802 : i1 to vector<16xi1>
      %masked_cumsum3A_804 = tpu.scan <sum>, %convert_element_type3A_801 masked %broadcast_in_dim3A_803 : vector<16xi32>, vector<16xi1> -> vector<16xi32>
      %add3A_805 = arith.addi %add3A_778, %masked_cumsum3A_804 : vector<16xi32>
      %sub3A_806 = arith.constant 1 : i32
      %sub3A_807 = vector.broadcast %sub3A_806 : i32 to vector<16xi32>
      %sub3A_808 = arith.subi %add3A_805, %sub3A_807 : vector<16xi32>
      %min3A_809 = arith.constant 6127 : i32
      %min3A_810 = vector.broadcast %min3A_809 : i32 to vector<16xi32>
      %min3A_811 = arith.minsi %sub3A_808, %min3A_810 : vector<16xi32>
      %select_n3A_812 = arith.select %and3A_800, %min3A_811, %add3A_63 : vector<16xi1>, vector<16xi32>
      tpu.vector_store_idx %arg14[%select_n3A_812], %sub3A_793 : memref<6144xi32, #tpu.memory_space<vmem>>[vector<16xi32>], vector<16xi32>,
      tpu.vector_store_idx %arg15[%select_n3A_812], %get3A_790 : memref<6144xi32, #tpu.memory_space<vmem>>[vector<16xi32>], vector<16xi32>,
      %all_reduce_population_count3A_813 = tpu.all_reduce %and3A_800 {dim = 0 : i64, kind = #tpu.reduction_kind<sum>} : vector<16xi1> -> vector<16xi32>
      %add3A_814 = arith.addi %add3A_778, %all_reduce_population_count3A_813 : vector<16xi32>
      scf.yield %add3A_814 : vector<16xi32>
    }
    %while3A_114 = arith.constant 1 : i32
    %while3A_115 = scf.for %while3A_675 = %while3A_111 to %while3A_107 step %while3A_114 iter_args(%while3A_676 = %while3A_113) -> (vector<16xi32>)  : i32 {
      %mul3A_677 = arith.constant 4 : i32
      %mul3A_678 = arith.muli %while3A_675, %mul3A_677 : i32
      %add3A_679 = arith.constant 0 : i32
      %add3A_680 = arith.addi %mul3A_678, %add3A_679 : i32
      %mul3A_681 = arith.constant 16 : i32
      %mul3A_682 = arith.muli %add3A_680, %mul3A_681 : i32
      %get3A = arith.index_cast %mul3A_682 : i32 to index
      %get3A_683 = tpu.vector_load %arg12[%get3A] {strides = array<i32>} : memref<16384xi32, #tpu.memory_space<vmem>>, vector<16xi32>,
      %mul3A_684 = arith.constant 16 : i32
      %mul3A_685 = arith.muli %add3A_680, %mul3A_684 : i32
      %get3A_686 = arith.index_cast %mul3A_685 : i32 to index
      %get3A_687 = tpu.vector_load %arg13[%get3A_686] {strides = array<i32>} : memref<16384xi32, #tpu.memory_space<vmem>>, vector<16xi32>,
      %sub3A_688 = arith.constant 0 : i32
      %sub3A_689 = vector.broadcast %sub3A_688 : i32 to vector<16xi32>
      %sub3A_690 = arith.subi %get3A_683, %sub3A_689 : vector<16xi32>
      %ge3A = arith.constant 0 : i32
      %ge3A_691 = vector.broadcast %ge3A : i32 to vector<16xi32>
      %ge3A_692 = arith.cmpi sge, %sub3A_690, %ge3A_691 : vector<16xi32>
      %lt3A = arith.constant 80 : i32
      %lt3A_693 = vector.broadcast %lt3A : i32 to vector<16xi32>
      %lt3A_694 = arith.cmpi slt, %sub3A_690, %lt3A_693 : vector<16xi32>
      %and3A_695 = arith.andi %ge3A_692, %lt3A_694 : vector<16xi1>
      %convert_element_type3A = arith.extui %and3A_695 : vector<16xi1> to vector<16xi32>
      %broadcast_in_dim3A_696 = arith.constant true
      %broadcast_in_dim3A_697 = vector.broadcast %broadcast_in_dim3A_696 : i1 to vector<16xi1>
      %masked_cumsum3A = tpu.scan <sum>, %convert_element_type3A masked %broadcast_in_dim3A_697 : vector<16xi32>, vector<16xi1> -> vector<16xi32>
      %add3A_698 = arith.addi %while3A_676, %masked_cumsum3A : vector<16xi32>
      %sub3A_699 = arith.constant 1 : i32
      %sub3A_700 = vector.broadcast %sub3A_699 : i32 to vector<16xi32>
      %sub3A_701 = arith.subi %add3A_698, %sub3A_700 : vector<16xi32>
      %min3A_702 = arith.constant 6127 : i32
      %min3A_703 = vector.broadcast %min3A_702 : i32 to vector<16xi32>
      %min3A_704 = arith.minsi %sub3A_701, %min3A_703 : vector<16xi32>
      %select_n3A_705 = arith.select %and3A_695, %min3A_704, %add3A_63 : vector<16xi1>, vector<16xi32>
      tpu.vector_store_idx %arg14[%select_n3A_705], %sub3A_690 : memref<6144xi32, #tpu.memory_space<vmem>>[vector<16xi32>], vector<16xi32>,
      tpu.vector_store_idx %arg15[%select_n3A_705], %get3A_687 : memref<6144xi32, #tpu.memory_space<vmem>>[vector<16xi32>], vector<16xi32>,
      %all_reduce_population_count3A = tpu.all_reduce %and3A_695 {dim = 0 : i64, kind = #tpu.reduction_kind<sum>} : vector<16xi1> -> vector<16xi32>
      %add3A_706 = arith.addi %while3A_676, %all_reduce_population_count3A : vector<16xi32>
      %mul3A_707 = arith.constant 4 : i32
      %mul3A_708 = arith.muli %while3A_675, %mul3A_707 : i32
      %add3A_709 = arith.constant 1 : i32
      %add3A_710 = arith.addi %mul3A_708, %add3A_709 : i32
      %mul3A_711 = arith.constant 16 : i32
      %mul3A_712 = arith.muli %add3A_710, %mul3A_711 : i32
      %get3A_713 = arith.index_cast %mul3A_712 : i32 to index
      %get3A_714 = tpu.vector_load %arg12[%get3A_713] {strides = array<i32>} : memref<16384xi32, #tpu.memory_space<vmem>>, vector<16xi32>,
      %mul3A_715 = arith.constant 16 : i32
      %mul3A_716 = arith.muli %add3A_710, %mul3A_715 : i32
      %get3A_717 = arith.index_cast %mul3A_716 : i32 to index
      %get3A_718 = tpu.vector_load %arg13[%get3A_717] {strides = array<i32>} : memref<16384xi32, #tpu.memory_space<vmem>>, vector<16xi32>,
      %sub3A_719 = arith.constant 0 : i32
      %sub3A_720 = vector.broadcast %sub3A_719 : i32 to vector<16xi32>
      %sub3A_721 = arith.subi %get3A_714, %sub3A_720 : vector<16xi32>
      %ge3A_722 = arith.constant 0 : i32
      %ge3A_723 = vector.broadcast %ge3A_722 : i32 to vector<16xi32>
      %ge3A_724 = arith.cmpi sge, %sub3A_721, %ge3A_723 : vector<16xi32>
      %lt3A_725 = arith.constant 80 : i32
      %lt3A_726 = vector.broadcast %lt3A_725 : i32 to vector<16xi32>
      %lt3A_727 = arith.cmpi slt, %sub3A_721, %lt3A_726 : vector<16xi32>
      %and3A_728 = arith.andi %ge3A_724, %lt3A_727 : vector<16xi1>
      %convert_element_type3A_729 = arith.extui %and3A_728 : vector<16xi1> to vector<16xi32>
      %broadcast_in_dim3A_730 = arith.constant true
      %broadcast_in_dim3A_731 = vector.broadcast %broadcast_in_dim3A_730 : i1 to vector<16xi1>
      %masked_cumsum3A_732 = tpu.scan <sum>, %convert_element_type3A_729 masked %broadcast_in_dim3A_731 : vector<16xi32>, vector<16xi1> -> vector<16xi32>
      %add3A_733 = arith.addi %add3A_706, %masked_cumsum3A_732 : vector<16xi32>
      %sub3A_734 = arith.constant 1 : i32
      %sub3A_735 = vector.broadcast %sub3A_734 : i32 to vector<16xi32>
      %sub3A_736 = arith.subi %add3A_733, %sub3A_735 : vector<16xi32>
      %min3A_737 = arith.constant 6127 : i32
      %min3A_738 = vector.broadcast %min3A_737 : i32 to vector<16xi32>
      %min3A_739 = arith.minsi %sub3A_736, %min3A_738 : vector<16xi32>
      %select_n3A_740 = arith.select %and3A_728, %min3A_739, %add3A_63 : vector<16xi1>, vector<16xi32>
      tpu.vector_store_idx %arg14[%select_n3A_740], %sub3A_721 : memref<6144xi32, #tpu.memory_space<vmem>>[vector<16xi32>], vector<16xi32>,
      tpu.vector_store_idx %arg15[%select_n3A_740], %get3A_718 : memref<6144xi32, #tpu.memory_space<vmem>>[vector<16xi32>], vector<16xi32>,
      %all_reduce_population_count3A_741 = tpu.all_reduce %and3A_728 {dim = 0 : i64, kind = #tpu.reduction_kind<sum>} : vector<16xi1> -> vector<16xi32>
      %add3A_742 = arith.addi %add3A_706, %all_reduce_population_count3A_741 : vector<16xi32>
      %mul3A_743 = arith.constant 4 : i32
      %mul3A_744 = arith.muli %while3A_675, %mul3A_743 : i32
      %add3A_745 = arith.constant 2 : i32
      %add3A_746 = arith.addi %mul3A_744, %add3A_745 : i32
      %mul3A_747 = arith.constant 16 : i32
      %mul3A_748 = arith.muli %add3A_746, %mul3A_747 : i32
      %get3A_749 = arith.index_cast %mul3A_748 : i32 to index
      %get3A_750 = tpu.vector_load %arg12[%get3A_749] {strides = array<i32>} : memref<16384xi32, #tpu.memory_space<vmem>>, vector<16xi32>,
      %mul3A_751 = arith.constant 16 : i32
      %mul3A_752 = arith.muli %add3A_746, %mul3A_751 : i32
      %get3A_753 = arith.index_cast %mul3A_752 : i32 to index
      %get3A_754 = tpu.vector_load %arg13[%get3A_753] {strides = array<i32>} : memref<16384xi32, #tpu.memory_space<vmem>>, vector<16xi32>,
      %sub3A_755 = arith.constant 0 : i32
      %sub3A_756 = vector.broadcast %sub3A_755 : i32 to vector<16xi32>
      %sub3A_757 = arith.subi %get3A_750, %sub3A_756 : vector<16xi32>
      %ge3A_758 = arith.constant 0 : i32
      %ge3A_759 = vector.broadcast %ge3A_758 : i32 to vector<16xi32>
      %ge3A_760 = arith.cmpi sge, %sub3A_757, %ge3A_759 : vector<16xi32>
      %lt3A_761 = arith.constant 80 : i32
      %lt3A_762 = vector.broadcast %lt3A_761 : i32 to vector<16xi32>
      %lt3A_763 = arith.cmpi slt, %sub3A_757, %lt3A_762 : vector<16xi32>
      %and3A_764 = arith.andi %ge3A_760, %lt3A_763 : vector<16xi1>
      %convert_element_type3A_765 = arith.extui %and3A_764 : vector<16xi1> to vector<16xi32>
      %broadcast_in_dim3A_766 = arith.constant true
      %broadcast_in_dim3A_767 = vector.broadcast %broadcast_in_dim3A_766 : i1 to vector<16xi1>
      %masked_cumsum3A_768 = tpu.scan <sum>, %convert_element_type3A_765 masked %broadcast_in_dim3A_767 : vector<16xi32>, vector<16xi1> -> vector<16xi32>
      %add3A_769 = arith.addi %add3A_742, %masked_cumsum3A_768 : vector<16xi32>
      %sub3A_770 = arith.constant 1 : i32
      %sub3A_771 = vector.broadcast %sub3A_770 : i32 to vector<16xi32>
      %sub3A_772 = arith.subi %add3A_769, %sub3A_771 : vector<16xi32>
      %min3A_773 = arith.constant 6127 : i32
      %min3A_774 = vector.broadcast %min3A_773 : i32 to vector<16xi32>
      %min3A_775 = arith.minsi %sub3A_772, %min3A_774 : vector<16xi32>
      %select_n3A_776 = arith.select %and3A_764, %min3A_775, %add3A_63 : vector<16xi1>, vector<16xi32>
      tpu.vector_store_idx %arg14[%select_n3A_776], %sub3A_757 : memref<6144xi32, #tpu.memory_space<vmem>>[vector<16xi32>], vector<16xi32>,
      tpu.vector_store_idx %arg15[%select_n3A_776], %get3A_754 : memref<6144xi32, #tpu.memory_space<vmem>>[vector<16xi32>], vector<16xi32>,
      %all_reduce_population_count3A_777 = tpu.all_reduce %and3A_764 {dim = 0 : i64, kind = #tpu.reduction_kind<sum>} : vector<16xi1> -> vector<16xi32>
      %add3A_778 = arith.addi %add3A_742, %all_reduce_population_count3A_777 : vector<16xi32>
      %mul3A_779 = arith.constant 4 : i32
      %mul3A_780 = arith.muli %while3A_675, %mul3A_779 : i32
      %add3A_781 = arith.constant 3 : i32
      %add3A_782 = arith.addi %mul3A_780, %add3A_781 : i32
      %mul3A_783 = arith.constant 16 : i32
      %mul3A_784 = arith.muli %add3A_782, %mul3A_783 : i32
      %get3A_785 = arith.index_cast %mul3A_784 : i32 to index
      %get3A_786 = tpu.vector_load %arg12[%get3A_785] {strides = array<i32>} : memref<16384xi32, #tpu.memory_space<vmem>>, vector<16xi32>,
      %mul3A_787 = arith.constant 16 : i32
      %mul3A_788 = arith.muli %add3A_782, %mul3A_787 : i32
      %get3A_789 = arith.index_cast %mul3A_788 : i32 to index
      %get3A_790 = tpu.vector_load %arg13[%get3A_789] {strides = array<i32>} : memref<16384xi32, #tpu.memory_space<vmem>>, vector<16xi32>,
      %sub3A_791 = arith.constant 0 : i32
      %sub3A_792 = vector.broadcast %sub3A_791 : i32 to vector<16xi32>
      %sub3A_793 = arith.subi %get3A_786, %sub3A_792 : vector<16xi32>
      %ge3A_794 = arith.constant 0 : i32
      %ge3A_795 = vector.broadcast %ge3A_794 : i32 to vector<16xi32>
      %ge3A_796 = arith.cmpi sge, %sub3A_793, %ge3A_795 : vector<16xi32>
      %lt3A_797 = arith.constant 80 : i32
      %lt3A_798 = vector.broadcast %lt3A_797 : i32 to vector<16xi32>
      %lt3A_799 = arith.cmpi slt, %sub3A_793, %lt3A_798 : vector<16xi32>
      %and3A_800 = arith.andi %ge3A_796, %lt3A_799 : vector<16xi1>
      %convert_element_type3A_801 = arith.extui %and3A_800 : vector<16xi1> to vector<16xi32>
      %broadcast_in_dim3A_802 = arith.constant true
      %broadcast_in_dim3A_803 = vector.broadcast %broadcast_in_dim3A_802 : i1 to vector<16xi1>
      %masked_cumsum3A_804 = tpu.scan <sum>, %convert_element_type3A_801 masked %broadcast_in_dim3A_803 : vector<16xi32>, vector<16xi1> -> vector<16xi32>
      %add3A_805 = arith.addi %add3A_778, %masked_cumsum3A_804 : vector<16xi32>
      %sub3A_806 = arith.constant 1 : i32
      %sub3A_807 = vector.broadcast %sub3A_806 : i32 to vector<16xi32>
      %sub3A_808 = arith.subi %add3A_805, %sub3A_807 : vector<16xi32>
      %min3A_809 = arith.constant 6127 : i32
      %min3A_810 = vector.broadcast %min3A_809 : i32 to vector<16xi32>
      %min3A_811 = arith.minsi %sub3A_808, %min3A_810 : vector<16xi32>
      %select_n3A_812 = arith.select %and3A_800, %min3A_811, %add3A_63 : vector<16xi1>, vector<16xi32>
      tpu.vector_store_idx %arg14[%select_n3A_812], %sub3A_793 : memref<6144xi32, #tpu.memory_space<vmem>>[vector<16xi32>], vector<16xi32>,
      tpu.vector_store_idx %arg15[%select_n3A_812], %get3A_790 : memref<6144xi32, #tpu.memory_space<vmem>>[vector<16xi32>], vector<16xi32>,
      %all_reduce_population_count3A_813 = tpu.all_reduce %and3A_800 {dim = 0 : i64, kind = #tpu.reduction_kind<sum>} : vector<16xi1> -> vector<16xi32>
      %add3A_814 = arith.addi %add3A_778, %all_reduce_population_count3A_813 : vector<16xi32>
      scf.yield %add3A_814 : vector<16xi32>
    }
    %reduce_max3A_116 = arith.constant true
    %reduce_max3A_117 = vector.broadcast %reduce_max3A_116 : i1 to vector<16xi1>
    %reduce_max3A_118 = arith.constant -2147483648 : i32
    %reduce_max3A_119 = vector.broadcast %reduce_max3A_118 : i32 to vector<16xi32>
    %reduce_max3A_120 = arith.xori %while3A_115, %reduce_max3A_119 : vector<16xi32>
    %reduce_max3A_121 = tpu.scan <max>, %reduce_max3A_120 masked %reduce_max3A_117 : vector<16xi32>, vector<16xi1> -> vector<16xi32>
    %reduce_max3A_122 = arith.xori %reduce_max3A_121, %reduce_max3A_119 : vector<16xi32>
    %reduce_max3A_123 = vector.extract %reduce_max3A_122[15] : i32 from vector<16xi32>
    %add3A_124 = arith.constant 128 : i32
    %add3A_125 = arith.addi %reduce_max3A_123, %add3A_124 : i32
    %sub3A_126 = arith.constant 1 : i32
    %sub3A_127 = arith.subi %add3A_125, %sub3A_126 : i32
    %jit3A_128 = arith.constant 128 : i32
    %div3A_129 = arith.divsi %sub3A_127, %jit3A_128 : i32
    %sign3A_130 = arith.constant 0 : i32
    %sign3A_131 = arith.cmpi sgt, %sub3A_127, %sign3A_130 : i32
    %sign3A_132 = arith.extui %sign3A_131 : i1 to i32
    %sign3A_133 = arith.constant 0 : i32
    %sign3A_134 = arith.cmpi slt, %sub3A_127, %sign3A_133 : i32
    %sign3A_135 = arith.extui %sign3A_134 : i1 to i32
    %sign3A_136 = arith.subi %sign3A_132, %sign3A_135 : i32
    %sign3A_137 = arith.constant 0 : i32
    %sign3A_138 = arith.cmpi sgt, %jit3A_128, %sign3A_137 : i32
    %sign3A_139 = arith.extui %sign3A_138 : i1 to i32
    %sign3A_140 = arith.constant 0 : i32
    %sign3A_141 = arith.cmpi slt, %jit3A_128, %sign3A_140 : i32
    %sign3A_142 = arith.extui %sign3A_141 : i1 to i32
    %sign3A_143 = arith.subi %sign3A_139, %sign3A_142 : i32
    %ne3A_144 = arith.cmpi ne, %sign3A_136, %sign3A_143 : i32
    %rem3A_145 = arith.remsi %sub3A_127, %jit3A_128 : i32
    %ne3A_146 = arith.constant 0 : i32
    %ne3A_147 = arith.cmpi ne, %rem3A_145, %ne3A_146 : i32
    %and3A_148 = arith.andi %ne3A_144, %ne3A_147 : i1
    %sub3A_149 = arith.constant 1 : i32
    %sub3A_150 = arith.subi %div3A_129, %sub3A_149 : i32
    %select_n3A_151 = arith.select %and3A_148, %sub3A_150, %div3A_129 : i32
    %mul3A_152 = arith.constant 4 : i32
    %mul3A_153 = arith.muli %select_n3A_151, %mul3A_152 : i32
    %jit3A_154 = arith.constant 4 : i32
    %jit3A_155 = arith.constant 188 : i32
    %max3A_156 = arith.maxsi %jit3A_154, %mul3A_153 : i32
    %min3A_157 = arith.minsi %jit3A_155, %max3A_156 : i32
    %dma_start3A_158 = arith.constant 0 : i32
    %dma_start3A_159 = tpu.memref_slice %arg15[%dma_start3A_158] : memref<6144xi32, #tpu.memory_space<vmem>> -> memref<32xi32, #tpu.memory_space<vmem>>
    %dma_start3A_160 = arith.constant 0 : i32
    %dma_start3A_161 = arith.constant 0 : i32
    %dma_start3A_162 = tpu.memref_slice %arg4[%dma_start3A_160, %dma_start3A_161] : memref<16512x128xf32, #tpu.memory_space<hbm>> -> memref<16512x128xf32, #tpu.memory_space<hbm>>
    tpu.enqueue_indirect_dma source(%dma_start3A_162 : memref<16512x128xf32, #tpu.memory_space<hbm>>) target(%arg16 : memref<32x128xf32, #tpu.memory_space<vmem>>) offsets(%dma_start3A_159 : memref<32xi32, #tpu.memory_space<vmem>>) semaphore(%arg25 : memref<!tpu.dma_semaphore, #tpu.memory_space<semaphore_mem>>)
    %dma_start3A_163 = arith.constant 32 : i32
    %dma_start3A_164 = tpu.memref_slice %arg15[%dma_start3A_163] : memref<6144xi32, #tpu.memory_space<vmem>> -> memref<32xi32, #tpu.memory_space<vmem>>
    %dma_start3A_165 = arith.constant 0 : i32
    %dma_start3A_166 = arith.constant 0 : i32
    %dma_start3A_167 = tpu.memref_slice %arg4[%dma_start3A_165, %dma_start3A_166] : memref<16512x128xf32, #tpu.memory_space<hbm>> -> memref<16512x128xf32, #tpu.memory_space<hbm>>
    tpu.enqueue_indirect_dma source(%dma_start3A_167 : memref<16512x128xf32, #tpu.memory_space<hbm>>) target(%arg17 : memref<32x128xf32, #tpu.memory_space<vmem>>) offsets(%dma_start3A_164 : memref<32xi32, #tpu.memory_space<vmem>>) semaphore(%arg26 : memref<!tpu.dma_semaphore, #tpu.memory_space<semaphore_mem>>)
    %dma_start3A_168 = arith.constant 64 : i32
    %dma_start3A_169 = tpu.memref_slice %arg15[%dma_start3A_168] : memref<6144xi32, #tpu.memory_space<vmem>> -> memref<32xi32, #tpu.memory_space<vmem>>
    %dma_start3A_170 = arith.constant 0 : i32
    %dma_start3A_171 = arith.constant 0 : i32
    %dma_start3A_172 = tpu.memref_slice %arg4[%dma_start3A_170, %dma_start3A_171] : memref<16512x128xf32, #tpu.memory_space<hbm>> -> memref<16512x128xf32, #tpu.memory_space<hbm>>
    tpu.enqueue_indirect_dma source(%dma_start3A_172 : memref<16512x128xf32, #tpu.memory_space<hbm>>) target(%arg18 : memref<32x128xf32, #tpu.memory_space<vmem>>) offsets(%dma_start3A_169 : memref<32xi32, #tpu.memory_space<vmem>>) semaphore(%arg27 : memref<!tpu.dma_semaphore, #tpu.memory_space<semaphore_mem>>)
    %dma_start3A_173 = arith.constant 96 : i32
    %dma_start3A_174 = tpu.memref_slice %arg15[%dma_start3A_173] : memref<6144xi32, #tpu.memory_space<vmem>> -> memref<32xi32, #tpu.memory_space<vmem>>
    %dma_start3A_175 = arith.constant 0 : i32
    %dma_start3A_176 = arith.constant 0 : i32
    %dma_start3A_177 = tpu.memref_slice %arg4[%dma_start3A_175, %dma_start3A_176] : memref<16512x128xf32, #tpu.memory_space<hbm>> -> memref<16512x128xf32, #tpu.memory_space<hbm>>
    tpu.enqueue_indirect_dma source(%dma_start3A_177 : memref<16512x128xf32, #tpu.memory_space<hbm>>) target(%arg19 : memref<32x128xf32, #tpu.memory_space<vmem>>) offsets(%dma_start3A_174 : memref<32xi32, #tpu.memory_space<vmem>>) semaphore(%arg28 : memref<!tpu.dma_semaphore, #tpu.memory_space<semaphore_mem>>)
    %jit3A_178 = arith.constant 4 : i32
    %div3A_179 = arith.divsi %min3A_157, %jit3A_178 : i32
    %sign3A_180 = arith.constant 0 : i32
    %sign3A_181 = arith.cmpi sgt, %min3A_157, %sign3A_180 : i32
    %sign3A_182 = arith.extui %sign3A_181 : i1 to i32
    %sign3A_183 = arith.constant 0 : i32
    %sign3A_184 = arith.cmpi slt, %min3A_157, %sign3A_183 : i32
    %sign3A_185 = arith.extui %sign3A_184 : i1 to i32
    %sign3A_186 = arith.subi %sign3A_182, %sign3A_185 : i32
    %sign3A_187 = arith.constant 0 : i32
    %sign3A_188 = arith.cmpi sgt, %jit3A_178, %sign3A_187 : i32
    %sign3A_189 = arith.extui %sign3A_188 : i1 to i32
    %sign3A_190 = arith.constant 0 : i32
    %sign3A_191 = arith.cmpi slt, %jit3A_178, %sign3A_190 : i32
    %sign3A_192 = arith.extui %sign3A_191 : i1 to i32
    %sign3A_193 = arith.subi %sign3A_189, %sign3A_192 : i32
    %ne3A_194 = arith.cmpi ne, %sign3A_186, %sign3A_193 : i32
    %rem3A_195 = arith.remsi %min3A_157, %jit3A_178 : i32
    %ne3A_196 = arith.constant 0 : i32
    %ne3A_197 = arith.cmpi ne, %rem3A_195, %ne3A_196 : i32
    %and3A_198 = arith.andi %ne3A_194, %ne3A_197 : i1
    %sub3A_199 = arith.constant 1 : i32
    %sub3A_200 = arith.subi %div3A_179, %sub3A_199 : i32
    %select_n3A_201 = arith.select %and3A_198, %sub3A_200, %div3A_179 : i32
    %while3A_202 = arith.constant 0 : i32
    %while3A_203 = arith.constant 0 : i32
    %while3A_204 = arith.subi %select_n3A_201, %while3A_202 : i32
    %while3A_205 = arith.addi %while3A_202, %while3A_204 : i32
    %while3A_206 = arith.constant 1 : i32
    %while3A_207 = arith.divsi %while3A_204, %while3A_206 : i32
    %while3A_208 = arith.muli %while3A_207, %while3A_206 : i32
    %while3A_209 = arith.addi %while3A_202, %while3A_208 : i32
    %while3A_210 = arith.constant 1 : i32
    %while3A_211 = scf.for %while3A_675 = %while3A_202 to %while3A_209 step %while3A_210 iter_args(%while3A_676 = %while3A_203) -> (i32)  : i32 {
      %mul3A_677 = arith.constant 4 : i32
      %mul3A_678 = arith.muli %while3A_675, %mul3A_677 : i32
      %dma_wait3A = arith.constant 0 : i32
      %dma_wait3A_679 = tpu.memref_slice %arg15[%dma_wait3A] : memref<6144xi32, #tpu.memory_space<vmem>> -> memref<32xi32, #tpu.memory_space<vmem>>
      %dma_wait3A_680 = arith.constant 0 : i32
      %dma_wait3A_681 = arith.constant 0 : i32
      %dma_wait3A_682 = tpu.memref_slice %arg4[%dma_wait3A_680, %dma_wait3A_681] : memref<16512x128xf32, #tpu.memory_space<hbm>> -> memref<16512x128xf32, #tpu.memory_space<hbm>>
      tpu.wait_indirect_dma semaphore(%arg25 : memref<!tpu.dma_semaphore, #tpu.memory_space<semaphore_mem>>) src(%dma_wait3A_682 : memref<16512x128xf32, #tpu.memory_space<hbm>>) dst(%arg16 : memref<32x128xf32, #tpu.memory_space<vmem>>)
      %add3A_683 = arith.constant 0 : i32
      %add3A_684 = arith.addi %mul3A_678, %add3A_683 : i32
      %add3A_685 = arith.constant 0 : i32
      %add3A_686 = arith.addi %mul3A_678, %add3A_685 : i32
      %add3A_687 = arith.constant 4 : i32
      %add3A_688 = arith.addi %add3A_686, %add3A_687 : i32
      %lt3A = arith.cmpi slt, %add3A_688, %min3A_157 : i32
      %convert_element_type3A = arith.extui %lt3A : i1 to i32
      %cond3A = arith.constant 0 : i32
      %cond3A_689 = arith.cmpi ne, %convert_element_type3A, %cond3A : i32
      scf.if %cond3A_689 {
        %add3A_736 = arith.constant 0 : i32
        %add3A_737 = arith.addi %mul3A_678, %add3A_736 : i32
        %add3A_738 = arith.constant 4 : i32
        %add3A_739 = arith.addi %add3A_737, %add3A_738 : i32
        %mul3A_740 = arith.constant 32 : i32
        %mul3A_741 = arith.muli %add3A_739, %mul3A_740 : i32
        %dma_start3A_742 = tpu.memref_slice %arg15[%mul3A_741] : memref<6144xi32, #tpu.memory_space<vmem>> -> memref<32xi32, #tpu.memory_space<vmem>>
        %dma_start3A_743 = arith.constant 0 : i32
        %dma_start3A_744 = arith.constant 0 : i32
        %dma_start3A_745 = tpu.memref_slice %arg4[%dma_start3A_743, %dma_start3A_744] : memref<16512x128xf32, #tpu.memory_space<hbm>> -> memref<16512x128xf32, #tpu.memory_space<hbm>>
        tpu.enqueue_indirect_dma source(%dma_start3A_745 : memref<16512x128xf32, #tpu.memory_space<hbm>>) target(%arg16 : memref<32x128xf32, #tpu.memory_space<vmem>>) offsets(%dma_start3A_742 : memref<32xi32, #tpu.memory_space<vmem>>) semaphore(%arg25 : memref<!tpu.dma_semaphore, #tpu.memory_space<semaphore_mem>>)
      } else {
      }
      %dma_wait3A_690 = arith.constant 0 : i32
      %dma_wait3A_691 = tpu.memref_slice %arg15[%dma_wait3A_690] : memref<6144xi32, #tpu.memory_space<vmem>> -> memref<32xi32, #tpu.memory_space<vmem>>
      %dma_wait3A_692 = arith.constant 0 : i32
      %dma_wait3A_693 = arith.constant 0 : i32
      %dma_wait3A_694 = tpu.memref_slice %arg4[%dma_wait3A_692, %dma_wait3A_693] : memref<16512x128xf32, #tpu.memory_space<hbm>> -> memref<16512x128xf32, #tpu.memory_space<hbm>>
      tpu.wait_indirect_dma semaphore(%arg26 : memref<!tpu.dma_semaphore, #tpu.memory_space<semaphore_mem>>) src(%dma_wait3A_694 : memref<16512x128xf32, #tpu.memory_space<hbm>>) dst(%arg17 : memref<32x128xf32, #tpu.memory_space<vmem>>)
      %add3A_695 = arith.constant 1 : i32
      %add3A_696 = arith.addi %mul3A_678, %add3A_695 : i32
      %add3A_697 = arith.constant 1 : i32
      %add3A_698 = arith.addi %mul3A_678, %add3A_697 : i32
      %add3A_699 = arith.constant 4 : i32
      %add3A_700 = arith.addi %add3A_698, %add3A_699 : i32
      %lt3A_701 = arith.cmpi slt, %add3A_700, %min3A_157 : i32
      %convert_element_type3A_702 = arith.extui %lt3A_701 : i1 to i32
      %cond3A_703 = arith.constant 0 : i32
      %cond3A_704 = arith.cmpi ne, %convert_element_type3A_702, %cond3A_703 : i32
      scf.if %cond3A_704 {
        %add3A_736 = arith.constant 1 : i32
        %add3A_737 = arith.addi %mul3A_678, %add3A_736 : i32
        %add3A_738 = arith.constant 4 : i32
        %add3A_739 = arith.addi %add3A_737, %add3A_738 : i32
        %mul3A_740 = arith.constant 32 : i32
        %mul3A_741 = arith.muli %add3A_739, %mul3A_740 : i32
        %dma_start3A_742 = tpu.memref_slice %arg15[%mul3A_741] : memref<6144xi32, #tpu.memory_space<vmem>> -> memref<32xi32, #tpu.memory_space<vmem>>
        %dma_start3A_743 = arith.constant 0 : i32
        %dma_start3A_744 = arith.constant 0 : i32
        %dma_start3A_745 = tpu.memref_slice %arg4[%dma_start3A_743, %dma_start3A_744] : memref<16512x128xf32, #tpu.memory_space<hbm>> -> memref<16512x128xf32, #tpu.memory_space<hbm>>
        tpu.enqueue_indirect_dma source(%dma_start3A_745 : memref<16512x128xf32, #tpu.memory_space<hbm>>) target(%arg17 : memref<32x128xf32, #tpu.memory_space<vmem>>) offsets(%dma_start3A_742 : memref<32xi32, #tpu.memory_space<vmem>>) semaphore(%arg26 : memref<!tpu.dma_semaphore, #tpu.memory_space<semaphore_mem>>)
      } else {
      }
      %dma_wait3A_705 = arith.constant 0 : i32
      %dma_wait3A_706 = tpu.memref_slice %arg15[%dma_wait3A_705] : memref<6144xi32, #tpu.memory_space<vmem>> -> memref<32xi32, #tpu.memory_space<vmem>>
      %dma_wait3A_707 = arith.constant 0 : i32
      %dma_wait3A_708 = arith.constant 0 : i32
      %dma_wait3A_709 = tpu.memref_slice %arg4[%dma_wait3A_707, %dma_wait3A_708] : memref<16512x128xf32, #tpu.memory_space<hbm>> -> memref<16512x128xf32, #tpu.memory_space<hbm>>
      tpu.wait_indirect_dma semaphore(%arg27 : memref<!tpu.dma_semaphore, #tpu.memory_space<semaphore_mem>>) src(%dma_wait3A_709 : memref<16512x128xf32, #tpu.memory_space<hbm>>) dst(%arg18 : memref<32x128xf32, #tpu.memory_space<vmem>>)
      %add3A_710 = arith.constant 2 : i32
      %add3A_711 = arith.addi %mul3A_678, %add3A_710 : i32
      %add3A_712 = arith.constant 2 : i32
      %add3A_713 = arith.addi %mul3A_678, %add3A_712 : i32
      %add3A_714 = arith.constant 4 : i32
      %add3A_715 = arith.addi %add3A_713, %add3A_714 : i32
      %lt3A_716 = arith.cmpi slt, %add3A_715, %min3A_157 : i32
      %convert_element_type3A_717 = arith.extui %lt3A_716 : i1 to i32
      %cond3A_718 = arith.constant 0 : i32
      %cond3A_719 = arith.cmpi ne, %convert_element_type3A_717, %cond3A_718 : i32
      scf.if %cond3A_719 {
        %add3A_736 = arith.constant 2 : i32
        %add3A_737 = arith.addi %mul3A_678, %add3A_736 : i32
        %add3A_738 = arith.constant 4 : i32
        %add3A_739 = arith.addi %add3A_737, %add3A_738 : i32
        %mul3A_740 = arith.constant 32 : i32
        %mul3A_741 = arith.muli %add3A_739, %mul3A_740 : i32
        %dma_start3A_742 = tpu.memref_slice %arg15[%mul3A_741] : memref<6144xi32, #tpu.memory_space<vmem>> -> memref<32xi32, #tpu.memory_space<vmem>>
        %dma_start3A_743 = arith.constant 0 : i32
        %dma_start3A_744 = arith.constant 0 : i32
        %dma_start3A_745 = tpu.memref_slice %arg4[%dma_start3A_743, %dma_start3A_744] : memref<16512x128xf32, #tpu.memory_space<hbm>> -> memref<16512x128xf32, #tpu.memory_space<hbm>>
        tpu.enqueue_indirect_dma source(%dma_start3A_745 : memref<16512x128xf32, #tpu.memory_space<hbm>>) target(%arg18 : memref<32x128xf32, #tpu.memory_space<vmem>>) offsets(%dma_start3A_742 : memref<32xi32, #tpu.memory_space<vmem>>) semaphore(%arg27 : memref<!tpu.dma_semaphore, #tpu.memory_space<semaphore_mem>>)
      } else {
      }
      %dma_wait3A_720 = arith.constant 0 : i32
      %dma_wait3A_721 = tpu.memref_slice %arg15[%dma_wait3A_720] : memref<6144xi32, #tpu.memory_space<vmem>> -> memref<32xi32, #tpu.memory_space<vmem>>
      %dma_wait3A_722 = arith.constant 0 : i32
      %dma_wait3A_723 = arith.constant 0 : i32
      %dma_wait3A_724 = tpu.memref_slice %arg4[%dma_wait3A_722, %dma_wait3A_723] : memref<16512x128xf32, #tpu.memory_space<hbm>> -> memref<16512x128xf32, #tpu.memory_space<hbm>>
      tpu.wait_indirect_dma semaphore(%arg28 : memref<!tpu.dma_semaphore, #tpu.memory_space<semaphore_mem>>) src(%dma_wait3A_724 : memref<16512x128xf32, #tpu.memory_space<hbm>>) dst(%arg19 : memref<32x128xf32, #tpu.memory_space<vmem>>)
      %add3A_725 = arith.constant 3 : i32
      %add3A_726 = arith.addi %mul3A_678, %add3A_725 : i32
      %add3A_727 = arith.constant 3 : i32
      %add3A_728 = arith.addi %mul3A_678, %add3A_727 : i32
      %add3A_729 = arith.constant 4 : i32
      %add3A_730 = arith.addi %add3A_728, %add3A_729 : i32
      %lt3A_731 = arith.cmpi slt, %add3A_730, %min3A_157 : i32
      %convert_element_type3A_732 = arith.extui %lt3A_731 : i1 to i32
      %cond3A_733 = arith.constant 0 : i32
      %cond3A_734 = arith.cmpi ne, %convert_element_type3A_732, %cond3A_733 : i32
      scf.if %cond3A_734 {
        %add3A_736 = arith.constant 3 : i32
        %add3A_737 = arith.addi %mul3A_678, %add3A_736 : i32
        %add3A_738 = arith.constant 4 : i32
        %add3A_739 = arith.addi %add3A_737, %add3A_738 : i32
        %mul3A_740 = arith.constant 32 : i32
        %mul3A_741 = arith.muli %add3A_739, %mul3A_740 : i32
        %dma_start3A_742 = tpu.memref_slice %arg15[%mul3A_741] : memref<6144xi32, #tpu.memory_space<vmem>> -> memref<32xi32, #tpu.memory_space<vmem>>
        %dma_start3A_743 = arith.constant 0 : i32
        %dma_start3A_744 = arith.constant 0 : i32
        %dma_start3A_745 = tpu.memref_slice %arg4[%dma_start3A_743, %dma_start3A_744] : memref<16512x128xf32, #tpu.memory_space<hbm>> -> memref<16512x128xf32, #tpu.memory_space<hbm>>
        tpu.enqueue_indirect_dma source(%dma_start3A_745 : memref<16512x128xf32, #tpu.memory_space<hbm>>) target(%arg19 : memref<32x128xf32, #tpu.memory_space<vmem>>) offsets(%dma_start3A_742 : memref<32xi32, #tpu.memory_space<vmem>>) semaphore(%arg28 : memref<!tpu.dma_semaphore, #tpu.memory_space<semaphore_mem>>)
      } else {
      }
      %while3A_735 = arith.constant 0 : i32
      scf.yield %while3A_735 : i32
    }
    %while3A_212 = arith.constant 1 : i32
    %while3A_213 = scf.for %while3A_675 = %while3A_209 to %while3A_205 step %while3A_212 iter_args(%while3A_676 = %while3A_211) -> (i32)  : i32 {
      %mul3A_677 = arith.constant 4 : i32
      %mul3A_678 = arith.muli %while3A_675, %mul3A_677 : i32
      %dma_wait3A = arith.constant 0 : i32
      %dma_wait3A_679 = tpu.memref_slice %arg15[%dma_wait3A] : memref<6144xi32, #tpu.memory_space<vmem>> -> memref<32xi32, #tpu.memory_space<vmem>>
      %dma_wait3A_680 = arith.constant 0 : i32
      %dma_wait3A_681 = arith.constant 0 : i32
      %dma_wait3A_682 = tpu.memref_slice %arg4[%dma_wait3A_680, %dma_wait3A_681] : memref<16512x128xf32, #tpu.memory_space<hbm>> -> memref<16512x128xf32, #tpu.memory_space<hbm>>
      tpu.wait_indirect_dma semaphore(%arg25 : memref<!tpu.dma_semaphore, #tpu.memory_space<semaphore_mem>>) src(%dma_wait3A_682 : memref<16512x128xf32, #tpu.memory_space<hbm>>) dst(%arg16 : memref<32x128xf32, #tpu.memory_space<vmem>>)
      %add3A_683 = arith.constant 0 : i32
      %add3A_684 = arith.addi %mul3A_678, %add3A_683 : i32
      %add3A_685 = arith.constant 0 : i32
      %add3A_686 = arith.addi %mul3A_678, %add3A_685 : i32
      %add3A_687 = arith.constant 4 : i32
      %add3A_688 = arith.addi %add3A_686, %add3A_687 : i32
      %lt3A = arith.cmpi slt, %add3A_688, %min3A_157 : i32
      %convert_element_type3A = arith.extui %lt3A : i1 to i32
      %cond3A = arith.constant 0 : i32
      %cond3A_689 = arith.cmpi ne, %convert_element_type3A, %cond3A : i32
      scf.if %cond3A_689 {
        %add3A_736 = arith.constant 0 : i32
        %add3A_737 = arith.addi %mul3A_678, %add3A_736 : i32
        %add3A_738 = arith.constant 4 : i32
        %add3A_739 = arith.addi %add3A_737, %add3A_738 : i32
        %mul3A_740 = arith.constant 32 : i32
        %mul3A_741 = arith.muli %add3A_739, %mul3A_740 : i32
        %dma_start3A_742 = tpu.memref_slice %arg15[%mul3A_741] : memref<6144xi32, #tpu.memory_space<vmem>> -> memref<32xi32, #tpu.memory_space<vmem>>
        %dma_start3A_743 = arith.constant 0 : i32
        %dma_start3A_744 = arith.constant 0 : i32
        %dma_start3A_745 = tpu.memref_slice %arg4[%dma_start3A_743, %dma_start3A_744] : memref<16512x128xf32, #tpu.memory_space<hbm>> -> memref<16512x128xf32, #tpu.memory_space<hbm>>
        tpu.enqueue_indirect_dma source(%dma_start3A_745 : memref<16512x128xf32, #tpu.memory_space<hbm>>) target(%arg16 : memref<32x128xf32, #tpu.memory_space<vmem>>) offsets(%dma_start3A_742 : memref<32xi32, #tpu.memory_space<vmem>>) semaphore(%arg25 : memref<!tpu.dma_semaphore, #tpu.memory_space<semaphore_mem>>)
      } else {
      }
      %dma_wait3A_690 = arith.constant 0 : i32
      %dma_wait3A_691 = tpu.memref_slice %arg15[%dma_wait3A_690] : memref<6144xi32, #tpu.memory_space<vmem>> -> memref<32xi32, #tpu.memory_space<vmem>>
      %dma_wait3A_692 = arith.constant 0 : i32
      %dma_wait3A_693 = arith.constant 0 : i32
      %dma_wait3A_694 = tpu.memref_slice %arg4[%dma_wait3A_692, %dma_wait3A_693] : memref<16512x128xf32, #tpu.memory_space<hbm>> -> memref<16512x128xf32, #tpu.memory_space<hbm>>
      tpu.wait_indirect_dma semaphore(%arg26 : memref<!tpu.dma_semaphore, #tpu.memory_space<semaphore_mem>>) src(%dma_wait3A_694 : memref<16512x128xf32, #tpu.memory_space<hbm>>) dst(%arg17 : memref<32x128xf32, #tpu.memory_space<vmem>>)
      %add3A_695 = arith.constant 1 : i32
      %add3A_696 = arith.addi %mul3A_678, %add3A_695 : i32
      %add3A_697 = arith.constant 1 : i32
      %add3A_698 = arith.addi %mul3A_678, %add3A_697 : i32
      %add3A_699 = arith.constant 4 : i32
      %add3A_700 = arith.addi %add3A_698, %add3A_699 : i32
      %lt3A_701 = arith.cmpi slt, %add3A_700, %min3A_157 : i32
      %convert_element_type3A_702 = arith.extui %lt3A_701 : i1 to i32
      %cond3A_703 = arith.constant 0 : i32
      %cond3A_704 = arith.cmpi ne, %convert_element_type3A_702, %cond3A_703 : i32
      scf.if %cond3A_704 {
        %add3A_736 = arith.constant 1 : i32
        %add3A_737 = arith.addi %mul3A_678, %add3A_736 : i32
        %add3A_738 = arith.constant 4 : i32
        %add3A_739 = arith.addi %add3A_737, %add3A_738 : i32
        %mul3A_740 = arith.constant 32 : i32
        %mul3A_741 = arith.muli %add3A_739, %mul3A_740 : i32
        %dma_start3A_742 = tpu.memref_slice %arg15[%mul3A_741] : memref<6144xi32, #tpu.memory_space<vmem>> -> memref<32xi32, #tpu.memory_space<vmem>>
        %dma_start3A_743 = arith.constant 0 : i32
        %dma_start3A_744 = arith.constant 0 : i32
        %dma_start3A_745 = tpu.memref_slice %arg4[%dma_start3A_743, %dma_start3A_744] : memref<16512x128xf32, #tpu.memory_space<hbm>> -> memref<16512x128xf32, #tpu.memory_space<hbm>>
        tpu.enqueue_indirect_dma source(%dma_start3A_745 : memref<16512x128xf32, #tpu.memory_space<hbm>>) target(%arg17 : memref<32x128xf32, #tpu.memory_space<vmem>>) offsets(%dma_start3A_742 : memref<32xi32, #tpu.memory_space<vmem>>) semaphore(%arg26 : memref<!tpu.dma_semaphore, #tpu.memory_space<semaphore_mem>>)
      } else {
      }
      %dma_wait3A_705 = arith.constant 0 : i32
      %dma_wait3A_706 = tpu.memref_slice %arg15[%dma_wait3A_705] : memref<6144xi32, #tpu.memory_space<vmem>> -> memref<32xi32, #tpu.memory_space<vmem>>
      %dma_wait3A_707 = arith.constant 0 : i32
      %dma_wait3A_708 = arith.constant 0 : i32
      %dma_wait3A_709 = tpu.memref_slice %arg4[%dma_wait3A_707, %dma_wait3A_708] : memref<16512x128xf32, #tpu.memory_space<hbm>> -> memref<16512x128xf32, #tpu.memory_space<hbm>>
      tpu.wait_indirect_dma semaphore(%arg27 : memref<!tpu.dma_semaphore, #tpu.memory_space<semaphore_mem>>) src(%dma_wait3A_709 : memref<16512x128xf32, #tpu.memory_space<hbm>>) dst(%arg18 : memref<32x128xf32, #tpu.memory_space<vmem>>)
      %add3A_710 = arith.constant 2 : i32
      %add3A_711 = arith.addi %mul3A_678, %add3A_710 : i32
      %add3A_712 = arith.constant 2 : i32
      %add3A_713 = arith.addi %mul3A_678, %add3A_712 : i32
      %add3A_714 = arith.constant 4 : i32
      %add3A_715 = arith.addi %add3A_713, %add3A_714 : i32
      %lt3A_716 = arith.cmpi slt, %add3A_715, %min3A_157 : i32
      %convert_element_type3A_717 = arith.extui %lt3A_716 : i1 to i32
      %cond3A_718 = arith.constant 0 : i32
      %cond3A_719 = arith.cmpi ne, %convert_element_type3A_717, %cond3A_718 : i32
      scf.if %cond3A_719 {
        %add3A_736 = arith.constant 2 : i32
        %add3A_737 = arith.addi %mul3A_678, %add3A_736 : i32
        %add3A_738 = arith.constant 4 : i32
        %add3A_739 = arith.addi %add3A_737, %add3A_738 : i32
        %mul3A_740 = arith.constant 32 : i32
        %mul3A_741 = arith.muli %add3A_739, %mul3A_740 : i32
        %dma_start3A_742 = tpu.memref_slice %arg15[%mul3A_741] : memref<6144xi32, #tpu.memory_space<vmem>> -> memref<32xi32, #tpu.memory_space<vmem>>
        %dma_start3A_743 = arith.constant 0 : i32
        %dma_start3A_744 = arith.constant 0 : i32
        %dma_start3A_745 = tpu.memref_slice %arg4[%dma_start3A_743, %dma_start3A_744] : memref<16512x128xf32, #tpu.memory_space<hbm>> -> memref<16512x128xf32, #tpu.memory_space<hbm>>
        tpu.enqueue_indirect_dma source(%dma_start3A_745 : memref<16512x128xf32, #tpu.memory_space<hbm>>) target(%arg18 : memref<32x128xf32, #tpu.memory_space<vmem>>) offsets(%dma_start3A_742 : memref<32xi32, #tpu.memory_space<vmem>>) semaphore(%arg27 : memref<!tpu.dma_semaphore, #tpu.memory_space<semaphore_mem>>)
      } else {
      }
      %dma_wait3A_720 = arith.constant 0 : i32
      %dma_wait3A_721 = tpu.memref_slice %arg15[%dma_wait3A_720] : memref<6144xi32, #tpu.memory_space<vmem>> -> memref<32xi32, #tpu.memory_space<vmem>>
      %dma_wait3A_722 = arith.constant 0 : i32
      %dma_wait3A_723 = arith.constant 0 : i32
      %dma_wait3A_724 = tpu.memref_slice %arg4[%dma_wait3A_722, %dma_wait3A_723] : memref<16512x128xf32, #tpu.memory_space<hbm>> -> memref<16512x128xf32, #tpu.memory_space<hbm>>
      tpu.wait_indirect_dma semaphore(%arg28 : memref<!tpu.dma_semaphore, #tpu.memory_space<semaphore_mem>>) src(%dma_wait3A_724 : memref<16512x128xf32, #tpu.memory_space<hbm>>) dst(%arg19 : memref<32x128xf32, #tpu.memory_space<vmem>>)
      %add3A_725 = arith.constant 3 : i32
      %add3A_726 = arith.addi %mul3A_678, %add3A_725 : i32
      %add3A_727 = arith.constant 3 : i32
      %add3A_728 = arith.addi %mul3A_678, %add3A_727 : i32
      %add3A_729 = arith.constant 4 : i32
      %add3A_730 = arith.addi %add3A_728, %add3A_729 : i32
      %lt3A_731 = arith.cmpi slt, %add3A_730, %min3A_157 : i32
      %convert_element_type3A_732 = arith.extui %lt3A_731 : i1 to i32
      %cond3A_733 = arith.constant 0 : i32
      %cond3A_734 = arith.cmpi ne, %convert_element_type3A_732, %cond3A_733 : i32
      scf.if %cond3A_734 {
        %add3A_736 = arith.constant 3 : i32
        %add3A_737 = arith.addi %mul3A_678, %add3A_736 : i32
        %add3A_738 = arith.constant 4 : i32
        %add3A_739 = arith.addi %add3A_737, %add3A_738 : i32
        %mul3A_740 = arith.constant 32 : i32
        %mul3A_741 = arith.muli %add3A_739, %mul3A_740 : i32
        %dma_start3A_742 = tpu.memref_slice %arg15[%mul3A_741] : memref<6144xi32, #tpu.memory_space<vmem>> -> memref<32xi32, #tpu.memory_space<vmem>>
        %dma_start3A_743 = arith.constant 0 : i32
        %dma_start3A_744 = arith.constant 0 : i32
        %dma_start3A_745 = tpu.memref_slice %arg4[%dma_start3A_743, %dma_start3A_744] : memref<16512x128xf32, #tpu.memory_space<hbm>> -> memref<16512x128xf32, #tpu.memory_space<hbm>>
        tpu.enqueue_indirect_dma source(%dma_start3A_745 : memref<16512x128xf32, #tpu.memory_space<hbm>>) target(%arg19 : memref<32x128xf32, #tpu.memory_space<vmem>>) offsets(%dma_start3A_742 : memref<32xi32, #tpu.memory_space<vmem>>) semaphore(%arg28 : memref<!tpu.dma_semaphore, #tpu.memory_space<semaphore_mem>>)
      } else {
      }
      %while3A_735 = arith.constant 0 : i32
      scf.yield %while3A_735 : i32
    }
    %add3A_214 = arith.constant 0 : i32
    %add3A_215 = arith.addi %mul3A_2, %add3A_214 : i32
    "tpu.region"() ({
      %run_scoped3A = tpu.sem_alloc : memref<!tpu.dma_semaphore, #tpu.memory_space<semaphore_mem>>
      %dma_start3A_675 = arith.constant 0 : i32
      %dma_start3A_676 = arith.constant 0 : i32
      %dma_start3A_677 = tpu.memref_slice %arg20[%dma_start3A_675, %dma_start3A_676] : memref<81x128xf32, #tpu.memory_space<vmem>> -> memref<80x128xf32, #tpu.memory_space<vmem>>
      %dma_start3A_678 = arith.constant 0 : i32
      %dma_start3A_679 = tpu.memref_slice %arg5[%add3A_215, %dma_start3A_678] : memref<10240x128xf32, #tpu.memory_space<hbm>> -> memref<80x128xf32, #tpu.memory_space<hbm>>
      %dma_start3A_680 = arith.constant 0 : i32
      %dma_start3A_681 = tpu.memref_slice %arg5[%add3A_215, %dma_start3A_680] : memref<10240x128xf32, #tpu.memory_space<hbm>> -> memref<80x128xf32, #tpu.memory_space<hbm>>
      %dma_start3A_682 = arith.constant 0 : i32
      %dma_start3A_683 = arith.constant 0 : i32
      %dma_start3A_684 = tpu.memref_slice %arg20[%dma_start3A_682, %dma_start3A_683] : memref<81x128xf32, #tpu.memory_space<vmem>> -> memref<80x128xf32, #tpu.memory_space<vmem>>
      tpu.enqueue_dma source(%dma_start3A_684 : memref<80x128xf32, #tpu.memory_space<vmem>>) target(%dma_start3A_681 : memref<80x128xf32, #tpu.memory_space<hbm>>) target_semaphore(%run_scoped3A : memref<!tpu.dma_semaphore, #tpu.memory_space<semaphore_mem>>)
      %dma_wait3A = arith.constant 0 : i32
      %dma_wait3A_685 = arith.constant 0 : i32
      %dma_wait3A_686 = tpu.memref_slice %arg20[%dma_wait3A, %dma_wait3A_685] : memref<81x128xf32, #tpu.memory_space<vmem>> -> memref<80x128xf32, #tpu.memory_space<vmem>>
      %dma_wait3A_687 = arith.constant 0 : i32
      %dma_wait3A_688 = tpu.memref_slice %arg5[%add3A_215, %dma_wait3A_687] : memref<10240x128xf32, #tpu.memory_space<hbm>> -> memref<80x128xf32, #tpu.memory_space<hbm>>
      %dma_wait3A_689 = arith.constant 0 : i32
      %dma_wait3A_690 = tpu.memref_slice %arg5[%add3A_215, %dma_wait3A_689] : memref<10240x128xf32, #tpu.memory_space<hbm>> -> memref<80x128xf32, #tpu.memory_space<hbm>>
      %dma_wait3A_691 = arith.constant 0 : i32
      %dma_wait3A_692 = arith.constant 0 : i32
      %dma_wait3A_693 = tpu.memref_slice %arg20[%dma_wait3A_691, %dma_wait3A_692] : memref<81x128xf32, #tpu.memory_space<vmem>> -> memref<80x128xf32, #tpu.memory_space<vmem>>
      tpu.wait_dma2 semaphore(%run_scoped3A : memref<!tpu.dma_semaphore, #tpu.memory_space<semaphore_mem>>) src(%dma_wait3A_693 : memref<80x128xf32, #tpu.memory_space<vmem>>) dst(%dma_wait3A_690 : memref<80x128xf32, #tpu.memory_space<hbm>>)
      tpu.yield
    }) : () -> ()
    "tpu.region"() ({
      %run_scoped3A = tpu.sem_alloc : memref<!tpu.dma_semaphore, #tpu.memory_space<semaphore_mem>>
      %dma_start3A_675 = arith.constant 0 : i32
      %dma_start3A_676 = arith.constant 0 : i32
      %dma_start3A_677 = tpu.memref_slice %arg21[%dma_start3A_675, %dma_start3A_676] : memref<81x128xf32, #tpu.memory_space<vmem>> -> memref<80x128xf32, #tpu.memory_space<vmem>>
      %dma_start3A_678 = arith.constant 0 : i32
      %dma_start3A_679 = tpu.memref_slice %arg6[%add3A_215, %dma_start3A_678] : memref<10240x128xf32, #tpu.memory_space<hbm>> -> memref<80x128xf32, #tpu.memory_space<hbm>>
      %dma_start3A_680 = arith.constant 0 : i32
      %dma_start3A_681 = tpu.memref_slice %arg6[%add3A_215, %dma_start3A_680] : memref<10240x128xf32, #tpu.memory_space<hbm>> -> memref<80x128xf32, #tpu.memory_space<hbm>>
      %dma_start3A_682 = arith.constant 0 : i32
      %dma_start3A_683 = arith.constant 0 : i32
      %dma_start3A_684 = tpu.memref_slice %arg21[%dma_start3A_682, %dma_start3A_683] : memref<81x128xf32, #tpu.memory_space<vmem>> -> memref<80x128xf32, #tpu.memory_space<vmem>>
      tpu.enqueue_dma source(%dma_start3A_684 : memref<80x128xf32, #tpu.memory_space<vmem>>) target(%dma_start3A_681 : memref<80x128xf32, #tpu.memory_space<hbm>>) target_semaphore(%run_scoped3A : memref<!tpu.dma_semaphore, #tpu.memory_space<semaphore_mem>>)
      %dma_wait3A = arith.constant 0 : i32
      %dma_wait3A_685 = arith.constant 0 : i32
      %dma_wait3A_686 = tpu.memref_slice %arg21[%dma_wait3A, %dma_wait3A_685] : memref<81x128xf32, #tpu.memory_space<vmem>> -> memref<80x128xf32, #tpu.memory_space<vmem>>
      %dma_wait3A_687 = arith.constant 0 : i32
      %dma_wait3A_688 = tpu.memref_slice %arg6[%add3A_215, %dma_wait3A_687] : memref<10240x128xf32, #tpu.memory_space<hbm>> -> memref<80x128xf32, #tpu.memory_space<hbm>>
      %dma_wait3A_689 = arith.constant 0 : i32
      %dma_wait3A_690 = tpu.memref_slice %arg6[%add3A_215, %dma_wait3A_689] : memref<10240x128xf32, #tpu.memory_space<hbm>> -> memref<80x128xf32, #tpu.memory_space<hbm>>
      %dma_wait3A_691 = arith.constant 0 : i32
      %dma_wait3A_692 = arith.constant 0 : i32
      %dma_wait3A_693 = tpu.memref_slice %arg21[%dma_wait3A_691, %dma_wait3A_692] : memref<81x128xf32, #tpu.memory_space<vmem>> -> memref<80x128xf32, #tpu.memory_space<vmem>>
      tpu.wait_dma2 semaphore(%run_scoped3A : memref<!tpu.dma_semaphore, #tpu.memory_space<semaphore_mem>>) src(%dma_wait3A_693 : memref<80x128xf32, #tpu.memory_space<vmem>>) dst(%dma_wait3A_690 : memref<80x128xf32, #tpu.memory_space<hbm>>)
      tpu.yield
    }) : () -> ()
    "tpu.region"() ({
      %run_scoped3A = tpu.sem_alloc : memref<!tpu.dma_semaphore, #tpu.memory_space<semaphore_mem>>
      %dma_start3A_675 = arith.constant 0 : i32
      %dma_start3A_676 = arith.constant 0 : i32
      %dma_start3A_677 = tpu.memref_slice %arg22[%dma_start3A_675, %dma_start3A_676] : memref<81x128xf32, #tpu.memory_space<vmem>> -> memref<80x128xf32, #tpu.memory_space<vmem>>
      %dma_start3A_678 = arith.constant 0 : i32
      %dma_start3A_679 = tpu.memref_slice %arg7[%add3A_215, %dma_start3A_678] : memref<10240x128xf32, #tpu.memory_space<hbm>> -> memref<80x128xf32, #tpu.memory_space<hbm>>
      %dma_start3A_680 = arith.constant 0 : i32
      %dma_start3A_681 = tpu.memref_slice %arg7[%add3A_215, %dma_start3A_680] : memref<10240x128xf32, #tpu.memory_space<hbm>> -> memref<80x128xf32, #tpu.memory_space<hbm>>
      %dma_start3A_682 = arith.constant 0 : i32
      %dma_start3A_683 = arith.constant 0 : i32
      %dma_start3A_684 = tpu.memref_slice %arg22[%dma_start3A_682, %dma_start3A_683] : memref<81x128xf32, #tpu.memory_space<vmem>> -> memref<80x128xf32, #tpu.memory_space<vmem>>
      tpu.enqueue_dma source(%dma_start3A_684 : memref<80x128xf32, #tpu.memory_space<vmem>>) target(%dma_start3A_681 : memref<80x128xf32, #tpu.memory_space<hbm>>) target_semaphore(%run_scoped3A : memref<!tpu.dma_semaphore, #tpu.memory_space<semaphore_mem>>)
      %dma_wait3A = arith.constant 0 : i32
      %dma_wait3A_685 = arith.constant 0 : i32
      %dma_wait3A_686 = tpu.memref_slice %arg22[%dma_wait3A, %dma_wait3A_685] : memref<81x128xf32, #tpu.memory_space<vmem>> -> memref<80x128xf32, #tpu.memory_space<vmem>>
      %dma_wait3A_687 = arith.constant 0 : i32
      %dma_wait3A_688 = tpu.memref_slice %arg7[%add3A_215, %dma_wait3A_687] : memref<10240x128xf32, #tpu.memory_space<hbm>> -> memref<80x128xf32, #tpu.memory_space<hbm>>
      %dma_wait3A_689 = arith.constant 0 : i32
      %dma_wait3A_690 = tpu.memref_slice %arg7[%add3A_215, %dma_wait3A_689] : memref<10240x128xf32, #tpu.memory_space<hbm>> -> memref<80x128xf32, #tpu.memory_space<hbm>>
      %dma_wait3A_691 = arith.constant 0 : i32
      %dma_wait3A_692 = arith.constant 0 : i32
      %dma_wait3A_693 = tpu.memref_slice %arg22[%dma_wait3A_691, %dma_wait3A_692] : memref<81x128xf32, #tpu.memory_space<vmem>> -> memref<80x128xf32, #tpu.memory_space<vmem>>
      tpu.wait_dma2 semaphore(%run_scoped3A : memref<!tpu.dma_semaphore, #tpu.memory_space<semaphore_mem>>) src(%dma_wait3A_693 : memref<80x128xf32, #tpu.memory_space<vmem>>) dst(%dma_wait3A_690 : memref<80x128xf32, #tpu.memory_space<hbm>>)
      tpu.yield
    }) : () -> ()
    %scan3A_216 = arith.constant 0 : i32
    %scan3A_217 = arith.constant 0 : i32
    %scan3A_218 = arith.constant 384 : i32
    %scan3A_219 = arith.addi %scan3A_217, %scan3A_218 : i32
    %scan3A_220 = arith.constant 1 : i32
    %scan3A_221 = scf.for %scan3A_675 = %scan3A_217 to %scan3A_219 step %scan3A_220 iter_args(%scan3A_676 = %scan3A_216) -> (i32)  : i32 {
      %mul3A_677 = arith.constant 16 : i32
      %mul3A_678 = arith.muli %scan3A_675, %mul3A_677 : i32
      %broadcast_in_dim3A_679 = arith.constant 80 : i32
      %broadcast_in_dim3A_680 = vector.broadcast %broadcast_in_dim3A_679 : i32 to vector<16xi32>
      %swap3A = arith.index_cast %mul3A_678 : i32 to index
      %swap3A_681 = tpu.vector_load %arg14[%swap3A] {strides = array<i32>} : memref<6144xi32, #tpu.memory_space<vmem>>, vector<16xi32>,
      tpu.vector_store %arg14[%swap3A], %broadcast_in_dim3A_680 {strides = array<i32>} : memref<6144xi32, #tpu.memory_space<vmem>>, vector<16xi32>,
      %mul3A_682 = arith.constant 16 : i32
      %mul3A_683 = arith.muli %scan3A_675, %mul3A_682 : i32
      %broadcast_in_dim3A_684 = vector.broadcast %mul3A_683 : i32 to vector<16xi32>
      %add3A_685 = arith.addi %broadcast_in_dim3A_684, %iota3A : vector<16xi32>
      %swap3A_686 = arith.index_cast %mul3A_678 : i32 to index
      %swap3A_687 = tpu.vector_load %arg15[%swap3A_686] {strides = array<i32>} : memref<6144xi32, #tpu.memory_space<vmem>>, vector<16xi32>,
      tpu.vector_store %arg15[%swap3A_686], %add3A_685 {strides = array<i32>} : memref<6144xi32, #tpu.memory_space<vmem>>, vector<16xi32>,
      %scan3A_688 = arith.constant 0 : i32
      scf.yield %scan3A_688 : i32
    }
    %scan3A_222 = arith.constant 384 : i32
    %scan3A_223 = arith.constant 0 : i32
    %scan3A_224 = arith.constant 0 : i32
    %scan3A_225 = arith.constant 81 : i32
    %scan3A_226 = arith.addi %scan3A_224, %scan3A_225 : i32
    %scan3A_227 = arith.constant 1 : i32
    %scan3A_228 = scf.for %scan3A_675 = %scan3A_224 to %scan3A_226 step %scan3A_227 iter_args(%scan3A_676 = %scan3A_223) -> (i32)  : i32 {
      %broadcast_in_dim3A_677 = arith.constant 0.000000e+00 : f32
      %broadcast_in_dim3A_678 = vector.broadcast %broadcast_in_dim3A_677 : f32 to vector<16xf32>
      %swap3A = arith.index_cast %scan3A_675 : i32 to index
      %swap3A_679 = arith.constant 0 : index
      %swap3A_680 = tpu.vector_load %arg20[%swap3A, %swap3A_679] {strides = array<i32>} : memref<81x128xf32, #tpu.memory_space<vmem>>, vector<16xf32>,
      tpu.vector_store %arg20[%swap3A, %swap3A_679], %broadcast_in_dim3A_678 {strides = array<i32>} : memref<81x128xf32, #tpu.memory_space<vmem>>, vector<16xf32>,
      %broadcast_in_dim3A_681 = arith.constant 0xFF800000 : f32
      %broadcast_in_dim3A_682 = vector.broadcast %broadcast_in_dim3A_681 : f32 to vector<16xf32>
      %swap3A_683 = arith.index_cast %scan3A_675 : i32 to index
      %swap3A_684 = arith.constant 0 : index
      %swap3A_685 = tpu.vector_load %arg21[%swap3A_683, %swap3A_684] {strides = array<i32>} : memref<81x128xf32, #tpu.memory_space<vmem>>, vector<16xf32>,
      tpu.vector_store %arg21[%swap3A_683, %swap3A_684], %broadcast_in_dim3A_682 {strides = array<i32>} : memref<81x128xf32, #tpu.memory_space<vmem>>, vector<16xf32>,
      %broadcast_in_dim3A_686 = arith.constant 0x7F800000 : f32
      %broadcast_in_dim3A_687 = vector.broadcast %broadcast_in_dim3A_686 : f32 to vector<16xf32>
      %swap3A_688 = arith.index_cast %scan3A_675 : i32 to index
      %swap3A_689 = arith.constant 0 : index
      %swap3A_690 = tpu.vector_load %arg22[%swap3A_688, %swap3A_689] {strides = array<i32>} : memref<81x128xf32, #tpu.memory_space<vmem>>, vector<16xf32>,
      tpu.vector_store %arg22[%swap3A_688, %swap3A_689], %broadcast_in_dim3A_687 {strides = array<i32>} : memref<81x128xf32, #tpu.memory_space<vmem>>, vector<16xf32>,
      %broadcast_in_dim3A_691 = arith.constant 0.000000e+00 : f32
      %broadcast_in_dim3A_692 = vector.broadcast %broadcast_in_dim3A_691 : f32 to vector<16xf32>
      %swap3A_693 = arith.index_cast %scan3A_675 : i32 to index
      %swap3A_694 = arith.constant 16 : index
      %swap3A_695 = tpu.vector_load %arg20[%swap3A_693, %swap3A_694] {strides = array<i32>} : memref<81x128xf32, #tpu.memory_space<vmem>>, vector<16xf32>,
      tpu.vector_store %arg20[%swap3A_693, %swap3A_694], %broadcast_in_dim3A_692 {strides = array<i32>} : memref<81x128xf32, #tpu.memory_space<vmem>>, vector<16xf32>,
      %broadcast_in_dim3A_696 = arith.constant 0xFF800000 : f32
      %broadcast_in_dim3A_697 = vector.broadcast %broadcast_in_dim3A_696 : f32 to vector<16xf32>
      %swap3A_698 = arith.index_cast %scan3A_675 : i32 to index
      %swap3A_699 = arith.constant 16 : index
      %swap3A_700 = tpu.vector_load %arg21[%swap3A_698, %swap3A_699] {strides = array<i32>} : memref<81x128xf32, #tpu.memory_space<vmem>>, vector<16xf32>,
      tpu.vector_store %arg21[%swap3A_698, %swap3A_699], %broadcast_in_dim3A_697 {strides = array<i32>} : memref<81x128xf32, #tpu.memory_space<vmem>>, vector<16xf32>,
      %broadcast_in_dim3A_701 = arith.constant 0x7F800000 : f32
      %broadcast_in_dim3A_702 = vector.broadcast %broadcast_in_dim3A_701 : f32 to vector<16xf32>
      %swap3A_703 = arith.index_cast %scan3A_675 : i32 to index
      %swap3A_704 = arith.constant 16 : index
      %swap3A_705 = tpu.vector_load %arg22[%swap3A_703, %swap3A_704] {strides = array<i32>} : memref<81x128xf32, #tpu.memory_space<vmem>>, vector<16xf32>,
      tpu.vector_store %arg22[%swap3A_703, %swap3A_704], %broadcast_in_dim3A_702 {strides = array<i32>} : memref<81x128xf32, #tpu.memory_space<vmem>>, vector<16xf32>,
      %broadcast_in_dim3A_706 = arith.constant 0.000000e+00 : f32
      %broadcast_in_dim3A_707 = vector.broadcast %broadcast_in_dim3A_706 : f32 to vector<16xf32>
      %swap3A_708 = arith.index_cast %scan3A_675 : i32 to index
      %swap3A_709 = arith.constant 32 : index
      %swap3A_710 = tpu.vector_load %arg20[%swap3A_708, %swap3A_709] {strides = array<i32>} : memref<81x128xf32, #tpu.memory_space<vmem>>, vector<16xf32>,
      tpu.vector_store %arg20[%swap3A_708, %swap3A_709], %broadcast_in_dim3A_707 {strides = array<i32>} : memref<81x128xf32, #tpu.memory_space<vmem>>, vector<16xf32>,
      %broadcast_in_dim3A_711 = arith.constant 0xFF800000 : f32
      %broadcast_in_dim3A_712 = vector.broadcast %broadcast_in_dim3A_711 : f32 to vector<16xf32>
      %swap3A_713 = arith.index_cast %scan3A_675 : i32 to index
      %swap3A_714 = arith.constant 32 : index
      %swap3A_715 = tpu.vector_load %arg21[%swap3A_713, %swap3A_714] {strides = array<i32>} : memref<81x128xf32, #tpu.memory_space<vmem>>, vector<16xf32>,
      tpu.vector_store %arg21[%swap3A_713, %swap3A_714], %broadcast_in_dim3A_712 {strides = array<i32>} : memref<81x128xf32, #tpu.memory_space<vmem>>, vector<16xf32>,
      %broadcast_in_dim3A_716 = arith.constant 0x7F800000 : f32
      %broadcast_in_dim3A_717 = vector.broadcast %broadcast_in_dim3A_716 : f32 to vector<16xf32>
      %swap3A_718 = arith.index_cast %scan3A_675 : i32 to index
      %swap3A_719 = arith.constant 32 : index
      %swap3A_720 = tpu.vector_load %arg22[%swap3A_718, %swap3A_719] {strides = array<i32>} : memref<81x128xf32, #tpu.memory_space<vmem>>, vector<16xf32>,
      tpu.vector_store %arg22[%swap3A_718, %swap3A_719], %broadcast_in_dim3A_717 {strides = array<i32>} : memref<81x128xf32, #tpu.memory_space<vmem>>, vector<16xf32>,
      %broadcast_in_dim3A_721 = arith.constant 0.000000e+00 : f32
      %broadcast_in_dim3A_722 = vector.broadcast %broadcast_in_dim3A_721 : f32 to vector<16xf32>
      %swap3A_723 = arith.index_cast %scan3A_675 : i32 to index
      %swap3A_724 = arith.constant 48 : index
      %swap3A_725 = tpu.vector_load %arg20[%swap3A_723, %swap3A_724] {strides = array<i32>} : memref<81x128xf32, #tpu.memory_space<vmem>>, vector<16xf32>,
      tpu.vector_store %arg20[%swap3A_723, %swap3A_724], %broadcast_in_dim3A_722 {strides = array<i32>} : memref<81x128xf32, #tpu.memory_space<vmem>>, vector<16xf32>,
      %broadcast_in_dim3A_726 = arith.constant 0xFF800000 : f32
      %broadcast_in_dim3A_727 = vector.broadcast %broadcast_in_dim3A_726 : f32 to vector<16xf32>
      %swap3A_728 = arith.index_cast %scan3A_675 : i32 to index
      %swap3A_729 = arith.constant 48 : index
      %swap3A_730 = tpu.vector_load %arg21[%swap3A_728, %swap3A_729] {strides = array<i32>} : memref<81x128xf32, #tpu.memory_space<vmem>>, vector<16xf32>,
      tpu.vector_store %arg21[%swap3A_728, %swap3A_729], %broadcast_in_dim3A_727 {strides = array<i32>} : memref<81x128xf32, #tpu.memory_space<vmem>>, vector<16xf32>,
      %broadcast_in_dim3A_731 = arith.constant 0x7F800000 : f32
      %broadcast_in_dim3A_732 = vector.broadcast %broadcast_in_dim3A_731 : f32 to vector<16xf32>
      %swap3A_733 = arith.index_cast %scan3A_675 : i32 to index
      %swap3A_734 = arith.constant 48 : index
      %swap3A_735 = tpu.vector_load %arg22[%swap3A_733, %swap3A_734] {strides = array<i32>} : memref<81x128xf32, #tpu.memory_space<vmem>>, vector<16xf32>,
      tpu.vector_store %arg22[%swap3A_733, %swap3A_734], %broadcast_in_dim3A_732 {strides = array<i32>} : memref<81x128xf32, #tpu.memory_space<vmem>>, vector<16xf32>,
      %broadcast_in_dim3A_736 = arith.constant 0.000000e+00 : f32
      %broadcast_in_dim3A_737 = vector.broadcast %broadcast_in_dim3A_736 : f32 to vector<16xf32>
      %swap3A_738 = arith.index_cast %scan3A_675 : i32 to index
      %swap3A_739 = arith.constant 64 : index
      %swap3A_740 = tpu.vector_load %arg20[%swap3A_738, %swap3A_739] {strides = array<i32>} : memref<81x128xf32, #tpu.memory_space<vmem>>, vector<16xf32>,
      tpu.vector_store %arg20[%swap3A_738, %swap3A_739], %broadcast_in_dim3A_737 {strides = array<i32>} : memref<81x128xf32, #tpu.memory_space<vmem>>, vector<16xf32>,
      %broadcast_in_dim3A_741 = arith.constant 0xFF800000 : f32
      %broadcast_in_dim3A_742 = vector.broadcast %broadcast_in_dim3A_741 : f32 to vector<16xf32>
      %swap3A_743 = arith.index_cast %scan3A_675 : i32 to index
      %swap3A_744 = arith.constant 64 : index
      %swap3A_745 = tpu.vector_load %arg21[%swap3A_743, %swap3A_744] {strides = array<i32>} : memref<81x128xf32, #tpu.memory_space<vmem>>, vector<16xf32>,
      tpu.vector_store %arg21[%swap3A_743, %swap3A_744], %broadcast_in_dim3A_742 {strides = array<i32>} : memref<81x128xf32, #tpu.memory_space<vmem>>, vector<16xf32>,
      %broadcast_in_dim3A_746 = arith.constant 0x7F800000 : f32
      %broadcast_in_dim3A_747 = vector.broadcast %broadcast_in_dim3A_746 : f32 to vector<16xf32>
      %swap3A_748 = arith.index_cast %scan3A_675 : i32 to index
      %swap3A_749 = arith.constant 64 : index
      %swap3A_750 = tpu.vector_load %arg22[%swap3A_748, %swap3A_749] {strides = array<i32>} : memref<81x128xf32, #tpu.memory_space<vmem>>, vector<16xf32>,
      tpu.vector_store %arg22[%swap3A_748, %swap3A_749], %broadcast_in_dim3A_747 {strides = array<i32>} : memref<81x128xf32, #tpu.memory_space<vmem>>, vector<16xf32>,
      %broadcast_in_dim3A_751 = arith.constant 0.000000e+00 : f32
      %broadcast_in_dim3A_752 = vector.broadcast %broadcast_in_dim3A_751 : f32 to vector<16xf32>
      %swap3A_753 = arith.index_cast %scan3A_675 : i32 to index
      %swap3A_754 = arith.constant 80 : index
      %swap3A_755 = tpu.vector_load %arg20[%swap3A_753, %swap3A_754] {strides = array<i32>} : memref<81x128xf32, #tpu.memory_space<vmem>>, vector<16xf32>,
      tpu.vector_store %arg20[%swap3A_753, %swap3A_754], %broadcast_in_dim3A_752 {strides = array<i32>} : memref<81x128xf32, #tpu.memory_space<vmem>>, vector<16xf32>,
      %broadcast_in_dim3A_756 = arith.constant 0xFF800000 : f32
      %broadcast_in_dim3A_757 = vector.broadcast %broadcast_in_dim3A_756 : f32 to vector<16xf32>
      %swap3A_758 = arith.index_cast %scan3A_675 : i32 to index
      %swap3A_759 = arith.constant 80 : index
      %swap3A_760 = tpu.vector_load %arg21[%swap3A_758, %swap3A_759] {strides = array<i32>} : memref<81x128xf32, #tpu.memory_space<vmem>>, vector<16xf32>,
      tpu.vector_store %arg21[%swap3A_758, %swap3A_759], %broadcast_in_dim3A_757 {strides = array<i32>} : memref<81x128xf32, #tpu.memory_space<vmem>>, vector<16xf32>,
      %broadcast_in_dim3A_761 = arith.constant 0x7F800000 : f32
      %broadcast_in_dim3A_762 = vector.broadcast %broadcast_in_dim3A_761 : f32 to vector<16xf32>
      %swap3A_763 = arith.index_cast %scan3A_675 : i32 to index
      %swap3A_764 = arith.constant 80 : index
      %swap3A_765 = tpu.vector_load %arg22[%swap3A_763, %swap3A_764] {strides = array<i32>} : memref<81x128xf32, #tpu.memory_space<vmem>>, vector<16xf32>,
      tpu.vector_store %arg22[%swap3A_763, %swap3A_764], %broadcast_in_dim3A_762 {strides = array<i32>} : memref<81x128xf32, #tpu.memory_space<vmem>>, vector<16xf32>,
      %broadcast_in_dim3A_766 = arith.constant 0.000000e+00 : f32
      %broadcast_in_dim3A_767 = vector.broadcast %broadcast_in_dim3A_766 : f32 to vector<16xf32>
      %swap3A_768 = arith.index_cast %scan3A_675 : i32 to index
      %swap3A_769 = arith.constant 96 : index
      %swap3A_770 = tpu.vector_load %arg20[%swap3A_768, %swap3A_769] {strides = array<i32>} : memref<81x128xf32, #tpu.memory_space<vmem>>, vector<16xf32>,
      tpu.vector_store %arg20[%swap3A_768, %swap3A_769], %broadcast_in_dim3A_767 {strides = array<i32>} : memref<81x128xf32, #tpu.memory_space<vmem>>, vector<16xf32>,
      %broadcast_in_dim3A_771 = arith.constant 0xFF800000 : f32
      %broadcast_in_dim3A_772 = vector.broadcast %broadcast_in_dim3A_771 : f32 to vector<16xf32>
      %swap3A_773 = arith.index_cast %scan3A_675 : i32 to index
      %swap3A_774 = arith.constant 96 : index
      %swap3A_775 = tpu.vector_load %arg21[%swap3A_773, %swap3A_774] {strides = array<i32>} : memref<81x128xf32, #tpu.memory_space<vmem>>, vector<16xf32>,
      tpu.vector_store %arg21[%swap3A_773, %swap3A_774], %broadcast_in_dim3A_772 {strides = array<i32>} : memref<81x128xf32, #tpu.memory_space<vmem>>, vector<16xf32>,
      %broadcast_in_dim3A_776 = arith.constant 0x7F800000 : f32
      %broadcast_in_dim3A_777 = vector.broadcast %broadcast_in_dim3A_776 : f32 to vector<16xf32>
      %swap3A_778 = arith.index_cast %scan3A_675 : i32 to index
      %swap3A_779 = arith.constant 96 : index
      %swap3A_780 = tpu.vector_load %arg22[%swap3A_778, %swap3A_779] {strides = array<i32>} : memref<81x128xf32, #tpu.memory_space<vmem>>, vector<16xf32>,
      tpu.vector_store %arg22[%swap3A_778, %swap3A_779], %broadcast_in_dim3A_777 {strides = array<i32>} : memref<81x128xf32, #tpu.memory_space<vmem>>, vector<16xf32>,
      %broadcast_in_dim3A_781 = arith.constant 0.000000e+00 : f32
      %broadcast_in_dim3A_782 = vector.broadcast %broadcast_in_dim3A_781 : f32 to vector<16xf32>
      %swap3A_783 = arith.index_cast %scan3A_675 : i32 to index
      %swap3A_784 = arith.constant 112 : index
      %swap3A_785 = tpu.vector_load %arg20[%swap3A_783, %swap3A_784] {strides = array<i32>} : memref<81x128xf32, #tpu.memory_space<vmem>>, vector<16xf32>,
      tpu.vector_store %arg20[%swap3A_783, %swap3A_784], %broadcast_in_dim3A_782 {strides = array<i32>} : memref<81x128xf32, #tpu.memory_space<vmem>>, vector<16xf32>,
      %broadcast_in_dim3A_786 = arith.constant 0xFF800000 : f32
      %broadcast_in_dim3A_787 = vector.broadcast %broadcast_in_dim3A_786 : f32 to vector<16xf32>
      %swap3A_788 = arith.index_cast %scan3A_675 : i32 to index
      %swap3A_789 = arith.constant 112 : index
      %swap3A_790 = tpu.vector_load %arg21[%swap3A_788, %swap3A_789] {strides = array<i32>} : memref<81x128xf32, #tpu.memory_space<vmem>>, vector<16xf32>,
      tpu.vector_store %arg21[%swap3A_788, %swap3A_789], %broadcast_in_dim3A_787 {strides = array<i32>} : memref<81x128xf32, #tpu.memory_space<vmem>>, vector<16xf32>,
      %broadcast_in_dim3A_791 = arith.constant 0x7F800000 : f32
      %broadcast_in_dim3A_792 = vector.broadcast %broadcast_in_dim3A_791 : f32 to vector<16xf32>
      %swap3A_793 = arith.index_cast %scan3A_675 : i32 to index
      %swap3A_794 = arith.constant 112 : index
      %swap3A_795 = tpu.vector_load %arg22[%swap3A_793, %swap3A_794] {strides = array<i32>} : memref<81x128xf32, #tpu.memory_space<vmem>>, vector<16xf32>,
      tpu.vector_store %arg22[%swap3A_793, %swap3A_794], %broadcast_in_dim3A_792 {strides = array<i32>} : memref<81x128xf32, #tpu.memory_space<vmem>>, vector<16xf32>,
      %scan3A_796 = arith.constant 0 : i32
      scf.yield %scan3A_796 : i32
    }
    %scan3A_229 = arith.constant 81 : i32
    %add3A_230 = arith.constant 3 : i32
    %add3A_231 = arith.addi %min3A, %add3A_230 : i32
    %jit3A_232 = arith.constant 4 : i32
    %div3A_233 = arith.divsi %add3A_231, %jit3A_232 : i32
    %sign3A_234 = arith.constant 0 : i32
    %sign3A_235 = arith.cmpi sgt, %add3A_231, %sign3A_234 : i32
    %sign3A_236 = arith.extui %sign3A_235 : i1 to i32
    %sign3A_237 = arith.constant 0 : i32
    %sign3A_238 = arith.cmpi slt, %add3A_231, %sign3A_237 : i32
    %sign3A_239 = arith.extui %sign3A_238 : i1 to i32
    %sign3A_240 = arith.subi %sign3A_236, %sign3A_239 : i32
    %sign3A_241 = arith.constant 0 : i32
    %sign3A_242 = arith.cmpi sgt, %jit3A_232, %sign3A_241 : i32
    %sign3A_243 = arith.extui %sign3A_242 : i1 to i32
    %sign3A_244 = arith.constant 0 : i32
    %sign3A_245 = arith.cmpi slt, %jit3A_232, %sign3A_244 : i32
    %sign3A_246 = arith.extui %sign3A_245 : i1 to i32
    %sign3A_247 = arith.subi %sign3A_243, %sign3A_246 : i32
    %ne3A_248 = arith.cmpi ne, %sign3A_240, %sign3A_247 : i32
    %rem3A_249 = arith.remsi %add3A_231, %jit3A_232 : i32
    %ne3A_250 = arith.constant 0 : i32
    %ne3A_251 = arith.cmpi ne, %rem3A_249, %ne3A_250 : i32
    %and3A_252 = arith.andi %ne3A_248, %ne3A_251 : i1
    %sub3A_253 = arith.constant 1 : i32
    %sub3A_254 = arith.subi %div3A_233, %sub3A_253 : i32
    %select_n3A_255 = arith.select %and3A_252, %sub3A_254, %div3A_233 : i32
    %broadcast_in_dim3A_256 = arith.constant 0 : i32
    %broadcast_in_dim3A_257 = vector.broadcast %broadcast_in_dim3A_256 : i32 to vector<16xi32>
    %while3A_258 = arith.constant 0 : i32
    %while3A_259 = arith.subi %select_n3A_255, %while3A_258 : i32
    %while3A_260 = arith.addi %while3A_258, %while3A_259 : i32
    %while3A_261 = arith.constant 1 : i32
    %while3A_262 = arith.divsi %while3A_259, %while3A_261 : i32
    %while3A_263 = arith.muli %while3A_262, %while3A_261 : i32
    %while3A_264 = arith.addi %while3A_258, %while3A_263 : i32
    %while3A_265 = arith.constant 1 : i32
    %while3A_266 = scf.for %while3A_675 = %while3A_258 to %while3A_264 step %while3A_265 iter_args(%while3A_676 = %broadcast_in_dim3A_257) -> (vector<16xi32>)  : i32 {
      %mul3A_677 = arith.constant 4 : i32
      %mul3A_678 = arith.muli %while3A_675, %mul3A_677 : i32
      %add3A_679 = arith.constant 0 : i32
      %add3A_680 = arith.addi %mul3A_678, %add3A_679 : i32
      %mul3A_681 = arith.constant 16 : i32
      %mul3A_682 = arith.muli %add3A_680, %mul3A_681 : i32
      %get3A = arith.index_cast %mul3A_682 : i32 to index
      %get3A_683 = tpu.vector_load %arg12[%get3A] {strides = array<i32>} : memref<16384xi32, #tpu.memory_space<vmem>>, vector<16xi32>,
      %mul3A_684 = arith.constant 16 : i32
      %mul3A_685 = arith.muli %add3A_680, %mul3A_684 : i32
      %get3A_686 = arith.index_cast %mul3A_685 : i32 to index
      %get3A_687 = tpu.vector_load %arg13[%get3A_686] {strides = array<i32>} : memref<16384xi32, #tpu.memory_space<vmem>>, vector<16xi32>,
      %sub3A_688 = arith.constant 80 : i32
      %sub3A_689 = vector.broadcast %sub3A_688 : i32 to vector<16xi32>
      %sub3A_690 = arith.subi %get3A_683, %sub3A_689 : vector<16xi32>
      %ge3A = arith.constant 0 : i32
      %ge3A_691 = vector.broadcast %ge3A : i32 to vector<16xi32>
      %ge3A_692 = arith.cmpi sge, %sub3A_690, %ge3A_691 : vector<16xi32>
      %lt3A = arith.constant 80 : i32
      %lt3A_693 = vector.broadcast %lt3A : i32 to vector<16xi32>
      %lt3A_694 = arith.cmpi slt, %sub3A_690, %lt3A_693 : vector<16xi32>
      %and3A_695 = arith.andi %ge3A_692, %lt3A_694 : vector<16xi1>
      %convert_element_type3A = arith.extui %and3A_695 : vector<16xi1> to vector<16xi32>
      %broadcast_in_dim3A_696 = arith.constant true
      %broadcast_in_dim3A_697 = vector.broadcast %broadcast_in_dim3A_696 : i1 to vector<16xi1>
      %masked_cumsum3A = tpu.scan <sum>, %convert_element_type3A masked %broadcast_in_dim3A_697 : vector<16xi32>, vector<16xi1> -> vector<16xi32>
      %add3A_698 = arith.addi %while3A_676, %masked_cumsum3A : vector<16xi32>
      %sub3A_699 = arith.constant 1 : i32
      %sub3A_700 = vector.broadcast %sub3A_699 : i32 to vector<16xi32>
      %sub3A_701 = arith.subi %add3A_698, %sub3A_700 : vector<16xi32>
      %min3A_702 = arith.constant 6127 : i32
      %min3A_703 = vector.broadcast %min3A_702 : i32 to vector<16xi32>
      %min3A_704 = arith.minsi %sub3A_701, %min3A_703 : vector<16xi32>
      %select_n3A_705 = arith.select %and3A_695, %min3A_704, %add3A_63 : vector<16xi1>, vector<16xi32>
      tpu.vector_store_idx %arg14[%select_n3A_705], %sub3A_690 : memref<6144xi32, #tpu.memory_space<vmem>>[vector<16xi32>], vector<16xi32>,
      tpu.vector_store_idx %arg15[%select_n3A_705], %get3A_687 : memref<6144xi32, #tpu.memory_space<vmem>>[vector<16xi32>], vector<16xi32>,
      %all_reduce_population_count3A = tpu.all_reduce %and3A_695 {dim = 0 : i64, kind = #tpu.reduction_kind<sum>} : vector<16xi1> -> vector<16xi32>
      %add3A_706 = arith.addi %while3A_676, %all_reduce_population_count3A : vector<16xi32>
      %mul3A_707 = arith.constant 4 : i32
      %mul3A_708 = arith.muli %while3A_675, %mul3A_707 : i32
      %add3A_709 = arith.constant 1 : i32
      %add3A_710 = arith.addi %mul3A_708, %add3A_709 : i32
      %mul3A_711 = arith.constant 16 : i32
      %mul3A_712 = arith.muli %add3A_710, %mul3A_711 : i32
      %get3A_713 = arith.index_cast %mul3A_712 : i32 to index
      %get3A_714 = tpu.vector_load %arg12[%get3A_713] {strides = array<i32>} : memref<16384xi32, #tpu.memory_space<vmem>>, vector<16xi32>,
      %mul3A_715 = arith.constant 16 : i32
      %mul3A_716 = arith.muli %add3A_710, %mul3A_715 : i32
      %get3A_717 = arith.index_cast %mul3A_716 : i32 to index
      %get3A_718 = tpu.vector_load %arg13[%get3A_717] {strides = array<i32>} : memref<16384xi32, #tpu.memory_space<vmem>>, vector<16xi32>,
      %sub3A_719 = arith.constant 80 : i32
      %sub3A_720 = vector.broadcast %sub3A_719 : i32 to vector<16xi32>
      %sub3A_721 = arith.subi %get3A_714, %sub3A_720 : vector<16xi32>
      %ge3A_722 = arith.constant 0 : i32
      %ge3A_723 = vector.broadcast %ge3A_722 : i32 to vector<16xi32>
      %ge3A_724 = arith.cmpi sge, %sub3A_721, %ge3A_723 : vector<16xi32>
      %lt3A_725 = arith.constant 80 : i32
      %lt3A_726 = vector.broadcast %lt3A_725 : i32 to vector<16xi32>
      %lt3A_727 = arith.cmpi slt, %sub3A_721, %lt3A_726 : vector<16xi32>
      %and3A_728 = arith.andi %ge3A_724, %lt3A_727 : vector<16xi1>
      %convert_element_type3A_729 = arith.extui %and3A_728 : vector<16xi1> to vector<16xi32>
      %broadcast_in_dim3A_730 = arith.constant true
      %broadcast_in_dim3A_731 = vector.broadcast %broadcast_in_dim3A_730 : i1 to vector<16xi1>
      %masked_cumsum3A_732 = tpu.scan <sum>, %convert_element_type3A_729 masked %broadcast_in_dim3A_731 : vector<16xi32>, vector<16xi1> -> vector<16xi32>
      %add3A_733 = arith.addi %add3A_706, %masked_cumsum3A_732 : vector<16xi32>
      %sub3A_734 = arith.constant 1 : i32
      %sub3A_735 = vector.broadcast %sub3A_734 : i32 to vector<16xi32>
      %sub3A_736 = arith.subi %add3A_733, %sub3A_735 : vector<16xi32>
      %min3A_737 = arith.constant 6127 : i32
      %min3A_738 = vector.broadcast %min3A_737 : i32 to vector<16xi32>
      %min3A_739 = arith.minsi %sub3A_736, %min3A_738 : vector<16xi32>
      %select_n3A_740 = arith.select %and3A_728, %min3A_739, %add3A_63 : vector<16xi1>, vector<16xi32>
      tpu.vector_store_idx %arg14[%select_n3A_740], %sub3A_721 : memref<6144xi32, #tpu.memory_space<vmem>>[vector<16xi32>], vector<16xi32>,
      tpu.vector_store_idx %arg15[%select_n3A_740], %get3A_718 : memref<6144xi32, #tpu.memory_space<vmem>>[vector<16xi32>], vector<16xi32>,
      %all_reduce_population_count3A_741 = tpu.all_reduce %and3A_728 {dim = 0 : i64, kind = #tpu.reduction_kind<sum>} : vector<16xi1> -> vector<16xi32>
      %add3A_742 = arith.addi %add3A_706, %all_reduce_population_count3A_741 : vector<16xi32>
      %mul3A_743 = arith.constant 4 : i32
      %mul3A_744 = arith.muli %while3A_675, %mul3A_743 : i32
      %add3A_745 = arith.constant 2 : i32
      %add3A_746 = arith.addi %mul3A_744, %add3A_745 : i32
      %mul3A_747 = arith.constant 16 : i32
      %mul3A_748 = arith.muli %add3A_746, %mul3A_747 : i32
      %get3A_749 = arith.index_cast %mul3A_748 : i32 to index
      %get3A_750 = tpu.vector_load %arg12[%get3A_749] {strides = array<i32>} : memref<16384xi32, #tpu.memory_space<vmem>>, vector<16xi32>,
      %mul3A_751 = arith.constant 16 : i32
      %mul3A_752 = arith.muli %add3A_746, %mul3A_751 : i32
      %get3A_753 = arith.index_cast %mul3A_752 : i32 to index
      %get3A_754 = tpu.vector_load %arg13[%get3A_753] {strides = array<i32>} : memref<16384xi32, #tpu.memory_space<vmem>>, vector<16xi32>,
      %sub3A_755 = arith.constant 80 : i32
      %sub3A_756 = vector.broadcast %sub3A_755 : i32 to vector<16xi32>
      %sub3A_757 = arith.subi %get3A_750, %sub3A_756 : vector<16xi32>
      %ge3A_758 = arith.constant 0 : i32
      %ge3A_759 = vector.broadcast %ge3A_758 : i32 to vector<16xi32>
      %ge3A_760 = arith.cmpi sge, %sub3A_757, %ge3A_759 : vector<16xi32>
      %lt3A_761 = arith.constant 80 : i32
      %lt3A_762 = vector.broadcast %lt3A_761 : i32 to vector<16xi32>
      %lt3A_763 = arith.cmpi slt, %sub3A_757, %lt3A_762 : vector<16xi32>
      %and3A_764 = arith.andi %ge3A_760, %lt3A_763 : vector<16xi1>
      %convert_element_type3A_765 = arith.extui %and3A_764 : vector<16xi1> to vector<16xi32>
      %broadcast_in_dim3A_766 = arith.constant true
      %broadcast_in_dim3A_767 = vector.broadcast %broadcast_in_dim3A_766 : i1 to vector<16xi1>
      %masked_cumsum3A_768 = tpu.scan <sum>, %convert_element_type3A_765 masked %broadcast_in_dim3A_767 : vector<16xi32>, vector<16xi1> -> vector<16xi32>
      %add3A_769 = arith.addi %add3A_742, %masked_cumsum3A_768 : vector<16xi32>
      %sub3A_770 = arith.constant 1 : i32
      %sub3A_771 = vector.broadcast %sub3A_770 : i32 to vector<16xi32>
      %sub3A_772 = arith.subi %add3A_769, %sub3A_771 : vector<16xi32>
      %min3A_773 = arith.constant 6127 : i32
      %min3A_774 = vector.broadcast %min3A_773 : i32 to vector<16xi32>
      %min3A_775 = arith.minsi %sub3A_772, %min3A_774 : vector<16xi32>
      %select_n3A_776 = arith.select %and3A_764, %min3A_775, %add3A_63 : vector<16xi1>, vector<16xi32>
      tpu.vector_store_idx %arg14[%select_n3A_776], %sub3A_757 : memref<6144xi32, #tpu.memory_space<vmem>>[vector<16xi32>], vector<16xi32>,
      tpu.vector_store_idx %arg15[%select_n3A_776], %get3A_754 : memref<6144xi32, #tpu.memory_space<vmem>>[vector<16xi32>], vector<16xi32>,
      %all_reduce_population_count3A_777 = tpu.all_reduce %and3A_764 {dim = 0 : i64, kind = #tpu.reduction_kind<sum>} : vector<16xi1> -> vector<16xi32>
      %add3A_778 = arith.addi %add3A_742, %all_reduce_population_count3A_777 : vector<16xi32>
      %mul3A_779 = arith.constant 4 : i32
      %mul3A_780 = arith.muli %while3A_675, %mul3A_779 : i32
      %add3A_781 = arith.constant 3 : i32
      %add3A_782 = arith.addi %mul3A_780, %add3A_781 : i32
      %mul3A_783 = arith.constant 16 : i32
      %mul3A_784 = arith.muli %add3A_782, %mul3A_783 : i32
      %get3A_785 = arith.index_cast %mul3A_784 : i32 to index
      %get3A_786 = tpu.vector_load %arg12[%get3A_785] {strides = array<i32>} : memref<16384xi32, #tpu.memory_space<vmem>>, vector<16xi32>,
      %mul3A_787 = arith.constant 16 : i32
      %mul3A_788 = arith.muli %add3A_782, %mul3A_787 : i32
      %get3A_789 = arith.index_cast %mul3A_788 : i32 to index
      %get3A_790 = tpu.vector_load %arg13[%get3A_789] {strides = array<i32>} : memref<16384xi32, #tpu.memory_space<vmem>>, vector<16xi32>,
      %sub3A_791 = arith.constant 80 : i32
      %sub3A_792 = vector.broadcast %sub3A_791 : i32 to vector<16xi32>
      %sub3A_793 = arith.subi %get3A_786, %sub3A_792 : vector<16xi32>
      %ge3A_794 = arith.constant 0 : i32
      %ge3A_795 = vector.broadcast %ge3A_794 : i32 to vector<16xi32>
      %ge3A_796 = arith.cmpi sge, %sub3A_793, %ge3A_795 : vector<16xi32>
      %lt3A_797 = arith.constant 80 : i32
      %lt3A_798 = vector.broadcast %lt3A_797 : i32 to vector<16xi32>
      %lt3A_799 = arith.cmpi slt, %sub3A_793, %lt3A_798 : vector<16xi32>
      %and3A_800 = arith.andi %ge3A_796, %lt3A_799 : vector<16xi1>
      %convert_element_type3A_801 = arith.extui %and3A_800 : vector<16xi1> to vector<16xi32>
      %broadcast_in_dim3A_802 = arith.constant true
      %broadcast_in_dim3A_803 = vector.broadcast %broadcast_in_dim3A_802 : i1 to vector<16xi1>
      %masked_cumsum3A_804 = tpu.scan <sum>, %convert_element_type3A_801 masked %broadcast_in_dim3A_803 : vector<16xi32>, vector<16xi1> -> vector<16xi32>
      %add3A_805 = arith.addi %add3A_778, %masked_cumsum3A_804 : vector<16xi32>
      %sub3A_806 = arith.constant 1 : i32
      %sub3A_807 = vector.broadcast %sub3A_806 : i32 to vector<16xi32>
      %sub3A_808 = arith.subi %add3A_805, %sub3A_807 : vector<16xi32>
      %min3A_809 = arith.constant 6127 : i32
      %min3A_810 = vector.broadcast %min3A_809 : i32 to vector<16xi32>
      %min3A_811 = arith.minsi %sub3A_808, %min3A_810 : vector<16xi32>
      %select_n3A_812 = arith.select %and3A_800, %min3A_811, %add3A_63 : vector<16xi1>, vector<16xi32>
      tpu.vector_store_idx %arg14[%select_n3A_812], %sub3A_793 : memref<6144xi32, #tpu.memory_space<vmem>>[vector<16xi32>], vector<16xi32>,
      tpu.vector_store_idx %arg15[%select_n3A_812], %get3A_790 : memref<6144xi32, #tpu.memory_space<vmem>>[vector<16xi32>], vector<16xi32>,
      %all_reduce_population_count3A_813 = tpu.all_reduce %and3A_800 {dim = 0 : i64, kind = #tpu.reduction_kind<sum>} : vector<16xi1> -> vector<16xi32>
      %add3A_814 = arith.addi %add3A_778, %all_reduce_population_count3A_813 : vector<16xi32>
      scf.yield %add3A_814 : vector<16xi32>
    }
    %while3A_267 = arith.constant 1 : i32
    %while3A_268 = scf.for %while3A_675 = %while3A_264 to %while3A_260 step %while3A_267 iter_args(%while3A_676 = %while3A_266) -> (vector<16xi32>)  : i32 {
      %mul3A_677 = arith.constant 4 : i32
      %mul3A_678 = arith.muli %while3A_675, %mul3A_677 : i32
      %add3A_679 = arith.constant 0 : i32
      %add3A_680 = arith.addi %mul3A_678, %add3A_679 : i32
      %mul3A_681 = arith.constant 16 : i32
      %mul3A_682 = arith.muli %add3A_680, %mul3A_681 : i32
      %get3A = arith.index_cast %mul3A_682 : i32 to index
      %get3A_683 = tpu.vector_load %arg12[%get3A] {strides = array<i32>} : memref<16384xi32, #tpu.memory_space<vmem>>, vector<16xi32>,
      %mul3A_684 = arith.constant 16 : i32
      %mul3A_685 = arith.muli %add3A_680, %mul3A_684 : i32
      %get3A_686 = arith.index_cast %mul3A_685 : i32 to index
      %get3A_687 = tpu.vector_load %arg13[%get3A_686] {strides = array<i32>} : memref<16384xi32, #tpu.memory_space<vmem>>, vector<16xi32>,
      %sub3A_688 = arith.constant 80 : i32
      %sub3A_689 = vector.broadcast %sub3A_688 : i32 to vector<16xi32>
      %sub3A_690 = arith.subi %get3A_683, %sub3A_689 : vector<16xi32>
      %ge3A = arith.constant 0 : i32
      %ge3A_691 = vector.broadcast %ge3A : i32 to vector<16xi32>
      %ge3A_692 = arith.cmpi sge, %sub3A_690, %ge3A_691 : vector<16xi32>
      %lt3A = arith.constant 80 : i32
      %lt3A_693 = vector.broadcast %lt3A : i32 to vector<16xi32>
      %lt3A_694 = arith.cmpi slt, %sub3A_690, %lt3A_693 : vector<16xi32>
      %and3A_695 = arith.andi %ge3A_692, %lt3A_694 : vector<16xi1>
      %convert_element_type3A = arith.extui %and3A_695 : vector<16xi1> to vector<16xi32>
      %broadcast_in_dim3A_696 = arith.constant true
      %broadcast_in_dim3A_697 = vector.broadcast %broadcast_in_dim3A_696 : i1 to vector<16xi1>
      %masked_cumsum3A = tpu.scan <sum>, %convert_element_type3A masked %broadcast_in_dim3A_697 : vector<16xi32>, vector<16xi1> -> vector<16xi32>
      %add3A_698 = arith.addi %while3A_676, %masked_cumsum3A : vector<16xi32>
      %sub3A_699 = arith.constant 1 : i32
      %sub3A_700 = vector.broadcast %sub3A_699 : i32 to vector<16xi32>
      %sub3A_701 = arith.subi %add3A_698, %sub3A_700 : vector<16xi32>
      %min3A_702 = arith.constant 6127 : i32
      %min3A_703 = vector.broadcast %min3A_702 : i32 to vector<16xi32>
      %min3A_704 = arith.minsi %sub3A_701, %min3A_703 : vector<16xi32>
      %select_n3A_705 = arith.select %and3A_695, %min3A_704, %add3A_63 : vector<16xi1>, vector<16xi32>
      tpu.vector_store_idx %arg14[%select_n3A_705], %sub3A_690 : memref<6144xi32, #tpu.memory_space<vmem>>[vector<16xi32>], vector<16xi32>,
      tpu.vector_store_idx %arg15[%select_n3A_705], %get3A_687 : memref<6144xi32, #tpu.memory_space<vmem>>[vector<16xi32>], vector<16xi32>,
      %all_reduce_population_count3A = tpu.all_reduce %and3A_695 {dim = 0 : i64, kind = #tpu.reduction_kind<sum>} : vector<16xi1> -> vector<16xi32>
      %add3A_706 = arith.addi %while3A_676, %all_reduce_population_count3A : vector<16xi32>
      %mul3A_707 = arith.constant 4 : i32
      %mul3A_708 = arith.muli %while3A_675, %mul3A_707 : i32
      %add3A_709 = arith.constant 1 : i32
      %add3A_710 = arith.addi %mul3A_708, %add3A_709 : i32
      %mul3A_711 = arith.constant 16 : i32
      %mul3A_712 = arith.muli %add3A_710, %mul3A_711 : i32
      %get3A_713 = arith.index_cast %mul3A_712 : i32 to index
      %get3A_714 = tpu.vector_load %arg12[%get3A_713] {strides = array<i32>} : memref<16384xi32, #tpu.memory_space<vmem>>, vector<16xi32>,
      %mul3A_715 = arith.constant 16 : i32
      %mul3A_716 = arith.muli %add3A_710, %mul3A_715 : i32
      %get3A_717 = arith.index_cast %mul3A_716 : i32 to index
      %get3A_718 = tpu.vector_load %arg13[%get3A_717] {strides = array<i32>} : memref<16384xi32, #tpu.memory_space<vmem>>, vector<16xi32>,
      %sub3A_719 = arith.constant 80 : i32
      %sub3A_720 = vector.broadcast %sub3A_719 : i32 to vector<16xi32>
      %sub3A_721 = arith.subi %get3A_714, %sub3A_720 : vector<16xi32>
      %ge3A_722 = arith.constant 0 : i32
      %ge3A_723 = vector.broadcast %ge3A_722 : i32 to vector<16xi32>
      %ge3A_724 = arith.cmpi sge, %sub3A_721, %ge3A_723 : vector<16xi32>
      %lt3A_725 = arith.constant 80 : i32
      %lt3A_726 = vector.broadcast %lt3A_725 : i32 to vector<16xi32>
      %lt3A_727 = arith.cmpi slt, %sub3A_721, %lt3A_726 : vector<16xi32>
      %and3A_728 = arith.andi %ge3A_724, %lt3A_727 : vector<16xi1>
      %convert_element_type3A_729 = arith.extui %and3A_728 : vector<16xi1> to vector<16xi32>
      %broadcast_in_dim3A_730 = arith.constant true
      %broadcast_in_dim3A_731 = vector.broadcast %broadcast_in_dim3A_730 : i1 to vector<16xi1>
      %masked_cumsum3A_732 = tpu.scan <sum>, %convert_element_type3A_729 masked %broadcast_in_dim3A_731 : vector<16xi32>, vector<16xi1> -> vector<16xi32>
      %add3A_733 = arith.addi %add3A_706, %masked_cumsum3A_732 : vector<16xi32>
      %sub3A_734 = arith.constant 1 : i32
      %sub3A_735 = vector.broadcast %sub3A_734 : i32 to vector<16xi32>
      %sub3A_736 = arith.subi %add3A_733, %sub3A_735 : vector<16xi32>
      %min3A_737 = arith.constant 6127 : i32
      %min3A_738 = vector.broadcast %min3A_737 : i32 to vector<16xi32>
      %min3A_739 = arith.minsi %sub3A_736, %min3A_738 : vector<16xi32>
      %select_n3A_740 = arith.select %and3A_728, %min3A_739, %add3A_63 : vector<16xi1>, vector<16xi32>
      tpu.vector_store_idx %arg14[%select_n3A_740], %sub3A_721 : memref<6144xi32, #tpu.memory_space<vmem>>[vector<16xi32>], vector<16xi32>,
      tpu.vector_store_idx %arg15[%select_n3A_740], %get3A_718 : memref<6144xi32, #tpu.memory_space<vmem>>[vector<16xi32>], vector<16xi32>,
      %all_reduce_population_count3A_741 = tpu.all_reduce %and3A_728 {dim = 0 : i64, kind = #tpu.reduction_kind<sum>} : vector<16xi1> -> vector<16xi32>
      %add3A_742 = arith.addi %add3A_706, %all_reduce_population_count3A_741 : vector<16xi32>
      %mul3A_743 = arith.constant 4 : i32
      %mul3A_744 = arith.muli %while3A_675, %mul3A_743 : i32
      %add3A_745 = arith.constant 2 : i32
      %add3A_746 = arith.addi %mul3A_744, %add3A_745 : i32
      %mul3A_747 = arith.constant 16 : i32
      %mul3A_748 = arith.muli %add3A_746, %mul3A_747 : i32
      %get3A_749 = arith.index_cast %mul3A_748 : i32 to index
      %get3A_750 = tpu.vector_load %arg12[%get3A_749] {strides = array<i32>} : memref<16384xi32, #tpu.memory_space<vmem>>, vector<16xi32>,
      %mul3A_751 = arith.constant 16 : i32
      %mul3A_752 = arith.muli %add3A_746, %mul3A_751 : i32
      %get3A_753 = arith.index_cast %mul3A_752 : i32 to index
      %get3A_754 = tpu.vector_load %arg13[%get3A_753] {strides = array<i32>} : memref<16384xi32, #tpu.memory_space<vmem>>, vector<16xi32>,
      %sub3A_755 = arith.constant 80 : i32
      %sub3A_756 = vector.broadcast %sub3A_755 : i32 to vector<16xi32>
      %sub3A_757 = arith.subi %get3A_750, %sub3A_756 : vector<16xi32>
      %ge3A_758 = arith.constant 0 : i32
      %ge3A_759 = vector.broadcast %ge3A_758 : i32 to vector<16xi32>
      %ge3A_760 = arith.cmpi sge, %sub3A_757, %ge3A_759 : vector<16xi32>
      %lt3A_761 = arith.constant 80 : i32
      %lt3A_762 = vector.broadcast %lt3A_761 : i32 to vector<16xi32>
      %lt3A_763 = arith.cmpi slt, %sub3A_757, %lt3A_762 : vector<16xi32>
      %and3A_764 = arith.andi %ge3A_760, %lt3A_763 : vector<16xi1>
      %convert_element_type3A_765 = arith.extui %and3A_764 : vector<16xi1> to vector<16xi32>
      %broadcast_in_dim3A_766 = arith.constant true
      %broadcast_in_dim3A_767 = vector.broadcast %broadcast_in_dim3A_766 : i1 to vector<16xi1>
      %masked_cumsum3A_768 = tpu.scan <sum>, %convert_element_type3A_765 masked %broadcast_in_dim3A_767 : vector<16xi32>, vector<16xi1> -> vector<16xi32>
      %add3A_769 = arith.addi %add3A_742, %masked_cumsum3A_768 : vector<16xi32>
      %sub3A_770 = arith.constant 1 : i32
      %sub3A_771 = vector.broadcast %sub3A_770 : i32 to vector<16xi32>
      %sub3A_772 = arith.subi %add3A_769, %sub3A_771 : vector<16xi32>
      %min3A_773 = arith.constant 6127 : i32
      %min3A_774 = vector.broadcast %min3A_773 : i32 to vector<16xi32>
      %min3A_775 = arith.minsi %sub3A_772, %min3A_774 : vector<16xi32>
      %select_n3A_776 = arith.select %and3A_764, %min3A_775, %add3A_63 : vector<16xi1>, vector<16xi32>
      tpu.vector_store_idx %arg14[%select_n3A_776], %sub3A_757 : memref<6144xi32, #tpu.memory_space<vmem>>[vector<16xi32>], vector<16xi32>,
      tpu.vector_store_idx %arg15[%select_n3A_776], %get3A_754 : memref<6144xi32, #tpu.memory_space<vmem>>[vector<16xi32>], vector<16xi32>,
      %all_reduce_population_count3A_777 = tpu.all_reduce %and3A_764 {dim = 0 : i64, kind = #tpu.reduction_kind<sum>} : vector<16xi1> -> vector<16xi32>
      %add3A_778 = arith.addi %add3A_742, %all_reduce_population_count3A_777 : vector<16xi32>
      %mul3A_779 = arith.constant 4 : i32
      %mul3A_780 = arith.muli %while3A_675, %mul3A_779 : i32
      %add3A_781 = arith.constant 3 : i32
      %add3A_782 = arith.addi %mul3A_780, %add3A_781 : i32
      %mul3A_783 = arith.constant 16 : i32
      %mul3A_784 = arith.muli %add3A_782, %mul3A_783 : i32
      %get3A_785 = arith.index_cast %mul3A_784 : i32 to index
      %get3A_786 = tpu.vector_load %arg12[%get3A_785] {strides = array<i32>} : memref<16384xi32, #tpu.memory_space<vmem>>, vector<16xi32>,
      %mul3A_787 = arith.constant 16 : i32
      %mul3A_788 = arith.muli %add3A_782, %mul3A_787 : i32
      %get3A_789 = arith.index_cast %mul3A_788 : i32 to index
      %get3A_790 = tpu.vector_load %arg13[%get3A_789] {strides = array<i32>} : memref<16384xi32, #tpu.memory_space<vmem>>, vector<16xi32>,
      %sub3A_791 = arith.constant 80 : i32
      %sub3A_792 = vector.broadcast %sub3A_791 : i32 to vector<16xi32>
      %sub3A_793 = arith.subi %get3A_786, %sub3A_792 : vector<16xi32>
      %ge3A_794 = arith.constant 0 : i32
      %ge3A_795 = vector.broadcast %ge3A_794 : i32 to vector<16xi32>
      %ge3A_796 = arith.cmpi sge, %sub3A_793, %ge3A_795 : vector<16xi32>
      %lt3A_797 = arith.constant 80 : i32
      %lt3A_798 = vector.broadcast %lt3A_797 : i32 to vector<16xi32>
      %lt3A_799 = arith.cmpi slt, %sub3A_793, %lt3A_798 : vector<16xi32>
      %and3A_800 = arith.andi %ge3A_796, %lt3A_799 : vector<16xi1>
      %convert_element_type3A_801 = arith.extui %and3A_800 : vector<16xi1> to vector<16xi32>
      %broadcast_in_dim3A_802 = arith.constant true
      %broadcast_in_dim3A_803 = vector.broadcast %broadcast_in_dim3A_802 : i1 to vector<16xi1>
      %masked_cumsum3A_804 = tpu.scan <sum>, %convert_element_type3A_801 masked %broadcast_in_dim3A_803 : vector<16xi32>, vector<16xi1> -> vector<16xi32>
      %add3A_805 = arith.addi %add3A_778, %masked_cumsum3A_804 : vector<16xi32>
      %sub3A_806 = arith.constant 1 : i32
      %sub3A_807 = vector.broadcast %sub3A_806 : i32 to vector<16xi32>
      %sub3A_808 = arith.subi %add3A_805, %sub3A_807 : vector<16xi32>
      %min3A_809 = arith.constant 6127 : i32
      %min3A_810 = vector.broadcast %min3A_809 : i32 to vector<16xi32>
      %min3A_811 = arith.minsi %sub3A_808, %min3A_810 : vector<16xi32>
      %select_n3A_812 = arith.select %and3A_800, %min3A_811, %add3A_63 : vector<16xi1>, vector<16xi32>
      tpu.vector_store_idx %arg14[%select_n3A_812], %sub3A_793 : memref<6144xi32, #tpu.memory_space<vmem>>[vector<16xi32>], vector<16xi32>,
      tpu.vector_store_idx %arg15[%select_n3A_812], %get3A_790 : memref<6144xi32, #tpu.memory_space<vmem>>[vector<16xi32>], vector<16xi32>,
      %all_reduce_population_count3A_813 = tpu.all_reduce %and3A_800 {dim = 0 : i64, kind = #tpu.reduction_kind<sum>} : vector<16xi1> -> vector<16xi32>
      %add3A_814 = arith.addi %add3A_778, %all_reduce_population_count3A_813 : vector<16xi32>
      scf.yield %add3A_814 : vector<16xi32>
    }
    %reduce_max3A_269 = arith.constant true
    %reduce_max3A_270 = vector.broadcast %reduce_max3A_269 : i1 to vector<16xi1>
    %reduce_max3A_271 = arith.constant -2147483648 : i32
    %reduce_max3A_272 = vector.broadcast %reduce_max3A_271 : i32 to vector<16xi32>
    %reduce_max3A_273 = arith.xori %while3A_268, %reduce_max3A_272 : vector<16xi32>
    %reduce_max3A_274 = tpu.scan <max>, %reduce_max3A_273 masked %reduce_max3A_270 : vector<16xi32>, vector<16xi1> -> vector<16xi32>
    %reduce_max3A_275 = arith.xori %reduce_max3A_274, %reduce_max3A_272 : vector<16xi32>
    %reduce_max3A_276 = vector.extract %reduce_max3A_275[15] : i32 from vector<16xi32>
    %add3A_277 = arith.constant 128 : i32
    %add3A_278 = arith.addi %reduce_max3A_276, %add3A_277 : i32
    %sub3A_279 = arith.constant 1 : i32
    %sub3A_280 = arith.subi %add3A_278, %sub3A_279 : i32
    %jit3A_281 = arith.constant 128 : i32
    %div3A_282 = arith.divsi %sub3A_280, %jit3A_281 : i32
    %sign3A_283 = arith.constant 0 : i32
    %sign3A_284 = arith.cmpi sgt, %sub3A_280, %sign3A_283 : i32
    %sign3A_285 = arith.extui %sign3A_284 : i1 to i32
    %sign3A_286 = arith.constant 0 : i32
    %sign3A_287 = arith.cmpi slt, %sub3A_280, %sign3A_286 : i32
    %sign3A_288 = arith.extui %sign3A_287 : i1 to i32
    %sign3A_289 = arith.subi %sign3A_285, %sign3A_288 : i32
    %sign3A_290 = arith.constant 0 : i32
    %sign3A_291 = arith.cmpi sgt, %jit3A_281, %sign3A_290 : i32
    %sign3A_292 = arith.extui %sign3A_291 : i1 to i32
    %sign3A_293 = arith.constant 0 : i32
    %sign3A_294 = arith.cmpi slt, %jit3A_281, %sign3A_293 : i32
    %sign3A_295 = arith.extui %sign3A_294 : i1 to i32
    %sign3A_296 = arith.subi %sign3A_292, %sign3A_295 : i32
    %ne3A_297 = arith.cmpi ne, %sign3A_289, %sign3A_296 : i32
    %rem3A_298 = arith.remsi %sub3A_280, %jit3A_281 : i32
    %ne3A_299 = arith.constant 0 : i32
    %ne3A_300 = arith.cmpi ne, %rem3A_298, %ne3A_299 : i32
    %and3A_301 = arith.andi %ne3A_297, %ne3A_300 : i1
    %sub3A_302 = arith.constant 1 : i32
    %sub3A_303 = arith.subi %div3A_282, %sub3A_302 : i32
    %select_n3A_304 = arith.select %and3A_301, %sub3A_303, %div3A_282 : i32
    %mul3A_305 = arith.constant 4 : i32
    %mul3A_306 = arith.muli %select_n3A_304, %mul3A_305 : i32
    %jit3A_307 = arith.constant 4 : i32
    %jit3A_308 = arith.constant 188 : i32
    %max3A_309 = arith.maxsi %jit3A_307, %mul3A_306 : i32
    %min3A_310 = arith.minsi %jit3A_308, %max3A_309 : i32
    %dma_start3A_311 = arith.constant 0 : i32
    %dma_start3A_312 = tpu.memref_slice %arg15[%dma_start3A_311] : memref<6144xi32, #tpu.memory_space<vmem>> -> memref<32xi32, #tpu.memory_space<vmem>>
    %dma_start3A_313 = arith.constant 0 : i32
    %dma_start3A_314 = arith.constant 0 : i32
    %dma_start3A_315 = tpu.memref_slice %arg4[%dma_start3A_313, %dma_start3A_314] : memref<16512x128xf32, #tpu.memory_space<hbm>> -> memref<16512x128xf32, #tpu.memory_space<hbm>>
    tpu.enqueue_indirect_dma source(%dma_start3A_315 : memref<16512x128xf32, #tpu.memory_space<hbm>>) target(%arg16 : memref<32x128xf32, #tpu.memory_space<vmem>>) offsets(%dma_start3A_312 : memref<32xi32, #tpu.memory_space<vmem>>) semaphore(%arg25 : memref<!tpu.dma_semaphore, #tpu.memory_space<semaphore_mem>>)
    %dma_start3A_316 = arith.constant 32 : i32
    %dma_start3A_317 = tpu.memref_slice %arg15[%dma_start3A_316] : memref<6144xi32, #tpu.memory_space<vmem>> -> memref<32xi32, #tpu.memory_space<vmem>>
    %dma_start3A_318 = arith.constant 0 : i32
    %dma_start3A_319 = arith.constant 0 : i32
    %dma_start3A_320 = tpu.memref_slice %arg4[%dma_start3A_318, %dma_start3A_319] : memref<16512x128xf32, #tpu.memory_space<hbm>> -> memref<16512x128xf32, #tpu.memory_space<hbm>>
    tpu.enqueue_indirect_dma source(%dma_start3A_320 : memref<16512x128xf32, #tpu.memory_space<hbm>>) target(%arg17 : memref<32x128xf32, #tpu.memory_space<vmem>>) offsets(%dma_start3A_317 : memref<32xi32, #tpu.memory_space<vmem>>) semaphore(%arg26 : memref<!tpu.dma_semaphore, #tpu.memory_space<semaphore_mem>>)
    %dma_start3A_321 = arith.constant 64 : i32
    %dma_start3A_322 = tpu.memref_slice %arg15[%dma_start3A_321] : memref<6144xi32, #tpu.memory_space<vmem>> -> memref<32xi32, #tpu.memory_space<vmem>>
    %dma_start3A_323 = arith.constant 0 : i32
    %dma_start3A_324 = arith.constant 0 : i32
    %dma_start3A_325 = tpu.memref_slice %arg4[%dma_start3A_323, %dma_start3A_324] : memref<16512x128xf32, #tpu.memory_space<hbm>> -> memref<16512x128xf32, #tpu.memory_space<hbm>>
    tpu.enqueue_indirect_dma source(%dma_start3A_325 : memref<16512x128xf32, #tpu.memory_space<hbm>>) target(%arg18 : memref<32x128xf32, #tpu.memory_space<vmem>>) offsets(%dma_start3A_322 : memref<32xi32, #tpu.memory_space<vmem>>) semaphore(%arg27 : memref<!tpu.dma_semaphore, #tpu.memory_space<semaphore_mem>>)
    %dma_start3A_326 = arith.constant 96 : i32
    %dma_start3A_327 = tpu.memref_slice %arg15[%dma_start3A_326] : memref<6144xi32, #tpu.memory_space<vmem>> -> memref<32xi32, #tpu.memory_space<vmem>>
    %dma_start3A_328 = arith.constant 0 : i32
    %dma_start3A_329 = arith.constant 0 : i32
    %dma_start3A_330 = tpu.memref_slice %arg4[%dma_start3A_328, %dma_start3A_329] : memref<16512x128xf32, #tpu.memory_space<hbm>> -> memref<16512x128xf32, #tpu.memory_space<hbm>>
    tpu.enqueue_indirect_dma source(%dma_start3A_330 : memref<16512x128xf32, #tpu.memory_space<hbm>>) target(%arg19 : memref<32x128xf32, #tpu.memory_space<vmem>>) offsets(%dma_start3A_327 : memref<32xi32, #tpu.memory_space<vmem>>) semaphore(%arg28 : memref<!tpu.dma_semaphore, #tpu.memory_space<semaphore_mem>>)
    %jit3A_331 = arith.constant 4 : i32
    %div3A_332 = arith.divsi %min3A_310, %jit3A_331 : i32
    %sign3A_333 = arith.constant 0 : i32
    %sign3A_334 = arith.cmpi sgt, %min3A_310, %sign3A_333 : i32
    %sign3A_335 = arith.extui %sign3A_334 : i1 to i32
    %sign3A_336 = arith.constant 0 : i32
    %sign3A_337 = arith.cmpi slt, %min3A_310, %sign3A_336 : i32
    %sign3A_338 = arith.extui %sign3A_337 : i1 to i32
    %sign3A_339 = arith.subi %sign3A_335, %sign3A_338 : i32
    %sign3A_340 = arith.constant 0 : i32
    %sign3A_341 = arith.cmpi sgt, %jit3A_331, %sign3A_340 : i32
    %sign3A_342 = arith.extui %sign3A_341 : i1 to i32
    %sign3A_343 = arith.constant 0 : i32
    %sign3A_344 = arith.cmpi slt, %jit3A_331, %sign3A_343 : i32
    %sign3A_345 = arith.extui %sign3A_344 : i1 to i32
    %sign3A_346 = arith.subi %sign3A_342, %sign3A_345 : i32
    %ne3A_347 = arith.cmpi ne, %sign3A_339, %sign3A_346 : i32
    %rem3A_348 = arith.remsi %min3A_310, %jit3A_331 : i32
    %ne3A_349 = arith.constant 0 : i32
    %ne3A_350 = arith.cmpi ne, %rem3A_348, %ne3A_349 : i32
    %and3A_351 = arith.andi %ne3A_347, %ne3A_350 : i1
    %sub3A_352 = arith.constant 1 : i32
    %sub3A_353 = arith.subi %div3A_332, %sub3A_352 : i32
    %select_n3A_354 = arith.select %and3A_351, %sub3A_353, %div3A_332 : i32
    %while3A_355 = arith.constant 0 : i32
    %while3A_356 = arith.constant 0 : i32
    %while3A_357 = arith.subi %select_n3A_354, %while3A_355 : i32
    %while3A_358 = arith.addi %while3A_355, %while3A_357 : i32
    %while3A_359 = arith.constant 1 : i32
    %while3A_360 = arith.divsi %while3A_357, %while3A_359 : i32
    %while3A_361 = arith.muli %while3A_360, %while3A_359 : i32
    %while3A_362 = arith.addi %while3A_355, %while3A_361 : i32
    %while3A_363 = arith.constant 1 : i32
    %while3A_364 = scf.for %while3A_675 = %while3A_355 to %while3A_362 step %while3A_363 iter_args(%while3A_676 = %while3A_356) -> (i32)  : i32 {
      %mul3A_677 = arith.constant 4 : i32
      %mul3A_678 = arith.muli %while3A_675, %mul3A_677 : i32
      %dma_wait3A = arith.constant 0 : i32
      %dma_wait3A_679 = tpu.memref_slice %arg15[%dma_wait3A] : memref<6144xi32, #tpu.memory_space<vmem>> -> memref<32xi32, #tpu.memory_space<vmem>>
      %dma_wait3A_680 = arith.constant 0 : i32
      %dma_wait3A_681 = arith.constant 0 : i32
      %dma_wait3A_682 = tpu.memref_slice %arg4[%dma_wait3A_680, %dma_wait3A_681] : memref<16512x128xf32, #tpu.memory_space<hbm>> -> memref<16512x128xf32, #tpu.memory_space<hbm>>
      tpu.wait_indirect_dma semaphore(%arg25 : memref<!tpu.dma_semaphore, #tpu.memory_space<semaphore_mem>>) src(%dma_wait3A_682 : memref<16512x128xf32, #tpu.memory_space<hbm>>) dst(%arg16 : memref<32x128xf32, #tpu.memory_space<vmem>>)
      %add3A_683 = arith.constant 0 : i32
      %add3A_684 = arith.addi %mul3A_678, %add3A_683 : i32
      %add3A_685 = arith.constant 0 : i32
      %add3A_686 = arith.addi %mul3A_678, %add3A_685 : i32
      %add3A_687 = arith.constant 4 : i32
      %add3A_688 = arith.addi %add3A_686, %add3A_687 : i32
      %lt3A = arith.cmpi slt, %add3A_688, %min3A_310 : i32
      %convert_element_type3A = arith.extui %lt3A : i1 to i32
      %cond3A = arith.constant 0 : i32
      %cond3A_689 = arith.cmpi ne, %convert_element_type3A, %cond3A : i32
      scf.if %cond3A_689 {
        %add3A_736 = arith.constant 0 : i32
        %add3A_737 = arith.addi %mul3A_678, %add3A_736 : i32
        %add3A_738 = arith.constant 4 : i32
        %add3A_739 = arith.addi %add3A_737, %add3A_738 : i32
        %mul3A_740 = arith.constant 32 : i32
        %mul3A_741 = arith.muli %add3A_739, %mul3A_740 : i32
        %dma_start3A_742 = tpu.memref_slice %arg15[%mul3A_741] : memref<6144xi32, #tpu.memory_space<vmem>> -> memref<32xi32, #tpu.memory_space<vmem>>
        %dma_start3A_743 = arith.constant 0 : i32
        %dma_start3A_744 = arith.constant 0 : i32
        %dma_start3A_745 = tpu.memref_slice %arg4[%dma_start3A_743, %dma_start3A_744] : memref<16512x128xf32, #tpu.memory_space<hbm>> -> memref<16512x128xf32, #tpu.memory_space<hbm>>
        tpu.enqueue_indirect_dma source(%dma_start3A_745 : memref<16512x128xf32, #tpu.memory_space<hbm>>) target(%arg16 : memref<32x128xf32, #tpu.memory_space<vmem>>) offsets(%dma_start3A_742 : memref<32xi32, #tpu.memory_space<vmem>>) semaphore(%arg25 : memref<!tpu.dma_semaphore, #tpu.memory_space<semaphore_mem>>)
      } else {
      }
      %dma_wait3A_690 = arith.constant 0 : i32
      %dma_wait3A_691 = tpu.memref_slice %arg15[%dma_wait3A_690] : memref<6144xi32, #tpu.memory_space<vmem>> -> memref<32xi32, #tpu.memory_space<vmem>>
      %dma_wait3A_692 = arith.constant 0 : i32
      %dma_wait3A_693 = arith.constant 0 : i32
      %dma_wait3A_694 = tpu.memref_slice %arg4[%dma_wait3A_692, %dma_wait3A_693] : memref<16512x128xf32, #tpu.memory_space<hbm>> -> memref<16512x128xf32, #tpu.memory_space<hbm>>
      tpu.wait_indirect_dma semaphore(%arg26 : memref<!tpu.dma_semaphore, #tpu.memory_space<semaphore_mem>>) src(%dma_wait3A_694 : memref<16512x128xf32, #tpu.memory_space<hbm>>) dst(%arg17 : memref<32x128xf32, #tpu.memory_space<vmem>>)
      %add3A_695 = arith.constant 1 : i32
      %add3A_696 = arith.addi %mul3A_678, %add3A_695 : i32
      %add3A_697 = arith.constant 1 : i32
      %add3A_698 = arith.addi %mul3A_678, %add3A_697 : i32
      %add3A_699 = arith.constant 4 : i32
      %add3A_700 = arith.addi %add3A_698, %add3A_699 : i32
      %lt3A_701 = arith.cmpi slt, %add3A_700, %min3A_310 : i32
      %convert_element_type3A_702 = arith.extui %lt3A_701 : i1 to i32
      %cond3A_703 = arith.constant 0 : i32
      %cond3A_704 = arith.cmpi ne, %convert_element_type3A_702, %cond3A_703 : i32
      scf.if %cond3A_704 {
        %add3A_736 = arith.constant 1 : i32
        %add3A_737 = arith.addi %mul3A_678, %add3A_736 : i32
        %add3A_738 = arith.constant 4 : i32
        %add3A_739 = arith.addi %add3A_737, %add3A_738 : i32
        %mul3A_740 = arith.constant 32 : i32
        %mul3A_741 = arith.muli %add3A_739, %mul3A_740 : i32
        %dma_start3A_742 = tpu.memref_slice %arg15[%mul3A_741] : memref<6144xi32, #tpu.memory_space<vmem>> -> memref<32xi32, #tpu.memory_space<vmem>>
        %dma_start3A_743 = arith.constant 0 : i32
        %dma_start3A_744 = arith.constant 0 : i32
        %dma_start3A_745 = tpu.memref_slice %arg4[%dma_start3A_743, %dma_start3A_744] : memref<16512x128xf32, #tpu.memory_space<hbm>> -> memref<16512x128xf32, #tpu.memory_space<hbm>>
        tpu.enqueue_indirect_dma source(%dma_start3A_745 : memref<16512x128xf32, #tpu.memory_space<hbm>>) target(%arg17 : memref<32x128xf32, #tpu.memory_space<vmem>>) offsets(%dma_start3A_742 : memref<32xi32, #tpu.memory_space<vmem>>) semaphore(%arg26 : memref<!tpu.dma_semaphore, #tpu.memory_space<semaphore_mem>>)
      } else {
      }
      %dma_wait3A_705 = arith.constant 0 : i32
      %dma_wait3A_706 = tpu.memref_slice %arg15[%dma_wait3A_705] : memref<6144xi32, #tpu.memory_space<vmem>> -> memref<32xi32, #tpu.memory_space<vmem>>
      %dma_wait3A_707 = arith.constant 0 : i32
      %dma_wait3A_708 = arith.constant 0 : i32
      %dma_wait3A_709 = tpu.memref_slice %arg4[%dma_wait3A_707, %dma_wait3A_708] : memref<16512x128xf32, #tpu.memory_space<hbm>> -> memref<16512x128xf32, #tpu.memory_space<hbm>>
      tpu.wait_indirect_dma semaphore(%arg27 : memref<!tpu.dma_semaphore, #tpu.memory_space<semaphore_mem>>) src(%dma_wait3A_709 : memref<16512x128xf32, #tpu.memory_space<hbm>>) dst(%arg18 : memref<32x128xf32, #tpu.memory_space<vmem>>)
      %add3A_710 = arith.constant 2 : i32
      %add3A_711 = arith.addi %mul3A_678, %add3A_710 : i32
      %add3A_712 = arith.constant 2 : i32
      %add3A_713 = arith.addi %mul3A_678, %add3A_712 : i32
      %add3A_714 = arith.constant 4 : i32
      %add3A_715 = arith.addi %add3A_713, %add3A_714 : i32
      %lt3A_716 = arith.cmpi slt, %add3A_715, %min3A_310 : i32
      %convert_element_type3A_717 = arith.extui %lt3A_716 : i1 to i32
      %cond3A_718 = arith.constant 0 : i32
      %cond3A_719 = arith.cmpi ne, %convert_element_type3A_717, %cond3A_718 : i32
      scf.if %cond3A_719 {
        %add3A_736 = arith.constant 2 : i32
        %add3A_737 = arith.addi %mul3A_678, %add3A_736 : i32
        %add3A_738 = arith.constant 4 : i32
        %add3A_739 = arith.addi %add3A_737, %add3A_738 : i32
        %mul3A_740 = arith.constant 32 : i32
        %mul3A_741 = arith.muli %add3A_739, %mul3A_740 : i32
        %dma_start3A_742 = tpu.memref_slice %arg15[%mul3A_741] : memref<6144xi32, #tpu.memory_space<vmem>> -> memref<32xi32, #tpu.memory_space<vmem>>
        %dma_start3A_743 = arith.constant 0 : i32
        %dma_start3A_744 = arith.constant 0 : i32
        %dma_start3A_745 = tpu.memref_slice %arg4[%dma_start3A_743, %dma_start3A_744] : memref<16512x128xf32, #tpu.memory_space<hbm>> -> memref<16512x128xf32, #tpu.memory_space<hbm>>
        tpu.enqueue_indirect_dma source(%dma_start3A_745 : memref<16512x128xf32, #tpu.memory_space<hbm>>) target(%arg18 : memref<32x128xf32, #tpu.memory_space<vmem>>) offsets(%dma_start3A_742 : memref<32xi32, #tpu.memory_space<vmem>>) semaphore(%arg27 : memref<!tpu.dma_semaphore, #tpu.memory_space<semaphore_mem>>)
      } else {
      }
      %dma_wait3A_720 = arith.constant 0 : i32
      %dma_wait3A_721 = tpu.memref_slice %arg15[%dma_wait3A_720] : memref<6144xi32, #tpu.memory_space<vmem>> -> memref<32xi32, #tpu.memory_space<vmem>>
      %dma_wait3A_722 = arith.constant 0 : i32
      %dma_wait3A_723 = arith.constant 0 : i32
      %dma_wait3A_724 = tpu.memref_slice %arg4[%dma_wait3A_722, %dma_wait3A_723] : memref<16512x128xf32, #tpu.memory_space<hbm>> -> memref<16512x128xf32, #tpu.memory_space<hbm>>
      tpu.wait_indirect_dma semaphore(%arg28 : memref<!tpu.dma_semaphore, #tpu.memory_space<semaphore_mem>>) src(%dma_wait3A_724 : memref<16512x128xf32, #tpu.memory_space<hbm>>) dst(%arg19 : memref<32x128xf32, #tpu.memory_space<vmem>>)
      %add3A_725 = arith.constant 3 : i32
      %add3A_726 = arith.addi %mul3A_678, %add3A_725 : i32
      %add3A_727 = arith.constant 3 : i32
      %add3A_728 = arith.addi %mul3A_678, %add3A_727 : i32
      %add3A_729 = arith.constant 4 : i32
      %add3A_730 = arith.addi %add3A_728, %add3A_729 : i32
      %lt3A_731 = arith.cmpi slt, %add3A_730, %min3A_310 : i32
      %convert_element_type3A_732 = arith.extui %lt3A_731 : i1 to i32
      %cond3A_733 = arith.constant 0 : i32
      %cond3A_734 = arith.cmpi ne, %convert_element_type3A_732, %cond3A_733 : i32
      scf.if %cond3A_734 {
        %add3A_736 = arith.constant 3 : i32
        %add3A_737 = arith.addi %mul3A_678, %add3A_736 : i32
        %add3A_738 = arith.constant 4 : i32
        %add3A_739 = arith.addi %add3A_737, %add3A_738 : i32
        %mul3A_740 = arith.constant 32 : i32
        %mul3A_741 = arith.muli %add3A_739, %mul3A_740 : i32
        %dma_start3A_742 = tpu.memref_slice %arg15[%mul3A_741] : memref<6144xi32, #tpu.memory_space<vmem>> -> memref<32xi32, #tpu.memory_space<vmem>>
        %dma_start3A_743 = arith.constant 0 : i32
        %dma_start3A_744 = arith.constant 0 : i32
        %dma_start3A_745 = tpu.memref_slice %arg4[%dma_start3A_743, %dma_start3A_744] : memref<16512x128xf32, #tpu.memory_space<hbm>> -> memref<16512x128xf32, #tpu.memory_space<hbm>>
        tpu.enqueue_indirect_dma source(%dma_start3A_745 : memref<16512x128xf32, #tpu.memory_space<hbm>>) target(%arg19 : memref<32x128xf32, #tpu.memory_space<vmem>>) offsets(%dma_start3A_742 : memref<32xi32, #tpu.memory_space<vmem>>) semaphore(%arg28 : memref<!tpu.dma_semaphore, #tpu.memory_space<semaphore_mem>>)
      } else {
      }
      %while3A_735 = arith.constant 0 : i32
      scf.yield %while3A_735 : i32
    }
    %while3A_365 = arith.constant 1 : i32
    %while3A_366 = scf.for %while3A_675 = %while3A_362 to %while3A_358 step %while3A_365 iter_args(%while3A_676 = %while3A_364) -> (i32)  : i32 {
      %mul3A_677 = arith.constant 4 : i32
      %mul3A_678 = arith.muli %while3A_675, %mul3A_677 : i32
      %dma_wait3A = arith.constant 0 : i32
      %dma_wait3A_679 = tpu.memref_slice %arg15[%dma_wait3A] : memref<6144xi32, #tpu.memory_space<vmem>> -> memref<32xi32, #tpu.memory_space<vmem>>
      %dma_wait3A_680 = arith.constant 0 : i32
      %dma_wait3A_681 = arith.constant 0 : i32
      %dma_wait3A_682 = tpu.memref_slice %arg4[%dma_wait3A_680, %dma_wait3A_681] : memref<16512x128xf32, #tpu.memory_space<hbm>> -> memref<16512x128xf32, #tpu.memory_space<hbm>>
      tpu.wait_indirect_dma semaphore(%arg25 : memref<!tpu.dma_semaphore, #tpu.memory_space<semaphore_mem>>) src(%dma_wait3A_682 : memref<16512x128xf32, #tpu.memory_space<hbm>>) dst(%arg16 : memref<32x128xf32, #tpu.memory_space<vmem>>)
      %add3A_683 = arith.constant 0 : i32
      %add3A_684 = arith.addi %mul3A_678, %add3A_683 : i32
      %add3A_685 = arith.constant 0 : i32
      %add3A_686 = arith.addi %mul3A_678, %add3A_685 : i32
      %add3A_687 = arith.constant 4 : i32
      %add3A_688 = arith.addi %add3A_686, %add3A_687 : i32
      %lt3A = arith.cmpi slt, %add3A_688, %min3A_310 : i32
      %convert_element_type3A = arith.extui %lt3A : i1 to i32
      %cond3A = arith.constant 0 : i32
      %cond3A_689 = arith.cmpi ne, %convert_element_type3A, %cond3A : i32
      scf.if %cond3A_689 {
        %add3A_736 = arith.constant 0 : i32
        %add3A_737 = arith.addi %mul3A_678, %add3A_736 : i32
        %add3A_738 = arith.constant 4 : i32
        %add3A_739 = arith.addi %add3A_737, %add3A_738 : i32
        %mul3A_740 = arith.constant 32 : i32
        %mul3A_741 = arith.muli %add3A_739, %mul3A_740 : i32
        %dma_start3A_742 = tpu.memref_slice %arg15[%mul3A_741] : memref<6144xi32, #tpu.memory_space<vmem>> -> memref<32xi32, #tpu.memory_space<vmem>>
        %dma_start3A_743 = arith.constant 0 : i32
        %dma_start3A_744 = arith.constant 0 : i32
        %dma_start3A_745 = tpu.memref_slice %arg4[%dma_start3A_743, %dma_start3A_744] : memref<16512x128xf32, #tpu.memory_space<hbm>> -> memref<16512x128xf32, #tpu.memory_space<hbm>>
        tpu.enqueue_indirect_dma source(%dma_start3A_745 : memref<16512x128xf32, #tpu.memory_space<hbm>>) target(%arg16 : memref<32x128xf32, #tpu.memory_space<vmem>>) offsets(%dma_start3A_742 : memref<32xi32, #tpu.memory_space<vmem>>) semaphore(%arg25 : memref<!tpu.dma_semaphore, #tpu.memory_space<semaphore_mem>>)
      } else {
      }
      %dma_wait3A_690 = arith.constant 0 : i32
      %dma_wait3A_691 = tpu.memref_slice %arg15[%dma_wait3A_690] : memref<6144xi32, #tpu.memory_space<vmem>> -> memref<32xi32, #tpu.memory_space<vmem>>
      %dma_wait3A_692 = arith.constant 0 : i32
      %dma_wait3A_693 = arith.constant 0 : i32
      %dma_wait3A_694 = tpu.memref_slice %arg4[%dma_wait3A_692, %dma_wait3A_693] : memref<16512x128xf32, #tpu.memory_space<hbm>> -> memref<16512x128xf32, #tpu.memory_space<hbm>>
      tpu.wait_indirect_dma semaphore(%arg26 : memref<!tpu.dma_semaphore, #tpu.memory_space<semaphore_mem>>) src(%dma_wait3A_694 : memref<16512x128xf32, #tpu.memory_space<hbm>>) dst(%arg17 : memref<32x128xf32, #tpu.memory_space<vmem>>)
      %add3A_695 = arith.constant 1 : i32
      %add3A_696 = arith.addi %mul3A_678, %add3A_695 : i32
      %add3A_697 = arith.constant 1 : i32
      %add3A_698 = arith.addi %mul3A_678, %add3A_697 : i32
      %add3A_699 = arith.constant 4 : i32
      %add3A_700 = arith.addi %add3A_698, %add3A_699 : i32
      %lt3A_701 = arith.cmpi slt, %add3A_700, %min3A_310 : i32
      %convert_element_type3A_702 = arith.extui %lt3A_701 : i1 to i32
      %cond3A_703 = arith.constant 0 : i32
      %cond3A_704 = arith.cmpi ne, %convert_element_type3A_702, %cond3A_703 : i32
      scf.if %cond3A_704 {
        %add3A_736 = arith.constant 1 : i32
        %add3A_737 = arith.addi %mul3A_678, %add3A_736 : i32
        %add3A_738 = arith.constant 4 : i32
        %add3A_739 = arith.addi %add3A_737, %add3A_738 : i32
        %mul3A_740 = arith.constant 32 : i32
        %mul3A_741 = arith.muli %add3A_739, %mul3A_740 : i32
        %dma_start3A_742 = tpu.memref_slice %arg15[%mul3A_741] : memref<6144xi32, #tpu.memory_space<vmem>> -> memref<32xi32, #tpu.memory_space<vmem>>
        %dma_start3A_743 = arith.constant 0 : i32
        %dma_start3A_744 = arith.constant 0 : i32
        %dma_start3A_745 = tpu.memref_slice %arg4[%dma_start3A_743, %dma_start3A_744] : memref<16512x128xf32, #tpu.memory_space<hbm>> -> memref<16512x128xf32, #tpu.memory_space<hbm>>
        tpu.enqueue_indirect_dma source(%dma_start3A_745 : memref<16512x128xf32, #tpu.memory_space<hbm>>) target(%arg17 : memref<32x128xf32, #tpu.memory_space<vmem>>) offsets(%dma_start3A_742 : memref<32xi32, #tpu.memory_space<vmem>>) semaphore(%arg26 : memref<!tpu.dma_semaphore, #tpu.memory_space<semaphore_mem>>)
      } else {
      }
      %dma_wait3A_705 = arith.constant 0 : i32
      %dma_wait3A_706 = tpu.memref_slice %arg15[%dma_wait3A_705] : memref<6144xi32, #tpu.memory_space<vmem>> -> memref<32xi32, #tpu.memory_space<vmem>>
      %dma_wait3A_707 = arith.constant 0 : i32
      %dma_wait3A_708 = arith.constant 0 : i32
      %dma_wait3A_709 = tpu.memref_slice %arg4[%dma_wait3A_707, %dma_wait3A_708] : memref<16512x128xf32, #tpu.memory_space<hbm>> -> memref<16512x128xf32, #tpu.memory_space<hbm>>
      tpu.wait_indirect_dma semaphore(%arg27 : memref<!tpu.dma_semaphore, #tpu.memory_space<semaphore_mem>>) src(%dma_wait3A_709 : memref<16512x128xf32, #tpu.memory_space<hbm>>) dst(%arg18 : memref<32x128xf32, #tpu.memory_space<vmem>>)
      %add3A_710 = arith.constant 2 : i32
      %add3A_711 = arith.addi %mul3A_678, %add3A_710 : i32
      %add3A_712 = arith.constant 2 : i32
      %add3A_713 = arith.addi %mul3A_678, %add3A_712 : i32
      %add3A_714 = arith.constant 4 : i32
      %add3A_715 = arith.addi %add3A_713, %add3A_714 : i32
      %lt3A_716 = arith.cmpi slt, %add3A_715, %min3A_310 : i32
      %convert_element_type3A_717 = arith.extui %lt3A_716 : i1 to i32
      %cond3A_718 = arith.constant 0 : i32
      %cond3A_719 = arith.cmpi ne, %convert_element_type3A_717, %cond3A_718 : i32
      scf.if %cond3A_719 {
        %add3A_736 = arith.constant 2 : i32
        %add3A_737 = arith.addi %mul3A_678, %add3A_736 : i32
        %add3A_738 = arith.constant 4 : i32
        %add3A_739 = arith.addi %add3A_737, %add3A_738 : i32
        %mul3A_740 = arith.constant 32 : i32
        %mul3A_741 = arith.muli %add3A_739, %mul3A_740 : i32
        %dma_start3A_742 = tpu.memref_slice %arg15[%mul3A_741] : memref<6144xi32, #tpu.memory_space<vmem>> -> memref<32xi32, #tpu.memory_space<vmem>>
        %dma_start3A_743 = arith.constant 0 : i32
        %dma_start3A_744 = arith.constant 0 : i32
        %dma_start3A_745 = tpu.memref_slice %arg4[%dma_start3A_743, %dma_start3A_744] : memref<16512x128xf32, #tpu.memory_space<hbm>> -> memref<16512x128xf32, #tpu.memory_space<hbm>>
        tpu.enqueue_indirect_dma source(%dma_start3A_745 : memref<16512x128xf32, #tpu.memory_space<hbm>>) target(%arg18 : memref<32x128xf32, #tpu.memory_space<vmem>>) offsets(%dma_start3A_742 : memref<32xi32, #tpu.memory_space<vmem>>) semaphore(%arg27 : memref<!tpu.dma_semaphore, #tpu.memory_space<semaphore_mem>>)
      } else {
      }
      %dma_wait3A_720 = arith.constant 0 : i32
      %dma_wait3A_721 = tpu.memref_slice %arg15[%dma_wait3A_720] : memref<6144xi32, #tpu.memory_space<vmem>> -> memref<32xi32, #tpu.memory_space<vmem>>
      %dma_wait3A_722 = arith.constant 0 : i32
      %dma_wait3A_723 = arith.constant 0 : i32
      %dma_wait3A_724 = tpu.memref_slice %arg4[%dma_wait3A_722, %dma_wait3A_723] : memref<16512x128xf32, #tpu.memory_space<hbm>> -> memref<16512x128xf32, #tpu.memory_space<hbm>>
      tpu.wait_indirect_dma semaphore(%arg28 : memref<!tpu.dma_semaphore, #tpu.memory_space<semaphore_mem>>) src(%dma_wait3A_724 : memref<16512x128xf32, #tpu.memory_space<hbm>>) dst(%arg19 : memref<32x128xf32, #tpu.memory_space<vmem>>)
      %add3A_725 = arith.constant 3 : i32
      %add3A_726 = arith.addi %mul3A_678, %add3A_725 : i32
      %add3A_727 = arith.constant 3 : i32
      %add3A_728 = arith.addi %mul3A_678, %add3A_727 : i32
      %add3A_729 = arith.constant 4 : i32
      %add3A_730 = arith.addi %add3A_728, %add3A_729 : i32
      %lt3A_731 = arith.cmpi slt, %add3A_730, %min3A_310 : i32
      %convert_element_type3A_732 = arith.extui %lt3A_731 : i1 to i32
      %cond3A_733 = arith.constant 0 : i32
      %cond3A_734 = arith.cmpi ne, %convert_element_type3A_732, %cond3A_733 : i32
      scf.if %cond3A_734 {
        %add3A_736 = arith.constant 3 : i32
        %add3A_737 = arith.addi %mul3A_678, %add3A_736 : i32
        %add3A_738 = arith.constant 4 : i32
        %add3A_739 = arith.addi %add3A_737, %add3A_738 : i32
        %mul3A_740 = arith.constant 32 : i32
        %mul3A_741 = arith.muli %add3A_739, %mul3A_740 : i32
        %dma_start3A_742 = tpu.memref_slice %arg15[%mul3A_741] : memref<6144xi32, #tpu.memory_space<vmem>> -> memref<32xi32, #tpu.memory_space<vmem>>
        %dma_start3A_743 = arith.constant 0 : i32
        %dma_start3A_744 = arith.constant 0 : i32
        %dma_start3A_745 = tpu.memref_slice %arg4[%dma_start3A_743, %dma_start3A_744] : memref<16512x128xf32, #tpu.memory_space<hbm>> -> memref<16512x128xf32, #tpu.memory_space<hbm>>
        tpu.enqueue_indirect_dma source(%dma_start3A_745 : memref<16512x128xf32, #tpu.memory_space<hbm>>) target(%arg19 : memref<32x128xf32, #tpu.memory_space<vmem>>) offsets(%dma_start3A_742 : memref<32xi32, #tpu.memory_space<vmem>>) semaphore(%arg28 : memref<!tpu.dma_semaphore, #tpu.memory_space<semaphore_mem>>)
      } else {
      }
      %while3A_735 = arith.constant 0 : i32
      scf.yield %while3A_735 : i32
    }
    %add3A_367 = arith.constant 80 : i32
    %add3A_368 = arith.addi %mul3A_2, %add3A_367 : i32
    "tpu.region"() ({
      %run_scoped3A = tpu.sem_alloc : memref<!tpu.dma_semaphore, #tpu.memory_space<semaphore_mem>>
      %dma_start3A_675 = arith.constant 0 : i32
      %dma_start3A_676 = arith.constant 0 : i32
      %dma_start3A_677 = tpu.memref_slice %arg20[%dma_start3A_675, %dma_start3A_676] : memref<81x128xf32, #tpu.memory_space<vmem>> -> memref<80x128xf32, #tpu.memory_space<vmem>>
      %dma_start3A_678 = arith.constant 0 : i32
      %dma_start3A_679 = tpu.memref_slice %arg5[%add3A_368, %dma_start3A_678] : memref<10240x128xf32, #tpu.memory_space<hbm>> -> memref<80x128xf32, #tpu.memory_space<hbm>>
      %dma_start3A_680 = arith.constant 0 : i32
      %dma_start3A_681 = tpu.memref_slice %arg5[%add3A_368, %dma_start3A_680] : memref<10240x128xf32, #tpu.memory_space<hbm>> -> memref<80x128xf32, #tpu.memory_space<hbm>>
      %dma_start3A_682 = arith.constant 0 : i32
      %dma_start3A_683 = arith.constant 0 : i32
      %dma_start3A_684 = tpu.memref_slice %arg20[%dma_start3A_682, %dma_start3A_683] : memref<81x128xf32, #tpu.memory_space<vmem>> -> memref<80x128xf32, #tpu.memory_space<vmem>>
      tpu.enqueue_dma source(%dma_start3A_684 : memref<80x128xf32, #tpu.memory_space<vmem>>) target(%dma_start3A_681 : memref<80x128xf32, #tpu.memory_space<hbm>>) target_semaphore(%run_scoped3A : memref<!tpu.dma_semaphore, #tpu.memory_space<semaphore_mem>>)
      %dma_wait3A = arith.constant 0 : i32
      %dma_wait3A_685 = arith.constant 0 : i32
      %dma_wait3A_686 = tpu.memref_slice %arg20[%dma_wait3A, %dma_wait3A_685] : memref<81x128xf32, #tpu.memory_space<vmem>> -> memref<80x128xf32, #tpu.memory_space<vmem>>
      %dma_wait3A_687 = arith.constant 0 : i32
      %dma_wait3A_688 = tpu.memref_slice %arg5[%add3A_368, %dma_wait3A_687] : memref<10240x128xf32, #tpu.memory_space<hbm>> -> memref<80x128xf32, #tpu.memory_space<hbm>>
      %dma_wait3A_689 = arith.constant 0 : i32
      %dma_wait3A_690 = tpu.memref_slice %arg5[%add3A_368, %dma_wait3A_689] : memref<10240x128xf32, #tpu.memory_space<hbm>> -> memref<80x128xf32, #tpu.memory_space<hbm>>
      %dma_wait3A_691 = arith.constant 0 : i32
      %dma_wait3A_692 = arith.constant 0 : i32
      %dma_wait3A_693 = tpu.memref_slice %arg20[%dma_wait3A_691, %dma_wait3A_692] : memref<81x128xf32, #tpu.memory_space<vmem>> -> memref<80x128xf32, #tpu.memory_space<vmem>>
      tpu.wait_dma2 semaphore(%run_scoped3A : memref<!tpu.dma_semaphore, #tpu.memory_space<semaphore_mem>>) src(%dma_wait3A_693 : memref<80x128xf32, #tpu.memory_space<vmem>>) dst(%dma_wait3A_690 : memref<80x128xf32, #tpu.memory_space<hbm>>)
      tpu.yield
    }) : () -> ()
    "tpu.region"() ({
      %run_scoped3A = tpu.sem_alloc : memref<!tpu.dma_semaphore, #tpu.memory_space<semaphore_mem>>
      %dma_start3A_675 = arith.constant 0 : i32
      %dma_start3A_676 = arith.constant 0 : i32
      %dma_start3A_677 = tpu.memref_slice %arg21[%dma_start3A_675, %dma_start3A_676] : memref<81x128xf32, #tpu.memory_space<vmem>> -> memref<80x128xf32, #tpu.memory_space<vmem>>
      %dma_start3A_678 = arith.constant 0 : i32
      %dma_start3A_679 = tpu.memref_slice %arg6[%add3A_368, %dma_start3A_678] : memref<10240x128xf32, #tpu.memory_space<hbm>> -> memref<80x128xf32, #tpu.memory_space<hbm>>
      %dma_start3A_680 = arith.constant 0 : i32
      %dma_start3A_681 = tpu.memref_slice %arg6[%add3A_368, %dma_start3A_680] : memref<10240x128xf32, #tpu.memory_space<hbm>> -> memref<80x128xf32, #tpu.memory_space<hbm>>
      %dma_start3A_682 = arith.constant 0 : i32
      %dma_start3A_683 = arith.constant 0 : i32
      %dma_start3A_684 = tpu.memref_slice %arg21[%dma_start3A_682, %dma_start3A_683] : memref<81x128xf32, #tpu.memory_space<vmem>> -> memref<80x128xf32, #tpu.memory_space<vmem>>
      tpu.enqueue_dma source(%dma_start3A_684 : memref<80x128xf32, #tpu.memory_space<vmem>>) target(%dma_start3A_681 : memref<80x128xf32, #tpu.memory_space<hbm>>) target_semaphore(%run_scoped3A : memref<!tpu.dma_semaphore, #tpu.memory_space<semaphore_mem>>)
      %dma_wait3A = arith.constant 0 : i32
      %dma_wait3A_685 = arith.constant 0 : i32
      %dma_wait3A_686 = tpu.memref_slice %arg21[%dma_wait3A, %dma_wait3A_685] : memref<81x128xf32, #tpu.memory_space<vmem>> -> memref<80x128xf32, #tpu.memory_space<vmem>>
      %dma_wait3A_687 = arith.constant 0 : i32
      %dma_wait3A_688 = tpu.memref_slice %arg6[%add3A_368, %dma_wait3A_687] : memref<10240x128xf32, #tpu.memory_space<hbm>> -> memref<80x128xf32, #tpu.memory_space<hbm>>
      %dma_wait3A_689 = arith.constant 0 : i32
      %dma_wait3A_690 = tpu.memref_slice %arg6[%add3A_368, %dma_wait3A_689] : memref<10240x128xf32, #tpu.memory_space<hbm>> -> memref<80x128xf32, #tpu.memory_space<hbm>>
      %dma_wait3A_691 = arith.constant 0 : i32
      %dma_wait3A_692 = arith.constant 0 : i32
      %dma_wait3A_693 = tpu.memref_slice %arg21[%dma_wait3A_691, %dma_wait3A_692] : memref<81x128xf32, #tpu.memory_space<vmem>> -> memref<80x128xf32, #tpu.memory_space<vmem>>
      tpu.wait_dma2 semaphore(%run_scoped3A : memref<!tpu.dma_semaphore, #tpu.memory_space<semaphore_mem>>) src(%dma_wait3A_693 : memref<80x128xf32, #tpu.memory_space<vmem>>) dst(%dma_wait3A_690 : memref<80x128xf32, #tpu.memory_space<hbm>>)
      tpu.yield
    }) : () -> ()
    "tpu.region"() ({
      %run_scoped3A = tpu.sem_alloc : memref<!tpu.dma_semaphore, #tpu.memory_space<semaphore_mem>>
      %dma_start3A_675 = arith.constant 0 : i32
      %dma_start3A_676 = arith.constant 0 : i32
      %dma_start3A_677 = tpu.memref_slice %arg22[%dma_start3A_675, %dma_start3A_676] : memref<81x128xf32, #tpu.memory_space<vmem>> -> memref<80x128xf32, #tpu.memory_space<vmem>>
      %dma_start3A_678 = arith.constant 0 : i32
      %dma_start3A_679 = tpu.memref_slice %arg7[%add3A_368, %dma_start3A_678] : memref<10240x128xf32, #tpu.memory_space<hbm>> -> memref<80x128xf32, #tpu.memory_space<hbm>>
      %dma_start3A_680 = arith.constant 0 : i32
      %dma_start3A_681 = tpu.memref_slice %arg7[%add3A_368, %dma_start3A_680] : memref<10240x128xf32, #tpu.memory_space<hbm>> -> memref<80x128xf32, #tpu.memory_space<hbm>>
      %dma_start3A_682 = arith.constant 0 : i32
      %dma_start3A_683 = arith.constant 0 : i32
      %dma_start3A_684 = tpu.memref_slice %arg22[%dma_start3A_682, %dma_start3A_683] : memref<81x128xf32, #tpu.memory_space<vmem>> -> memref<80x128xf32, #tpu.memory_space<vmem>>
      tpu.enqueue_dma source(%dma_start3A_684 : memref<80x128xf32, #tpu.memory_space<vmem>>) target(%dma_start3A_681 : memref<80x128xf32, #tpu.memory_space<hbm>>) target_semaphore(%run_scoped3A : memref<!tpu.dma_semaphore, #tpu.memory_space<semaphore_mem>>)
      %dma_wait3A = arith.constant 0 : i32
      %dma_wait3A_685 = arith.constant 0 : i32
      %dma_wait3A_686 = tpu.memref_slice %arg22[%dma_wait3A, %dma_wait3A_685] : memref<81x128xf32, #tpu.memory_space<vmem>> -> memref<80x128xf32, #tpu.memory_space<vmem>>
      %dma_wait3A_687 = arith.constant 0 : i32
      %dma_wait3A_688 = tpu.memref_slice %arg7[%add3A_368, %dma_wait3A_687] : memref<10240x128xf32, #tpu.memory_space<hbm>> -> memref<80x128xf32, #tpu.memory_space<hbm>>
      %dma_wait3A_689 = arith.constant 0 : i32
      %dma_wait3A_690 = tpu.memref_slice %arg7[%add3A_368, %dma_wait3A_689] : memref<10240x128xf32, #tpu.memory_space<hbm>> -> memref<80x128xf32, #tpu.memory_space<hbm>>
      %dma_wait3A_691 = arith.constant 0 : i32
      %dma_wait3A_692 = arith.constant 0 : i32
      %dma_wait3A_693 = tpu.memref_slice %arg22[%dma_wait3A_691, %dma_wait3A_692] : memref<81x128xf32, #tpu.memory_space<vmem>> -> memref<80x128xf32, #tpu.memory_space<vmem>>
      tpu.wait_dma2 semaphore(%run_scoped3A : memref<!tpu.dma_semaphore, #tpu.memory_space<semaphore_mem>>) src(%dma_wait3A_693 : memref<80x128xf32, #tpu.memory_space<vmem>>) dst(%dma_wait3A_690 : memref<80x128xf32, #tpu.memory_space<hbm>>)
      tpu.yield
    }) : () -> ()
    %scan3A_369 = arith.constant 0 : i32
    %scan3A_370 = arith.constant 0 : i32
    %scan3A_371 = arith.constant 384 : i32
    %scan3A_372 = arith.addi %scan3A_370, %scan3A_371 : i32
    %scan3A_373 = arith.constant 1 : i32
    %scan3A_374 = scf.for %scan3A_675 = %scan3A_370 to %scan3A_372 step %scan3A_373 iter_args(%scan3A_676 = %scan3A_369) -> (i32)  : i32 {
      %mul3A_677 = arith.constant 16 : i32
      %mul3A_678 = arith.muli %scan3A_675, %mul3A_677 : i32
      %broadcast_in_dim3A_679 = arith.constant 80 : i32
      %broadcast_in_dim3A_680 = vector.broadcast %broadcast_in_dim3A_679 : i32 to vector<16xi32>
      %swap3A = arith.index_cast %mul3A_678 : i32 to index
      %swap3A_681 = tpu.vector_load %arg14[%swap3A] {strides = array<i32>} : memref<6144xi32, #tpu.memory_space<vmem>>, vector<16xi32>,
      tpu.vector_store %arg14[%swap3A], %broadcast_in_dim3A_680 {strides = array<i32>} : memref<6144xi32, #tpu.memory_space<vmem>>, vector<16xi32>,
      %mul3A_682 = arith.constant 16 : i32
      %mul3A_683 = arith.muli %scan3A_675, %mul3A_682 : i32
      %broadcast_in_dim3A_684 = vector.broadcast %mul3A_683 : i32 to vector<16xi32>
      %add3A_685 = arith.addi %broadcast_in_dim3A_684, %iota3A : vector<16xi32>
      %swap3A_686 = arith.index_cast %mul3A_678 : i32 to index
      %swap3A_687 = tpu.vector_load %arg15[%swap3A_686] {strides = array<i32>} : memref<6144xi32, #tpu.memory_space<vmem>>, vector<16xi32>,
      tpu.vector_store %arg15[%swap3A_686], %add3A_685 {strides = array<i32>} : memref<6144xi32, #tpu.memory_space<vmem>>, vector<16xi32>,
      %scan3A_688 = arith.constant 0 : i32
      scf.yield %scan3A_688 : i32
    }
    %scan3A_375 = arith.constant 384 : i32
    %scan3A_376 = arith.constant 0 : i32
    %scan3A_377 = arith.constant 0 : i32
    %scan3A_378 = arith.constant 81 : i32
    %scan3A_379 = arith.addi %scan3A_377, %scan3A_378 : i32
    %scan3A_380 = arith.constant 1 : i32
    %scan3A_381 = scf.for %scan3A_675 = %scan3A_377 to %scan3A_379 step %scan3A_380 iter_args(%scan3A_676 = %scan3A_376) -> (i32)  : i32 {
      %broadcast_in_dim3A_677 = arith.constant 0.000000e+00 : f32
      %broadcast_in_dim3A_678 = vector.broadcast %broadcast_in_dim3A_677 : f32 to vector<16xf32>
      %swap3A = arith.index_cast %scan3A_675 : i32 to index
      %swap3A_679 = arith.constant 0 : index
      %swap3A_680 = tpu.vector_load %arg20[%swap3A, %swap3A_679] {strides = array<i32>} : memref<81x128xf32, #tpu.memory_space<vmem>>, vector<16xf32>,
      tpu.vector_store %arg20[%swap3A, %swap3A_679], %broadcast_in_dim3A_678 {strides = array<i32>} : memref<81x128xf32, #tpu.memory_space<vmem>>, vector<16xf32>,
      %broadcast_in_dim3A_681 = arith.constant 0xFF800000 : f32
      %broadcast_in_dim3A_682 = vector.broadcast %broadcast_in_dim3A_681 : f32 to vector<16xf32>
      %swap3A_683 = arith.index_cast %scan3A_675 : i32 to index
      %swap3A_684 = arith.constant 0 : index
      %swap3A_685 = tpu.vector_load %arg21[%swap3A_683, %swap3A_684] {strides = array<i32>} : memref<81x128xf32, #tpu.memory_space<vmem>>, vector<16xf32>,
      tpu.vector_store %arg21[%swap3A_683, %swap3A_684], %broadcast_in_dim3A_682 {strides = array<i32>} : memref<81x128xf32, #tpu.memory_space<vmem>>, vector<16xf32>,
      %broadcast_in_dim3A_686 = arith.constant 0x7F800000 : f32
      %broadcast_in_dim3A_687 = vector.broadcast %broadcast_in_dim3A_686 : f32 to vector<16xf32>
      %swap3A_688 = arith.index_cast %scan3A_675 : i32 to index
      %swap3A_689 = arith.constant 0 : index
      %swap3A_690 = tpu.vector_load %arg22[%swap3A_688, %swap3A_689] {strides = array<i32>} : memref<81x128xf32, #tpu.memory_space<vmem>>, vector<16xf32>,
      tpu.vector_store %arg22[%swap3A_688, %swap3A_689], %broadcast_in_dim3A_687 {strides = array<i32>} : memref<81x128xf32, #tpu.memory_space<vmem>>, vector<16xf32>,
      %broadcast_in_dim3A_691 = arith.constant 0.000000e+00 : f32
      %broadcast_in_dim3A_692 = vector.broadcast %broadcast_in_dim3A_691 : f32 to vector<16xf32>
      %swap3A_693 = arith.index_cast %scan3A_675 : i32 to index
      %swap3A_694 = arith.constant 16 : index
      %swap3A_695 = tpu.vector_load %arg20[%swap3A_693, %swap3A_694] {strides = array<i32>} : memref<81x128xf32, #tpu.memory_space<vmem>>, vector<16xf32>,
      tpu.vector_store %arg20[%swap3A_693, %swap3A_694], %broadcast_in_dim3A_692 {strides = array<i32>} : memref<81x128xf32, #tpu.memory_space<vmem>>, vector<16xf32>,
      %broadcast_in_dim3A_696 = arith.constant 0xFF800000 : f32
      %broadcast_in_dim3A_697 = vector.broadcast %broadcast_in_dim3A_696 : f32 to vector<16xf32>
      %swap3A_698 = arith.index_cast %scan3A_675 : i32 to index
      %swap3A_699 = arith.constant 16 : index
      %swap3A_700 = tpu.vector_load %arg21[%swap3A_698, %swap3A_699] {strides = array<i32>} : memref<81x128xf32, #tpu.memory_space<vmem>>, vector<16xf32>,
      tpu.vector_store %arg21[%swap3A_698, %swap3A_699], %broadcast_in_dim3A_697 {strides = array<i32>} : memref<81x128xf32, #tpu.memory_space<vmem>>, vector<16xf32>,
      %broadcast_in_dim3A_701 = arith.constant 0x7F800000 : f32
      %broadcast_in_dim3A_702 = vector.broadcast %broadcast_in_dim3A_701 : f32 to vector<16xf32>
      %swap3A_703 = arith.index_cast %scan3A_675 : i32 to index
      %swap3A_704 = arith.constant 16 : index
      %swap3A_705 = tpu.vector_load %arg22[%swap3A_703, %swap3A_704] {strides = array<i32>} : memref<81x128xf32, #tpu.memory_space<vmem>>, vector<16xf32>,
      tpu.vector_store %arg22[%swap3A_703, %swap3A_704], %broadcast_in_dim3A_702 {strides = array<i32>} : memref<81x128xf32, #tpu.memory_space<vmem>>, vector<16xf32>,
      %broadcast_in_dim3A_706 = arith.constant 0.000000e+00 : f32
      %broadcast_in_dim3A_707 = vector.broadcast %broadcast_in_dim3A_706 : f32 to vector<16xf32>
      %swap3A_708 = arith.index_cast %scan3A_675 : i32 to index
      %swap3A_709 = arith.constant 32 : index
      %swap3A_710 = tpu.vector_load %arg20[%swap3A_708, %swap3A_709] {strides = array<i32>} : memref<81x128xf32, #tpu.memory_space<vmem>>, vector<16xf32>,
      tpu.vector_store %arg20[%swap3A_708, %swap3A_709], %broadcast_in_dim3A_707 {strides = array<i32>} : memref<81x128xf32, #tpu.memory_space<vmem>>, vector<16xf32>,
      %broadcast_in_dim3A_711 = arith.constant 0xFF800000 : f32
      %broadcast_in_dim3A_712 = vector.broadcast %broadcast_in_dim3A_711 : f32 to vector<16xf32>
      %swap3A_713 = arith.index_cast %scan3A_675 : i32 to index
      %swap3A_714 = arith.constant 32 : index
      %swap3A_715 = tpu.vector_load %arg21[%swap3A_713, %swap3A_714] {strides = array<i32>} : memref<81x128xf32, #tpu.memory_space<vmem>>, vector<16xf32>,
      tpu.vector_store %arg21[%swap3A_713, %swap3A_714], %broadcast_in_dim3A_712 {strides = array<i32>} : memref<81x128xf32, #tpu.memory_space<vmem>>, vector<16xf32>,
      %broadcast_in_dim3A_716 = arith.constant 0x7F800000 : f32
      %broadcast_in_dim3A_717 = vector.broadcast %broadcast_in_dim3A_716 : f32 to vector<16xf32>
      %swap3A_718 = arith.index_cast %scan3A_675 : i32 to index
      %swap3A_719 = arith.constant 32 : index
      %swap3A_720 = tpu.vector_load %arg22[%swap3A_718, %swap3A_719] {strides = array<i32>} : memref<81x128xf32, #tpu.memory_space<vmem>>, vector<16xf32>,
      tpu.vector_store %arg22[%swap3A_718, %swap3A_719], %broadcast_in_dim3A_717 {strides = array<i32>} : memref<81x128xf32, #tpu.memory_space<vmem>>, vector<16xf32>,
      %broadcast_in_dim3A_721 = arith.constant 0.000000e+00 : f32
      %broadcast_in_dim3A_722 = vector.broadcast %broadcast_in_dim3A_721 : f32 to vector<16xf32>
      %swap3A_723 = arith.index_cast %scan3A_675 : i32 to index
      %swap3A_724 = arith.constant 48 : index
      %swap3A_725 = tpu.vector_load %arg20[%swap3A_723, %swap3A_724] {strides = array<i32>} : memref<81x128xf32, #tpu.memory_space<vmem>>, vector<16xf32>,
      tpu.vector_store %arg20[%swap3A_723, %swap3A_724], %broadcast_in_dim3A_722 {strides = array<i32>} : memref<81x128xf32, #tpu.memory_space<vmem>>, vector<16xf32>,
      %broadcast_in_dim3A_726 = arith.constant 0xFF800000 : f32
      %broadcast_in_dim3A_727 = vector.broadcast %broadcast_in_dim3A_726 : f32 to vector<16xf32>
      %swap3A_728 = arith.index_cast %scan3A_675 : i32 to index
      %swap3A_729 = arith.constant 48 : index
      %swap3A_730 = tpu.vector_load %arg21[%swap3A_728, %swap3A_729] {strides = array<i32>} : memref<81x128xf32, #tpu.memory_space<vmem>>, vector<16xf32>,
      tpu.vector_store %arg21[%swap3A_728, %swap3A_729], %broadcast_in_dim3A_727 {strides = array<i32>} : memref<81x128xf32, #tpu.memory_space<vmem>>, vector<16xf32>,
      %broadcast_in_dim3A_731 = arith.constant 0x7F800000 : f32
      %broadcast_in_dim3A_732 = vector.broadcast %broadcast_in_dim3A_731 : f32 to vector<16xf32>
      %swap3A_733 = arith.index_cast %scan3A_675 : i32 to index
      %swap3A_734 = arith.constant 48 : index
      %swap3A_735 = tpu.vector_load %arg22[%swap3A_733, %swap3A_734] {strides = array<i32>} : memref<81x128xf32, #tpu.memory_space<vmem>>, vector<16xf32>,
      tpu.vector_store %arg22[%swap3A_733, %swap3A_734], %broadcast_in_dim3A_732 {strides = array<i32>} : memref<81x128xf32, #tpu.memory_space<vmem>>, vector<16xf32>,
      %broadcast_in_dim3A_736 = arith.constant 0.000000e+00 : f32
      %broadcast_in_dim3A_737 = vector.broadcast %broadcast_in_dim3A_736 : f32 to vector<16xf32>
      %swap3A_738 = arith.index_cast %scan3A_675 : i32 to index
      %swap3A_739 = arith.constant 64 : index
      %swap3A_740 = tpu.vector_load %arg20[%swap3A_738, %swap3A_739] {strides = array<i32>} : memref<81x128xf32, #tpu.memory_space<vmem>>, vector<16xf32>,
      tpu.vector_store %arg20[%swap3A_738, %swap3A_739], %broadcast_in_dim3A_737 {strides = array<i32>} : memref<81x128xf32, #tpu.memory_space<vmem>>, vector<16xf32>,
      %broadcast_in_dim3A_741 = arith.constant 0xFF800000 : f32
      %broadcast_in_dim3A_742 = vector.broadcast %broadcast_in_dim3A_741 : f32 to vector<16xf32>
      %swap3A_743 = arith.index_cast %scan3A_675 : i32 to index
      %swap3A_744 = arith.constant 64 : index
      %swap3A_745 = tpu.vector_load %arg21[%swap3A_743, %swap3A_744] {strides = array<i32>} : memref<81x128xf32, #tpu.memory_space<vmem>>, vector<16xf32>,
      tpu.vector_store %arg21[%swap3A_743, %swap3A_744], %broadcast_in_dim3A_742 {strides = array<i32>} : memref<81x128xf32, #tpu.memory_space<vmem>>, vector<16xf32>,
      %broadcast_in_dim3A_746 = arith.constant 0x7F800000 : f32
      %broadcast_in_dim3A_747 = vector.broadcast %broadcast_in_dim3A_746 : f32 to vector<16xf32>
      %swap3A_748 = arith.index_cast %scan3A_675 : i32 to index
      %swap3A_749 = arith.constant 64 : index
      %swap3A_750 = tpu.vector_load %arg22[%swap3A_748, %swap3A_749] {strides = array<i32>} : memref<81x128xf32, #tpu.memory_space<vmem>>, vector<16xf32>,
      tpu.vector_store %arg22[%swap3A_748, %swap3A_749], %broadcast_in_dim3A_747 {strides = array<i32>} : memref<81x128xf32, #tpu.memory_space<vmem>>, vector<16xf32>,
      %broadcast_in_dim3A_751 = arith.constant 0.000000e+00 : f32
      %broadcast_in_dim3A_752 = vector.broadcast %broadcast_in_dim3A_751 : f32 to vector<16xf32>
      %swap3A_753 = arith.index_cast %scan3A_675 : i32 to index
      %swap3A_754 = arith.constant 80 : index
      %swap3A_755 = tpu.vector_load %arg20[%swap3A_753, %swap3A_754] {strides = array<i32>} : memref<81x128xf32, #tpu.memory_space<vmem>>, vector<16xf32>,
      tpu.vector_store %arg20[%swap3A_753, %swap3A_754], %broadcast_in_dim3A_752 {strides = array<i32>} : memref<81x128xf32, #tpu.memory_space<vmem>>, vector<16xf32>,
      %broadcast_in_dim3A_756 = arith.constant 0xFF800000 : f32
      %broadcast_in_dim3A_757 = vector.broadcast %broadcast_in_dim3A_756 : f32 to vector<16xf32>
      %swap3A_758 = arith.index_cast %scan3A_675 : i32 to index
      %swap3A_759 = arith.constant 80 : index
      %swap3A_760 = tpu.vector_load %arg21[%swap3A_758, %swap3A_759] {strides = array<i32>} : memref<81x128xf32, #tpu.memory_space<vmem>>, vector<16xf32>,
      tpu.vector_store %arg21[%swap3A_758, %swap3A_759], %broadcast_in_dim3A_757 {strides = array<i32>} : memref<81x128xf32, #tpu.memory_space<vmem>>, vector<16xf32>,
      %broadcast_in_dim3A_761 = arith.constant 0x7F800000 : f32
      %broadcast_in_dim3A_762 = vector.broadcast %broadcast_in_dim3A_761 : f32 to vector<16xf32>
      %swap3A_763 = arith.index_cast %scan3A_675 : i32 to index
      %swap3A_764 = arith.constant 80 : index
      %swap3A_765 = tpu.vector_load %arg22[%swap3A_763, %swap3A_764] {strides = array<i32>} : memref<81x128xf32, #tpu.memory_space<vmem>>, vector<16xf32>,
      tpu.vector_store %arg22[%swap3A_763, %swap3A_764], %broadcast_in_dim3A_762 {strides = array<i32>} : memref<81x128xf32, #tpu.memory_space<vmem>>, vector<16xf32>,
      %broadcast_in_dim3A_766 = arith.constant 0.000000e+00 : f32
      %broadcast_in_dim3A_767 = vector.broadcast %broadcast_in_dim3A_766 : f32 to vector<16xf32>
      %swap3A_768 = arith.index_cast %scan3A_675 : i32 to index
      %swap3A_769 = arith.constant 96 : index
      %swap3A_770 = tpu.vector_load %arg20[%swap3A_768, %swap3A_769] {strides = array<i32>} : memref<81x128xf32, #tpu.memory_space<vmem>>, vector<16xf32>,
      tpu.vector_store %arg20[%swap3A_768, %swap3A_769], %broadcast_in_dim3A_767 {strides = array<i32>} : memref<81x128xf32, #tpu.memory_space<vmem>>, vector<16xf32>,
      %broadcast_in_dim3A_771 = arith.constant 0xFF800000 : f32
      %broadcast_in_dim3A_772 = vector.broadcast %broadcast_in_dim3A_771 : f32 to vector<16xf32>
      %swap3A_773 = arith.index_cast %scan3A_675 : i32 to index
      %swap3A_774 = arith.constant 96 : index
      %swap3A_775 = tpu.vector_load %arg21[%swap3A_773, %swap3A_774] {strides = array<i32>} : memref<81x128xf32, #tpu.memory_space<vmem>>, vector<16xf32>,
      tpu.vector_store %arg21[%swap3A_773, %swap3A_774], %broadcast_in_dim3A_772 {strides = array<i32>} : memref<81x128xf32, #tpu.memory_space<vmem>>, vector<16xf32>,
      %broadcast_in_dim3A_776 = arith.constant 0x7F800000 : f32
      %broadcast_in_dim3A_777 = vector.broadcast %broadcast_in_dim3A_776 : f32 to vector<16xf32>
      %swap3A_778 = arith.index_cast %scan3A_675 : i32 to index
      %swap3A_779 = arith.constant 96 : index
      %swap3A_780 = tpu.vector_load %arg22[%swap3A_778, %swap3A_779] {strides = array<i32>} : memref<81x128xf32, #tpu.memory_space<vmem>>, vector<16xf32>,
      tpu.vector_store %arg22[%swap3A_778, %swap3A_779], %broadcast_in_dim3A_777 {strides = array<i32>} : memref<81x128xf32, #tpu.memory_space<vmem>>, vector<16xf32>,
      %broadcast_in_dim3A_781 = arith.constant 0.000000e+00 : f32
      %broadcast_in_dim3A_782 = vector.broadcast %broadcast_in_dim3A_781 : f32 to vector<16xf32>
      %swap3A_783 = arith.index_cast %scan3A_675 : i32 to index
      %swap3A_784 = arith.constant 112 : index
      %swap3A_785 = tpu.vector_load %arg20[%swap3A_783, %swap3A_784] {strides = array<i32>} : memref<81x128xf32, #tpu.memory_space<vmem>>, vector<16xf32>,
      tpu.vector_store %arg20[%swap3A_783, %swap3A_784], %broadcast_in_dim3A_782 {strides = array<i32>} : memref<81x128xf32, #tpu.memory_space<vmem>>, vector<16xf32>,
      %broadcast_in_dim3A_786 = arith.constant 0xFF800000 : f32
      %broadcast_in_dim3A_787 = vector.broadcast %broadcast_in_dim3A_786 : f32 to vector<16xf32>
      %swap3A_788 = arith.index_cast %scan3A_675 : i32 to index
      %swap3A_789 = arith.constant 112 : index
      %swap3A_790 = tpu.vector_load %arg21[%swap3A_788, %swap3A_789] {strides = array<i32>} : memref<81x128xf32, #tpu.memory_space<vmem>>, vector<16xf32>,
      tpu.vector_store %arg21[%swap3A_788, %swap3A_789], %broadcast_in_dim3A_787 {strides = array<i32>} : memref<81x128xf32, #tpu.memory_space<vmem>>, vector<16xf32>,
      %broadcast_in_dim3A_791 = arith.constant 0x7F800000 : f32
      %broadcast_in_dim3A_792 = vector.broadcast %broadcast_in_dim3A_791 : f32 to vector<16xf32>
      %swap3A_793 = arith.index_cast %scan3A_675 : i32 to index
      %swap3A_794 = arith.constant 112 : index
      %swap3A_795 = tpu.vector_load %arg22[%swap3A_793, %swap3A_794] {strides = array<i32>} : memref<81x128xf32, #tpu.memory_space<vmem>>, vector<16xf32>,
      tpu.vector_store %arg22[%swap3A_793, %swap3A_794], %broadcast_in_dim3A_792 {strides = array<i32>} : memref<81x128xf32, #tpu.memory_space<vmem>>, vector<16xf32>,
      %scan3A_796 = arith.constant 0 : i32
      scf.yield %scan3A_796 : i32
    }
    %scan3A_382 = arith.constant 81 : i32
    %add3A_383 = arith.constant 3 : i32
    %add3A_384 = arith.addi %min3A, %add3A_383 : i32
    %jit3A_385 = arith.constant 4 : i32
    %div3A_386 = arith.divsi %add3A_384, %jit3A_385 : i32
    %sign3A_387 = arith.constant 0 : i32
    %sign3A_388 = arith.cmpi sgt, %add3A_384, %sign3A_387 : i32
    %sign3A_389 = arith.extui %sign3A_388 : i1 to i32
    %sign3A_390 = arith.constant 0 : i32
    %sign3A_391 = arith.cmpi slt, %add3A_384, %sign3A_390 : i32
    %sign3A_392 = arith.extui %sign3A_391 : i1 to i32
    %sign3A_393 = arith.subi %sign3A_389, %sign3A_392 : i32
    %sign3A_394 = arith.constant 0 : i32
    %sign3A_395 = arith.cmpi sgt, %jit3A_385, %sign3A_394 : i32
    %sign3A_396 = arith.extui %sign3A_395 : i1 to i32
    %sign3A_397 = arith.constant 0 : i32
    %sign3A_398 = arith.cmpi slt, %jit3A_385, %sign3A_397 : i32
    %sign3A_399 = arith.extui %sign3A_398 : i1 to i32
    %sign3A_400 = arith.subi %sign3A_396, %sign3A_399 : i32
    %ne3A_401 = arith.cmpi ne, %sign3A_393, %sign3A_400 : i32
    %rem3A_402 = arith.remsi %add3A_384, %jit3A_385 : i32
    %ne3A_403 = arith.constant 0 : i32
    %ne3A_404 = arith.cmpi ne, %rem3A_402, %ne3A_403 : i32
    %and3A_405 = arith.andi %ne3A_401, %ne3A_404 : i1
    %sub3A_406 = arith.constant 1 : i32
    %sub3A_407 = arith.subi %div3A_386, %sub3A_406 : i32
    %select_n3A_408 = arith.select %and3A_405, %sub3A_407, %div3A_386 : i32
    %broadcast_in_dim3A_409 = arith.constant 0 : i32
    %broadcast_in_dim3A_410 = vector.broadcast %broadcast_in_dim3A_409 : i32 to vector<16xi32>
    %while3A_411 = arith.constant 0 : i32
    %while3A_412 = arith.subi %select_n3A_408, %while3A_411 : i32
    %while3A_413 = arith.addi %while3A_411, %while3A_412 : i32
    %while3A_414 = arith.constant 1 : i32
    %while3A_415 = arith.divsi %while3A_412, %while3A_414 : i32
    %while3A_416 = arith.muli %while3A_415, %while3A_414 : i32
    %while3A_417 = arith.addi %while3A_411, %while3A_416 : i32
    %while3A_418 = arith.constant 1 : i32
    %while3A_419 = scf.for %while3A_675 = %while3A_411 to %while3A_417 step %while3A_418 iter_args(%while3A_676 = %broadcast_in_dim3A_410) -> (vector<16xi32>)  : i32 {
      %mul3A_677 = arith.constant 4 : i32
      %mul3A_678 = arith.muli %while3A_675, %mul3A_677 : i32
      %add3A_679 = arith.constant 0 : i32
      %add3A_680 = arith.addi %mul3A_678, %add3A_679 : i32
      %mul3A_681 = arith.constant 16 : i32
      %mul3A_682 = arith.muli %add3A_680, %mul3A_681 : i32
      %get3A = arith.index_cast %mul3A_682 : i32 to index
      %get3A_683 = tpu.vector_load %arg12[%get3A] {strides = array<i32>} : memref<16384xi32, #tpu.memory_space<vmem>>, vector<16xi32>,
      %mul3A_684 = arith.constant 16 : i32
      %mul3A_685 = arith.muli %add3A_680, %mul3A_684 : i32
      %get3A_686 = arith.index_cast %mul3A_685 : i32 to index
      %get3A_687 = tpu.vector_load %arg13[%get3A_686] {strides = array<i32>} : memref<16384xi32, #tpu.memory_space<vmem>>, vector<16xi32>,
      %sub3A_688 = arith.constant 160 : i32
      %sub3A_689 = vector.broadcast %sub3A_688 : i32 to vector<16xi32>
      %sub3A_690 = arith.subi %get3A_683, %sub3A_689 : vector<16xi32>
      %ge3A = arith.constant 0 : i32
      %ge3A_691 = vector.broadcast %ge3A : i32 to vector<16xi32>
      %ge3A_692 = arith.cmpi sge, %sub3A_690, %ge3A_691 : vector<16xi32>
      %lt3A = arith.constant 80 : i32
      %lt3A_693 = vector.broadcast %lt3A : i32 to vector<16xi32>
      %lt3A_694 = arith.cmpi slt, %sub3A_690, %lt3A_693 : vector<16xi32>
      %and3A_695 = arith.andi %ge3A_692, %lt3A_694 : vector<16xi1>
      %convert_element_type3A = arith.extui %and3A_695 : vector<16xi1> to vector<16xi32>
      %broadcast_in_dim3A_696 = arith.constant true
      %broadcast_in_dim3A_697 = vector.broadcast %broadcast_in_dim3A_696 : i1 to vector<16xi1>
      %masked_cumsum3A = tpu.scan <sum>, %convert_element_type3A masked %broadcast_in_dim3A_697 : vector<16xi32>, vector<16xi1> -> vector<16xi32>
      %add3A_698 = arith.addi %while3A_676, %masked_cumsum3A : vector<16xi32>
      %sub3A_699 = arith.constant 1 : i32
      %sub3A_700 = vector.broadcast %sub3A_699 : i32 to vector<16xi32>
      %sub3A_701 = arith.subi %add3A_698, %sub3A_700 : vector<16xi32>
      %min3A_702 = arith.constant 6127 : i32
      %min3A_703 = vector.broadcast %min3A_702 : i32 to vector<16xi32>
      %min3A_704 = arith.minsi %sub3A_701, %min3A_703 : vector<16xi32>
      %select_n3A_705 = arith.select %and3A_695, %min3A_704, %add3A_63 : vector<16xi1>, vector<16xi32>
      tpu.vector_store_idx %arg14[%select_n3A_705], %sub3A_690 : memref<6144xi32, #tpu.memory_space<vmem>>[vector<16xi32>], vector<16xi32>,
      tpu.vector_store_idx %arg15[%select_n3A_705], %get3A_687 : memref<6144xi32, #tpu.memory_space<vmem>>[vector<16xi32>], vector<16xi32>,
      %all_reduce_population_count3A = tpu.all_reduce %and3A_695 {dim = 0 : i64, kind = #tpu.reduction_kind<sum>} : vector<16xi1> -> vector<16xi32>
      %add3A_706 = arith.addi %while3A_676, %all_reduce_population_count3A : vector<16xi32>
      %mul3A_707 = arith.constant 4 : i32
      %mul3A_708 = arith.muli %while3A_675, %mul3A_707 : i32
      %add3A_709 = arith.constant 1 : i32
      %add3A_710 = arith.addi %mul3A_708, %add3A_709 : i32
      %mul3A_711 = arith.constant 16 : i32
      %mul3A_712 = arith.muli %add3A_710, %mul3A_711 : i32
      %get3A_713 = arith.index_cast %mul3A_712 : i32 to index
      %get3A_714 = tpu.vector_load %arg12[%get3A_713] {strides = array<i32>} : memref<16384xi32, #tpu.memory_space<vmem>>, vector<16xi32>,
      %mul3A_715 = arith.constant 16 : i32
      %mul3A_716 = arith.muli %add3A_710, %mul3A_715 : i32
      %get3A_717 = arith.index_cast %mul3A_716 : i32 to index
      %get3A_718 = tpu.vector_load %arg13[%get3A_717] {strides = array<i32>} : memref<16384xi32, #tpu.memory_space<vmem>>, vector<16xi32>,
      %sub3A_719 = arith.constant 160 : i32
      %sub3A_720 = vector.broadcast %sub3A_719 : i32 to vector<16xi32>
      %sub3A_721 = arith.subi %get3A_714, %sub3A_720 : vector<16xi32>
      %ge3A_722 = arith.constant 0 : i32
      %ge3A_723 = vector.broadcast %ge3A_722 : i32 to vector<16xi32>
      %ge3A_724 = arith.cmpi sge, %sub3A_721, %ge3A_723 : vector<16xi32>
      %lt3A_725 = arith.constant 80 : i32
      %lt3A_726 = vector.broadcast %lt3A_725 : i32 to vector<16xi32>
      %lt3A_727 = arith.cmpi slt, %sub3A_721, %lt3A_726 : vector<16xi32>
      %and3A_728 = arith.andi %ge3A_724, %lt3A_727 : vector<16xi1>
      %convert_element_type3A_729 = arith.extui %and3A_728 : vector<16xi1> to vector<16xi32>
      %broadcast_in_dim3A_730 = arith.constant true
      %broadcast_in_dim3A_731 = vector.broadcast %broadcast_in_dim3A_730 : i1 to vector<16xi1>
      %masked_cumsum3A_732 = tpu.scan <sum>, %convert_element_type3A_729 masked %broadcast_in_dim3A_731 : vector<16xi32>, vector<16xi1> -> vector<16xi32>
      %add3A_733 = arith.addi %add3A_706, %masked_cumsum3A_732 : vector<16xi32>
      %sub3A_734 = arith.constant 1 : i32
      %sub3A_735 = vector.broadcast %sub3A_734 : i32 to vector<16xi32>
      %sub3A_736 = arith.subi %add3A_733, %sub3A_735 : vector<16xi32>
      %min3A_737 = arith.constant 6127 : i32
      %min3A_738 = vector.broadcast %min3A_737 : i32 to vector<16xi32>
      %min3A_739 = arith.minsi %sub3A_736, %min3A_738 : vector<16xi32>
      %select_n3A_740 = arith.select %and3A_728, %min3A_739, %add3A_63 : vector<16xi1>, vector<16xi32>
      tpu.vector_store_idx %arg14[%select_n3A_740], %sub3A_721 : memref<6144xi32, #tpu.memory_space<vmem>>[vector<16xi32>], vector<16xi32>,
      tpu.vector_store_idx %arg15[%select_n3A_740], %get3A_718 : memref<6144xi32, #tpu.memory_space<vmem>>[vector<16xi32>], vector<16xi32>,
      %all_reduce_population_count3A_741 = tpu.all_reduce %and3A_728 {dim = 0 : i64, kind = #tpu.reduction_kind<sum>} : vector<16xi1> -> vector<16xi32>
      %add3A_742 = arith.addi %add3A_706, %all_reduce_population_count3A_741 : vector<16xi32>
      %mul3A_743 = arith.constant 4 : i32
      %mul3A_744 = arith.muli %while3A_675, %mul3A_743 : i32
      %add3A_745 = arith.constant 2 : i32
      %add3A_746 = arith.addi %mul3A_744, %add3A_745 : i32
      %mul3A_747 = arith.constant 16 : i32
      %mul3A_748 = arith.muli %add3A_746, %mul3A_747 : i32
      %get3A_749 = arith.index_cast %mul3A_748 : i32 to index
      %get3A_750 = tpu.vector_load %arg12[%get3A_749] {strides = array<i32>} : memref<16384xi32, #tpu.memory_space<vmem>>, vector<16xi32>,
      %mul3A_751 = arith.constant 16 : i32
      %mul3A_752 = arith.muli %add3A_746, %mul3A_751 : i32
      %get3A_753 = arith.index_cast %mul3A_752 : i32 to index
      %get3A_754 = tpu.vector_load %arg13[%get3A_753] {strides = array<i32>} : memref<16384xi32, #tpu.memory_space<vmem>>, vector<16xi32>,
      %sub3A_755 = arith.constant 160 : i32
      %sub3A_756 = vector.broadcast %sub3A_755 : i32 to vector<16xi32>
      %sub3A_757 = arith.subi %get3A_750, %sub3A_756 : vector<16xi32>
      %ge3A_758 = arith.constant 0 : i32
      %ge3A_759 = vector.broadcast %ge3A_758 : i32 to vector<16xi32>
      %ge3A_760 = arith.cmpi sge, %sub3A_757, %ge3A_759 : vector<16xi32>
      %lt3A_761 = arith.constant 80 : i32
      %lt3A_762 = vector.broadcast %lt3A_761 : i32 to vector<16xi32>
      %lt3A_763 = arith.cmpi slt, %sub3A_757, %lt3A_762 : vector<16xi32>
      %and3A_764 = arith.andi %ge3A_760, %lt3A_763 : vector<16xi1>
      %convert_element_type3A_765 = arith.extui %and3A_764 : vector<16xi1> to vector<16xi32>
      %broadcast_in_dim3A_766 = arith.constant true
      %broadcast_in_dim3A_767 = vector.broadcast %broadcast_in_dim3A_766 : i1 to vector<16xi1>
      %masked_cumsum3A_768 = tpu.scan <sum>, %convert_element_type3A_765 masked %broadcast_in_dim3A_767 : vector<16xi32>, vector<16xi1> -> vector<16xi32>
      %add3A_769 = arith.addi %add3A_742, %masked_cumsum3A_768 : vector<16xi32>
      %sub3A_770 = arith.constant 1 : i32
      %sub3A_771 = vector.broadcast %sub3A_770 : i32 to vector<16xi32>
      %sub3A_772 = arith.subi %add3A_769, %sub3A_771 : vector<16xi32>
      %min3A_773 = arith.constant 6127 : i32
      %min3A_774 = vector.broadcast %min3A_773 : i32 to vector<16xi32>
      %min3A_775 = arith.minsi %sub3A_772, %min3A_774 : vector<16xi32>
      %select_n3A_776 = arith.select %and3A_764, %min3A_775, %add3A_63 : vector<16xi1>, vector<16xi32>
      tpu.vector_store_idx %arg14[%select_n3A_776], %sub3A_757 : memref<6144xi32, #tpu.memory_space<vmem>>[vector<16xi32>], vector<16xi32>,
      tpu.vector_store_idx %arg15[%select_n3A_776], %get3A_754 : memref<6144xi32, #tpu.memory_space<vmem>>[vector<16xi32>], vector<16xi32>,
      %all_reduce_population_count3A_777 = tpu.all_reduce %and3A_764 {dim = 0 : i64, kind = #tpu.reduction_kind<sum>} : vector<16xi1> -> vector<16xi32>
      %add3A_778 = arith.addi %add3A_742, %all_reduce_population_count3A_777 : vector<16xi32>
      %mul3A_779 = arith.constant 4 : i32
      %mul3A_780 = arith.muli %while3A_675, %mul3A_779 : i32
      %add3A_781 = arith.constant 3 : i32
      %add3A_782 = arith.addi %mul3A_780, %add3A_781 : i32
      %mul3A_783 = arith.constant 16 : i32
      %mul3A_784 = arith.muli %add3A_782, %mul3A_783 : i32
      %get3A_785 = arith.index_cast %mul3A_784 : i32 to index
      %get3A_786 = tpu.vector_load %arg12[%get3A_785] {strides = array<i32>} : memref<16384xi32, #tpu.memory_space<vmem>>, vector<16xi32>,
      %mul3A_787 = arith.constant 16 : i32
      %mul3A_788 = arith.muli %add3A_782, %mul3A_787 : i32
      %get3A_789 = arith.index_cast %mul3A_788 : i32 to index
      %get3A_790 = tpu.vector_load %arg13[%get3A_789] {strides = array<i32>} : memref<16384xi32, #tpu.memory_space<vmem>>, vector<16xi32>,
      %sub3A_791 = arith.constant 160 : i32
      %sub3A_792 = vector.broadcast %sub3A_791 : i32 to vector<16xi32>
      %sub3A_793 = arith.subi %get3A_786, %sub3A_792 : vector<16xi32>
      %ge3A_794 = arith.constant 0 : i32
      %ge3A_795 = vector.broadcast %ge3A_794 : i32 to vector<16xi32>
      %ge3A_796 = arith.cmpi sge, %sub3A_793, %ge3A_795 : vector<16xi32>
      %lt3A_797 = arith.constant 80 : i32
      %lt3A_798 = vector.broadcast %lt3A_797 : i32 to vector<16xi32>
      %lt3A_799 = arith.cmpi slt, %sub3A_793, %lt3A_798 : vector<16xi32>
      %and3A_800 = arith.andi %ge3A_796, %lt3A_799 : vector<16xi1>
      %convert_element_type3A_801 = arith.extui %and3A_800 : vector<16xi1> to vector<16xi32>
      %broadcast_in_dim3A_802 = arith.constant true
      %broadcast_in_dim3A_803 = vector.broadcast %broadcast_in_dim3A_802 : i1 to vector<16xi1>
      %masked_cumsum3A_804 = tpu.scan <sum>, %convert_element_type3A_801 masked %broadcast_in_dim3A_803 : vector<16xi32>, vector<16xi1> -> vector<16xi32>
      %add3A_805 = arith.addi %add3A_778, %masked_cumsum3A_804 : vector<16xi32>
      %sub3A_806 = arith.constant 1 : i32
      %sub3A_807 = vector.broadcast %sub3A_806 : i32 to vector<16xi32>
      %sub3A_808 = arith.subi %add3A_805, %sub3A_807 : vector<16xi32>
      %min3A_809 = arith.constant 6127 : i32
      %min3A_810 = vector.broadcast %min3A_809 : i32 to vector<16xi32>
      %min3A_811 = arith.minsi %sub3A_808, %min3A_810 : vector<16xi32>
      %select_n3A_812 = arith.select %and3A_800, %min3A_811, %add3A_63 : vector<16xi1>, vector<16xi32>
      tpu.vector_store_idx %arg14[%select_n3A_812], %sub3A_793 : memref<6144xi32, #tpu.memory_space<vmem>>[vector<16xi32>], vector<16xi32>,
      tpu.vector_store_idx %arg15[%select_n3A_812], %get3A_790 : memref<6144xi32, #tpu.memory_space<vmem>>[vector<16xi32>], vector<16xi32>,
      %all_reduce_population_count3A_813 = tpu.all_reduce %and3A_800 {dim = 0 : i64, kind = #tpu.reduction_kind<sum>} : vector<16xi1> -> vector<16xi32>
      %add3A_814 = arith.addi %add3A_778, %all_reduce_population_count3A_813 : vector<16xi32>
      scf.yield %add3A_814 : vector<16xi32>
    }
    %while3A_420 = arith.constant 1 : i32
    %while3A_421 = scf.for %while3A_675 = %while3A_417 to %while3A_413 step %while3A_420 iter_args(%while3A_676 = %while3A_419) -> (vector<16xi32>)  : i32 {
      %mul3A_677 = arith.constant 4 : i32
      %mul3A_678 = arith.muli %while3A_675, %mul3A_677 : i32
      %add3A_679 = arith.constant 0 : i32
      %add3A_680 = arith.addi %mul3A_678, %add3A_679 : i32
      %mul3A_681 = arith.constant 16 : i32
      %mul3A_682 = arith.muli %add3A_680, %mul3A_681 : i32
      %get3A = arith.index_cast %mul3A_682 : i32 to index
      %get3A_683 = tpu.vector_load %arg12[%get3A] {strides = array<i32>} : memref<16384xi32, #tpu.memory_space<vmem>>, vector<16xi32>,
      %mul3A_684 = arith.constant 16 : i32
      %mul3A_685 = arith.muli %add3A_680, %mul3A_684 : i32
      %get3A_686 = arith.index_cast %mul3A_685 : i32 to index
      %get3A_687 = tpu.vector_load %arg13[%get3A_686] {strides = array<i32>} : memref<16384xi32, #tpu.memory_space<vmem>>, vector<16xi32>,
      %sub3A_688 = arith.constant 160 : i32
      %sub3A_689 = vector.broadcast %sub3A_688 : i32 to vector<16xi32>
      %sub3A_690 = arith.subi %get3A_683, %sub3A_689 : vector<16xi32>
      %ge3A = arith.constant 0 : i32
      %ge3A_691 = vector.broadcast %ge3A : i32 to vector<16xi32>
      %ge3A_692 = arith.cmpi sge, %sub3A_690, %ge3A_691 : vector<16xi32>
      %lt3A = arith.constant 80 : i32
      %lt3A_693 = vector.broadcast %lt3A : i32 to vector<16xi32>
      %lt3A_694 = arith.cmpi slt, %sub3A_690, %lt3A_693 : vector<16xi32>
      %and3A_695 = arith.andi %ge3A_692, %lt3A_694 : vector<16xi1>
      %convert_element_type3A = arith.extui %and3A_695 : vector<16xi1> to vector<16xi32>
      %broadcast_in_dim3A_696 = arith.constant true
      %broadcast_in_dim3A_697 = vector.broadcast %broadcast_in_dim3A_696 : i1 to vector<16xi1>
      %masked_cumsum3A = tpu.scan <sum>, %convert_element_type3A masked %broadcast_in_dim3A_697 : vector<16xi32>, vector<16xi1> -> vector<16xi32>
      %add3A_698 = arith.addi %while3A_676, %masked_cumsum3A : vector<16xi32>
      %sub3A_699 = arith.constant 1 : i32
      %sub3A_700 = vector.broadcast %sub3A_699 : i32 to vector<16xi32>
      %sub3A_701 = arith.subi %add3A_698, %sub3A_700 : vector<16xi32>
      %min3A_702 = arith.constant 6127 : i32
      %min3A_703 = vector.broadcast %min3A_702 : i32 to vector<16xi32>
      %min3A_704 = arith.minsi %sub3A_701, %min3A_703 : vector<16xi32>
      %select_n3A_705 = arith.select %and3A_695, %min3A_704, %add3A_63 : vector<16xi1>, vector<16xi32>
      tpu.vector_store_idx %arg14[%select_n3A_705], %sub3A_690 : memref<6144xi32, #tpu.memory_space<vmem>>[vector<16xi32>], vector<16xi32>,
      tpu.vector_store_idx %arg15[%select_n3A_705], %get3A_687 : memref<6144xi32, #tpu.memory_space<vmem>>[vector<16xi32>], vector<16xi32>,
      %all_reduce_population_count3A = tpu.all_reduce %and3A_695 {dim = 0 : i64, kind = #tpu.reduction_kind<sum>} : vector<16xi1> -> vector<16xi32>
      %add3A_706 = arith.addi %while3A_676, %all_reduce_population_count3A : vector<16xi32>
      %mul3A_707 = arith.constant 4 : i32
      %mul3A_708 = arith.muli %while3A_675, %mul3A_707 : i32
      %add3A_709 = arith.constant 1 : i32
      %add3A_710 = arith.addi %mul3A_708, %add3A_709 : i32
      %mul3A_711 = arith.constant 16 : i32
      %mul3A_712 = arith.muli %add3A_710, %mul3A_711 : i32
      %get3A_713 = arith.index_cast %mul3A_712 : i32 to index
      %get3A_714 = tpu.vector_load %arg12[%get3A_713] {strides = array<i32>} : memref<16384xi32, #tpu.memory_space<vmem>>, vector<16xi32>,
      %mul3A_715 = arith.constant 16 : i32
      %mul3A_716 = arith.muli %add3A_710, %mul3A_715 : i32
      %get3A_717 = arith.index_cast %mul3A_716 : i32 to index
      %get3A_718 = tpu.vector_load %arg13[%get3A_717] {strides = array<i32>} : memref<16384xi32, #tpu.memory_space<vmem>>, vector<16xi32>,
      %sub3A_719 = arith.constant 160 : i32
      %sub3A_720 = vector.broadcast %sub3A_719 : i32 to vector<16xi32>
      %sub3A_721 = arith.subi %get3A_714, %sub3A_720 : vector<16xi32>
      %ge3A_722 = arith.constant 0 : i32
      %ge3A_723 = vector.broadcast %ge3A_722 : i32 to vector<16xi32>
      %ge3A_724 = arith.cmpi sge, %sub3A_721, %ge3A_723 : vector<16xi32>
      %lt3A_725 = arith.constant 80 : i32
      %lt3A_726 = vector.broadcast %lt3A_725 : i32 to vector<16xi32>
      %lt3A_727 = arith.cmpi slt, %sub3A_721, %lt3A_726 : vector<16xi32>
      %and3A_728 = arith.andi %ge3A_724, %lt3A_727 : vector<16xi1>
      %convert_element_type3A_729 = arith.extui %and3A_728 : vector<16xi1> to vector<16xi32>
      %broadcast_in_dim3A_730 = arith.constant true
      %broadcast_in_dim3A_731 = vector.broadcast %broadcast_in_dim3A_730 : i1 to vector<16xi1>
      %masked_cumsum3A_732 = tpu.scan <sum>, %convert_element_type3A_729 masked %broadcast_in_dim3A_731 : vector<16xi32>, vector<16xi1> -> vector<16xi32>
      %add3A_733 = arith.addi %add3A_706, %masked_cumsum3A_732 : vector<16xi32>
      %sub3A_734 = arith.constant 1 : i32
      %sub3A_735 = vector.broadcast %sub3A_734 : i32 to vector<16xi32>
      %sub3A_736 = arith.subi %add3A_733, %sub3A_735 : vector<16xi32>
      %min3A_737 = arith.constant 6127 : i32
      %min3A_738 = vector.broadcast %min3A_737 : i32 to vector<16xi32>
      %min3A_739 = arith.minsi %sub3A_736, %min3A_738 : vector<16xi32>
      %select_n3A_740 = arith.select %and3A_728, %min3A_739, %add3A_63 : vector<16xi1>, vector<16xi32>
      tpu.vector_store_idx %arg14[%select_n3A_740], %sub3A_721 : memref<6144xi32, #tpu.memory_space<vmem>>[vector<16xi32>], vector<16xi32>,
      tpu.vector_store_idx %arg15[%select_n3A_740], %get3A_718 : memref<6144xi32, #tpu.memory_space<vmem>>[vector<16xi32>], vector<16xi32>,
      %all_reduce_population_count3A_741 = tpu.all_reduce %and3A_728 {dim = 0 : i64, kind = #tpu.reduction_kind<sum>} : vector<16xi1> -> vector<16xi32>
      %add3A_742 = arith.addi %add3A_706, %all_reduce_population_count3A_741 : vector<16xi32>
      %mul3A_743 = arith.constant 4 : i32
      %mul3A_744 = arith.muli %while3A_675, %mul3A_743 : i32
      %add3A_745 = arith.constant 2 : i32
      %add3A_746 = arith.addi %mul3A_744, %add3A_745 : i32
      %mul3A_747 = arith.constant 16 : i32
      %mul3A_748 = arith.muli %add3A_746, %mul3A_747 : i32
      %get3A_749 = arith.index_cast %mul3A_748 : i32 to index
      %get3A_750 = tpu.vector_load %arg12[%get3A_749] {strides = array<i32>} : memref<16384xi32, #tpu.memory_space<vmem>>, vector<16xi32>,
      %mul3A_751 = arith.constant 16 : i32
      %mul3A_752 = arith.muli %add3A_746, %mul3A_751 : i32
      %get3A_753 = arith.index_cast %mul3A_752 : i32 to index
      %get3A_754 = tpu.vector_load %arg13[%get3A_753] {strides = array<i32>} : memref<16384xi32, #tpu.memory_space<vmem>>, vector<16xi32>,
      %sub3A_755 = arith.constant 160 : i32
      %sub3A_756 = vector.broadcast %sub3A_755 : i32 to vector<16xi32>
      %sub3A_757 = arith.subi %get3A_750, %sub3A_756 : vector<16xi32>
      %ge3A_758 = arith.constant 0 : i32
      %ge3A_759 = vector.broadcast %ge3A_758 : i32 to vector<16xi32>
      %ge3A_760 = arith.cmpi sge, %sub3A_757, %ge3A_759 : vector<16xi32>
      %lt3A_761 = arith.constant 80 : i32
      %lt3A_762 = vector.broadcast %lt3A_761 : i32 to vector<16xi32>
      %lt3A_763 = arith.cmpi slt, %sub3A_757, %lt3A_762 : vector<16xi32>
      %and3A_764 = arith.andi %ge3A_760, %lt3A_763 : vector<16xi1>
      %convert_element_type3A_765 = arith.extui %and3A_764 : vector<16xi1> to vector<16xi32>
      %broadcast_in_dim3A_766 = arith.constant true
      %broadcast_in_dim3A_767 = vector.broadcast %broadcast_in_dim3A_766 : i1 to vector<16xi1>
      %masked_cumsum3A_768 = tpu.scan <sum>, %convert_element_type3A_765 masked %broadcast_in_dim3A_767 : vector<16xi32>, vector<16xi1> -> vector<16xi32>
      %add3A_769 = arith.addi %add3A_742, %masked_cumsum3A_768 : vector<16xi32>
      %sub3A_770 = arith.constant 1 : i32
      %sub3A_771 = vector.broadcast %sub3A_770 : i32 to vector<16xi32>
      %sub3A_772 = arith.subi %add3A_769, %sub3A_771 : vector<16xi32>
      %min3A_773 = arith.constant 6127 : i32
      %min3A_774 = vector.broadcast %min3A_773 : i32 to vector<16xi32>
      %min3A_775 = arith.minsi %sub3A_772, %min3A_774 : vector<16xi32>
      %select_n3A_776 = arith.select %and3A_764, %min3A_775, %add3A_63 : vector<16xi1>, vector<16xi32>
      tpu.vector_store_idx %arg14[%select_n3A_776], %sub3A_757 : memref<6144xi32, #tpu.memory_space<vmem>>[vector<16xi32>], vector<16xi32>,
      tpu.vector_store_idx %arg15[%select_n3A_776], %get3A_754 : memref<6144xi32, #tpu.memory_space<vmem>>[vector<16xi32>], vector<16xi32>,
      %all_reduce_population_count3A_777 = tpu.all_reduce %and3A_764 {dim = 0 : i64, kind = #tpu.reduction_kind<sum>} : vector<16xi1> -> vector<16xi32>
      %add3A_778 = arith.addi %add3A_742, %all_reduce_population_count3A_777 : vector<16xi32>
      %mul3A_779 = arith.constant 4 : i32
      %mul3A_780 = arith.muli %while3A_675, %mul3A_779 : i32
      %add3A_781 = arith.constant 3 : i32
      %add3A_782 = arith.addi %mul3A_780, %add3A_781 : i32
      %mul3A_783 = arith.constant 16 : i32
      %mul3A_784 = arith.muli %add3A_782, %mul3A_783 : i32
      %get3A_785 = arith.index_cast %mul3A_784 : i32 to index
      %get3A_786 = tpu.vector_load %arg12[%get3A_785] {strides = array<i32>} : memref<16384xi32, #tpu.memory_space<vmem>>, vector<16xi32>,
      %mul3A_787 = arith.constant 16 : i32
      %mul3A_788 = arith.muli %add3A_782, %mul3A_787 : i32
      %get3A_789 = arith.index_cast %mul3A_788 : i32 to index
      %get3A_790 = tpu.vector_load %arg13[%get3A_789] {strides = array<i32>} : memref<16384xi32, #tpu.memory_space<vmem>>, vector<16xi32>,
      %sub3A_791 = arith.constant 160 : i32
      %sub3A_792 = vector.broadcast %sub3A_791 : i32 to vector<16xi32>
      %sub3A_793 = arith.subi %get3A_786, %sub3A_792 : vector<16xi32>
      %ge3A_794 = arith.constant 0 : i32
      %ge3A_795 = vector.broadcast %ge3A_794 : i32 to vector<16xi32>
      %ge3A_796 = arith.cmpi sge, %sub3A_793, %ge3A_795 : vector<16xi32>
      %lt3A_797 = arith.constant 80 : i32
      %lt3A_798 = vector.broadcast %lt3A_797 : i32 to vector<16xi32>
      %lt3A_799 = arith.cmpi slt, %sub3A_793, %lt3A_798 : vector<16xi32>
      %and3A_800 = arith.andi %ge3A_796, %lt3A_799 : vector<16xi1>
      %convert_element_type3A_801 = arith.extui %and3A_800 : vector<16xi1> to vector<16xi32>
      %broadcast_in_dim3A_802 = arith.constant true
      %broadcast_in_dim3A_803 = vector.broadcast %broadcast_in_dim3A_802 : i1 to vector<16xi1>
      %masked_cumsum3A_804 = tpu.scan <sum>, %convert_element_type3A_801 masked %broadcast_in_dim3A_803 : vector<16xi32>, vector<16xi1> -> vector<16xi32>
      %add3A_805 = arith.addi %add3A_778, %masked_cumsum3A_804 : vector<16xi32>
      %sub3A_806 = arith.constant 1 : i32
      %sub3A_807 = vector.broadcast %sub3A_806 : i32 to vector<16xi32>
      %sub3A_808 = arith.subi %add3A_805, %sub3A_807 : vector<16xi32>
      %min3A_809 = arith.constant 6127 : i32
      %min3A_810 = vector.broadcast %min3A_809 : i32 to vector<16xi32>
      %min3A_811 = arith.minsi %sub3A_808, %min3A_810 : vector<16xi32>
      %select_n3A_812 = arith.select %and3A_800, %min3A_811, %add3A_63 : vector<16xi1>, vector<16xi32>
      tpu.vector_store_idx %arg14[%select_n3A_812], %sub3A_793 : memref<6144xi32, #tpu.memory_space<vmem>>[vector<16xi32>], vector<16xi32>,
      tpu.vector_store_idx %arg15[%select_n3A_812], %get3A_790 : memref<6144xi32, #tpu.memory_space<vmem>>[vector<16xi32>], vector<16xi32>,
      %all_reduce_population_count3A_813 = tpu.all_reduce %and3A_800 {dim = 0 : i64, kind = #tpu.reduction_kind<sum>} : vector<16xi1> -> vector<16xi32>
      %add3A_814 = arith.addi %add3A_778, %all_reduce_population_count3A_813 : vector<16xi32>
      scf.yield %add3A_814 : vector<16xi32>
    }
    %reduce_max3A_422 = arith.constant true
    %reduce_max3A_423 = vector.broadcast %reduce_max3A_422 : i1 to vector<16xi1>
    %reduce_max3A_424 = arith.constant -2147483648 : i32
    %reduce_max3A_425 = vector.broadcast %reduce_max3A_424 : i32 to vector<16xi32>
    %reduce_max3A_426 = arith.xori %while3A_421, %reduce_max3A_425 : vector<16xi32>
    %reduce_max3A_427 = tpu.scan <max>, %reduce_max3A_426 masked %reduce_max3A_423 : vector<16xi32>, vector<16xi1> -> vector<16xi32>
    %reduce_max3A_428 = arith.xori %reduce_max3A_427, %reduce_max3A_425 : vector<16xi32>
    %reduce_max3A_429 = vector.extract %reduce_max3A_428[15] : i32 from vector<16xi32>
    %add3A_430 = arith.constant 128 : i32
    %add3A_431 = arith.addi %reduce_max3A_429, %add3A_430 : i32
    %sub3A_432 = arith.constant 1 : i32
    %sub3A_433 = arith.subi %add3A_431, %sub3A_432 : i32
    %jit3A_434 = arith.constant 128 : i32
    %div3A_435 = arith.divsi %sub3A_433, %jit3A_434 : i32
    %sign3A_436 = arith.constant 0 : i32
    %sign3A_437 = arith.cmpi sgt, %sub3A_433, %sign3A_436 : i32
    %sign3A_438 = arith.extui %sign3A_437 : i1 to i32
    %sign3A_439 = arith.constant 0 : i32
    %sign3A_440 = arith.cmpi slt, %sub3A_433, %sign3A_439 : i32
    %sign3A_441 = arith.extui %sign3A_440 : i1 to i32
    %sign3A_442 = arith.subi %sign3A_438, %sign3A_441 : i32
    %sign3A_443 = arith.constant 0 : i32
    %sign3A_444 = arith.cmpi sgt, %jit3A_434, %sign3A_443 : i32
    %sign3A_445 = arith.extui %sign3A_444 : i1 to i32
    %sign3A_446 = arith.constant 0 : i32
    %sign3A_447 = arith.cmpi slt, %jit3A_434, %sign3A_446 : i32
    %sign3A_448 = arith.extui %sign3A_447 : i1 to i32
    %sign3A_449 = arith.subi %sign3A_445, %sign3A_448 : i32
    %ne3A_450 = arith.cmpi ne, %sign3A_442, %sign3A_449 : i32
    %rem3A_451 = arith.remsi %sub3A_433, %jit3A_434 : i32
    %ne3A_452 = arith.constant 0 : i32
    %ne3A_453 = arith.cmpi ne, %rem3A_451, %ne3A_452 : i32
    %and3A_454 = arith.andi %ne3A_450, %ne3A_453 : i1
    %sub3A_455 = arith.constant 1 : i32
    %sub3A_456 = arith.subi %div3A_435, %sub3A_455 : i32
    %select_n3A_457 = arith.select %and3A_454, %sub3A_456, %div3A_435 : i32
    %mul3A_458 = arith.constant 4 : i32
    %mul3A_459 = arith.muli %select_n3A_457, %mul3A_458 : i32
    %jit3A_460 = arith.constant 4 : i32
    %jit3A_461 = arith.constant 188 : i32
    %max3A_462 = arith.maxsi %jit3A_460, %mul3A_459 : i32
    %min3A_463 = arith.minsi %jit3A_461, %max3A_462 : i32
    %dma_start3A_464 = arith.constant 0 : i32
    %dma_start3A_465 = tpu.memref_slice %arg15[%dma_start3A_464] : memref<6144xi32, #tpu.memory_space<vmem>> -> memref<32xi32, #tpu.memory_space<vmem>>
    %dma_start3A_466 = arith.constant 0 : i32
    %dma_start3A_467 = arith.constant 0 : i32
    %dma_start3A_468 = tpu.memref_slice %arg4[%dma_start3A_466, %dma_start3A_467] : memref<16512x128xf32, #tpu.memory_space<hbm>> -> memref<16512x128xf32, #tpu.memory_space<hbm>>
    tpu.enqueue_indirect_dma source(%dma_start3A_468 : memref<16512x128xf32, #tpu.memory_space<hbm>>) target(%arg16 : memref<32x128xf32, #tpu.memory_space<vmem>>) offsets(%dma_start3A_465 : memref<32xi32, #tpu.memory_space<vmem>>) semaphore(%arg25 : memref<!tpu.dma_semaphore, #tpu.memory_space<semaphore_mem>>)
    %dma_start3A_469 = arith.constant 32 : i32
    %dma_start3A_470 = tpu.memref_slice %arg15[%dma_start3A_469] : memref<6144xi32, #tpu.memory_space<vmem>> -> memref<32xi32, #tpu.memory_space<vmem>>
    %dma_start3A_471 = arith.constant 0 : i32
    %dma_start3A_472 = arith.constant 0 : i32
    %dma_start3A_473 = tpu.memref_slice %arg4[%dma_start3A_471, %dma_start3A_472] : memref<16512x128xf32, #tpu.memory_space<hbm>> -> memref<16512x128xf32, #tpu.memory_space<hbm>>
    tpu.enqueue_indirect_dma source(%dma_start3A_473 : memref<16512x128xf32, #tpu.memory_space<hbm>>) target(%arg17 : memref<32x128xf32, #tpu.memory_space<vmem>>) offsets(%dma_start3A_470 : memref<32xi32, #tpu.memory_space<vmem>>) semaphore(%arg26 : memref<!tpu.dma_semaphore, #tpu.memory_space<semaphore_mem>>)
    %dma_start3A_474 = arith.constant 64 : i32
    %dma_start3A_475 = tpu.memref_slice %arg15[%dma_start3A_474] : memref<6144xi32, #tpu.memory_space<vmem>> -> memref<32xi32, #tpu.memory_space<vmem>>
    %dma_start3A_476 = arith.constant 0 : i32
    %dma_start3A_477 = arith.constant 0 : i32
    %dma_start3A_478 = tpu.memref_slice %arg4[%dma_start3A_476, %dma_start3A_477] : memref<16512x128xf32, #tpu.memory_space<hbm>> -> memref<16512x128xf32, #tpu.memory_space<hbm>>
    tpu.enqueue_indirect_dma source(%dma_start3A_478 : memref<16512x128xf32, #tpu.memory_space<hbm>>) target(%arg18 : memref<32x128xf32, #tpu.memory_space<vmem>>) offsets(%dma_start3A_475 : memref<32xi32, #tpu.memory_space<vmem>>) semaphore(%arg27 : memref<!tpu.dma_semaphore, #tpu.memory_space<semaphore_mem>>)
    %dma_start3A_479 = arith.constant 96 : i32
    %dma_start3A_480 = tpu.memref_slice %arg15[%dma_start3A_479] : memref<6144xi32, #tpu.memory_space<vmem>> -> memref<32xi32, #tpu.memory_space<vmem>>
    %dma_start3A_481 = arith.constant 0 : i32
    %dma_start3A_482 = arith.constant 0 : i32
    %dma_start3A_483 = tpu.memref_slice %arg4[%dma_start3A_481, %dma_start3A_482] : memref<16512x128xf32, #tpu.memory_space<hbm>> -> memref<16512x128xf32, #tpu.memory_space<hbm>>
    tpu.enqueue_indirect_dma source(%dma_start3A_483 : memref<16512x128xf32, #tpu.memory_space<hbm>>) target(%arg19 : memref<32x128xf32, #tpu.memory_space<vmem>>) offsets(%dma_start3A_480 : memref<32xi32, #tpu.memory_space<vmem>>) semaphore(%arg28 : memref<!tpu.dma_semaphore, #tpu.memory_space<semaphore_mem>>)
    %jit3A_484 = arith.constant 4 : i32
    %div3A_485 = arith.divsi %min3A_463, %jit3A_484 : i32
    %sign3A_486 = arith.constant 0 : i32
    %sign3A_487 = arith.cmpi sgt, %min3A_463, %sign3A_486 : i32
    %sign3A_488 = arith.extui %sign3A_487 : i1 to i32
    %sign3A_489 = arith.constant 0 : i32
    %sign3A_490 = arith.cmpi slt, %min3A_463, %sign3A_489 : i32
    %sign3A_491 = arith.extui %sign3A_490 : i1 to i32
    %sign3A_492 = arith.subi %sign3A_488, %sign3A_491 : i32
    %sign3A_493 = arith.constant 0 : i32
    %sign3A_494 = arith.cmpi sgt, %jit3A_484, %sign3A_493 : i32
    %sign3A_495 = arith.extui %sign3A_494 : i1 to i32
    %sign3A_496 = arith.constant 0 : i32
    %sign3A_497 = arith.cmpi slt, %jit3A_484, %sign3A_496 : i32
    %sign3A_498 = arith.extui %sign3A_497 : i1 to i32
    %sign3A_499 = arith.subi %sign3A_495, %sign3A_498 : i32
    %ne3A_500 = arith.cmpi ne, %sign3A_492, %sign3A_499 : i32
    %rem3A_501 = arith.remsi %min3A_463, %jit3A_484 : i32
    %ne3A_502 = arith.constant 0 : i32
    %ne3A_503 = arith.cmpi ne, %rem3A_501, %ne3A_502 : i32
    %and3A_504 = arith.andi %ne3A_500, %ne3A_503 : i1
    %sub3A_505 = arith.constant 1 : i32
    %sub3A_506 = arith.subi %div3A_485, %sub3A_505 : i32
    %select_n3A_507 = arith.select %and3A_504, %sub3A_506, %div3A_485 : i32
    %while3A_508 = arith.constant 0 : i32
    %while3A_509 = arith.constant 0 : i32
    %while3A_510 = arith.subi %select_n3A_507, %while3A_508 : i32
    %while3A_511 = arith.addi %while3A_508, %while3A_510 : i32
    %while3A_512 = arith.constant 1 : i32
    %while3A_513 = arith.divsi %while3A_510, %while3A_512 : i32
    %while3A_514 = arith.muli %while3A_513, %while3A_512 : i32
    %while3A_515 = arith.addi %while3A_508, %while3A_514 : i32
    %while3A_516 = arith.constant 1 : i32
    %while3A_517 = scf.for %while3A_675 = %while3A_508 to %while3A_515 step %while3A_516 iter_args(%while3A_676 = %while3A_509) -> (i32)  : i32 {
      %mul3A_677 = arith.constant 4 : i32
      %mul3A_678 = arith.muli %while3A_675, %mul3A_677 : i32
      %dma_wait3A = arith.constant 0 : i32
      %dma_wait3A_679 = tpu.memref_slice %arg15[%dma_wait3A] : memref<6144xi32, #tpu.memory_space<vmem>> -> memref<32xi32, #tpu.memory_space<vmem>>
      %dma_wait3A_680 = arith.constant 0 : i32
      %dma_wait3A_681 = arith.constant 0 : i32
      %dma_wait3A_682 = tpu.memref_slice %arg4[%dma_wait3A_680, %dma_wait3A_681] : memref<16512x128xf32, #tpu.memory_space<hbm>> -> memref<16512x128xf32, #tpu.memory_space<hbm>>
      tpu.wait_indirect_dma semaphore(%arg25 : memref<!tpu.dma_semaphore, #tpu.memory_space<semaphore_mem>>) src(%dma_wait3A_682 : memref<16512x128xf32, #tpu.memory_space<hbm>>) dst(%arg16 : memref<32x128xf32, #tpu.memory_space<vmem>>)
      %add3A_683 = arith.constant 0 : i32
      %add3A_684 = arith.addi %mul3A_678, %add3A_683 : i32
      %add3A_685 = arith.constant 0 : i32
      %add3A_686 = arith.addi %mul3A_678, %add3A_685 : i32
      %add3A_687 = arith.constant 4 : i32
      %add3A_688 = arith.addi %add3A_686, %add3A_687 : i32
      %lt3A = arith.cmpi slt, %add3A_688, %min3A_463 : i32
      %convert_element_type3A = arith.extui %lt3A : i1 to i32
      %cond3A = arith.constant 0 : i32
      %cond3A_689 = arith.cmpi ne, %convert_element_type3A, %cond3A : i32
      scf.if %cond3A_689 {
        %add3A_736 = arith.constant 0 : i32
        %add3A_737 = arith.addi %mul3A_678, %add3A_736 : i32
        %add3A_738 = arith.constant 4 : i32
        %add3A_739 = arith.addi %add3A_737, %add3A_738 : i32
        %mul3A_740 = arith.constant 32 : i32
        %mul3A_741 = arith.muli %add3A_739, %mul3A_740 : i32
        %dma_start3A_742 = tpu.memref_slice %arg15[%mul3A_741] : memref<6144xi32, #tpu.memory_space<vmem>> -> memref<32xi32, #tpu.memory_space<vmem>>
        %dma_start3A_743 = arith.constant 0 : i32
        %dma_start3A_744 = arith.constant 0 : i32
        %dma_start3A_745 = tpu.memref_slice %arg4[%dma_start3A_743, %dma_start3A_744] : memref<16512x128xf32, #tpu.memory_space<hbm>> -> memref<16512x128xf32, #tpu.memory_space<hbm>>
        tpu.enqueue_indirect_dma source(%dma_start3A_745 : memref<16512x128xf32, #tpu.memory_space<hbm>>) target(%arg16 : memref<32x128xf32, #tpu.memory_space<vmem>>) offsets(%dma_start3A_742 : memref<32xi32, #tpu.memory_space<vmem>>) semaphore(%arg25 : memref<!tpu.dma_semaphore, #tpu.memory_space<semaphore_mem>>)
      } else {
      }
      %dma_wait3A_690 = arith.constant 0 : i32
      %dma_wait3A_691 = tpu.memref_slice %arg15[%dma_wait3A_690] : memref<6144xi32, #tpu.memory_space<vmem>> -> memref<32xi32, #tpu.memory_space<vmem>>
      %dma_wait3A_692 = arith.constant 0 : i32
      %dma_wait3A_693 = arith.constant 0 : i32
      %dma_wait3A_694 = tpu.memref_slice %arg4[%dma_wait3A_692, %dma_wait3A_693] : memref<16512x128xf32, #tpu.memory_space<hbm>> -> memref<16512x128xf32, #tpu.memory_space<hbm>>
      tpu.wait_indirect_dma semaphore(%arg26 : memref<!tpu.dma_semaphore, #tpu.memory_space<semaphore_mem>>) src(%dma_wait3A_694 : memref<16512x128xf32, #tpu.memory_space<hbm>>) dst(%arg17 : memref<32x128xf32, #tpu.memory_space<vmem>>)
      %add3A_695 = arith.constant 1 : i32
      %add3A_696 = arith.addi %mul3A_678, %add3A_695 : i32
      %add3A_697 = arith.constant 1 : i32
      %add3A_698 = arith.addi %mul3A_678, %add3A_697 : i32
      %add3A_699 = arith.constant 4 : i32
      %add3A_700 = arith.addi %add3A_698, %add3A_699 : i32
      %lt3A_701 = arith.cmpi slt, %add3A_700, %min3A_463 : i32
      %convert_element_type3A_702 = arith.extui %lt3A_701 : i1 to i32
      %cond3A_703 = arith.constant 0 : i32
      %cond3A_704 = arith.cmpi ne, %convert_element_type3A_702, %cond3A_703 : i32
      scf.if %cond3A_704 {
        %add3A_736 = arith.constant 1 : i32
        %add3A_737 = arith.addi %mul3A_678, %add3A_736 : i32
        %add3A_738 = arith.constant 4 : i32
        %add3A_739 = arith.addi %add3A_737, %add3A_738 : i32
        %mul3A_740 = arith.constant 32 : i32
        %mul3A_741 = arith.muli %add3A_739, %mul3A_740 : i32
        %dma_start3A_742 = tpu.memref_slice %arg15[%mul3A_741] : memref<6144xi32, #tpu.memory_space<vmem>> -> memref<32xi32, #tpu.memory_space<vmem>>
        %dma_start3A_743 = arith.constant 0 : i32
        %dma_start3A_744 = arith.constant 0 : i32
        %dma_start3A_745 = tpu.memref_slice %arg4[%dma_start3A_743, %dma_start3A_744] : memref<16512x128xf32, #tpu.memory_space<hbm>> -> memref<16512x128xf32, #tpu.memory_space<hbm>>
        tpu.enqueue_indirect_dma source(%dma_start3A_745 : memref<16512x128xf32, #tpu.memory_space<hbm>>) target(%arg17 : memref<32x128xf32, #tpu.memory_space<vmem>>) offsets(%dma_start3A_742 : memref<32xi32, #tpu.memory_space<vmem>>) semaphore(%arg26 : memref<!tpu.dma_semaphore, #tpu.memory_space<semaphore_mem>>)
      } else {
      }
      %dma_wait3A_705 = arith.constant 0 : i32
      %dma_wait3A_706 = tpu.memref_slice %arg15[%dma_wait3A_705] : memref<6144xi32, #tpu.memory_space<vmem>> -> memref<32xi32, #tpu.memory_space<vmem>>
      %dma_wait3A_707 = arith.constant 0 : i32
      %dma_wait3A_708 = arith.constant 0 : i32
      %dma_wait3A_709 = tpu.memref_slice %arg4[%dma_wait3A_707, %dma_wait3A_708] : memref<16512x128xf32, #tpu.memory_space<hbm>> -> memref<16512x128xf32, #tpu.memory_space<hbm>>
      tpu.wait_indirect_dma semaphore(%arg27 : memref<!tpu.dma_semaphore, #tpu.memory_space<semaphore_mem>>) src(%dma_wait3A_709 : memref<16512x128xf32, #tpu.memory_space<hbm>>) dst(%arg18 : memref<32x128xf32, #tpu.memory_space<vmem>>)
      %add3A_710 = arith.constant 2 : i32
      %add3A_711 = arith.addi %mul3A_678, %add3A_710 : i32
      %add3A_712 = arith.constant 2 : i32
      %add3A_713 = arith.addi %mul3A_678, %add3A_712 : i32
      %add3A_714 = arith.constant 4 : i32
      %add3A_715 = arith.addi %add3A_713, %add3A_714 : i32
      %lt3A_716 = arith.cmpi slt, %add3A_715, %min3A_463 : i32
      %convert_element_type3A_717 = arith.extui %lt3A_716 : i1 to i32
      %cond3A_718 = arith.constant 0 : i32
      %cond3A_719 = arith.cmpi ne, %convert_element_type3A_717, %cond3A_718 : i32
      scf.if %cond3A_719 {
        %add3A_736 = arith.constant 2 : i32
        %add3A_737 = arith.addi %mul3A_678, %add3A_736 : i32
        %add3A_738 = arith.constant 4 : i32
        %add3A_739 = arith.addi %add3A_737, %add3A_738 : i32
        %mul3A_740 = arith.constant 32 : i32
        %mul3A_741 = arith.muli %add3A_739, %mul3A_740 : i32
        %dma_start3A_742 = tpu.memref_slice %arg15[%mul3A_741] : memref<6144xi32, #tpu.memory_space<vmem>> -> memref<32xi32, #tpu.memory_space<vmem>>
        %dma_start3A_743 = arith.constant 0 : i32
        %dma_start3A_744 = arith.constant 0 : i32
        %dma_start3A_745 = tpu.memref_slice %arg4[%dma_start3A_743, %dma_start3A_744] : memref<16512x128xf32, #tpu.memory_space<hbm>> -> memref<16512x128xf32, #tpu.memory_space<hbm>>
        tpu.enqueue_indirect_dma source(%dma_start3A_745 : memref<16512x128xf32, #tpu.memory_space<hbm>>) target(%arg18 : memref<32x128xf32, #tpu.memory_space<vmem>>) offsets(%dma_start3A_742 : memref<32xi32, #tpu.memory_space<vmem>>) semaphore(%arg27 : memref<!tpu.dma_semaphore, #tpu.memory_space<semaphore_mem>>)
      } else {
      }
      %dma_wait3A_720 = arith.constant 0 : i32
      %dma_wait3A_721 = tpu.memref_slice %arg15[%dma_wait3A_720] : memref<6144xi32, #tpu.memory_space<vmem>> -> memref<32xi32, #tpu.memory_space<vmem>>
      %dma_wait3A_722 = arith.constant 0 : i32
      %dma_wait3A_723 = arith.constant 0 : i32
      %dma_wait3A_724 = tpu.memref_slice %arg4[%dma_wait3A_722, %dma_wait3A_723] : memref<16512x128xf32, #tpu.memory_space<hbm>> -> memref<16512x128xf32, #tpu.memory_space<hbm>>
      tpu.wait_indirect_dma semaphore(%arg28 : memref<!tpu.dma_semaphore, #tpu.memory_space<semaphore_mem>>) src(%dma_wait3A_724 : memref<16512x128xf32, #tpu.memory_space<hbm>>) dst(%arg19 : memref<32x128xf32, #tpu.memory_space<vmem>>)
      %add3A_725 = arith.constant 3 : i32
      %add3A_726 = arith.addi %mul3A_678, %add3A_725 : i32
      %add3A_727 = arith.constant 3 : i32
      %add3A_728 = arith.addi %mul3A_678, %add3A_727 : i32
      %add3A_729 = arith.constant 4 : i32
      %add3A_730 = arith.addi %add3A_728, %add3A_729 : i32
      %lt3A_731 = arith.cmpi slt, %add3A_730, %min3A_463 : i32
      %convert_element_type3A_732 = arith.extui %lt3A_731 : i1 to i32
      %cond3A_733 = arith.constant 0 : i32
      %cond3A_734 = arith.cmpi ne, %convert_element_type3A_732, %cond3A_733 : i32
      scf.if %cond3A_734 {
        %add3A_736 = arith.constant 3 : i32
        %add3A_737 = arith.addi %mul3A_678, %add3A_736 : i32
        %add3A_738 = arith.constant 4 : i32
        %add3A_739 = arith.addi %add3A_737, %add3A_738 : i32
        %mul3A_740 = arith.constant 32 : i32
        %mul3A_741 = arith.muli %add3A_739, %mul3A_740 : i32
        %dma_start3A_742 = tpu.memref_slice %arg15[%mul3A_741] : memref<6144xi32, #tpu.memory_space<vmem>> -> memref<32xi32, #tpu.memory_space<vmem>>
        %dma_start3A_743 = arith.constant 0 : i32
        %dma_start3A_744 = arith.constant 0 : i32
        %dma_start3A_745 = tpu.memref_slice %arg4[%dma_start3A_743, %dma_start3A_744] : memref<16512x128xf32, #tpu.memory_space<hbm>> -> memref<16512x128xf32, #tpu.memory_space<hbm>>
        tpu.enqueue_indirect_dma source(%dma_start3A_745 : memref<16512x128xf32, #tpu.memory_space<hbm>>) target(%arg19 : memref<32x128xf32, #tpu.memory_space<vmem>>) offsets(%dma_start3A_742 : memref<32xi32, #tpu.memory_space<vmem>>) semaphore(%arg28 : memref<!tpu.dma_semaphore, #tpu.memory_space<semaphore_mem>>)
      } else {
      }
      %while3A_735 = arith.constant 0 : i32
      scf.yield %while3A_735 : i32
    }
    %while3A_518 = arith.constant 1 : i32
    %while3A_519 = scf.for %while3A_675 = %while3A_515 to %while3A_511 step %while3A_518 iter_args(%while3A_676 = %while3A_517) -> (i32)  : i32 {
      %mul3A_677 = arith.constant 4 : i32
      %mul3A_678 = arith.muli %while3A_675, %mul3A_677 : i32
      %dma_wait3A = arith.constant 0 : i32
      %dma_wait3A_679 = tpu.memref_slice %arg15[%dma_wait3A] : memref<6144xi32, #tpu.memory_space<vmem>> -> memref<32xi32, #tpu.memory_space<vmem>>
      %dma_wait3A_680 = arith.constant 0 : i32
      %dma_wait3A_681 = arith.constant 0 : i32
      %dma_wait3A_682 = tpu.memref_slice %arg4[%dma_wait3A_680, %dma_wait3A_681] : memref<16512x128xf32, #tpu.memory_space<hbm>> -> memref<16512x128xf32, #tpu.memory_space<hbm>>
      tpu.wait_indirect_dma semaphore(%arg25 : memref<!tpu.dma_semaphore, #tpu.memory_space<semaphore_mem>>) src(%dma_wait3A_682 : memref<16512x128xf32, #tpu.memory_space<hbm>>) dst(%arg16 : memref<32x128xf32, #tpu.memory_space<vmem>>)
      %add3A_683 = arith.constant 0 : i32
      %add3A_684 = arith.addi %mul3A_678, %add3A_683 : i32
      %add3A_685 = arith.constant 0 : i32
      %add3A_686 = arith.addi %mul3A_678, %add3A_685 : i32
      %add3A_687 = arith.constant 4 : i32
      %add3A_688 = arith.addi %add3A_686, %add3A_687 : i32
      %lt3A = arith.cmpi slt, %add3A_688, %min3A_463 : i32
      %convert_element_type3A = arith.extui %lt3A : i1 to i32
      %cond3A = arith.constant 0 : i32
      %cond3A_689 = arith.cmpi ne, %convert_element_type3A, %cond3A : i32
      scf.if %cond3A_689 {
        %add3A_736 = arith.constant 0 : i32
        %add3A_737 = arith.addi %mul3A_678, %add3A_736 : i32
        %add3A_738 = arith.constant 4 : i32
        %add3A_739 = arith.addi %add3A_737, %add3A_738 : i32
        %mul3A_740 = arith.constant 32 : i32
        %mul3A_741 = arith.muli %add3A_739, %mul3A_740 : i32
        %dma_start3A_742 = tpu.memref_slice %arg15[%mul3A_741] : memref<6144xi32, #tpu.memory_space<vmem>> -> memref<32xi32, #tpu.memory_space<vmem>>
        %dma_start3A_743 = arith.constant 0 : i32
        %dma_start3A_744 = arith.constant 0 : i32
        %dma_start3A_745 = tpu.memref_slice %arg4[%dma_start3A_743, %dma_start3A_744] : memref<16512x128xf32, #tpu.memory_space<hbm>> -> memref<16512x128xf32, #tpu.memory_space<hbm>>
        tpu.enqueue_indirect_dma source(%dma_start3A_745 : memref<16512x128xf32, #tpu.memory_space<hbm>>) target(%arg16 : memref<32x128xf32, #tpu.memory_space<vmem>>) offsets(%dma_start3A_742 : memref<32xi32, #tpu.memory_space<vmem>>) semaphore(%arg25 : memref<!tpu.dma_semaphore, #tpu.memory_space<semaphore_mem>>)
      } else {
      }
      %dma_wait3A_690 = arith.constant 0 : i32
      %dma_wait3A_691 = tpu.memref_slice %arg15[%dma_wait3A_690] : memref<6144xi32, #tpu.memory_space<vmem>> -> memref<32xi32, #tpu.memory_space<vmem>>
      %dma_wait3A_692 = arith.constant 0 : i32
      %dma_wait3A_693 = arith.constant 0 : i32
      %dma_wait3A_694 = tpu.memref_slice %arg4[%dma_wait3A_692, %dma_wait3A_693] : memref<16512x128xf32, #tpu.memory_space<hbm>> -> memref<16512x128xf32, #tpu.memory_space<hbm>>
      tpu.wait_indirect_dma semaphore(%arg26 : memref<!tpu.dma_semaphore, #tpu.memory_space<semaphore_mem>>) src(%dma_wait3A_694 : memref<16512x128xf32, #tpu.memory_space<hbm>>) dst(%arg17 : memref<32x128xf32, #tpu.memory_space<vmem>>)
      %add3A_695 = arith.constant 1 : i32
      %add3A_696 = arith.addi %mul3A_678, %add3A_695 : i32
      %add3A_697 = arith.constant 1 : i32
      %add3A_698 = arith.addi %mul3A_678, %add3A_697 : i32
      %add3A_699 = arith.constant 4 : i32
      %add3A_700 = arith.addi %add3A_698, %add3A_699 : i32
      %lt3A_701 = arith.cmpi slt, %add3A_700, %min3A_463 : i32
      %convert_element_type3A_702 = arith.extui %lt3A_701 : i1 to i32
      %cond3A_703 = arith.constant 0 : i32
      %cond3A_704 = arith.cmpi ne, %convert_element_type3A_702, %cond3A_703 : i32
      scf.if %cond3A_704 {
        %add3A_736 = arith.constant 1 : i32
        %add3A_737 = arith.addi %mul3A_678, %add3A_736 : i32
        %add3A_738 = arith.constant 4 : i32
        %add3A_739 = arith.addi %add3A_737, %add3A_738 : i32
        %mul3A_740 = arith.constant 32 : i32
        %mul3A_741 = arith.muli %add3A_739, %mul3A_740 : i32
        %dma_start3A_742 = tpu.memref_slice %arg15[%mul3A_741] : memref<6144xi32, #tpu.memory_space<vmem>> -> memref<32xi32, #tpu.memory_space<vmem>>
        %dma_start3A_743 = arith.constant 0 : i32
        %dma_start3A_744 = arith.constant 0 : i32
        %dma_start3A_745 = tpu.memref_slice %arg4[%dma_start3A_743, %dma_start3A_744] : memref<16512x128xf32, #tpu.memory_space<hbm>> -> memref<16512x128xf32, #tpu.memory_space<hbm>>
        tpu.enqueue_indirect_dma source(%dma_start3A_745 : memref<16512x128xf32, #tpu.memory_space<hbm>>) target(%arg17 : memref<32x128xf32, #tpu.memory_space<vmem>>) offsets(%dma_start3A_742 : memref<32xi32, #tpu.memory_space<vmem>>) semaphore(%arg26 : memref<!tpu.dma_semaphore, #tpu.memory_space<semaphore_mem>>)
      } else {
      }
      %dma_wait3A_705 = arith.constant 0 : i32
      %dma_wait3A_706 = tpu.memref_slice %arg15[%dma_wait3A_705] : memref<6144xi32, #tpu.memory_space<vmem>> -> memref<32xi32, #tpu.memory_space<vmem>>
      %dma_wait3A_707 = arith.constant 0 : i32
      %dma_wait3A_708 = arith.constant 0 : i32
      %dma_wait3A_709 = tpu.memref_slice %arg4[%dma_wait3A_707, %dma_wait3A_708] : memref<16512x128xf32, #tpu.memory_space<hbm>> -> memref<16512x128xf32, #tpu.memory_space<hbm>>
      tpu.wait_indirect_dma semaphore(%arg27 : memref<!tpu.dma_semaphore, #tpu.memory_space<semaphore_mem>>) src(%dma_wait3A_709 : memref<16512x128xf32, #tpu.memory_space<hbm>>) dst(%arg18 : memref<32x128xf32, #tpu.memory_space<vmem>>)
      %add3A_710 = arith.constant 2 : i32
      %add3A_711 = arith.addi %mul3A_678, %add3A_710 : i32
      %add3A_712 = arith.constant 2 : i32
      %add3A_713 = arith.addi %mul3A_678, %add3A_712 : i32
      %add3A_714 = arith.constant 4 : i32
      %add3A_715 = arith.addi %add3A_713, %add3A_714 : i32
      %lt3A_716 = arith.cmpi slt, %add3A_715, %min3A_463 : i32
      %convert_element_type3A_717 = arith.extui %lt3A_716 : i1 to i32
      %cond3A_718 = arith.constant 0 : i32
      %cond3A_719 = arith.cmpi ne, %convert_element_type3A_717, %cond3A_718 : i32
      scf.if %cond3A_719 {
        %add3A_736 = arith.constant 2 : i32
        %add3A_737 = arith.addi %mul3A_678, %add3A_736 : i32
        %add3A_738 = arith.constant 4 : i32
        %add3A_739 = arith.addi %add3A_737, %add3A_738 : i32
        %mul3A_740 = arith.constant 32 : i32
        %mul3A_741 = arith.muli %add3A_739, %mul3A_740 : i32
        %dma_start3A_742 = tpu.memref_slice %arg15[%mul3A_741] : memref<6144xi32, #tpu.memory_space<vmem>> -> memref<32xi32, #tpu.memory_space<vmem>>
        %dma_start3A_743 = arith.constant 0 : i32
        %dma_start3A_744 = arith.constant 0 : i32
        %dma_start3A_745 = tpu.memref_slice %arg4[%dma_start3A_743, %dma_start3A_744] : memref<16512x128xf32, #tpu.memory_space<hbm>> -> memref<16512x128xf32, #tpu.memory_space<hbm>>
        tpu.enqueue_indirect_dma source(%dma_start3A_745 : memref<16512x128xf32, #tpu.memory_space<hbm>>) target(%arg18 : memref<32x128xf32, #tpu.memory_space<vmem>>) offsets(%dma_start3A_742 : memref<32xi32, #tpu.memory_space<vmem>>) semaphore(%arg27 : memref<!tpu.dma_semaphore, #tpu.memory_space<semaphore_mem>>)
      } else {
      }
      %dma_wait3A_720 = arith.constant 0 : i32
      %dma_wait3A_721 = tpu.memref_slice %arg15[%dma_wait3A_720] : memref<6144xi32, #tpu.memory_space<vmem>> -> memref<32xi32, #tpu.memory_space<vmem>>
      %dma_wait3A_722 = arith.constant 0 : i32
      %dma_wait3A_723 = arith.constant 0 : i32
      %dma_wait3A_724 = tpu.memref_slice %arg4[%dma_wait3A_722, %dma_wait3A_723] : memref<16512x128xf32, #tpu.memory_space<hbm>> -> memref<16512x128xf32, #tpu.memory_space<hbm>>
      tpu.wait_indirect_dma semaphore(%arg28 : memref<!tpu.dma_semaphore, #tpu.memory_space<semaphore_mem>>) src(%dma_wait3A_724 : memref<16512x128xf32, #tpu.memory_space<hbm>>) dst(%arg19 : memref<32x128xf32, #tpu.memory_space<vmem>>)
      %add3A_725 = arith.constant 3 : i32
      %add3A_726 = arith.addi %mul3A_678, %add3A_725 : i32
      %add3A_727 = arith.constant 3 : i32
      %add3A_728 = arith.addi %mul3A_678, %add3A_727 : i32
      %add3A_729 = arith.constant 4 : i32
      %add3A_730 = arith.addi %add3A_728, %add3A_729 : i32
      %lt3A_731 = arith.cmpi slt, %add3A_730, %min3A_463 : i32
      %convert_element_type3A_732 = arith.extui %lt3A_731 : i1 to i32
      %cond3A_733 = arith.constant 0 : i32
      %cond3A_734 = arith.cmpi ne, %convert_element_type3A_732, %cond3A_733 : i32
      scf.if %cond3A_734 {
        %add3A_736 = arith.constant 3 : i32
        %add3A_737 = arith.addi %mul3A_678, %add3A_736 : i32
        %add3A_738 = arith.constant 4 : i32
        %add3A_739 = arith.addi %add3A_737, %add3A_738 : i32
        %mul3A_740 = arith.constant 32 : i32
        %mul3A_741 = arith.muli %add3A_739, %mul3A_740 : i32
        %dma_start3A_742 = tpu.memref_slice %arg15[%mul3A_741] : memref<6144xi32, #tpu.memory_space<vmem>> -> memref<32xi32, #tpu.memory_space<vmem>>
        %dma_start3A_743 = arith.constant 0 : i32
        %dma_start3A_744 = arith.constant 0 : i32
        %dma_start3A_745 = tpu.memref_slice %arg4[%dma_start3A_743, %dma_start3A_744] : memref<16512x128xf32, #tpu.memory_space<hbm>> -> memref<16512x128xf32, #tpu.memory_space<hbm>>
        tpu.enqueue_indirect_dma source(%dma_start3A_745 : memref<16512x128xf32, #tpu.memory_space<hbm>>) target(%arg19 : memref<32x128xf32, #tpu.memory_space<vmem>>) offsets(%dma_start3A_742 : memref<32xi32, #tpu.memory_space<vmem>>) semaphore(%arg28 : memref<!tpu.dma_semaphore, #tpu.memory_space<semaphore_mem>>)
      } else {
      }
      %while3A_735 = arith.constant 0 : i32
      scf.yield %while3A_735 : i32
    }
    %add3A_520 = arith.constant 160 : i32
    %add3A_521 = arith.addi %mul3A_2, %add3A_520 : i32
    "tpu.region"() ({
      %run_scoped3A = tpu.sem_alloc : memref<!tpu.dma_semaphore, #tpu.memory_space<semaphore_mem>>
      %dma_start3A_675 = arith.constant 0 : i32
      %dma_start3A_676 = arith.constant 0 : i32
      %dma_start3A_677 = tpu.memref_slice %arg20[%dma_start3A_675, %dma_start3A_676] : memref<81x128xf32, #tpu.memory_space<vmem>> -> memref<80x128xf32, #tpu.memory_space<vmem>>
      %dma_start3A_678 = arith.constant 0 : i32
      %dma_start3A_679 = tpu.memref_slice %arg5[%add3A_521, %dma_start3A_678] : memref<10240x128xf32, #tpu.memory_space<hbm>> -> memref<80x128xf32, #tpu.memory_space<hbm>>
      %dma_start3A_680 = arith.constant 0 : i32
      %dma_start3A_681 = tpu.memref_slice %arg5[%add3A_521, %dma_start3A_680] : memref<10240x128xf32, #tpu.memory_space<hbm>> -> memref<80x128xf32, #tpu.memory_space<hbm>>
      %dma_start3A_682 = arith.constant 0 : i32
      %dma_start3A_683 = arith.constant 0 : i32
      %dma_start3A_684 = tpu.memref_slice %arg20[%dma_start3A_682, %dma_start3A_683] : memref<81x128xf32, #tpu.memory_space<vmem>> -> memref<80x128xf32, #tpu.memory_space<vmem>>
      tpu.enqueue_dma source(%dma_start3A_684 : memref<80x128xf32, #tpu.memory_space<vmem>>) target(%dma_start3A_681 : memref<80x128xf32, #tpu.memory_space<hbm>>) target_semaphore(%run_scoped3A : memref<!tpu.dma_semaphore, #tpu.memory_space<semaphore_mem>>)
      %dma_wait3A = arith.constant 0 : i32
      %dma_wait3A_685 = arith.constant 0 : i32
      %dma_wait3A_686 = tpu.memref_slice %arg20[%dma_wait3A, %dma_wait3A_685] : memref<81x128xf32, #tpu.memory_space<vmem>> -> memref<80x128xf32, #tpu.memory_space<vmem>>
      %dma_wait3A_687 = arith.constant 0 : i32
      %dma_wait3A_688 = tpu.memref_slice %arg5[%add3A_521, %dma_wait3A_687] : memref<10240x128xf32, #tpu.memory_space<hbm>> -> memref<80x128xf32, #tpu.memory_space<hbm>>
      %dma_wait3A_689 = arith.constant 0 : i32
      %dma_wait3A_690 = tpu.memref_slice %arg5[%add3A_521, %dma_wait3A_689] : memref<10240x128xf32, #tpu.memory_space<hbm>> -> memref<80x128xf32, #tpu.memory_space<hbm>>
      %dma_wait3A_691 = arith.constant 0 : i32
      %dma_wait3A_692 = arith.constant 0 : i32
      %dma_wait3A_693 = tpu.memref_slice %arg20[%dma_wait3A_691, %dma_wait3A_692] : memref<81x128xf32, #tpu.memory_space<vmem>> -> memref<80x128xf32, #tpu.memory_space<vmem>>
      tpu.wait_dma2 semaphore(%run_scoped3A : memref<!tpu.dma_semaphore, #tpu.memory_space<semaphore_mem>>) src(%dma_wait3A_693 : memref<80x128xf32, #tpu.memory_space<vmem>>) dst(%dma_wait3A_690 : memref<80x128xf32, #tpu.memory_space<hbm>>)
      tpu.yield
    }) : () -> ()
    "tpu.region"() ({
      %run_scoped3A = tpu.sem_alloc : memref<!tpu.dma_semaphore, #tpu.memory_space<semaphore_mem>>
      %dma_start3A_675 = arith.constant 0 : i32
      %dma_start3A_676 = arith.constant 0 : i32
      %dma_start3A_677 = tpu.memref_slice %arg21[%dma_start3A_675, %dma_start3A_676] : memref<81x128xf32, #tpu.memory_space<vmem>> -> memref<80x128xf32, #tpu.memory_space<vmem>>
      %dma_start3A_678 = arith.constant 0 : i32
      %dma_start3A_679 = tpu.memref_slice %arg6[%add3A_521, %dma_start3A_678] : memref<10240x128xf32, #tpu.memory_space<hbm>> -> memref<80x128xf32, #tpu.memory_space<hbm>>
      %dma_start3A_680 = arith.constant 0 : i32
      %dma_start3A_681 = tpu.memref_slice %arg6[%add3A_521, %dma_start3A_680] : memref<10240x128xf32, #tpu.memory_space<hbm>> -> memref<80x128xf32, #tpu.memory_space<hbm>>
      %dma_start3A_682 = arith.constant 0 : i32
      %dma_start3A_683 = arith.constant 0 : i32
      %dma_start3A_684 = tpu.memref_slice %arg21[%dma_start3A_682, %dma_start3A_683] : memref<81x128xf32, #tpu.memory_space<vmem>> -> memref<80x128xf32, #tpu.memory_space<vmem>>
      tpu.enqueue_dma source(%dma_start3A_684 : memref<80x128xf32, #tpu.memory_space<vmem>>) target(%dma_start3A_681 : memref<80x128xf32, #tpu.memory_space<hbm>>) target_semaphore(%run_scoped3A : memref<!tpu.dma_semaphore, #tpu.memory_space<semaphore_mem>>)
      %dma_wait3A = arith.constant 0 : i32
      %dma_wait3A_685 = arith.constant 0 : i32
      %dma_wait3A_686 = tpu.memref_slice %arg21[%dma_wait3A, %dma_wait3A_685] : memref<81x128xf32, #tpu.memory_space<vmem>> -> memref<80x128xf32, #tpu.memory_space<vmem>>
      %dma_wait3A_687 = arith.constant 0 : i32
      %dma_wait3A_688 = tpu.memref_slice %arg6[%add3A_521, %dma_wait3A_687] : memref<10240x128xf32, #tpu.memory_space<hbm>> -> memref<80x128xf32, #tpu.memory_space<hbm>>
      %dma_wait3A_689 = arith.constant 0 : i32
      %dma_wait3A_690 = tpu.memref_slice %arg6[%add3A_521, %dma_wait3A_689] : memref<10240x128xf32, #tpu.memory_space<hbm>> -> memref<80x128xf32, #tpu.memory_space<hbm>>
      %dma_wait3A_691 = arith.constant 0 : i32
      %dma_wait3A_692 = arith.constant 0 : i32
      %dma_wait3A_693 = tpu.memref_slice %arg21[%dma_wait3A_691, %dma_wait3A_692] : memref<81x128xf32, #tpu.memory_space<vmem>> -> memref<80x128xf32, #tpu.memory_space<vmem>>
      tpu.wait_dma2 semaphore(%run_scoped3A : memref<!tpu.dma_semaphore, #tpu.memory_space<semaphore_mem>>) src(%dma_wait3A_693 : memref<80x128xf32, #tpu.memory_space<vmem>>) dst(%dma_wait3A_690 : memref<80x128xf32, #tpu.memory_space<hbm>>)
      tpu.yield
    }) : () -> ()
    "tpu.region"() ({
      %run_scoped3A = tpu.sem_alloc : memref<!tpu.dma_semaphore, #tpu.memory_space<semaphore_mem>>
      %dma_start3A_675 = arith.constant 0 : i32
      %dma_start3A_676 = arith.constant 0 : i32
      %dma_start3A_677 = tpu.memref_slice %arg22[%dma_start3A_675, %dma_start3A_676] : memref<81x128xf32, #tpu.memory_space<vmem>> -> memref<80x128xf32, #tpu.memory_space<vmem>>
      %dma_start3A_678 = arith.constant 0 : i32
      %dma_start3A_679 = tpu.memref_slice %arg7[%add3A_521, %dma_start3A_678] : memref<10240x128xf32, #tpu.memory_space<hbm>> -> memref<80x128xf32, #tpu.memory_space<hbm>>
      %dma_start3A_680 = arith.constant 0 : i32
      %dma_start3A_681 = tpu.memref_slice %arg7[%add3A_521, %dma_start3A_680] : memref<10240x128xf32, #tpu.memory_space<hbm>> -> memref<80x128xf32, #tpu.memory_space<hbm>>
      %dma_start3A_682 = arith.constant 0 : i32
      %dma_start3A_683 = arith.constant 0 : i32
      %dma_start3A_684 = tpu.memref_slice %arg22[%dma_start3A_682, %dma_start3A_683] : memref<81x128xf32, #tpu.memory_space<vmem>> -> memref<80x128xf32, #tpu.memory_space<vmem>>
      tpu.enqueue_dma source(%dma_start3A_684 : memref<80x128xf32, #tpu.memory_space<vmem>>) target(%dma_start3A_681 : memref<80x128xf32, #tpu.memory_space<hbm>>) target_semaphore(%run_scoped3A : memref<!tpu.dma_semaphore, #tpu.memory_space<semaphore_mem>>)
      %dma_wait3A = arith.constant 0 : i32
      %dma_wait3A_685 = arith.constant 0 : i32
      %dma_wait3A_686 = tpu.memref_slice %arg22[%dma_wait3A, %dma_wait3A_685] : memref<81x128xf32, #tpu.memory_space<vmem>> -> memref<80x128xf32, #tpu.memory_space<vmem>>
      %dma_wait3A_687 = arith.constant 0 : i32
      %dma_wait3A_688 = tpu.memref_slice %arg7[%add3A_521, %dma_wait3A_687] : memref<10240x128xf32, #tpu.memory_space<hbm>> -> memref<80x128xf32, #tpu.memory_space<hbm>>
      %dma_wait3A_689 = arith.constant 0 : i32
      %dma_wait3A_690 = tpu.memref_slice %arg7[%add3A_521, %dma_wait3A_689] : memref<10240x128xf32, #tpu.memory_space<hbm>> -> memref<80x128xf32, #tpu.memory_space<hbm>>
      %dma_wait3A_691 = arith.constant 0 : i32
      %dma_wait3A_692 = arith.constant 0 : i32
      %dma_wait3A_693 = tpu.memref_slice %arg22[%dma_wait3A_691, %dma_wait3A_692] : memref<81x128xf32, #tpu.memory_space<vmem>> -> memref<80x128xf32, #tpu.memory_space<vmem>>
      tpu.wait_dma2 semaphore(%run_scoped3A : memref<!tpu.dma_semaphore, #tpu.memory_space<semaphore_mem>>) src(%dma_wait3A_693 : memref<80x128xf32, #tpu.memory_space<vmem>>) dst(%dma_wait3A_690 : memref<80x128xf32, #tpu.memory_space<hbm>>)
      tpu.yield
    }) : () -> ()
    %scan3A_522 = arith.constant 0 : i32
    %scan3A_523 = arith.constant 0 : i32
    %scan3A_524 = arith.constant 384 : i32
    %scan3A_525 = arith.addi %scan3A_523, %scan3A_524 : i32
    %scan3A_526 = arith.constant 1 : i32
    %scan3A_527 = scf.for %scan3A_675 = %scan3A_523 to %scan3A_525 step %scan3A_526 iter_args(%scan3A_676 = %scan3A_522) -> (i32)  : i32 {
      %mul3A_677 = arith.constant 16 : i32
      %mul3A_678 = arith.muli %scan3A_675, %mul3A_677 : i32
      %broadcast_in_dim3A_679 = arith.constant 80 : i32
      %broadcast_in_dim3A_680 = vector.broadcast %broadcast_in_dim3A_679 : i32 to vector<16xi32>
      %swap3A = arith.index_cast %mul3A_678 : i32 to index
      %swap3A_681 = tpu.vector_load %arg14[%swap3A] {strides = array<i32>} : memref<6144xi32, #tpu.memory_space<vmem>>, vector<16xi32>,
      tpu.vector_store %arg14[%swap3A], %broadcast_in_dim3A_680 {strides = array<i32>} : memref<6144xi32, #tpu.memory_space<vmem>>, vector<16xi32>,
      %mul3A_682 = arith.constant 16 : i32
      %mul3A_683 = arith.muli %scan3A_675, %mul3A_682 : i32
      %broadcast_in_dim3A_684 = vector.broadcast %mul3A_683 : i32 to vector<16xi32>
      %add3A_685 = arith.addi %broadcast_in_dim3A_684, %iota3A : vector<16xi32>
      %swap3A_686 = arith.index_cast %mul3A_678 : i32 to index
      %swap3A_687 = tpu.vector_load %arg15[%swap3A_686] {strides = array<i32>} : memref<6144xi32, #tpu.memory_space<vmem>>, vector<16xi32>,
      tpu.vector_store %arg15[%swap3A_686], %add3A_685 {strides = array<i32>} : memref<6144xi32, #tpu.memory_space<vmem>>, vector<16xi32>,
      %scan3A_688 = arith.constant 0 : i32
      scf.yield %scan3A_688 : i32
    }
    %scan3A_528 = arith.constant 384 : i32
    %scan3A_529 = arith.constant 0 : i32
    %scan3A_530 = arith.constant 0 : i32
    %scan3A_531 = arith.constant 81 : i32
    %scan3A_532 = arith.addi %scan3A_530, %scan3A_531 : i32
    %scan3A_533 = arith.constant 1 : i32
    %scan3A_534 = scf.for %scan3A_675 = %scan3A_530 to %scan3A_532 step %scan3A_533 iter_args(%scan3A_676 = %scan3A_529) -> (i32)  : i32 {
      %broadcast_in_dim3A_677 = arith.constant 0.000000e+00 : f32
      %broadcast_in_dim3A_678 = vector.broadcast %broadcast_in_dim3A_677 : f32 to vector<16xf32>
      %swap3A = arith.index_cast %scan3A_675 : i32 to index
      %swap3A_679 = arith.constant 0 : index
      %swap3A_680 = tpu.vector_load %arg20[%swap3A, %swap3A_679] {strides = array<i32>} : memref<81x128xf32, #tpu.memory_space<vmem>>, vector<16xf32>,
      tpu.vector_store %arg20[%swap3A, %swap3A_679], %broadcast_in_dim3A_678 {strides = array<i32>} : memref<81x128xf32, #tpu.memory_space<vmem>>, vector<16xf32>,
      %broadcast_in_dim3A_681 = arith.constant 0xFF800000 : f32
      %broadcast_in_dim3A_682 = vector.broadcast %broadcast_in_dim3A_681 : f32 to vector<16xf32>
      %swap3A_683 = arith.index_cast %scan3A_675 : i32 to index
      %swap3A_684 = arith.constant 0 : index
      %swap3A_685 = tpu.vector_load %arg21[%swap3A_683, %swap3A_684] {strides = array<i32>} : memref<81x128xf32, #tpu.memory_space<vmem>>, vector<16xf32>,
      tpu.vector_store %arg21[%swap3A_683, %swap3A_684], %broadcast_in_dim3A_682 {strides = array<i32>} : memref<81x128xf32, #tpu.memory_space<vmem>>, vector<16xf32>,
      %broadcast_in_dim3A_686 = arith.constant 0x7F800000 : f32
      %broadcast_in_dim3A_687 = vector.broadcast %broadcast_in_dim3A_686 : f32 to vector<16xf32>
      %swap3A_688 = arith.index_cast %scan3A_675 : i32 to index
      %swap3A_689 = arith.constant 0 : index
      %swap3A_690 = tpu.vector_load %arg22[%swap3A_688, %swap3A_689] {strides = array<i32>} : memref<81x128xf32, #tpu.memory_space<vmem>>, vector<16xf32>,
      tpu.vector_store %arg22[%swap3A_688, %swap3A_689], %broadcast_in_dim3A_687 {strides = array<i32>} : memref<81x128xf32, #tpu.memory_space<vmem>>, vector<16xf32>,
      %broadcast_in_dim3A_691 = arith.constant 0.000000e+00 : f32
      %broadcast_in_dim3A_692 = vector.broadcast %broadcast_in_dim3A_691 : f32 to vector<16xf32>
      %swap3A_693 = arith.index_cast %scan3A_675 : i32 to index
      %swap3A_694 = arith.constant 16 : index
      %swap3A_695 = tpu.vector_load %arg20[%swap3A_693, %swap3A_694] {strides = array<i32>} : memref<81x128xf32, #tpu.memory_space<vmem>>, vector<16xf32>,
      tpu.vector_store %arg20[%swap3A_693, %swap3A_694], %broadcast_in_dim3A_692 {strides = array<i32>} : memref<81x128xf32, #tpu.memory_space<vmem>>, vector<16xf32>,
      %broadcast_in_dim3A_696 = arith.constant 0xFF800000 : f32
      %broadcast_in_dim3A_697 = vector.broadcast %broadcast_in_dim3A_696 : f32 to vector<16xf32>
      %swap3A_698 = arith.index_cast %scan3A_675 : i32 to index
      %swap3A_699 = arith.constant 16 : index
      %swap3A_700 = tpu.vector_load %arg21[%swap3A_698, %swap3A_699] {strides = array<i32>} : memref<81x128xf32, #tpu.memory_space<vmem>>, vector<16xf32>,
      tpu.vector_store %arg21[%swap3A_698, %swap3A_699], %broadcast_in_dim3A_697 {strides = array<i32>} : memref<81x128xf32, #tpu.memory_space<vmem>>, vector<16xf32>,
      %broadcast_in_dim3A_701 = arith.constant 0x7F800000 : f32
      %broadcast_in_dim3A_702 = vector.broadcast %broadcast_in_dim3A_701 : f32 to vector<16xf32>
      %swap3A_703 = arith.index_cast %scan3A_675 : i32 to index
      %swap3A_704 = arith.constant 16 : index
      %swap3A_705 = tpu.vector_load %arg22[%swap3A_703, %swap3A_704] {strides = array<i32>} : memref<81x128xf32, #tpu.memory_space<vmem>>, vector<16xf32>,
      tpu.vector_store %arg22[%swap3A_703, %swap3A_704], %broadcast_in_dim3A_702 {strides = array<i32>} : memref<81x128xf32, #tpu.memory_space<vmem>>, vector<16xf32>,
      %broadcast_in_dim3A_706 = arith.constant 0.000000e+00 : f32
      %broadcast_in_dim3A_707 = vector.broadcast %broadcast_in_dim3A_706 : f32 to vector<16xf32>
      %swap3A_708 = arith.index_cast %scan3A_675 : i32 to index
      %swap3A_709 = arith.constant 32 : index
      %swap3A_710 = tpu.vector_load %arg20[%swap3A_708, %swap3A_709] {strides = array<i32>} : memref<81x128xf32, #tpu.memory_space<vmem>>, vector<16xf32>,
      tpu.vector_store %arg20[%swap3A_708, %swap3A_709], %broadcast_in_dim3A_707 {strides = array<i32>} : memref<81x128xf32, #tpu.memory_space<vmem>>, vector<16xf32>,
      %broadcast_in_dim3A_711 = arith.constant 0xFF800000 : f32
      %broadcast_in_dim3A_712 = vector.broadcast %broadcast_in_dim3A_711 : f32 to vector<16xf32>
      %swap3A_713 = arith.index_cast %scan3A_675 : i32 to index
      %swap3A_714 = arith.constant 32 : index
      %swap3A_715 = tpu.vector_load %arg21[%swap3A_713, %swap3A_714] {strides = array<i32>} : memref<81x128xf32, #tpu.memory_space<vmem>>, vector<16xf32>,
      tpu.vector_store %arg21[%swap3A_713, %swap3A_714], %broadcast_in_dim3A_712 {strides = array<i32>} : memref<81x128xf32, #tpu.memory_space<vmem>>, vector<16xf32>,
      %broadcast_in_dim3A_716 = arith.constant 0x7F800000 : f32
      %broadcast_in_dim3A_717 = vector.broadcast %broadcast_in_dim3A_716 : f32 to vector<16xf32>
      %swap3A_718 = arith.index_cast %scan3A_675 : i32 to index
      %swap3A_719 = arith.constant 32 : index
      %swap3A_720 = tpu.vector_load %arg22[%swap3A_718, %swap3A_719] {strides = array<i32>} : memref<81x128xf32, #tpu.memory_space<vmem>>, vector<16xf32>,
      tpu.vector_store %arg22[%swap3A_718, %swap3A_719], %broadcast_in_dim3A_717 {strides = array<i32>} : memref<81x128xf32, #tpu.memory_space<vmem>>, vector<16xf32>,
      %broadcast_in_dim3A_721 = arith.constant 0.000000e+00 : f32
      %broadcast_in_dim3A_722 = vector.broadcast %broadcast_in_dim3A_721 : f32 to vector<16xf32>
      %swap3A_723 = arith.index_cast %scan3A_675 : i32 to index
      %swap3A_724 = arith.constant 48 : index
      %swap3A_725 = tpu.vector_load %arg20[%swap3A_723, %swap3A_724] {strides = array<i32>} : memref<81x128xf32, #tpu.memory_space<vmem>>, vector<16xf32>,
      tpu.vector_store %arg20[%swap3A_723, %swap3A_724], %broadcast_in_dim3A_722 {strides = array<i32>} : memref<81x128xf32, #tpu.memory_space<vmem>>, vector<16xf32>,
      %broadcast_in_dim3A_726 = arith.constant 0xFF800000 : f32
      %broadcast_in_dim3A_727 = vector.broadcast %broadcast_in_dim3A_726 : f32 to vector<16xf32>
      %swap3A_728 = arith.index_cast %scan3A_675 : i32 to index
      %swap3A_729 = arith.constant 48 : index
      %swap3A_730 = tpu.vector_load %arg21[%swap3A_728, %swap3A_729] {strides = array<i32>} : memref<81x128xf32, #tpu.memory_space<vmem>>, vector<16xf32>,
      tpu.vector_store %arg21[%swap3A_728, %swap3A_729], %broadcast_in_dim3A_727 {strides = array<i32>} : memref<81x128xf32, #tpu.memory_space<vmem>>, vector<16xf32>,
      %broadcast_in_dim3A_731 = arith.constant 0x7F800000 : f32
      %broadcast_in_dim3A_732 = vector.broadcast %broadcast_in_dim3A_731 : f32 to vector<16xf32>
      %swap3A_733 = arith.index_cast %scan3A_675 : i32 to index
      %swap3A_734 = arith.constant 48 : index
      %swap3A_735 = tpu.vector_load %arg22[%swap3A_733, %swap3A_734] {strides = array<i32>} : memref<81x128xf32, #tpu.memory_space<vmem>>, vector<16xf32>,
      tpu.vector_store %arg22[%swap3A_733, %swap3A_734], %broadcast_in_dim3A_732 {strides = array<i32>} : memref<81x128xf32, #tpu.memory_space<vmem>>, vector<16xf32>,
      %broadcast_in_dim3A_736 = arith.constant 0.000000e+00 : f32
      %broadcast_in_dim3A_737 = vector.broadcast %broadcast_in_dim3A_736 : f32 to vector<16xf32>
      %swap3A_738 = arith.index_cast %scan3A_675 : i32 to index
      %swap3A_739 = arith.constant 64 : index
      %swap3A_740 = tpu.vector_load %arg20[%swap3A_738, %swap3A_739] {strides = array<i32>} : memref<81x128xf32, #tpu.memory_space<vmem>>, vector<16xf32>,
      tpu.vector_store %arg20[%swap3A_738, %swap3A_739], %broadcast_in_dim3A_737 {strides = array<i32>} : memref<81x128xf32, #tpu.memory_space<vmem>>, vector<16xf32>,
      %broadcast_in_dim3A_741 = arith.constant 0xFF800000 : f32
      %broadcast_in_dim3A_742 = vector.broadcast %broadcast_in_dim3A_741 : f32 to vector<16xf32>
      %swap3A_743 = arith.index_cast %scan3A_675 : i32 to index
      %swap3A_744 = arith.constant 64 : index
      %swap3A_745 = tpu.vector_load %arg21[%swap3A_743, %swap3A_744] {strides = array<i32>} : memref<81x128xf32, #tpu.memory_space<vmem>>, vector<16xf32>,
      tpu.vector_store %arg21[%swap3A_743, %swap3A_744], %broadcast_in_dim3A_742 {strides = array<i32>} : memref<81x128xf32, #tpu.memory_space<vmem>>, vector<16xf32>,
      %broadcast_in_dim3A_746 = arith.constant 0x7F800000 : f32
      %broadcast_in_dim3A_747 = vector.broadcast %broadcast_in_dim3A_746 : f32 to vector<16xf32>
      %swap3A_748 = arith.index_cast %scan3A_675 : i32 to index
      %swap3A_749 = arith.constant 64 : index
      %swap3A_750 = tpu.vector_load %arg22[%swap3A_748, %swap3A_749] {strides = array<i32>} : memref<81x128xf32, #tpu.memory_space<vmem>>, vector<16xf32>,
      tpu.vector_store %arg22[%swap3A_748, %swap3A_749], %broadcast_in_dim3A_747 {strides = array<i32>} : memref<81x128xf32, #tpu.memory_space<vmem>>, vector<16xf32>,
      %broadcast_in_dim3A_751 = arith.constant 0.000000e+00 : f32
      %broadcast_in_dim3A_752 = vector.broadcast %broadcast_in_dim3A_751 : f32 to vector<16xf32>
      %swap3A_753 = arith.index_cast %scan3A_675 : i32 to index
      %swap3A_754 = arith.constant 80 : index
      %swap3A_755 = tpu.vector_load %arg20[%swap3A_753, %swap3A_754] {strides = array<i32>} : memref<81x128xf32, #tpu.memory_space<vmem>>, vector<16xf32>,
      tpu.vector_store %arg20[%swap3A_753, %swap3A_754], %broadcast_in_dim3A_752 {strides = array<i32>} : memref<81x128xf32, #tpu.memory_space<vmem>>, vector<16xf32>,
      %broadcast_in_dim3A_756 = arith.constant 0xFF800000 : f32
      %broadcast_in_dim3A_757 = vector.broadcast %broadcast_in_dim3A_756 : f32 to vector<16xf32>
      %swap3A_758 = arith.index_cast %scan3A_675 : i32 to index
      %swap3A_759 = arith.constant 80 : index
      %swap3A_760 = tpu.vector_load %arg21[%swap3A_758, %swap3A_759] {strides = array<i32>} : memref<81x128xf32, #tpu.memory_space<vmem>>, vector<16xf32>,
      tpu.vector_store %arg21[%swap3A_758, %swap3A_759], %broadcast_in_dim3A_757 {strides = array<i32>} : memref<81x128xf32, #tpu.memory_space<vmem>>, vector<16xf32>,
      %broadcast_in_dim3A_761 = arith.constant 0x7F800000 : f32
      %broadcast_in_dim3A_762 = vector.broadcast %broadcast_in_dim3A_761 : f32 to vector<16xf32>
      %swap3A_763 = arith.index_cast %scan3A_675 : i32 to index
      %swap3A_764 = arith.constant 80 : index
      %swap3A_765 = tpu.vector_load %arg22[%swap3A_763, %swap3A_764] {strides = array<i32>} : memref<81x128xf32, #tpu.memory_space<vmem>>, vector<16xf32>,
      tpu.vector_store %arg22[%swap3A_763, %swap3A_764], %broadcast_in_dim3A_762 {strides = array<i32>} : memref<81x128xf32, #tpu.memory_space<vmem>>, vector<16xf32>,
      %broadcast_in_dim3A_766 = arith.constant 0.000000e+00 : f32
      %broadcast_in_dim3A_767 = vector.broadcast %broadcast_in_dim3A_766 : f32 to vector<16xf32>
      %swap3A_768 = arith.index_cast %scan3A_675 : i32 to index
      %swap3A_769 = arith.constant 96 : index
      %swap3A_770 = tpu.vector_load %arg20[%swap3A_768, %swap3A_769] {strides = array<i32>} : memref<81x128xf32, #tpu.memory_space<vmem>>, vector<16xf32>,
      tpu.vector_store %arg20[%swap3A_768, %swap3A_769], %broadcast_in_dim3A_767 {strides = array<i32>} : memref<81x128xf32, #tpu.memory_space<vmem>>, vector<16xf32>,
      %broadcast_in_dim3A_771 = arith.constant 0xFF800000 : f32
      %broadcast_in_dim3A_772 = vector.broadcast %broadcast_in_dim3A_771 : f32 to vector<16xf32>
      %swap3A_773 = arith.index_cast %scan3A_675 : i32 to index
      %swap3A_774 = arith.constant 96 : index
      %swap3A_775 = tpu.vector_load %arg21[%swap3A_773, %swap3A_774] {strides = array<i32>} : memref<81x128xf32, #tpu.memory_space<vmem>>, vector<16xf32>,
      tpu.vector_store %arg21[%swap3A_773, %swap3A_774], %broadcast_in_dim3A_772 {strides = array<i32>} : memref<81x128xf32, #tpu.memory_space<vmem>>, vector<16xf32>,
      %broadcast_in_dim3A_776 = arith.constant 0x7F800000 : f32
      %broadcast_in_dim3A_777 = vector.broadcast %broadcast_in_dim3A_776 : f32 to vector<16xf32>
      %swap3A_778 = arith.index_cast %scan3A_675 : i32 to index
      %swap3A_779 = arith.constant 96 : index
      %swap3A_780 = tpu.vector_load %arg22[%swap3A_778, %swap3A_779] {strides = array<i32>} : memref<81x128xf32, #tpu.memory_space<vmem>>, vector<16xf32>,
      tpu.vector_store %arg22[%swap3A_778, %swap3A_779], %broadcast_in_dim3A_777 {strides = array<i32>} : memref<81x128xf32, #tpu.memory_space<vmem>>, vector<16xf32>,
      %broadcast_in_dim3A_781 = arith.constant 0.000000e+00 : f32
      %broadcast_in_dim3A_782 = vector.broadcast %broadcast_in_dim3A_781 : f32 to vector<16xf32>
      %swap3A_783 = arith.index_cast %scan3A_675 : i32 to index
      %swap3A_784 = arith.constant 112 : index
      %swap3A_785 = tpu.vector_load %arg20[%swap3A_783, %swap3A_784] {strides = array<i32>} : memref<81x128xf32, #tpu.memory_space<vmem>>, vector<16xf32>,
      tpu.vector_store %arg20[%swap3A_783, %swap3A_784], %broadcast_in_dim3A_782 {strides = array<i32>} : memref<81x128xf32, #tpu.memory_space<vmem>>, vector<16xf32>,
      %broadcast_in_dim3A_786 = arith.constant 0xFF800000 : f32
      %broadcast_in_dim3A_787 = vector.broadcast %broadcast_in_dim3A_786 : f32 to vector<16xf32>
      %swap3A_788 = arith.index_cast %scan3A_675 : i32 to index
      %swap3A_789 = arith.constant 112 : index
      %swap3A_790 = tpu.vector_load %arg21[%swap3A_788, %swap3A_789] {strides = array<i32>} : memref<81x128xf32, #tpu.memory_space<vmem>>, vector<16xf32>,
      tpu.vector_store %arg21[%swap3A_788, %swap3A_789], %broadcast_in_dim3A_787 {strides = array<i32>} : memref<81x128xf32, #tpu.memory_space<vmem>>, vector<16xf32>,
      %broadcast_in_dim3A_791 = arith.constant 0x7F800000 : f32
      %broadcast_in_dim3A_792 = vector.broadcast %broadcast_in_dim3A_791 : f32 to vector<16xf32>
      %swap3A_793 = arith.index_cast %scan3A_675 : i32 to index
      %swap3A_794 = arith.constant 112 : index
      %swap3A_795 = tpu.vector_load %arg22[%swap3A_793, %swap3A_794] {strides = array<i32>} : memref<81x128xf32, #tpu.memory_space<vmem>>, vector<16xf32>,
      tpu.vector_store %arg22[%swap3A_793, %swap3A_794], %broadcast_in_dim3A_792 {strides = array<i32>} : memref<81x128xf32, #tpu.memory_space<vmem>>, vector<16xf32>,
      %scan3A_796 = arith.constant 0 : i32
      scf.yield %scan3A_796 : i32
    }
    %scan3A_535 = arith.constant 81 : i32
    %add3A_536 = arith.constant 3 : i32
    %add3A_537 = arith.addi %min3A, %add3A_536 : i32
    %jit3A_538 = arith.constant 4 : i32
    %div3A_539 = arith.divsi %add3A_537, %jit3A_538 : i32
    %sign3A_540 = arith.constant 0 : i32
    %sign3A_541 = arith.cmpi sgt, %add3A_537, %sign3A_540 : i32
    %sign3A_542 = arith.extui %sign3A_541 : i1 to i32
    %sign3A_543 = arith.constant 0 : i32
    %sign3A_544 = arith.cmpi slt, %add3A_537, %sign3A_543 : i32
    %sign3A_545 = arith.extui %sign3A_544 : i1 to i32
    %sign3A_546 = arith.subi %sign3A_542, %sign3A_545 : i32
    %sign3A_547 = arith.constant 0 : i32
    %sign3A_548 = arith.cmpi sgt, %jit3A_538, %sign3A_547 : i32
    %sign3A_549 = arith.extui %sign3A_548 : i1 to i32
    %sign3A_550 = arith.constant 0 : i32
    %sign3A_551 = arith.cmpi slt, %jit3A_538, %sign3A_550 : i32
    %sign3A_552 = arith.extui %sign3A_551 : i1 to i32
    %sign3A_553 = arith.subi %sign3A_549, %sign3A_552 : i32
    %ne3A_554 = arith.cmpi ne, %sign3A_546, %sign3A_553 : i32
    %rem3A_555 = arith.remsi %add3A_537, %jit3A_538 : i32
    %ne3A_556 = arith.constant 0 : i32
    %ne3A_557 = arith.cmpi ne, %rem3A_555, %ne3A_556 : i32
    %and3A_558 = arith.andi %ne3A_554, %ne3A_557 : i1
    %sub3A_559 = arith.constant 1 : i32
    %sub3A_560 = arith.subi %div3A_539, %sub3A_559 : i32
    %select_n3A_561 = arith.select %and3A_558, %sub3A_560, %div3A_539 : i32
    %broadcast_in_dim3A_562 = arith.constant 0 : i32
    %broadcast_in_dim3A_563 = vector.broadcast %broadcast_in_dim3A_562 : i32 to vector<16xi32>
    %while3A_564 = arith.constant 0 : i32
    %while3A_565 = arith.subi %select_n3A_561, %while3A_564 : i32
    %while3A_566 = arith.addi %while3A_564, %while3A_565 : i32
    %while3A_567 = arith.constant 1 : i32
    %while3A_568 = arith.divsi %while3A_565, %while3A_567 : i32
    %while3A_569 = arith.muli %while3A_568, %while3A_567 : i32
    %while3A_570 = arith.addi %while3A_564, %while3A_569 : i32
    %while3A_571 = arith.constant 1 : i32
    %while3A_572 = scf.for %while3A_675 = %while3A_564 to %while3A_570 step %while3A_571 iter_args(%while3A_676 = %broadcast_in_dim3A_563) -> (vector<16xi32>)  : i32 {
      %mul3A_677 = arith.constant 4 : i32
      %mul3A_678 = arith.muli %while3A_675, %mul3A_677 : i32
      %add3A_679 = arith.constant 0 : i32
      %add3A_680 = arith.addi %mul3A_678, %add3A_679 : i32
      %mul3A_681 = arith.constant 16 : i32
      %mul3A_682 = arith.muli %add3A_680, %mul3A_681 : i32
      %get3A = arith.index_cast %mul3A_682 : i32 to index
      %get3A_683 = tpu.vector_load %arg12[%get3A] {strides = array<i32>} : memref<16384xi32, #tpu.memory_space<vmem>>, vector<16xi32>,
      %mul3A_684 = arith.constant 16 : i32
      %mul3A_685 = arith.muli %add3A_680, %mul3A_684 : i32
      %get3A_686 = arith.index_cast %mul3A_685 : i32 to index
      %get3A_687 = tpu.vector_load %arg13[%get3A_686] {strides = array<i32>} : memref<16384xi32, #tpu.memory_space<vmem>>, vector<16xi32>,
      %sub3A_688 = arith.constant 240 : i32
      %sub3A_689 = vector.broadcast %sub3A_688 : i32 to vector<16xi32>
      %sub3A_690 = arith.subi %get3A_683, %sub3A_689 : vector<16xi32>
      %ge3A = arith.constant 0 : i32
      %ge3A_691 = vector.broadcast %ge3A : i32 to vector<16xi32>
      %ge3A_692 = arith.cmpi sge, %sub3A_690, %ge3A_691 : vector<16xi32>
      %lt3A = arith.constant 80 : i32
      %lt3A_693 = vector.broadcast %lt3A : i32 to vector<16xi32>
      %lt3A_694 = arith.cmpi slt, %sub3A_690, %lt3A_693 : vector<16xi32>
      %and3A_695 = arith.andi %ge3A_692, %lt3A_694 : vector<16xi1>
      %convert_element_type3A = arith.extui %and3A_695 : vector<16xi1> to vector<16xi32>
      %broadcast_in_dim3A_696 = arith.constant true
      %broadcast_in_dim3A_697 = vector.broadcast %broadcast_in_dim3A_696 : i1 to vector<16xi1>
      %masked_cumsum3A = tpu.scan <sum>, %convert_element_type3A masked %broadcast_in_dim3A_697 : vector<16xi32>, vector<16xi1> -> vector<16xi32>
      %add3A_698 = arith.addi %while3A_676, %masked_cumsum3A : vector<16xi32>
      %sub3A_699 = arith.constant 1 : i32
      %sub3A_700 = vector.broadcast %sub3A_699 : i32 to vector<16xi32>
      %sub3A_701 = arith.subi %add3A_698, %sub3A_700 : vector<16xi32>
      %min3A_702 = arith.constant 6127 : i32
      %min3A_703 = vector.broadcast %min3A_702 : i32 to vector<16xi32>
      %min3A_704 = arith.minsi %sub3A_701, %min3A_703 : vector<16xi32>
      %select_n3A_705 = arith.select %and3A_695, %min3A_704, %add3A_63 : vector<16xi1>, vector<16xi32>
      tpu.vector_store_idx %arg14[%select_n3A_705], %sub3A_690 : memref<6144xi32, #tpu.memory_space<vmem>>[vector<16xi32>], vector<16xi32>,
      tpu.vector_store_idx %arg15[%select_n3A_705], %get3A_687 : memref<6144xi32, #tpu.memory_space<vmem>>[vector<16xi32>], vector<16xi32>,
      %all_reduce_population_count3A = tpu.all_reduce %and3A_695 {dim = 0 : i64, kind = #tpu.reduction_kind<sum>} : vector<16xi1> -> vector<16xi32>
      %add3A_706 = arith.addi %while3A_676, %all_reduce_population_count3A : vector<16xi32>
      %mul3A_707 = arith.constant 4 : i32
      %mul3A_708 = arith.muli %while3A_675, %mul3A_707 : i32
      %add3A_709 = arith.constant 1 : i32
      %add3A_710 = arith.addi %mul3A_708, %add3A_709 : i32
      %mul3A_711 = arith.constant 16 : i32
      %mul3A_712 = arith.muli %add3A_710, %mul3A_711 : i32
      %get3A_713 = arith.index_cast %mul3A_712 : i32 to index
      %get3A_714 = tpu.vector_load %arg12[%get3A_713] {strides = array<i32>} : memref<16384xi32, #tpu.memory_space<vmem>>, vector<16xi32>,
      %mul3A_715 = arith.constant 16 : i32
      %mul3A_716 = arith.muli %add3A_710, %mul3A_715 : i32
      %get3A_717 = arith.index_cast %mul3A_716 : i32 to index
      %get3A_718 = tpu.vector_load %arg13[%get3A_717] {strides = array<i32>} : memref<16384xi32, #tpu.memory_space<vmem>>, vector<16xi32>,
      %sub3A_719 = arith.constant 240 : i32
      %sub3A_720 = vector.broadcast %sub3A_719 : i32 to vector<16xi32>
      %sub3A_721 = arith.subi %get3A_714, %sub3A_720 : vector<16xi32>
      %ge3A_722 = arith.constant 0 : i32
      %ge3A_723 = vector.broadcast %ge3A_722 : i32 to vector<16xi32>
      %ge3A_724 = arith.cmpi sge, %sub3A_721, %ge3A_723 : vector<16xi32>
      %lt3A_725 = arith.constant 80 : i32
      %lt3A_726 = vector.broadcast %lt3A_725 : i32 to vector<16xi32>
      %lt3A_727 = arith.cmpi slt, %sub3A_721, %lt3A_726 : vector<16xi32>
      %and3A_728 = arith.andi %ge3A_724, %lt3A_727 : vector<16xi1>
      %convert_element_type3A_729 = arith.extui %and3A_728 : vector<16xi1> to vector<16xi32>
      %broadcast_in_dim3A_730 = arith.constant true
      %broadcast_in_dim3A_731 = vector.broadcast %broadcast_in_dim3A_730 : i1 to vector<16xi1>
      %masked_cumsum3A_732 = tpu.scan <sum>, %convert_element_type3A_729 masked %broadcast_in_dim3A_731 : vector<16xi32>, vector<16xi1> -> vector<16xi32>
      %add3A_733 = arith.addi %add3A_706, %masked_cumsum3A_732 : vector<16xi32>
      %sub3A_734 = arith.constant 1 : i32
      %sub3A_735 = vector.broadcast %sub3A_734 : i32 to vector<16xi32>
      %sub3A_736 = arith.subi %add3A_733, %sub3A_735 : vector<16xi32>
      %min3A_737 = arith.constant 6127 : i32
      %min3A_738 = vector.broadcast %min3A_737 : i32 to vector<16xi32>
      %min3A_739 = arith.minsi %sub3A_736, %min3A_738 : vector<16xi32>
      %select_n3A_740 = arith.select %and3A_728, %min3A_739, %add3A_63 : vector<16xi1>, vector<16xi32>
      tpu.vector_store_idx %arg14[%select_n3A_740], %sub3A_721 : memref<6144xi32, #tpu.memory_space<vmem>>[vector<16xi32>], vector<16xi32>,
      tpu.vector_store_idx %arg15[%select_n3A_740], %get3A_718 : memref<6144xi32, #tpu.memory_space<vmem>>[vector<16xi32>], vector<16xi32>,
      %all_reduce_population_count3A_741 = tpu.all_reduce %and3A_728 {dim = 0 : i64, kind = #tpu.reduction_kind<sum>} : vector<16xi1> -> vector<16xi32>
      %add3A_742 = arith.addi %add3A_706, %all_reduce_population_count3A_741 : vector<16xi32>
      %mul3A_743 = arith.constant 4 : i32
      %mul3A_744 = arith.muli %while3A_675, %mul3A_743 : i32
      %add3A_745 = arith.constant 2 : i32
      %add3A_746 = arith.addi %mul3A_744, %add3A_745 : i32
      %mul3A_747 = arith.constant 16 : i32
      %mul3A_748 = arith.muli %add3A_746, %mul3A_747 : i32
      %get3A_749 = arith.index_cast %mul3A_748 : i32 to index
      %get3A_750 = tpu.vector_load %arg12[%get3A_749] {strides = array<i32>} : memref<16384xi32, #tpu.memory_space<vmem>>, vector<16xi32>,
      %mul3A_751 = arith.constant 16 : i32
      %mul3A_752 = arith.muli %add3A_746, %mul3A_751 : i32
      %get3A_753 = arith.index_cast %mul3A_752 : i32 to index
      %get3A_754 = tpu.vector_load %arg13[%get3A_753] {strides = array<i32>} : memref<16384xi32, #tpu.memory_space<vmem>>, vector<16xi32>,
      %sub3A_755 = arith.constant 240 : i32
      %sub3A_756 = vector.broadcast %sub3A_755 : i32 to vector<16xi32>
      %sub3A_757 = arith.subi %get3A_750, %sub3A_756 : vector<16xi32>
      %ge3A_758 = arith.constant 0 : i32
      %ge3A_759 = vector.broadcast %ge3A_758 : i32 to vector<16xi32>
      %ge3A_760 = arith.cmpi sge, %sub3A_757, %ge3A_759 : vector<16xi32>
      %lt3A_761 = arith.constant 80 : i32
      %lt3A_762 = vector.broadcast %lt3A_761 : i32 to vector<16xi32>
      %lt3A_763 = arith.cmpi slt, %sub3A_757, %lt3A_762 : vector<16xi32>
      %and3A_764 = arith.andi %ge3A_760, %lt3A_763 : vector<16xi1>
      %convert_element_type3A_765 = arith.extui %and3A_764 : vector<16xi1> to vector<16xi32>
      %broadcast_in_dim3A_766 = arith.constant true
      %broadcast_in_dim3A_767 = vector.broadcast %broadcast_in_dim3A_766 : i1 to vector<16xi1>
      %masked_cumsum3A_768 = tpu.scan <sum>, %convert_element_type3A_765 masked %broadcast_in_dim3A_767 : vector<16xi32>, vector<16xi1> -> vector<16xi32>
      %add3A_769 = arith.addi %add3A_742, %masked_cumsum3A_768 : vector<16xi32>
      %sub3A_770 = arith.constant 1 : i32
      %sub3A_771 = vector.broadcast %sub3A_770 : i32 to vector<16xi32>
      %sub3A_772 = arith.subi %add3A_769, %sub3A_771 : vector<16xi32>
      %min3A_773 = arith.constant 6127 : i32
      %min3A_774 = vector.broadcast %min3A_773 : i32 to vector<16xi32>
      %min3A_775 = arith.minsi %sub3A_772, %min3A_774 : vector<16xi32>
      %select_n3A_776 = arith.select %and3A_764, %min3A_775, %add3A_63 : vector<16xi1>, vector<16xi32>
      tpu.vector_store_idx %arg14[%select_n3A_776], %sub3A_757 : memref<6144xi32, #tpu.memory_space<vmem>>[vector<16xi32>], vector<16xi32>,
      tpu.vector_store_idx %arg15[%select_n3A_776], %get3A_754 : memref<6144xi32, #tpu.memory_space<vmem>>[vector<16xi32>], vector<16xi32>,
      %all_reduce_population_count3A_777 = tpu.all_reduce %and3A_764 {dim = 0 : i64, kind = #tpu.reduction_kind<sum>} : vector<16xi1> -> vector<16xi32>
      %add3A_778 = arith.addi %add3A_742, %all_reduce_population_count3A_777 : vector<16xi32>
      %mul3A_779 = arith.constant 4 : i32
      %mul3A_780 = arith.muli %while3A_675, %mul3A_779 : i32
      %add3A_781 = arith.constant 3 : i32
      %add3A_782 = arith.addi %mul3A_780, %add3A_781 : i32
      %mul3A_783 = arith.constant 16 : i32
      %mul3A_784 = arith.muli %add3A_782, %mul3A_783 : i32
      %get3A_785 = arith.index_cast %mul3A_784 : i32 to index
      %get3A_786 = tpu.vector_load %arg12[%get3A_785] {strides = array<i32>} : memref<16384xi32, #tpu.memory_space<vmem>>, vector<16xi32>,
      %mul3A_787 = arith.constant 16 : i32
      %mul3A_788 = arith.muli %add3A_782, %mul3A_787 : i32
      %get3A_789 = arith.index_cast %mul3A_788 : i32 to index
      %get3A_790 = tpu.vector_load %arg13[%get3A_789] {strides = array<i32>} : memref<16384xi32, #tpu.memory_space<vmem>>, vector<16xi32>,
      %sub3A_791 = arith.constant 240 : i32
      %sub3A_792 = vector.broadcast %sub3A_791 : i32 to vector<16xi32>
      %sub3A_793 = arith.subi %get3A_786, %sub3A_792 : vector<16xi32>
      %ge3A_794 = arith.constant 0 : i32
      %ge3A_795 = vector.broadcast %ge3A_794 : i32 to vector<16xi32>
      %ge3A_796 = arith.cmpi sge, %sub3A_793, %ge3A_795 : vector<16xi32>
      %lt3A_797 = arith.constant 80 : i32
      %lt3A_798 = vector.broadcast %lt3A_797 : i32 to vector<16xi32>
      %lt3A_799 = arith.cmpi slt, %sub3A_793, %lt3A_798 : vector<16xi32>
      %and3A_800 = arith.andi %ge3A_796, %lt3A_799 : vector<16xi1>
      %convert_element_type3A_801 = arith.extui %and3A_800 : vector<16xi1> to vector<16xi32>
      %broadcast_in_dim3A_802 = arith.constant true
      %broadcast_in_dim3A_803 = vector.broadcast %broadcast_in_dim3A_802 : i1 to vector<16xi1>
      %masked_cumsum3A_804 = tpu.scan <sum>, %convert_element_type3A_801 masked %broadcast_in_dim3A_803 : vector<16xi32>, vector<16xi1> -> vector<16xi32>
      %add3A_805 = arith.addi %add3A_778, %masked_cumsum3A_804 : vector<16xi32>
      %sub3A_806 = arith.constant 1 : i32
      %sub3A_807 = vector.broadcast %sub3A_806 : i32 to vector<16xi32>
      %sub3A_808 = arith.subi %add3A_805, %sub3A_807 : vector<16xi32>
      %min3A_809 = arith.constant 6127 : i32
      %min3A_810 = vector.broadcast %min3A_809 : i32 to vector<16xi32>
      %min3A_811 = arith.minsi %sub3A_808, %min3A_810 : vector<16xi32>
      %select_n3A_812 = arith.select %and3A_800, %min3A_811, %add3A_63 : vector<16xi1>, vector<16xi32>
      tpu.vector_store_idx %arg14[%select_n3A_812], %sub3A_793 : memref<6144xi32, #tpu.memory_space<vmem>>[vector<16xi32>], vector<16xi32>,
      tpu.vector_store_idx %arg15[%select_n3A_812], %get3A_790 : memref<6144xi32, #tpu.memory_space<vmem>>[vector<16xi32>], vector<16xi32>,
      %all_reduce_population_count3A_813 = tpu.all_reduce %and3A_800 {dim = 0 : i64, kind = #tpu.reduction_kind<sum>} : vector<16xi1> -> vector<16xi32>
      %add3A_814 = arith.addi %add3A_778, %all_reduce_population_count3A_813 : vector<16xi32>
      scf.yield %add3A_814 : vector<16xi32>
    }
    %while3A_573 = arith.constant 1 : i32
    %while3A_574 = scf.for %while3A_675 = %while3A_570 to %while3A_566 step %while3A_573 iter_args(%while3A_676 = %while3A_572) -> (vector<16xi32>)  : i32 {
      %mul3A_677 = arith.constant 4 : i32
      %mul3A_678 = arith.muli %while3A_675, %mul3A_677 : i32
      %add3A_679 = arith.constant 0 : i32
      %add3A_680 = arith.addi %mul3A_678, %add3A_679 : i32
      %mul3A_681 = arith.constant 16 : i32
      %mul3A_682 = arith.muli %add3A_680, %mul3A_681 : i32
      %get3A = arith.index_cast %mul3A_682 : i32 to index
      %get3A_683 = tpu.vector_load %arg12[%get3A] {strides = array<i32>} : memref<16384xi32, #tpu.memory_space<vmem>>, vector<16xi32>,
      %mul3A_684 = arith.constant 16 : i32
      %mul3A_685 = arith.muli %add3A_680, %mul3A_684 : i32
      %get3A_686 = arith.index_cast %mul3A_685 : i32 to index
      %get3A_687 = tpu.vector_load %arg13[%get3A_686] {strides = array<i32>} : memref<16384xi32, #tpu.memory_space<vmem>>, vector<16xi32>,
      %sub3A_688 = arith.constant 240 : i32
      %sub3A_689 = vector.broadcast %sub3A_688 : i32 to vector<16xi32>
      %sub3A_690 = arith.subi %get3A_683, %sub3A_689 : vector<16xi32>
      %ge3A = arith.constant 0 : i32
      %ge3A_691 = vector.broadcast %ge3A : i32 to vector<16xi32>
      %ge3A_692 = arith.cmpi sge, %sub3A_690, %ge3A_691 : vector<16xi32>
      %lt3A = arith.constant 80 : i32
      %lt3A_693 = vector.broadcast %lt3A : i32 to vector<16xi32>
      %lt3A_694 = arith.cmpi slt, %sub3A_690, %lt3A_693 : vector<16xi32>
      %and3A_695 = arith.andi %ge3A_692, %lt3A_694 : vector<16xi1>
      %convert_element_type3A = arith.extui %and3A_695 : vector<16xi1> to vector<16xi32>
      %broadcast_in_dim3A_696 = arith.constant true
      %broadcast_in_dim3A_697 = vector.broadcast %broadcast_in_dim3A_696 : i1 to vector<16xi1>
      %masked_cumsum3A = tpu.scan <sum>, %convert_element_type3A masked %broadcast_in_dim3A_697 : vector<16xi32>, vector<16xi1> -> vector<16xi32>
      %add3A_698 = arith.addi %while3A_676, %masked_cumsum3A : vector<16xi32>
      %sub3A_699 = arith.constant 1 : i32
      %sub3A_700 = vector.broadcast %sub3A_699 : i32 to vector<16xi32>
      %sub3A_701 = arith.subi %add3A_698, %sub3A_700 : vector<16xi32>
      %min3A_702 = arith.constant 6127 : i32
      %min3A_703 = vector.broadcast %min3A_702 : i32 to vector<16xi32>
      %min3A_704 = arith.minsi %sub3A_701, %min3A_703 : vector<16xi32>
      %select_n3A_705 = arith.select %and3A_695, %min3A_704, %add3A_63 : vector<16xi1>, vector<16xi32>
      tpu.vector_store_idx %arg14[%select_n3A_705], %sub3A_690 : memref<6144xi32, #tpu.memory_space<vmem>>[vector<16xi32>], vector<16xi32>,
      tpu.vector_store_idx %arg15[%select_n3A_705], %get3A_687 : memref<6144xi32, #tpu.memory_space<vmem>>[vector<16xi32>], vector<16xi32>,
      %all_reduce_population_count3A = tpu.all_reduce %and3A_695 {dim = 0 : i64, kind = #tpu.reduction_kind<sum>} : vector<16xi1> -> vector<16xi32>
      %add3A_706 = arith.addi %while3A_676, %all_reduce_population_count3A : vector<16xi32>
      %mul3A_707 = arith.constant 4 : i32
      %mul3A_708 = arith.muli %while3A_675, %mul3A_707 : i32
      %add3A_709 = arith.constant 1 : i32
      %add3A_710 = arith.addi %mul3A_708, %add3A_709 : i32
      %mul3A_711 = arith.constant 16 : i32
      %mul3A_712 = arith.muli %add3A_710, %mul3A_711 : i32
      %get3A_713 = arith.index_cast %mul3A_712 : i32 to index
      %get3A_714 = tpu.vector_load %arg12[%get3A_713] {strides = array<i32>} : memref<16384xi32, #tpu.memory_space<vmem>>, vector<16xi32>,
      %mul3A_715 = arith.constant 16 : i32
      %mul3A_716 = arith.muli %add3A_710, %mul3A_715 : i32
      %get3A_717 = arith.index_cast %mul3A_716 : i32 to index
      %get3A_718 = tpu.vector_load %arg13[%get3A_717] {strides = array<i32>} : memref<16384xi32, #tpu.memory_space<vmem>>, vector<16xi32>,
      %sub3A_719 = arith.constant 240 : i32
      %sub3A_720 = vector.broadcast %sub3A_719 : i32 to vector<16xi32>
      %sub3A_721 = arith.subi %get3A_714, %sub3A_720 : vector<16xi32>
      %ge3A_722 = arith.constant 0 : i32
      %ge3A_723 = vector.broadcast %ge3A_722 : i32 to vector<16xi32>
      %ge3A_724 = arith.cmpi sge, %sub3A_721, %ge3A_723 : vector<16xi32>
      %lt3A_725 = arith.constant 80 : i32
      %lt3A_726 = vector.broadcast %lt3A_725 : i32 to vector<16xi32>
      %lt3A_727 = arith.cmpi slt, %sub3A_721, %lt3A_726 : vector<16xi32>
      %and3A_728 = arith.andi %ge3A_724, %lt3A_727 : vector<16xi1>
      %convert_element_type3A_729 = arith.extui %and3A_728 : vector<16xi1> to vector<16xi32>
      %broadcast_in_dim3A_730 = arith.constant true
      %broadcast_in_dim3A_731 = vector.broadcast %broadcast_in_dim3A_730 : i1 to vector<16xi1>
      %masked_cumsum3A_732 = tpu.scan <sum>, %convert_element_type3A_729 masked %broadcast_in_dim3A_731 : vector<16xi32>, vector<16xi1> -> vector<16xi32>
      %add3A_733 = arith.addi %add3A_706, %masked_cumsum3A_732 : vector<16xi32>
      %sub3A_734 = arith.constant 1 : i32
      %sub3A_735 = vector.broadcast %sub3A_734 : i32 to vector<16xi32>
      %sub3A_736 = arith.subi %add3A_733, %sub3A_735 : vector<16xi32>
      %min3A_737 = arith.constant 6127 : i32
      %min3A_738 = vector.broadcast %min3A_737 : i32 to vector<16xi32>
      %min3A_739 = arith.minsi %sub3A_736, %min3A_738 : vector<16xi32>
      %select_n3A_740 = arith.select %and3A_728, %min3A_739, %add3A_63 : vector<16xi1>, vector<16xi32>
      tpu.vector_store_idx %arg14[%select_n3A_740], %sub3A_721 : memref<6144xi32, #tpu.memory_space<vmem>>[vector<16xi32>], vector<16xi32>,
      tpu.vector_store_idx %arg15[%select_n3A_740], %get3A_718 : memref<6144xi32, #tpu.memory_space<vmem>>[vector<16xi32>], vector<16xi32>,
      %all_reduce_population_count3A_741 = tpu.all_reduce %and3A_728 {dim = 0 : i64, kind = #tpu.reduction_kind<sum>} : vector<16xi1> -> vector<16xi32>
      %add3A_742 = arith.addi %add3A_706, %all_reduce_population_count3A_741 : vector<16xi32>
      %mul3A_743 = arith.constant 4 : i32
      %mul3A_744 = arith.muli %while3A_675, %mul3A_743 : i32
      %add3A_745 = arith.constant 2 : i32
      %add3A_746 = arith.addi %mul3A_744, %add3A_745 : i32
      %mul3A_747 = arith.constant 16 : i32
      %mul3A_748 = arith.muli %add3A_746, %mul3A_747 : i32
      %get3A_749 = arith.index_cast %mul3A_748 : i32 to index
      %get3A_750 = tpu.vector_load %arg12[%get3A_749] {strides = array<i32>} : memref<16384xi32, #tpu.memory_space<vmem>>, vector<16xi32>,
      %mul3A_751 = arith.constant 16 : i32
      %mul3A_752 = arith.muli %add3A_746, %mul3A_751 : i32
      %get3A_753 = arith.index_cast %mul3A_752 : i32 to index
      %get3A_754 = tpu.vector_load %arg13[%get3A_753] {strides = array<i32>} : memref<16384xi32, #tpu.memory_space<vmem>>, vector<16xi32>,
      %sub3A_755 = arith.constant 240 : i32
      %sub3A_756 = vector.broadcast %sub3A_755 : i32 to vector<16xi32>
      %sub3A_757 = arith.subi %get3A_750, %sub3A_756 : vector<16xi32>
      %ge3A_758 = arith.constant 0 : i32
      %ge3A_759 = vector.broadcast %ge3A_758 : i32 to vector<16xi32>
      %ge3A_760 = arith.cmpi sge, %sub3A_757, %ge3A_759 : vector<16xi32>
      %lt3A_761 = arith.constant 80 : i32
      %lt3A_762 = vector.broadcast %lt3A_761 : i32 to vector<16xi32>
      %lt3A_763 = arith.cmpi slt, %sub3A_757, %lt3A_762 : vector<16xi32>
      %and3A_764 = arith.andi %ge3A_760, %lt3A_763 : vector<16xi1>
      %convert_element_type3A_765 = arith.extui %and3A_764 : vector<16xi1> to vector<16xi32>
      %broadcast_in_dim3A_766 = arith.constant true
      %broadcast_in_dim3A_767 = vector.broadcast %broadcast_in_dim3A_766 : i1 to vector<16xi1>
      %masked_cumsum3A_768 = tpu.scan <sum>, %convert_element_type3A_765 masked %broadcast_in_dim3A_767 : vector<16xi32>, vector<16xi1> -> vector<16xi32>
      %add3A_769 = arith.addi %add3A_742, %masked_cumsum3A_768 : vector<16xi32>
      %sub3A_770 = arith.constant 1 : i32
      %sub3A_771 = vector.broadcast %sub3A_770 : i32 to vector<16xi32>
      %sub3A_772 = arith.subi %add3A_769, %sub3A_771 : vector<16xi32>
      %min3A_773 = arith.constant 6127 : i32
      %min3A_774 = vector.broadcast %min3A_773 : i32 to vector<16xi32>
      %min3A_775 = arith.minsi %sub3A_772, %min3A_774 : vector<16xi32>
      %select_n3A_776 = arith.select %and3A_764, %min3A_775, %add3A_63 : vector<16xi1>, vector<16xi32>
      tpu.vector_store_idx %arg14[%select_n3A_776], %sub3A_757 : memref<6144xi32, #tpu.memory_space<vmem>>[vector<16xi32>], vector<16xi32>,
      tpu.vector_store_idx %arg15[%select_n3A_776], %get3A_754 : memref<6144xi32, #tpu.memory_space<vmem>>[vector<16xi32>], vector<16xi32>,
      %all_reduce_population_count3A_777 = tpu.all_reduce %and3A_764 {dim = 0 : i64, kind = #tpu.reduction_kind<sum>} : vector<16xi1> -> vector<16xi32>
      %add3A_778 = arith.addi %add3A_742, %all_reduce_population_count3A_777 : vector<16xi32>
      %mul3A_779 = arith.constant 4 : i32
      %mul3A_780 = arith.muli %while3A_675, %mul3A_779 : i32
      %add3A_781 = arith.constant 3 : i32
      %add3A_782 = arith.addi %mul3A_780, %add3A_781 : i32
      %mul3A_783 = arith.constant 16 : i32
      %mul3A_784 = arith.muli %add3A_782, %mul3A_783 : i32
      %get3A_785 = arith.index_cast %mul3A_784 : i32 to index
      %get3A_786 = tpu.vector_load %arg12[%get3A_785] {strides = array<i32>} : memref<16384xi32, #tpu.memory_space<vmem>>, vector<16xi32>,
      %mul3A_787 = arith.constant 16 : i32
      %mul3A_788 = arith.muli %add3A_782, %mul3A_787 : i32
      %get3A_789 = arith.index_cast %mul3A_788 : i32 to index
      %get3A_790 = tpu.vector_load %arg13[%get3A_789] {strides = array<i32>} : memref<16384xi32, #tpu.memory_space<vmem>>, vector<16xi32>,
      %sub3A_791 = arith.constant 240 : i32
      %sub3A_792 = vector.broadcast %sub3A_791 : i32 to vector<16xi32>
      %sub3A_793 = arith.subi %get3A_786, %sub3A_792 : vector<16xi32>
      %ge3A_794 = arith.constant 0 : i32
      %ge3A_795 = vector.broadcast %ge3A_794 : i32 to vector<16xi32>
      %ge3A_796 = arith.cmpi sge, %sub3A_793, %ge3A_795 : vector<16xi32>
      %lt3A_797 = arith.constant 80 : i32
      %lt3A_798 = vector.broadcast %lt3A_797 : i32 to vector<16xi32>
      %lt3A_799 = arith.cmpi slt, %sub3A_793, %lt3A_798 : vector<16xi32>
      %and3A_800 = arith.andi %ge3A_796, %lt3A_799 : vector<16xi1>
      %convert_element_type3A_801 = arith.extui %and3A_800 : vector<16xi1> to vector<16xi32>
      %broadcast_in_dim3A_802 = arith.constant true
      %broadcast_in_dim3A_803 = vector.broadcast %broadcast_in_dim3A_802 : i1 to vector<16xi1>
      %masked_cumsum3A_804 = tpu.scan <sum>, %convert_element_type3A_801 masked %broadcast_in_dim3A_803 : vector<16xi32>, vector<16xi1> -> vector<16xi32>
      %add3A_805 = arith.addi %add3A_778, %masked_cumsum3A_804 : vector<16xi32>
      %sub3A_806 = arith.constant 1 : i32
      %sub3A_807 = vector.broadcast %sub3A_806 : i32 to vector<16xi32>
      %sub3A_808 = arith.subi %add3A_805, %sub3A_807 : vector<16xi32>
      %min3A_809 = arith.constant 6127 : i32
      %min3A_810 = vector.broadcast %min3A_809 : i32 to vector<16xi32>
      %min3A_811 = arith.minsi %sub3A_808, %min3A_810 : vector<16xi32>
      %select_n3A_812 = arith.select %and3A_800, %min3A_811, %add3A_63 : vector<16xi1>, vector<16xi32>
      tpu.vector_store_idx %arg14[%select_n3A_812], %sub3A_793 : memref<6144xi32, #tpu.memory_space<vmem>>[vector<16xi32>], vector<16xi32>,
      tpu.vector_store_idx %arg15[%select_n3A_812], %get3A_790 : memref<6144xi32, #tpu.memory_space<vmem>>[vector<16xi32>], vector<16xi32>,
      %all_reduce_population_count3A_813 = tpu.all_reduce %and3A_800 {dim = 0 : i64, kind = #tpu.reduction_kind<sum>} : vector<16xi1> -> vector<16xi32>
      %add3A_814 = arith.addi %add3A_778, %all_reduce_population_count3A_813 : vector<16xi32>
      scf.yield %add3A_814 : vector<16xi32>
    }
    %reduce_max3A_575 = arith.constant true
    %reduce_max3A_576 = vector.broadcast %reduce_max3A_575 : i1 to vector<16xi1>
    %reduce_max3A_577 = arith.constant -2147483648 : i32
    %reduce_max3A_578 = vector.broadcast %reduce_max3A_577 : i32 to vector<16xi32>
    %reduce_max3A_579 = arith.xori %while3A_574, %reduce_max3A_578 : vector<16xi32>
    %reduce_max3A_580 = tpu.scan <max>, %reduce_max3A_579 masked %reduce_max3A_576 : vector<16xi32>, vector<16xi1> -> vector<16xi32>
    %reduce_max3A_581 = arith.xori %reduce_max3A_580, %reduce_max3A_578 : vector<16xi32>
    %reduce_max3A_582 = vector.extract %reduce_max3A_581[15] : i32 from vector<16xi32>
    %add3A_583 = arith.constant 128 : i32
    %add3A_584 = arith.addi %reduce_max3A_582, %add3A_583 : i32
    %sub3A_585 = arith.constant 1 : i32
    %sub3A_586 = arith.subi %add3A_584, %sub3A_585 : i32
    %jit3A_587 = arith.constant 128 : i32
    %div3A_588 = arith.divsi %sub3A_586, %jit3A_587 : i32
    %sign3A_589 = arith.constant 0 : i32
    %sign3A_590 = arith.cmpi sgt, %sub3A_586, %sign3A_589 : i32
    %sign3A_591 = arith.extui %sign3A_590 : i1 to i32
    %sign3A_592 = arith.constant 0 : i32
    %sign3A_593 = arith.cmpi slt, %sub3A_586, %sign3A_592 : i32
    %sign3A_594 = arith.extui %sign3A_593 : i1 to i32
    %sign3A_595 = arith.subi %sign3A_591, %sign3A_594 : i32
    %sign3A_596 = arith.constant 0 : i32
    %sign3A_597 = arith.cmpi sgt, %jit3A_587, %sign3A_596 : i32
    %sign3A_598 = arith.extui %sign3A_597 : i1 to i32
    %sign3A_599 = arith.constant 0 : i32
    %sign3A_600 = arith.cmpi slt, %jit3A_587, %sign3A_599 : i32
    %sign3A_601 = arith.extui %sign3A_600 : i1 to i32
    %sign3A_602 = arith.subi %sign3A_598, %sign3A_601 : i32
    %ne3A_603 = arith.cmpi ne, %sign3A_595, %sign3A_602 : i32
    %rem3A_604 = arith.remsi %sub3A_586, %jit3A_587 : i32
    %ne3A_605 = arith.constant 0 : i32
    %ne3A_606 = arith.cmpi ne, %rem3A_604, %ne3A_605 : i32
    %and3A_607 = arith.andi %ne3A_603, %ne3A_606 : i1
    %sub3A_608 = arith.constant 1 : i32
    %sub3A_609 = arith.subi %div3A_588, %sub3A_608 : i32
    %select_n3A_610 = arith.select %and3A_607, %sub3A_609, %div3A_588 : i32
    %mul3A_611 = arith.constant 4 : i32
    %mul3A_612 = arith.muli %select_n3A_610, %mul3A_611 : i32
    %jit3A_613 = arith.constant 4 : i32
    %jit3A_614 = arith.constant 188 : i32
    %max3A_615 = arith.maxsi %jit3A_613, %mul3A_612 : i32
    %min3A_616 = arith.minsi %jit3A_614, %max3A_615 : i32
    %dma_start3A_617 = arith.constant 0 : i32
    %dma_start3A_618 = tpu.memref_slice %arg15[%dma_start3A_617] : memref<6144xi32, #tpu.memory_space<vmem>> -> memref<32xi32, #tpu.memory_space<vmem>>
    %dma_start3A_619 = arith.constant 0 : i32
    %dma_start3A_620 = arith.constant 0 : i32
    %dma_start3A_621 = tpu.memref_slice %arg4[%dma_start3A_619, %dma_start3A_620] : memref<16512x128xf32, #tpu.memory_space<hbm>> -> memref<16512x128xf32, #tpu.memory_space<hbm>>
    tpu.enqueue_indirect_dma source(%dma_start3A_621 : memref<16512x128xf32, #tpu.memory_space<hbm>>) target(%arg16 : memref<32x128xf32, #tpu.memory_space<vmem>>) offsets(%dma_start3A_618 : memref<32xi32, #tpu.memory_space<vmem>>) semaphore(%arg25 : memref<!tpu.dma_semaphore, #tpu.memory_space<semaphore_mem>>)
    %dma_start3A_622 = arith.constant 32 : i32
    %dma_start3A_623 = tpu.memref_slice %arg15[%dma_start3A_622] : memref<6144xi32, #tpu.memory_space<vmem>> -> memref<32xi32, #tpu.memory_space<vmem>>
    %dma_start3A_624 = arith.constant 0 : i32
    %dma_start3A_625 = arith.constant 0 : i32
    %dma_start3A_626 = tpu.memref_slice %arg4[%dma_start3A_624, %dma_start3A_625] : memref<16512x128xf32, #tpu.memory_space<hbm>> -> memref<16512x128xf32, #tpu.memory_space<hbm>>
    tpu.enqueue_indirect_dma source(%dma_start3A_626 : memref<16512x128xf32, #tpu.memory_space<hbm>>) target(%arg17 : memref<32x128xf32, #tpu.memory_space<vmem>>) offsets(%dma_start3A_623 : memref<32xi32, #tpu.memory_space<vmem>>) semaphore(%arg26 : memref<!tpu.dma_semaphore, #tpu.memory_space<semaphore_mem>>)
    %dma_start3A_627 = arith.constant 64 : i32
    %dma_start3A_628 = tpu.memref_slice %arg15[%dma_start3A_627] : memref<6144xi32, #tpu.memory_space<vmem>> -> memref<32xi32, #tpu.memory_space<vmem>>
    %dma_start3A_629 = arith.constant 0 : i32
    %dma_start3A_630 = arith.constant 0 : i32
    %dma_start3A_631 = tpu.memref_slice %arg4[%dma_start3A_629, %dma_start3A_630] : memref<16512x128xf32, #tpu.memory_space<hbm>> -> memref<16512x128xf32, #tpu.memory_space<hbm>>
    tpu.enqueue_indirect_dma source(%dma_start3A_631 : memref<16512x128xf32, #tpu.memory_space<hbm>>) target(%arg18 : memref<32x128xf32, #tpu.memory_space<vmem>>) offsets(%dma_start3A_628 : memref<32xi32, #tpu.memory_space<vmem>>) semaphore(%arg27 : memref<!tpu.dma_semaphore, #tpu.memory_space<semaphore_mem>>)
    %dma_start3A_632 = arith.constant 96 : i32
    %dma_start3A_633 = tpu.memref_slice %arg15[%dma_start3A_632] : memref<6144xi32, #tpu.memory_space<vmem>> -> memref<32xi32, #tpu.memory_space<vmem>>
    %dma_start3A_634 = arith.constant 0 : i32
    %dma_start3A_635 = arith.constant 0 : i32
    %dma_start3A_636 = tpu.memref_slice %arg4[%dma_start3A_634, %dma_start3A_635] : memref<16512x128xf32, #tpu.memory_space<hbm>> -> memref<16512x128xf32, #tpu.memory_space<hbm>>
    tpu.enqueue_indirect_dma source(%dma_start3A_636 : memref<16512x128xf32, #tpu.memory_space<hbm>>) target(%arg19 : memref<32x128xf32, #tpu.memory_space<vmem>>) offsets(%dma_start3A_633 : memref<32xi32, #tpu.memory_space<vmem>>) semaphore(%arg28 : memref<!tpu.dma_semaphore, #tpu.memory_space<semaphore_mem>>)
    %jit3A_637 = arith.constant 4 : i32
    %div3A_638 = arith.divsi %min3A_616, %jit3A_637 : i32
    %sign3A_639 = arith.constant 0 : i32
    %sign3A_640 = arith.cmpi sgt, %min3A_616, %sign3A_639 : i32
    %sign3A_641 = arith.extui %sign3A_640 : i1 to i32
    %sign3A_642 = arith.constant 0 : i32
    %sign3A_643 = arith.cmpi slt, %min3A_616, %sign3A_642 : i32
    %sign3A_644 = arith.extui %sign3A_643 : i1 to i32
    %sign3A_645 = arith.subi %sign3A_641, %sign3A_644 : i32
    %sign3A_646 = arith.constant 0 : i32
    %sign3A_647 = arith.cmpi sgt, %jit3A_637, %sign3A_646 : i32
    %sign3A_648 = arith.extui %sign3A_647 : i1 to i32
    %sign3A_649 = arith.constant 0 : i32
    %sign3A_650 = arith.cmpi slt, %jit3A_637, %sign3A_649 : i32
    %sign3A_651 = arith.extui %sign3A_650 : i1 to i32
    %sign3A_652 = arith.subi %sign3A_648, %sign3A_651 : i32
    %ne3A_653 = arith.cmpi ne, %sign3A_645, %sign3A_652 : i32
    %rem3A_654 = arith.remsi %min3A_616, %jit3A_637 : i32
    %ne3A_655 = arith.constant 0 : i32
    %ne3A_656 = arith.cmpi ne, %rem3A_654, %ne3A_655 : i32
    %and3A_657 = arith.andi %ne3A_653, %ne3A_656 : i1
    %sub3A_658 = arith.constant 1 : i32
    %sub3A_659 = arith.subi %div3A_638, %sub3A_658 : i32
    %select_n3A_660 = arith.select %and3A_657, %sub3A_659, %div3A_638 : i32
    %while3A_661 = arith.constant 0 : i32
    %while3A_662 = arith.constant 0 : i32
    %while3A_663 = arith.subi %select_n3A_660, %while3A_661 : i32
    %while3A_664 = arith.addi %while3A_661, %while3A_663 : i32
    %while3A_665 = arith.constant 1 : i32
    %while3A_666 = arith.divsi %while3A_663, %while3A_665 : i32
    %while3A_667 = arith.muli %while3A_666, %while3A_665 : i32
    %while3A_668 = arith.addi %while3A_661, %while3A_667 : i32
    %while3A_669 = arith.constant 1 : i32
    %while3A_670 = scf.for %while3A_675 = %while3A_661 to %while3A_668 step %while3A_669 iter_args(%while3A_676 = %while3A_662) -> (i32)  : i32 {
      %mul3A_677 = arith.constant 4 : i32
      %mul3A_678 = arith.muli %while3A_675, %mul3A_677 : i32
      %dma_wait3A = arith.constant 0 : i32
      %dma_wait3A_679 = tpu.memref_slice %arg15[%dma_wait3A] : memref<6144xi32, #tpu.memory_space<vmem>> -> memref<32xi32, #tpu.memory_space<vmem>>
      %dma_wait3A_680 = arith.constant 0 : i32
      %dma_wait3A_681 = arith.constant 0 : i32
      %dma_wait3A_682 = tpu.memref_slice %arg4[%dma_wait3A_680, %dma_wait3A_681] : memref<16512x128xf32, #tpu.memory_space<hbm>> -> memref<16512x128xf32, #tpu.memory_space<hbm>>
      tpu.wait_indirect_dma semaphore(%arg25 : memref<!tpu.dma_semaphore, #tpu.memory_space<semaphore_mem>>) src(%dma_wait3A_682 : memref<16512x128xf32, #tpu.memory_space<hbm>>) dst(%arg16 : memref<32x128xf32, #tpu.memory_space<vmem>>)
      %add3A_683 = arith.constant 0 : i32
      %add3A_684 = arith.addi %mul3A_678, %add3A_683 : i32
      %add3A_685 = arith.constant 0 : i32
      %add3A_686 = arith.addi %mul3A_678, %add3A_685 : i32
      %add3A_687 = arith.constant 4 : i32
      %add3A_688 = arith.addi %add3A_686, %add3A_687 : i32
      %lt3A = arith.cmpi slt, %add3A_688, %min3A_616 : i32
      %convert_element_type3A = arith.extui %lt3A : i1 to i32
      %cond3A = arith.constant 0 : i32
      %cond3A_689 = arith.cmpi ne, %convert_element_type3A, %cond3A : i32
      scf.if %cond3A_689 {
        %add3A_736 = arith.constant 0 : i32
        %add3A_737 = arith.addi %mul3A_678, %add3A_736 : i32
        %add3A_738 = arith.constant 4 : i32
        %add3A_739 = arith.addi %add3A_737, %add3A_738 : i32
        %mul3A_740 = arith.constant 32 : i32
        %mul3A_741 = arith.muli %add3A_739, %mul3A_740 : i32
        %dma_start3A_742 = tpu.memref_slice %arg15[%mul3A_741] : memref<6144xi32, #tpu.memory_space<vmem>> -> memref<32xi32, #tpu.memory_space<vmem>>
        %dma_start3A_743 = arith.constant 0 : i32
        %dma_start3A_744 = arith.constant 0 : i32
        %dma_start3A_745 = tpu.memref_slice %arg4[%dma_start3A_743, %dma_start3A_744] : memref<16512x128xf32, #tpu.memory_space<hbm>> -> memref<16512x128xf32, #tpu.memory_space<hbm>>
        tpu.enqueue_indirect_dma source(%dma_start3A_745 : memref<16512x128xf32, #tpu.memory_space<hbm>>) target(%arg16 : memref<32x128xf32, #tpu.memory_space<vmem>>) offsets(%dma_start3A_742 : memref<32xi32, #tpu.memory_space<vmem>>) semaphore(%arg25 : memref<!tpu.dma_semaphore, #tpu.memory_space<semaphore_mem>>)
      } else {
      }
      %dma_wait3A_690 = arith.constant 0 : i32
      %dma_wait3A_691 = tpu.memref_slice %arg15[%dma_wait3A_690] : memref<6144xi32, #tpu.memory_space<vmem>> -> memref<32xi32, #tpu.memory_space<vmem>>
      %dma_wait3A_692 = arith.constant 0 : i32
      %dma_wait3A_693 = arith.constant 0 : i32
      %dma_wait3A_694 = tpu.memref_slice %arg4[%dma_wait3A_692, %dma_wait3A_693] : memref<16512x128xf32, #tpu.memory_space<hbm>> -> memref<16512x128xf32, #tpu.memory_space<hbm>>
      tpu.wait_indirect_dma semaphore(%arg26 : memref<!tpu.dma_semaphore, #tpu.memory_space<semaphore_mem>>) src(%dma_wait3A_694 : memref<16512x128xf32, #tpu.memory_space<hbm>>) dst(%arg17 : memref<32x128xf32, #tpu.memory_space<vmem>>)
      %add3A_695 = arith.constant 1 : i32
      %add3A_696 = arith.addi %mul3A_678, %add3A_695 : i32
      %add3A_697 = arith.constant 1 : i32
      %add3A_698 = arith.addi %mul3A_678, %add3A_697 : i32
      %add3A_699 = arith.constant 4 : i32
      %add3A_700 = arith.addi %add3A_698, %add3A_699 : i32
      %lt3A_701 = arith.cmpi slt, %add3A_700, %min3A_616 : i32
      %convert_element_type3A_702 = arith.extui %lt3A_701 : i1 to i32
      %cond3A_703 = arith.constant 0 : i32
      %cond3A_704 = arith.cmpi ne, %convert_element_type3A_702, %cond3A_703 : i32
      scf.if %cond3A_704 {
        %add3A_736 = arith.constant 1 : i32
        %add3A_737 = arith.addi %mul3A_678, %add3A_736 : i32
        %add3A_738 = arith.constant 4 : i32
        %add3A_739 = arith.addi %add3A_737, %add3A_738 : i32
        %mul3A_740 = arith.constant 32 : i32
        %mul3A_741 = arith.muli %add3A_739, %mul3A_740 : i32
        %dma_start3A_742 = tpu.memref_slice %arg15[%mul3A_741] : memref<6144xi32, #tpu.memory_space<vmem>> -> memref<32xi32, #tpu.memory_space<vmem>>
        %dma_start3A_743 = arith.constant 0 : i32
        %dma_start3A_744 = arith.constant 0 : i32
        %dma_start3A_745 = tpu.memref_slice %arg4[%dma_start3A_743, %dma_start3A_744] : memref<16512x128xf32, #tpu.memory_space<hbm>> -> memref<16512x128xf32, #tpu.memory_space<hbm>>
        tpu.enqueue_indirect_dma source(%dma_start3A_745 : memref<16512x128xf32, #tpu.memory_space<hbm>>) target(%arg17 : memref<32x128xf32, #tpu.memory_space<vmem>>) offsets(%dma_start3A_742 : memref<32xi32, #tpu.memory_space<vmem>>) semaphore(%arg26 : memref<!tpu.dma_semaphore, #tpu.memory_space<semaphore_mem>>)
      } else {
      }
      %dma_wait3A_705 = arith.constant 0 : i32
      %dma_wait3A_706 = tpu.memref_slice %arg15[%dma_wait3A_705] : memref<6144xi32, #tpu.memory_space<vmem>> -> memref<32xi32, #tpu.memory_space<vmem>>
      %dma_wait3A_707 = arith.constant 0 : i32
      %dma_wait3A_708 = arith.constant 0 : i32
      %dma_wait3A_709 = tpu.memref_slice %arg4[%dma_wait3A_707, %dma_wait3A_708] : memref<16512x128xf32, #tpu.memory_space<hbm>> -> memref<16512x128xf32, #tpu.memory_space<hbm>>
      tpu.wait_indirect_dma semaphore(%arg27 : memref<!tpu.dma_semaphore, #tpu.memory_space<semaphore_mem>>) src(%dma_wait3A_709 : memref<16512x128xf32, #tpu.memory_space<hbm>>) dst(%arg18 : memref<32x128xf32, #tpu.memory_space<vmem>>)
      %add3A_710 = arith.constant 2 : i32
      %add3A_711 = arith.addi %mul3A_678, %add3A_710 : i32
      %add3A_712 = arith.constant 2 : i32
      %add3A_713 = arith.addi %mul3A_678, %add3A_712 : i32
      %add3A_714 = arith.constant 4 : i32
      %add3A_715 = arith.addi %add3A_713, %add3A_714 : i32
      %lt3A_716 = arith.cmpi slt, %add3A_715, %min3A_616 : i32
      %convert_element_type3A_717 = arith.extui %lt3A_716 : i1 to i32
      %cond3A_718 = arith.constant 0 : i32
      %cond3A_719 = arith.cmpi ne, %convert_element_type3A_717, %cond3A_718 : i32
      scf.if %cond3A_719 {
        %add3A_736 = arith.constant 2 : i32
        %add3A_737 = arith.addi %mul3A_678, %add3A_736 : i32
        %add3A_738 = arith.constant 4 : i32
        %add3A_739 = arith.addi %add3A_737, %add3A_738 : i32
        %mul3A_740 = arith.constant 32 : i32
        %mul3A_741 = arith.muli %add3A_739, %mul3A_740 : i32
        %dma_start3A_742 = tpu.memref_slice %arg15[%mul3A_741] : memref<6144xi32, #tpu.memory_space<vmem>> -> memref<32xi32, #tpu.memory_space<vmem>>
        %dma_start3A_743 = arith.constant 0 : i32
        %dma_start3A_744 = arith.constant 0 : i32
        %dma_start3A_745 = tpu.memref_slice %arg4[%dma_start3A_743, %dma_start3A_744] : memref<16512x128xf32, #tpu.memory_space<hbm>> -> memref<16512x128xf32, #tpu.memory_space<hbm>>
        tpu.enqueue_indirect_dma source(%dma_start3A_745 : memref<16512x128xf32, #tpu.memory_space<hbm>>) target(%arg18 : memref<32x128xf32, #tpu.memory_space<vmem>>) offsets(%dma_start3A_742 : memref<32xi32, #tpu.memory_space<vmem>>) semaphore(%arg27 : memref<!tpu.dma_semaphore, #tpu.memory_space<semaphore_mem>>)
      } else {
      }
      %dma_wait3A_720 = arith.constant 0 : i32
      %dma_wait3A_721 = tpu.memref_slice %arg15[%dma_wait3A_720] : memref<6144xi32, #tpu.memory_space<vmem>> -> memref<32xi32, #tpu.memory_space<vmem>>
      %dma_wait3A_722 = arith.constant 0 : i32
      %dma_wait3A_723 = arith.constant 0 : i32
      %dma_wait3A_724 = tpu.memref_slice %arg4[%dma_wait3A_722, %dma_wait3A_723] : memref<16512x128xf32, #tpu.memory_space<hbm>> -> memref<16512x128xf32, #tpu.memory_space<hbm>>
      tpu.wait_indirect_dma semaphore(%arg28 : memref<!tpu.dma_semaphore, #tpu.memory_space<semaphore_mem>>) src(%dma_wait3A_724 : memref<16512x128xf32, #tpu.memory_space<hbm>>) dst(%arg19 : memref<32x128xf32, #tpu.memory_space<vmem>>)
      %add3A_725 = arith.constant 3 : i32
      %add3A_726 = arith.addi %mul3A_678, %add3A_725 : i32
      %add3A_727 = arith.constant 3 : i32
      %add3A_728 = arith.addi %mul3A_678, %add3A_727 : i32
      %add3A_729 = arith.constant 4 : i32
      %add3A_730 = arith.addi %add3A_728, %add3A_729 : i32
      %lt3A_731 = arith.cmpi slt, %add3A_730, %min3A_616 : i32
      %convert_element_type3A_732 = arith.extui %lt3A_731 : i1 to i32
      %cond3A_733 = arith.constant 0 : i32
      %cond3A_734 = arith.cmpi ne, %convert_element_type3A_732, %cond3A_733 : i32
      scf.if %cond3A_734 {
        %add3A_736 = arith.constant 3 : i32
        %add3A_737 = arith.addi %mul3A_678, %add3A_736 : i32
        %add3A_738 = arith.constant 4 : i32
        %add3A_739 = arith.addi %add3A_737, %add3A_738 : i32
        %mul3A_740 = arith.constant 32 : i32
        %mul3A_741 = arith.muli %add3A_739, %mul3A_740 : i32
        %dma_start3A_742 = tpu.memref_slice %arg15[%mul3A_741] : memref<6144xi32, #tpu.memory_space<vmem>> -> memref<32xi32, #tpu.memory_space<vmem>>
        %dma_start3A_743 = arith.constant 0 : i32
        %dma_start3A_744 = arith.constant 0 : i32
        %dma_start3A_745 = tpu.memref_slice %arg4[%dma_start3A_743, %dma_start3A_744] : memref<16512x128xf32, #tpu.memory_space<hbm>> -> memref<16512x128xf32, #tpu.memory_space<hbm>>
        tpu.enqueue_indirect_dma source(%dma_start3A_745 : memref<16512x128xf32, #tpu.memory_space<hbm>>) target(%arg19 : memref<32x128xf32, #tpu.memory_space<vmem>>) offsets(%dma_start3A_742 : memref<32xi32, #tpu.memory_space<vmem>>) semaphore(%arg28 : memref<!tpu.dma_semaphore, #tpu.memory_space<semaphore_mem>>)
      } else {
      }
      %while3A_735 = arith.constant 0 : i32
      scf.yield %while3A_735 : i32
    }
    %while3A_671 = arith.constant 1 : i32
    %while3A_672 = scf.for %while3A_675 = %while3A_668 to %while3A_664 step %while3A_671 iter_args(%while3A_676 = %while3A_670) -> (i32)  : i32 {
      %mul3A_677 = arith.constant 4 : i32
      %mul3A_678 = arith.muli %while3A_675, %mul3A_677 : i32
      %dma_wait3A = arith.constant 0 : i32
      %dma_wait3A_679 = tpu.memref_slice %arg15[%dma_wait3A] : memref<6144xi32, #tpu.memory_space<vmem>> -> memref<32xi32, #tpu.memory_space<vmem>>
      %dma_wait3A_680 = arith.constant 0 : i32
      %dma_wait3A_681 = arith.constant 0 : i32
      %dma_wait3A_682 = tpu.memref_slice %arg4[%dma_wait3A_680, %dma_wait3A_681] : memref<16512x128xf32, #tpu.memory_space<hbm>> -> memref<16512x128xf32, #tpu.memory_space<hbm>>
      tpu.wait_indirect_dma semaphore(%arg25 : memref<!tpu.dma_semaphore, #tpu.memory_space<semaphore_mem>>) src(%dma_wait3A_682 : memref<16512x128xf32, #tpu.memory_space<hbm>>) dst(%arg16 : memref<32x128xf32, #tpu.memory_space<vmem>>)
      %add3A_683 = arith.constant 0 : i32
      %add3A_684 = arith.addi %mul3A_678, %add3A_683 : i32
      %add3A_685 = arith.constant 0 : i32
      %add3A_686 = arith.addi %mul3A_678, %add3A_685 : i32
      %add3A_687 = arith.constant 4 : i32
      %add3A_688 = arith.addi %add3A_686, %add3A_687 : i32
      %lt3A = arith.cmpi slt, %add3A_688, %min3A_616 : i32
      %convert_element_type3A = arith.extui %lt3A : i1 to i32
      %cond3A = arith.constant 0 : i32
      %cond3A_689 = arith.cmpi ne, %convert_element_type3A, %cond3A : i32
      scf.if %cond3A_689 {
        %add3A_736 = arith.constant 0 : i32
        %add3A_737 = arith.addi %mul3A_678, %add3A_736 : i32
        %add3A_738 = arith.constant 4 : i32
        %add3A_739 = arith.addi %add3A_737, %add3A_738 : i32
        %mul3A_740 = arith.constant 32 : i32
        %mul3A_741 = arith.muli %add3A_739, %mul3A_740 : i32
        %dma_start3A_742 = tpu.memref_slice %arg15[%mul3A_741] : memref<6144xi32, #tpu.memory_space<vmem>> -> memref<32xi32, #tpu.memory_space<vmem>>
        %dma_start3A_743 = arith.constant 0 : i32
        %dma_start3A_744 = arith.constant 0 : i32
        %dma_start3A_745 = tpu.memref_slice %arg4[%dma_start3A_743, %dma_start3A_744] : memref<16512x128xf32, #tpu.memory_space<hbm>> -> memref<16512x128xf32, #tpu.memory_space<hbm>>
        tpu.enqueue_indirect_dma source(%dma_start3A_745 : memref<16512x128xf32, #tpu.memory_space<hbm>>) target(%arg16 : memref<32x128xf32, #tpu.memory_space<vmem>>) offsets(%dma_start3A_742 : memref<32xi32, #tpu.memory_space<vmem>>) semaphore(%arg25 : memref<!tpu.dma_semaphore, #tpu.memory_space<semaphore_mem>>)
      } else {
      }
      %dma_wait3A_690 = arith.constant 0 : i32
      %dma_wait3A_691 = tpu.memref_slice %arg15[%dma_wait3A_690] : memref<6144xi32, #tpu.memory_space<vmem>> -> memref<32xi32, #tpu.memory_space<vmem>>
      %dma_wait3A_692 = arith.constant 0 : i32
      %dma_wait3A_693 = arith.constant 0 : i32
      %dma_wait3A_694 = tpu.memref_slice %arg4[%dma_wait3A_692, %dma_wait3A_693] : memref<16512x128xf32, #tpu.memory_space<hbm>> -> memref<16512x128xf32, #tpu.memory_space<hbm>>
      tpu.wait_indirect_dma semaphore(%arg26 : memref<!tpu.dma_semaphore, #tpu.memory_space<semaphore_mem>>) src(%dma_wait3A_694 : memref<16512x128xf32, #tpu.memory_space<hbm>>) dst(%arg17 : memref<32x128xf32, #tpu.memory_space<vmem>>)
      %add3A_695 = arith.constant 1 : i32
      %add3A_696 = arith.addi %mul3A_678, %add3A_695 : i32
      %add3A_697 = arith.constant 1 : i32
      %add3A_698 = arith.addi %mul3A_678, %add3A_697 : i32
      %add3A_699 = arith.constant 4 : i32
      %add3A_700 = arith.addi %add3A_698, %add3A_699 : i32
      %lt3A_701 = arith.cmpi slt, %add3A_700, %min3A_616 : i32
      %convert_element_type3A_702 = arith.extui %lt3A_701 : i1 to i32
      %cond3A_703 = arith.constant 0 : i32
      %cond3A_704 = arith.cmpi ne, %convert_element_type3A_702, %cond3A_703 : i32
      scf.if %cond3A_704 {
        %add3A_736 = arith.constant 1 : i32
        %add3A_737 = arith.addi %mul3A_678, %add3A_736 : i32
        %add3A_738 = arith.constant 4 : i32
        %add3A_739 = arith.addi %add3A_737, %add3A_738 : i32
        %mul3A_740 = arith.constant 32 : i32
        %mul3A_741 = arith.muli %add3A_739, %mul3A_740 : i32
        %dma_start3A_742 = tpu.memref_slice %arg15[%mul3A_741] : memref<6144xi32, #tpu.memory_space<vmem>> -> memref<32xi32, #tpu.memory_space<vmem>>
        %dma_start3A_743 = arith.constant 0 : i32
        %dma_start3A_744 = arith.constant 0 : i32
        %dma_start3A_745 = tpu.memref_slice %arg4[%dma_start3A_743, %dma_start3A_744] : memref<16512x128xf32, #tpu.memory_space<hbm>> -> memref<16512x128xf32, #tpu.memory_space<hbm>>
        tpu.enqueue_indirect_dma source(%dma_start3A_745 : memref<16512x128xf32, #tpu.memory_space<hbm>>) target(%arg17 : memref<32x128xf32, #tpu.memory_space<vmem>>) offsets(%dma_start3A_742 : memref<32xi32, #tpu.memory_space<vmem>>) semaphore(%arg26 : memref<!tpu.dma_semaphore, #tpu.memory_space<semaphore_mem>>)
      } else {
      }
      %dma_wait3A_705 = arith.constant 0 : i32
      %dma_wait3A_706 = tpu.memref_slice %arg15[%dma_wait3A_705] : memref<6144xi32, #tpu.memory_space<vmem>> -> memref<32xi32, #tpu.memory_space<vmem>>
      %dma_wait3A_707 = arith.constant 0 : i32
      %dma_wait3A_708 = arith.constant 0 : i32
      %dma_wait3A_709 = tpu.memref_slice %arg4[%dma_wait3A_707, %dma_wait3A_708] : memref<16512x128xf32, #tpu.memory_space<hbm>> -> memref<16512x128xf32, #tpu.memory_space<hbm>>
      tpu.wait_indirect_dma semaphore(%arg27 : memref<!tpu.dma_semaphore, #tpu.memory_space<semaphore_mem>>) src(%dma_wait3A_709 : memref<16512x128xf32, #tpu.memory_space<hbm>>) dst(%arg18 : memref<32x128xf32, #tpu.memory_space<vmem>>)
      %add3A_710 = arith.constant 2 : i32
      %add3A_711 = arith.addi %mul3A_678, %add3A_710 : i32
      %add3A_712 = arith.constant 2 : i32
      %add3A_713 = arith.addi %mul3A_678, %add3A_712 : i32
      %add3A_714 = arith.constant 4 : i32
      %add3A_715 = arith.addi %add3A_713, %add3A_714 : i32
      %lt3A_716 = arith.cmpi slt, %add3A_715, %min3A_616 : i32
      %convert_element_type3A_717 = arith.extui %lt3A_716 : i1 to i32
      %cond3A_718 = arith.constant 0 : i32
      %cond3A_719 = arith.cmpi ne, %convert_element_type3A_717, %cond3A_718 : i32
      scf.if %cond3A_719 {
        %add3A_736 = arith.constant 2 : i32
        %add3A_737 = arith.addi %mul3A_678, %add3A_736 : i32
        %add3A_738 = arith.constant 4 : i32
        %add3A_739 = arith.addi %add3A_737, %add3A_738 : i32
        %mul3A_740 = arith.constant 32 : i32
        %mul3A_741 = arith.muli %add3A_739, %mul3A_740 : i32
        %dma_start3A_742 = tpu.memref_slice %arg15[%mul3A_741] : memref<6144xi32, #tpu.memory_space<vmem>> -> memref<32xi32, #tpu.memory_space<vmem>>
        %dma_start3A_743 = arith.constant 0 : i32
        %dma_start3A_744 = arith.constant 0 : i32
        %dma_start3A_745 = tpu.memref_slice %arg4[%dma_start3A_743, %dma_start3A_744] : memref<16512x128xf32, #tpu.memory_space<hbm>> -> memref<16512x128xf32, #tpu.memory_space<hbm>>
        tpu.enqueue_indirect_dma source(%dma_start3A_745 : memref<16512x128xf32, #tpu.memory_space<hbm>>) target(%arg18 : memref<32x128xf32, #tpu.memory_space<vmem>>) offsets(%dma_start3A_742 : memref<32xi32, #tpu.memory_space<vmem>>) semaphore(%arg27 : memref<!tpu.dma_semaphore, #tpu.memory_space<semaphore_mem>>)
      } else {
      }
      %dma_wait3A_720 = arith.constant 0 : i32
      %dma_wait3A_721 = tpu.memref_slice %arg15[%dma_wait3A_720] : memref<6144xi32, #tpu.memory_space<vmem>> -> memref<32xi32, #tpu.memory_space<vmem>>
      %dma_wait3A_722 = arith.constant 0 : i32
      %dma_wait3A_723 = arith.constant 0 : i32
      %dma_wait3A_724 = tpu.memref_slice %arg4[%dma_wait3A_722, %dma_wait3A_723] : memref<16512x128xf32, #tpu.memory_space<hbm>> -> memref<16512x128xf32, #tpu.memory_space<hbm>>
      tpu.wait_indirect_dma semaphore(%arg28 : memref<!tpu.dma_semaphore, #tpu.memory_space<semaphore_mem>>) src(%dma_wait3A_724 : memref<16512x128xf32, #tpu.memory_space<hbm>>) dst(%arg19 : memref<32x128xf32, #tpu.memory_space<vmem>>)
      %add3A_725 = arith.constant 3 : i32
      %add3A_726 = arith.addi %mul3A_678, %add3A_725 : i32
      %add3A_727 = arith.constant 3 : i32
      %add3A_728 = arith.addi %mul3A_678, %add3A_727 : i32
      %add3A_729 = arith.constant 4 : i32
      %add3A_730 = arith.addi %add3A_728, %add3A_729 : i32
      %lt3A_731 = arith.cmpi slt, %add3A_730, %min3A_616 : i32
      %convert_element_type3A_732 = arith.extui %lt3A_731 : i1 to i32
      %cond3A_733 = arith.constant 0 : i32
      %cond3A_734 = arith.cmpi ne, %convert_element_type3A_732, %cond3A_733 : i32
      scf.if %cond3A_734 {
        %add3A_736 = arith.constant 3 : i32
        %add3A_737 = arith.addi %mul3A_678, %add3A_736 : i32
        %add3A_738 = arith.constant 4 : i32
        %add3A_739 = arith.addi %add3A_737, %add3A_738 : i32
        %mul3A_740 = arith.constant 32 : i32
        %mul3A_741 = arith.muli %add3A_739, %mul3A_740 : i32
        %dma_start3A_742 = tpu.memref_slice %arg15[%mul3A_741] : memref<6144xi32, #tpu.memory_space<vmem>> -> memref<32xi32, #tpu.memory_space<vmem>>
        %dma_start3A_743 = arith.constant 0 : i32
        %dma_start3A_744 = arith.constant 0 : i32
        %dma_start3A_745 = tpu.memref_slice %arg4[%dma_start3A_743, %dma_start3A_744] : memref<16512x128xf32, #tpu.memory_space<hbm>> -> memref<16512x128xf32, #tpu.memory_space<hbm>>
        tpu.enqueue_indirect_dma source(%dma_start3A_745 : memref<16512x128xf32, #tpu.memory_space<hbm>>) target(%arg19 : memref<32x128xf32, #tpu.memory_space<vmem>>) offsets(%dma_start3A_742 : memref<32xi32, #tpu.memory_space<vmem>>) semaphore(%arg28 : memref<!tpu.dma_semaphore, #tpu.memory_space<semaphore_mem>>)
      } else {
      }
      %while3A_735 = arith.constant 0 : i32
      scf.yield %while3A_735 : i32
    }
    %add3A_673 = arith.constant 240 : i32
    %add3A_674 = arith.addi %mul3A_2, %add3A_673 : i32
    "tpu.region"() ({
      %run_scoped3A = tpu.sem_alloc : memref<!tpu.dma_semaphore, #tpu.memory_space<semaphore_mem>>
      %dma_start3A_675 = arith.constant 0 : i32
      %dma_start3A_676 = arith.constant 0 : i32
      %dma_start3A_677 = tpu.memref_slice %arg20[%dma_start3A_675, %dma_start3A_676] : memref<81x128xf32, #tpu.memory_space<vmem>> -> memref<80x128xf32, #tpu.memory_space<vmem>>
      %dma_start3A_678 = arith.constant 0 : i32
      %dma_start3A_679 = tpu.memref_slice %arg5[%add3A_674, %dma_start3A_678] : memref<10240x128xf32, #tpu.memory_space<hbm>> -> memref<80x128xf32, #tpu.memory_space<hbm>>
      %dma_start3A_680 = arith.constant 0 : i32
      %dma_start3A_681 = tpu.memref_slice %arg5[%add3A_674, %dma_start3A_680] : memref<10240x128xf32, #tpu.memory_space<hbm>> -> memref<80x128xf32, #tpu.memory_space<hbm>>
      %dma_start3A_682 = arith.constant 0 : i32
      %dma_start3A_683 = arith.constant 0 : i32
      %dma_start3A_684 = tpu.memref_slice %arg20[%dma_start3A_682, %dma_start3A_683] : memref<81x128xf32, #tpu.memory_space<vmem>> -> memref<80x128xf32, #tpu.memory_space<vmem>>
      tpu.enqueue_dma source(%dma_start3A_684 : memref<80x128xf32, #tpu.memory_space<vmem>>) target(%dma_start3A_681 : memref<80x128xf32, #tpu.memory_space<hbm>>) target_semaphore(%run_scoped3A : memref<!tpu.dma_semaphore, #tpu.memory_space<semaphore_mem>>)
      %dma_wait3A = arith.constant 0 : i32
      %dma_wait3A_685 = arith.constant 0 : i32
      %dma_wait3A_686 = tpu.memref_slice %arg20[%dma_wait3A, %dma_wait3A_685] : memref<81x128xf32, #tpu.memory_space<vmem>> -> memref<80x128xf32, #tpu.memory_space<vmem>>
      %dma_wait3A_687 = arith.constant 0 : i32
      %dma_wait3A_688 = tpu.memref_slice %arg5[%add3A_674, %dma_wait3A_687] : memref<10240x128xf32, #tpu.memory_space<hbm>> -> memref<80x128xf32, #tpu.memory_space<hbm>>
      %dma_wait3A_689 = arith.constant 0 : i32
      %dma_wait3A_690 = tpu.memref_slice %arg5[%add3A_674, %dma_wait3A_689] : memref<10240x128xf32, #tpu.memory_space<hbm>> -> memref<80x128xf32, #tpu.memory_space<hbm>>
      %dma_wait3A_691 = arith.constant 0 : i32
      %dma_wait3A_692 = arith.constant 0 : i32
      %dma_wait3A_693 = tpu.memref_slice %arg20[%dma_wait3A_691, %dma_wait3A_692] : memref<81x128xf32, #tpu.memory_space<vmem>> -> memref<80x128xf32, #tpu.memory_space<vmem>>
      tpu.wait_dma2 semaphore(%run_scoped3A : memref<!tpu.dma_semaphore, #tpu.memory_space<semaphore_mem>>) src(%dma_wait3A_693 : memref<80x128xf32, #tpu.memory_space<vmem>>) dst(%dma_wait3A_690 : memref<80x128xf32, #tpu.memory_space<hbm>>)
      tpu.yield
    }) : () -> ()
    "tpu.region"() ({
      %run_scoped3A = tpu.sem_alloc : memref<!tpu.dma_semaphore, #tpu.memory_space<semaphore_mem>>
      %dma_start3A_675 = arith.constant 0 : i32
      %dma_start3A_676 = arith.constant 0 : i32
      %dma_start3A_677 = tpu.memref_slice %arg21[%dma_start3A_675, %dma_start3A_676] : memref<81x128xf32, #tpu.memory_space<vmem>> -> memref<80x128xf32, #tpu.memory_space<vmem>>
      %dma_start3A_678 = arith.constant 0 : i32
      %dma_start3A_679 = tpu.memref_slice %arg6[%add3A_674, %dma_start3A_678] : memref<10240x128xf32, #tpu.memory_space<hbm>> -> memref<80x128xf32, #tpu.memory_space<hbm>>
      %dma_start3A_680 = arith.constant 0 : i32
      %dma_start3A_681 = tpu.memref_slice %arg6[%add3A_674, %dma_start3A_680] : memref<10240x128xf32, #tpu.memory_space<hbm>> -> memref<80x128xf32, #tpu.memory_space<hbm>>
      %dma_start3A_682 = arith.constant 0 : i32
      %dma_start3A_683 = arith.constant 0 : i32
      %dma_start3A_684 = tpu.memref_slice %arg21[%dma_start3A_682, %dma_start3A_683] : memref<81x128xf32, #tpu.memory_space<vmem>> -> memref<80x128xf32, #tpu.memory_space<vmem>>
      tpu.enqueue_dma source(%dma_start3A_684 : memref<80x128xf32, #tpu.memory_space<vmem>>) target(%dma_start3A_681 : memref<80x128xf32, #tpu.memory_space<hbm>>) target_semaphore(%run_scoped3A : memref<!tpu.dma_semaphore, #tpu.memory_space<semaphore_mem>>)
      %dma_wait3A = arith.constant 0 : i32
      %dma_wait3A_685 = arith.constant 0 : i32
      %dma_wait3A_686 = tpu.memref_slice %arg21[%dma_wait3A, %dma_wait3A_685] : memref<81x128xf32, #tpu.memory_space<vmem>> -> memref<80x128xf32, #tpu.memory_space<vmem>>
      %dma_wait3A_687 = arith.constant 0 : i32
      %dma_wait3A_688 = tpu.memref_slice %arg6[%add3A_674, %dma_wait3A_687] : memref<10240x128xf32, #tpu.memory_space<hbm>> -> memref<80x128xf32, #tpu.memory_space<hbm>>
      %dma_wait3A_689 = arith.constant 0 : i32
      %dma_wait3A_690 = tpu.memref_slice %arg6[%add3A_674, %dma_wait3A_689] : memref<10240x128xf32, #tpu.memory_space<hbm>> -> memref<80x128xf32, #tpu.memory_space<hbm>>
      %dma_wait3A_691 = arith.constant 0 : i32
      %dma_wait3A_692 = arith.constant 0 : i32
      %dma_wait3A_693 = tpu.memref_slice %arg21[%dma_wait3A_691, %dma_wait3A_692] : memref<81x128xf32, #tpu.memory_space<vmem>> -> memref<80x128xf32, #tpu.memory_space<vmem>>
      tpu.wait_dma2 semaphore(%run_scoped3A : memref<!tpu.dma_semaphore, #tpu.memory_space<semaphore_mem>>) src(%dma_wait3A_693 : memref<80x128xf32, #tpu.memory_space<vmem>>) dst(%dma_wait3A_690 : memref<80x128xf32, #tpu.memory_space<hbm>>)
      tpu.yield
    }) : () -> ()
    "tpu.region"() ({
      %run_scoped3A = tpu.sem_alloc : memref<!tpu.dma_semaphore, #tpu.memory_space<semaphore_mem>>
      %dma_start3A_675 = arith.constant 0 : i32
      %dma_start3A_676 = arith.constant 0 : i32
      %dma_start3A_677 = tpu.memref_slice %arg22[%dma_start3A_675, %dma_start3A_676] : memref<81x128xf32, #tpu.memory_space<vmem>> -> memref<80x128xf32, #tpu.memory_space<vmem>>
      %dma_start3A_678 = arith.constant 0 : i32
      %dma_start3A_679 = tpu.memref_slice %arg7[%add3A_674, %dma_start3A_678] : memref<10240x128xf32, #tpu.memory_space<hbm>> -> memref<80x128xf32, #tpu.memory_space<hbm>>
      %dma_start3A_680 = arith.constant 0 : i32
      %dma_start3A_681 = tpu.memref_slice %arg7[%add3A_674, %dma_start3A_680] : memref<10240x128xf32, #tpu.memory_space<hbm>> -> memref<80x128xf32, #tpu.memory_space<hbm>>
      %dma_start3A_682 = arith.constant 0 : i32
      %dma_start3A_683 = arith.constant 0 : i32
      %dma_start3A_684 = tpu.memref_slice %arg22[%dma_start3A_682, %dma_start3A_683] : memref<81x128xf32, #tpu.memory_space<vmem>> -> memref<80x128xf32, #tpu.memory_space<vmem>>
      tpu.enqueue_dma source(%dma_start3A_684 : memref<80x128xf32, #tpu.memory_space<vmem>>) target(%dma_start3A_681 : memref<80x128xf32, #tpu.memory_space<hbm>>) target_semaphore(%run_scoped3A : memref<!tpu.dma_semaphore, #tpu.memory_space<semaphore_mem>>)
      %dma_wait3A = arith.constant 0 : i32
      %dma_wait3A_685 = arith.constant 0 : i32
      %dma_wait3A_686 = tpu.memref_slice %arg22[%dma_wait3A, %dma_wait3A_685] : memref<81x128xf32, #tpu.memory_space<vmem>> -> memref<80x128xf32, #tpu.memory_space<vmem>>
      %dma_wait3A_687 = arith.constant 0 : i32
      %dma_wait3A_688 = tpu.memref_slice %arg7[%add3A_674, %dma_wait3A_687] : memref<10240x128xf32, #tpu.memory_space<hbm>> -> memref<80x128xf32, #tpu.memory_space<hbm>>
      %dma_wait3A_689 = arith.constant 0 : i32
      %dma_wait3A_690 = tpu.memref_slice %arg7[%add3A_674, %dma_wait3A_689] : memref<10240x128xf32, #tpu.memory_space<hbm>> -> memref<80x128xf32, #tpu.memory_space<hbm>>
      %dma_wait3A_691 = arith.constant 0 : i32
      %dma_wait3A_692 = arith.constant 0 : i32
      %dma_wait3A_693 = tpu.memref_slice %arg22[%dma_wait3A_691, %dma_wait3A_692] : memref<81x128xf32, #tpu.memory_space<vmem>> -> memref<80x128xf32, #tpu.memory_space<vmem>>
      tpu.wait_dma2 semaphore(%run_scoped3A : memref<!tpu.dma_semaphore, #tpu.memory_space<semaphore_mem>>) src(%dma_wait3A_693 : memref<80x128xf32, #tpu.memory_space<vmem>>) dst(%dma_wait3A_690 : memref<80x128xf32, #tpu.memory_space<hbm>>)
      tpu.yield
    }) : () -> ()
    return
  }
}

module attributes {stable_mosaic.version = 14 : i64} {
  func.func @_mlp_body(%arg0: i32, %arg1: memref<1000x128xf32, #tpu.memory_space<vmem>>, %arg2: memref<1000x128xf32, #tpu.memory_space<vmem>>, %arg3: memref<1000x128xf32, #tpu.memory_space<vmem>>, %arg4: memref<128x128xf32, #tpu.memory_space<vmem>>, %arg5: memref<128x128xf32, #tpu.memory_space<vmem>>, %arg6: memref<128x128xf32, #tpu.memory_space<vmem>>, %arg7: memref<1x128xf32, #tpu.memory_space<vmem>>, %arg8: memref<1000x128xf32, #tpu.memory_space<vmem>>) attributes {dimension_semantics = [#tpu.dimension_semantics<arbitrary>], iteration_bounds = array<i64: 10>, scalar_prefetch = 0 : i64, scratch_operands = 0 : i64, tpu.core_type = #tpu.core_type<tc>, window_params = [{transform_indices = @transform_0, window_bounds = array<i64: 1000, 128>}, {transform_indices = @transform_1, window_bounds = array<i64: 1000, 128>}, {transform_indices = @transform_2, window_bounds = array<i64: 1000, 128>}, {pipeline_mode = #tpu.pipeline_mode<synchronous>, transform_indices = @transform_3, window_bounds = array<i64: 128, 128>}, {pipeline_mode = #tpu.pipeline_mode<synchronous>, transform_indices = @transform_4, window_bounds = array<i64: 128, 128>}, {pipeline_mode = #tpu.pipeline_mode<synchronous>, transform_indices = @transform_5, window_bounds = array<i64: 128, 128>}, {pipeline_mode = #tpu.pipeline_mode<synchronous>, transform_indices = @transform_6, window_bounds = array<i64: 1, 128>}, {transform_indices = @transform_7, window_bounds = array<i64: 1000, 128>}]} {
    %get3A = arith.constant 0 : index
    %get3A_0 = arith.constant 0 : index
    %get3A_1 = vector.load %arg2[%get3A, %get3A_0] : memref<1000x128xf32, #tpu.memory_space<vmem>>, vector<1000x128xf32>
    %get3A_2 = arith.constant 0 : index
    %get3A_3 = arith.constant 0 : index
    %get3A_4 = vector.load %arg3[%get3A_2, %get3A_3] : memref<1000x128xf32, #tpu.memory_space<vmem>>, vector<1000x128xf32>
    %is_finite3A = tpu.weird %get3A_1 : vector<1000x128xf32> -> vector<1000x128xi1>
    %is_finite3A_5 = arith.constant dense<true> : vector<1000x128xi1>
    %is_finite3A_6 = arith.xori %is_finite3A, %is_finite3A_5 : vector<1000x128xi1>
    %jit3A = arith.constant 0.000000e+00 : f32
    %broadcast_in_dim3A = vector.broadcast %jit3A : f32 to vector<1000x128xf32>
    %select_n3A = arith.select %is_finite3A_6, %get3A_1, %broadcast_in_dim3A : vector<1000x128xi1>, vector<1000x128xf32>
    %is_finite3A_7 = tpu.weird %get3A_4 : vector<1000x128xf32> -> vector<1000x128xi1>
    %is_finite3A_8 = arith.constant dense<true> : vector<1000x128xi1>
    %is_finite3A_9 = arith.xori %is_finite3A_7, %is_finite3A_8 : vector<1000x128xi1>
    %jit3A_10 = arith.constant 0.000000e+00 : f32
    %broadcast_in_dim3A_11 = vector.broadcast %jit3A_10 : f32 to vector<1000x128xf32>
    %select_n3A_12 = arith.select %is_finite3A_9, %get3A_4, %broadcast_in_dim3A_11 : vector<1000x128xi1>, vector<1000x128xf32>
    %get3A_13 = arith.constant 0 : index
    %get3A_14 = arith.constant 0 : index
    %get3A_15 = vector.load %arg1[%get3A_13, %get3A_14] : memref<1000x128xf32, #tpu.memory_space<vmem>>, vector<1000x128xf32>
    %get3A_16 = arith.constant 0 : index
    %get3A_17 = arith.constant 0 : index
    %get3A_18 = vector.load %arg4[%get3A_16, %get3A_17] : memref<128x128xf32, #tpu.memory_space<vmem>>, vector<128x128xf32>
    %dot_general3A = arith.constant dense<0.000000e+00> : vector<1000x128xf32>
    %dot_general3A_19 = tpu.matmul %get3A_15, %get3A_18, %dot_general3A {dimension_numbers = #tpu.dot_dimension_numbers<[1], [0], [0], [1], [0, 0, 1, 1], [], []>, transpose_lhs_hint = false} : vector<1000x128xf32>, vector<128x128xf32>, vector<1000x128xf32> -> vector<1000x128xf32>
    %get3A_20 = arith.constant 0 : index
    %get3A_21 = arith.constant 0 : index
    %get3A_22 = vector.load %arg5[%get3A_20, %get3A_21] : memref<128x128xf32, #tpu.memory_space<vmem>>, vector<128x128xf32>
    %dot_general3A_23 = arith.constant dense<0.000000e+00> : vector<1000x128xf32>
    %dot_general3A_24 = tpu.matmul %select_n3A, %get3A_22, %dot_general3A_23 {dimension_numbers = #tpu.dot_dimension_numbers<[1], [0], [0], [1], [0, 0, 1, 1], [], []>, transpose_lhs_hint = false} : vector<1000x128xf32>, vector<128x128xf32>, vector<1000x128xf32> -> vector<1000x128xf32>
    %add3A = arith.addf %dot_general3A_19, %dot_general3A_24 : vector<1000x128xf32>
    %get3A_25 = arith.constant 0 : index
    %get3A_26 = arith.constant 0 : index
    %get3A_27 = vector.load %arg6[%get3A_25, %get3A_26] : memref<128x128xf32, #tpu.memory_space<vmem>>, vector<128x128xf32>
    %dot_general3A_28 = arith.constant dense<0.000000e+00> : vector<1000x128xf32>
    %dot_general3A_29 = tpu.matmul %select_n3A_12, %get3A_27, %dot_general3A_28 {dimension_numbers = #tpu.dot_dimension_numbers<[1], [0], [0], [1], [0, 0, 1, 1], [], []>, transpose_lhs_hint = false} : vector<1000x128xf32>, vector<128x128xf32>, vector<1000x128xf32> -> vector<1000x128xf32>
    %add3A_30 = arith.addf %add3A, %dot_general3A_29 : vector<1000x128xf32>
    %get3A_31 = arith.constant 0 : index
    %get3A_32 = arith.constant 0 : index
    %get3A_33 = vector.load %arg7[%get3A_31, %get3A_32] : memref<1x128xf32, #tpu.memory_space<vmem>>, vector<1x128xf32>
    %add3A_34 = vector.broadcast %get3A_33 : vector<1x128xf32> to vector<1000x128xf32>
    %add3A_35 = arith.addf %add3A_30, %add3A_34 : vector<1000x128xf32>
    %tanh3A = math.tanh %add3A_35 : vector<1000x128xf32>
    %swap3A = arith.constant 0 : index
    %swap3A_36 = arith.constant 0 : index
    %swap3A_37 = vector.load %arg8[%swap3A, %swap3A_36] : memref<1000x128xf32, #tpu.memory_space<vmem>>, vector<1000x128xf32>
    tpu.vector_store %arg8[%swap3A, %swap3A_36], %tanh3A {strides = array<i32>} : memref<1000x128xf32, #tpu.memory_space<vmem>>, vector<1000x128xf32>,
    return
  }
  func.func @transform_0(%arg0: i32) -> (i32, i32) {
    %c0_i32 = arith.constant 0 : i32
    %c0_i32_0 = arith.constant 0 : i32
    return %arg0, %c0_i32 : i32, i32
  }
  func.func @transform_1(%arg0: i32) -> (i32, i32) {
    %c0_i32 = arith.constant 0 : i32
    %c0_i32_0 = arith.constant 0 : i32
    return %arg0, %c0_i32 : i32, i32
  }
  func.func @transform_2(%arg0: i32) -> (i32, i32) {
    %c0_i32 = arith.constant 0 : i32
    %c0_i32_0 = arith.constant 0 : i32
    return %arg0, %c0_i32 : i32, i32
  }
  func.func @transform_3(%arg0: i32) -> (i32, i32) {
    %c0_i32 = arith.constant 0 : i32
    %c0_i32_0 = arith.constant 0 : i32
    %c0_i32_1 = arith.constant 0 : i32
    return %c0_i32, %c0_i32_0 : i32, i32
  }
  func.func @transform_4(%arg0: i32) -> (i32, i32) {
    %c0_i32 = arith.constant 0 : i32
    %c0_i32_0 = arith.constant 0 : i32
    %c0_i32_1 = arith.constant 0 : i32
    return %c0_i32, %c0_i32_0 : i32, i32
  }
  func.func @transform_5(%arg0: i32) -> (i32, i32) {
    %c0_i32 = arith.constant 0 : i32
    %c0_i32_0 = arith.constant 0 : i32
    %c0_i32_1 = arith.constant 0 : i32
    return %c0_i32, %c0_i32_0 : i32, i32
  }
  func.func @transform_6(%arg0: i32) -> (i32, i32) {
    %c0_i32 = arith.constant 0 : i32
    %c0_i32_0 = arith.constant 0 : i32
    %c0_i32_1 = arith.constant 0 : i32
    return %c0_i32, %c0_i32_0 : i32, i32
  }
  func.func @transform_7(%arg0: i32) -> (i32, i32) {
    %c0_i32 = arith.constant 0 : i32
    %c0_i32_0 = arith.constant 0 : i32
    return %arg0, %c0_i32 : i32, i32
  }
}

</mosaic_0001>

<sc_bundles>
// kernel: kernel.4.cloned.1.call-start
scs
__scs_entry_jumppad:
0x0: {  	(pc) =	sbr.rel $0x88, $3  }
0x1: {  	(tag) =	ssettag $0x0;
	lr =	simm.s32 $0x1  }
0x2: {  	[smem:$0x3F9D] =	sst lr;
	_ =	strace $0xD0000000  }
0x3: {  	_ = 	snop  }
0x4: {  	_ = 	snop  }
0x5: {  	_ = 	snop  }
0x6: {  	_ = 	snop  }
0x7: {  	_ = 	snop  }
__scs_overlays_trampoline_lowered:
0x8: {  	[smem:$0x3FAC] =	sst s0  }
0x9: {  	[smem:$0x3FAD] =	sst s1  }
0xa: {  	[smem:$0x3FAE] =	sst s2  }
0xb: {  	[smem:$0x3FAF] =	sst s3  }
0xc: {  	[smem:$0x3FB0] =	sst s4  }
0xd: {  	[smem:$0x3FB1] =	sst s5  }
0xe: {  	[smem:$0x3FB2] =	sst s6  }
0xf: {  	[smem:$0x3FB3] =	sst s7  }
0x10: {  	[smem:$0x3FB4] =	sst s8  }
0x11: {  	[smem:$0x3FB5] =	sst s9;
	s0 =	simm.s32 @!p0 $0x0  }
0x12: {  	s1 =	sld [smem:$0x3F9B];
	s0 =	simm.s32 @p0 $0x1  }
0x13: {  	[smem:$0x3FB6] =	sst s0;
	s0 =	simm.s32 @!p1 $0x0  }
0x14: {  	s2 =	sld [smem:$0x3F9A];
	s0 =	simm.s32 @p1 $0x1  }
0x15: {  	[smem:$0x3FB7] =	sst s0;
	s0 =	simm.s32 @!p2 $0x0  }
0x16: {  	s3 =	sld [smem:$0x3FDB];
	s0 =	simm.s32 @p2 $0x1  }
0x17: {  	s4 =	simm.s32 $0x1BF5;
	[smem:$0x3FB9] =	sst s0  }
0x18: {  	s0 =	sld [smem:$0x3F9C];
	_ =	swait.ge [sflag:s4], $0x0  }
0x19: {  	s7 =	sld [smem:$0x3F9D]  }
0x1a: {  	s8 =	sadd.s32 $0xFFFFE003, lr  }
0x1b: {  	s9 =	sadd.s32 $0xFFFFFEF7, lr;
	s5 =	simm.s32 $0xFFFFFFFF;
	p2 =	slt.u32 s8, $0xFFFFF086  }
0x1c: {  	p1 =	slt.u32 s9, $0xF7A;
	s5 =	simm.s32 @!p2 $0x0  }
0x1d: {  	s5 =	simm.s32 @p1 $0x1;
	p0 =	seq.s32 s7, s2  }
0x1e: {  	s7 =	smul.u32 @!p0 $0xF7A, s2;
	p2 =	seq.s32 @!p0 s5, $0x0  }
0x1f: {  	s9 =	smul.u32 $0xF7A, s1;
	s8 =	simm.s32 @!p0 $0x1BF5;
	p2 =	por !p2, p0  }
0x20: {  	[sflag:s8] =	ssyncset.s32 @!p0 $0xFFFFF086;
	s6 =	sadd.s32 @!p0 s3, s7;
	s7 =	simm.s32 @!p0 $0x108  }
0x21: {  	s3 =	sadd.s32 s3, s9;
	s6 =	sadd.s32 @!p0 $0x88, s6;
	s7 =	simm.s32 @p2 $0x1082  }
0x22: {  	[simem:s7], [sflag:s8] =	dma.local @!p0 [hbm:s6], $0xF7A  }
0x23: {  	s9 =	sor.u32 $0xD0000000, s2;
	s6 =	simm.s32 $0x108;
	_ =	swait.ge @!p0 [sflag:s8], $0x0  }
0x24: {  	s3 =	sadd.s32 $0x88, s3;
	s6 =	simm.s32 @!p1 $0x1082;
	[sflag:s4] =	ssyncset.s32 $0xFFFFF086  }
0x25: {  	[simem:s6], [sflag:s4] =	dma.local [hbm:s3], $0xF7A  }
0x26: {  	[smem:$0x3F9D] =	sst s1;
	(tag) =	ssettag s2;
	_ =	strace s9  }
0x27: {  	s1 =	sld [smem:$0x3FAD]  }
0x28: {  	s2 =	sld [smem:$0x3FAE]  }
0x29: {  	s4 =	sld [smem:$0x3FB0]  }
0x2a: {  	p0 =	seq.s32 s5, $0x0;
	s5 =	sld [smem:$0x3FB1]  }
0x2b: {  	s6 =	sld [smem:$0x3FB2]  }
0x2c: {  	s7 =	sld [smem:$0x3FB3]  }
0x2d: {  	s3 =	simm.s32 $0x108;
	s8 =	sld [smem:$0x3FB4]  }
0x2e: {  	s3 =	simm.s32 @!p0 $0x1082;
	s9 =	sld [smem:$0x3FB5]  }
0x2f: {  	lr =	sadd.s32 s0, s3;
	s0 =	sld [smem:$0x3FAC]  }
0x30: {  	s3 =	sld [smem:$0x3FAF]  }
0x31: {  	[smem:$0x3FB8] =	sst s10  }
0x32: {  	s10 =	sld [smem:$0x3FB6];
	_ =	sdelay $0x3  }
0x33: {  	p0 =	seq.s32 s10, $0x1;
	s10 =	sld [smem:$0x3FB8];
	_ =	sdelay $0x3  }
0x34: {  	[smem:$0x3FB8] =	sst s10  }
0x35: {  	s10 =	sld [smem:$0x3FB7];
	_ =	sdelay $0x3  }
0x36: {  	p1 =	seq.s32 s10, $0x1;
	s10 =	sld [smem:$0x3FB8];
	_ =	sdelay $0x3  }
0x37: {  	[smem:$0x3FB8] =	sst s10  }
0x38: {  	s10 =	sld [smem:$0x3FB9]  }
0x39: {  	_ = 	snop;
	(pc) =	sbr.ind lr, $3  }
0x3a: {  	_ = 	snop  }
0x3b: {  	_ = 	snop  }
0x3c: {  	p2 =	seq.s32 s10, $0x1;
	s10 =	sld [smem:$0x3FB8]  }
0x3d: {  	_ =	shalt  }
0x3e: {  	_ =	shalt  }
0x3f: {  	_ =	shalt  }
0x40: {  	_ =	shalt  }
0x41: {  	_ =	shalt  }
0x42: {  	_ =	shalt  }
0x43: {  	_ =	shalt  }
0x44: {  	_ =	shalt  }
0x45: {  	_ =	shalt  }
0x46: {  	_ =	shalt  }
0x47: {  	_ =	shalt  }
0x48: {  	_ =	shalt  }
0x49: {  	_ =	shalt  }
0x4a: {  	_ =	shalt  }
0x4b: {  	_ =	shalt  }
0x4c: {  	_ =	shalt  }
0x4d: {  	_ =	shalt  }
0x4e: {  	_ =	shalt  }
0x4f: {  	_ =	shalt  }
0x50: {  	_ =	shalt  }
0x51: {  	_ =	shalt  }
0x52: {  	_ =	shalt  }
0x53: {  	_ =	shalt  }
0x54: {  	_ =	shalt  }
0x55: {  	_ =	shalt  }
0x56: {  	_ =	shalt  }
0x57: {  	_ =	shalt  }
0x58: {  	_ =	shalt  }
0x59: {  	_ =	shalt  }
0x5a: {  	_ =	shalt  }
0x5b: {  	_ =	shalt  }
0x5c: {  	_ =	shalt  }
0x5d: {  	_ =	shalt  }
0x5e: {  	_ =	shalt  }
0x5f: {  	_ =	shalt  }
0x60: {  	_ =	shalt  }
0x61: {  	_ =	shalt  }
0x62: {  	_ =	shalt  }
0x63: {  	_ =	shalt  }
0x64: {  	_ =	shalt  }
0x65: {  	_ =	shalt  }
0x66: {  	_ =	shalt  }
0x67: {  	_ =	shalt  }
0x68: {  	_ =	shalt  }
0x69: {  	_ =	shalt  }
0x6a: {  	_ =	shalt  }
0x6b: {  	_ =	shalt  }
0x6c: {  	_ =	shalt  }
0x6d: {  	_ =	shalt  }
0x6e: {  	_ =	shalt  }
0x6f: {  	_ =	shalt  }
0x70: {  	_ =	shalt  }
0x71: {  	_ =	shalt  }
0x72: {  	_ =	shalt  }
0x73: {  	_ =	shalt  }
0x74: {  	_ =	shalt  }
0x75: {  	_ =	shalt  }
0x76: {  	_ =	shalt  }
0x77: {  	_ =	shalt  }
0x78: {  	_ =	shalt  }
0x79: {  	_ =	shalt  }
0x7a: {  	_ =	shalt  }
0x7b: {  	_ =	shalt  }
0x7c: {  	_ =	shalt  }
0x7d: {  	_ =	shalt  }
0x7e: {  	_ =	shalt  }
0x7f: {  	_ =	shalt  }
0x80: {  	_ =	shalt  }
0x81: {  	_ =	shalt  }
0x82: {  	_ =	shalt  }
0x83: {  	_ =	shalt  }
0x84: {  	_ =	shalt  }
0x85: {  	_ =	shalt  }
0x86: {  	_ =	shalt  }
0x87: {  	_ =	shalt  }
.Lfunc_end0:
.L_simem_size_0:
called_computation_lowered:
.L_overlay_start_0:
0x88: {  	s2 =	sld [smem:$0x3FD9]  }
0x89: {  	s3 =	sld [smem:$0x3FFE];
	_ =	sdelay $0x1  }
0x8a: {  	s1 =	srdreg.scid  }
0x8b: {  	s0 =	sand.u32 $0x1, s1  }
0x8c: {  	s17 =	sshll.u32 s0, $0xA;
	s2 =	sadd.s32 s3, s2  }
0x8d: {  	s2 =	sadd.s32 s2, s17  }
0x8e: {  	[smem:$0x3FC4] =	sst s2  }
0x8f: {  	_ = 	snop  }
0x90: {  	s2 =	sld [smem:$0x3FD0];
	(tm) =	ssettm $0x1  }
0x91: {  	s18 =	sld [smem:$0x3FFB];
	_ =	sdelay $0x3  }
0x92: {  	_ =	strace s18  }
0x93: {  	s3 =	sld [smem:$0x3FFC];
	_ =	sdelay $0x3  }
0x94: {  	_ =	strace s3  }
0x95: {  	s3 =	sld [smem:$0x3FFD];
	_ =	sdelay $0x3  }
0x96: {  	_ =	strace s3  }
0x97: {  	_ =	strace $0x8FFFFFFF  }
0x98: {  	s19 =	sld [smem:$0x3FDB];
	_ =	sdelay $0x1  }
0x99: {  	s4 =	simm.s32 $_scs_section_size  }
0x9a: {  	s5 =	simm.s32 $_size__tile_overlayer_lowered;
	s6 =	simm.s32 $_tile_overlayer_lowered  }
0x9b: {  	s22 =	simm.s32 $0x1BFF;
	s21 =	sshll.u32 s6, $0x1;
	s3 =	sadd.s32 s4, s19  }
0x9c: {  	s7 =	simm.s32 $0x0;
	s20 =	sshll.u32 s5, $0x1;
	s5 =	sadd.s32 s21, s3  }
0x9d: {  	[timem:s7], [sflag:s22] =	dma.local [hbm:s5], s20  }
0x9e: {  	_ =	swait.ge [sflag:s22], s20  }
0x9f: {  	s4 =	ssub.s32 $0x0, s20;
	[sflag:s22] =	ssyncset.done $0x0  }
0xa0: {  	[sflag:s22] =	ssyncadd.s32 s4;
	_ =	sdelay $0x1  }
0xa1: {  	s23 =	simm.s32 $0x1B8B  }
0xa2: {  	_ =	swait.ge [sflag:s23], $0x1  }
0xa3: {  	[sflag:s23] =	ssyncset.done $0x0  }
0xa4: {  	s25 =	simm.s32 $0x1B8E;
	s24 =	sld [smem:$0x3FFE];
	[sflag:s23] =	ssyncadd.s32 $0xFFFFFFFF  }
0xa5: {  	s26 =	simm.s32 $execute0_lowered;
	[smem:$0x3FD2] =	sst s25  }
0xa6: {  	s5 =	sshll.u32 s26, $0x1;
	_ =	strace $0x80000046;
	[dreg:$0x1] =	wrdreg $0xFFFFFFFF  }
0xa7: {  	s28 =	simm.s32 $_size_execute0_lowered;
	s3 =	sadd.s32 s3, s5;
	[dreg:$0x0] =	wrdreg $0x0  }
0xa8: {  	s5 =	sshll.u32 s28, $0x1;
	[dreg:$0x2] =	wrdreg s3  }
0xa9: {  	[dreg:$0x3] =	wrdreg s5  }
0xaa: {  	[dreg:$0x4] =	wrdreg $0xC0  }
0xab: {  	_ =	task [dreg:s7], $0x5FFFF  }
0xac: {  	[dreg:$0x1] =	wrdreg $0xFFFFFFFF  }
0xad: {  	[dreg:$0x0] =	wrdreg $0x60  }
0xae: {  	[dreg:$0x2] =	wrdreg s24  }
0xaf: {  	[dreg:$0x3] =	wrdreg s2  }
0xb0: {  	[dreg:$0x4] =	wrdreg $0x9  }
0xb1: {  	_ =	task.clear_ibuf [dreg:s7], $0x5FFFF;
	_ =	strace $0x90000046  }
0xb2: {  	s29 =	simm.s32 $0x9;
	_ =	strace $0x80000048  }
0xb3: {  	_ =	swait.ge [sflag:s29], $0x1  }
0xb4: {  	[sflag:s29] =	ssyncadd.s32 $0xFFFFFFFF  }
0xb5: {  	_ =	strace $0x90000048  }
0xb6: {  	_ =	sfence  }
0xb7: {  	s30 =	sld [smem:$0x0];
	_ =	sdelay $0x2  }
0xb8: {  	s31 =	sshll.u32 s1, $0xD;
	s1 =	sshrl.u32 s1, $0x2  }
0xb9: {  	s3 =	sand.u32 $0x4000, s31;
	s1 =	sadd.s32 s1, s30  }
0xba: {  	s0 =	sor.u32 s3, s0;
	s1 =	sshll.u32 s1, $0x11  }
0xbb: {  	s0 =	sor.u32 s1, s0  }
0xbc: {  	s0 =	sadd.s32 $0x8F2B, s0  }
0xbd: {  	[sflag:s0] =	ssyncadd.remote.s32 $0x1  }
0xbe: {  	_ =	sfence.sel $0xFFFF  }
0xbf: {  	[dreg:$0x0] =	wrdreg $0xFFFFFFFF;
	(pc) =	sbr.abs _section_cstart, $3  }
0xc0: {  	[dreg:$0x1] =	wrdreg $0xFFFFFFFF  }
0xc1: {  	_ =	task.clear_ibuf [dreg:s7], $0x2FFFF;
	_ =	strace $0x9FFFFFFF  }
0xc2: {  	(tm) =	ssettm $0x7FFFFFFF  }
0xc3: {  	_ =	shalt  }
tec
execute0_lowered:
.L_overlay_start_1:
0x0: {  	(tag) =	ssettag $0x1  }
0x1: {  	s0 =	rddreg [dreg:$0x0]  }
0x2: {  	s1 =	rddreg [dreg:$0x1]  }
0x3: {  	s3 =	simm.s32 $0x0;
	s2 =	srdreg.scid;
	s4 =	stileid.u32  }
0x4: {  	s28 =	simm.s32 $0x2;
	s29 =	simm.s32 $0xB200;
	s30 =	simm.s32 $0xCA00  }
0x5: {  	s31 =	simm.s32 $0x20;
	s2 =	sand.u32 $0x1, s2;
	s6 =	sshll.u32 s4, $0x1  }
0x6: {  	[smem:$0x7FF] =	sst s3;
	s4 =	sadd.s32 $0x1200, s0;
	s6 =	sor.u32 s2, s6  }
0x7: {  	s5 =	sadd.s32 $0xB000, s0;
	s7 =	sadd.s32 $0x4B800, s0;
	s8 =	smul.u32 $0x140, s6  }
0x8: {  	s9 =	sadd.s32 $0x73800, s0;
	s12 =	sadd.s32 $0x9B800, s0;
	s11 =	smul.u32 $0xA000, s6  }
0x9: {  	s0 =	sadd.s32 $0x1390, s0;
	s14 =	sadd.s32 $0x190, s1;
	s6 =	smul.u32 $0x1400, s6  }
0xa: {  	_ =	strace $0x80000047;
	s2 =	ssub.s32 $0x2, s2;
	[dreg:$0x3] =	wrdreg s0  }
0xb: {  	[dreg:$0x4] =	wrdreg s14;
	s10 =	sshrl.u32 s2, $0x1;
	s16 =	sadd.s32 s7, s6  }
0xc: {  	s2 =	ssub.s32 s2, s10;
	s17 =	sadd.s32 s9, s6;
	[dreg:$0x5] =	wrdreg s16  }
0xd: {  	s15 =	sshrl.u32 s11, $0x3;
	s6 =	sadd.s32 s12, s6;
	[dreg:$0x6] =	wrdreg s17  }
0xe: {  	s26 =	smax.u32 s2, $0x1;
	s18 =	sadd.s32 $0x500, s15;
	[dreg:$0x7] =	wrdreg s6  }
0xf: {  	s13 =	simm.s32 $0x6;
	[dreg:$0x11] =	wrdreg s26;
	s19 =	sadd.s32 s7, s18  }
0x10: {  	s11 =	simm.s32 $0x4;
	s21 =	sadd.s32 s9, s18;
	[dreg:$0x8] =	wrdreg s19  }
0x11: {  	s20 =	sadd.s32 $0xA00, s15;
	s10 =	sadd.s32 s12, s18;
	[dreg:$0x9] =	wrdreg s21  }
0x12: {  	s0 =	sadd.s32 $0xF00, s15;
	s22 =	sadd.s32 s7, s20;
	[dreg:$0xa] =	wrdreg s10  }
0x13: {  	s26 =	simm.s32 $0x7200;
	s23 =	sadd.s32 s9, s20;
	[dreg:$0xb] =	wrdreg s22  }
0x14: {  	s15 =	simm.s32 $0x7;
	s6 =	sadd.s32 s12, s20;
	[dreg:$0xc] =	wrdreg s23  }
0x15: {  	s17 =	simm.s32 $0x17A00;
	s24 =	sadd.s32 s7, s0;
	[dreg:$0xd] =	wrdreg s6  }
0x16: {  	v1 =	vimm.s32 $0x140;
	s25 =	sadd.s32 s9, s0;
	s0 =	sadd.s32 s12, s0;
	[dreg:$0xe] =	wrdreg s24  }
0x17: {  	v2 =	vimm.s32 $0x0;
	v3 =	vlaneseq.u32;
	v5 =	vimm.s32 $0x50;
	s12 =	simm.s32 $0x5;
	s18 =	simm.s32 $0x0;
	[dreg:$0xf] =	wrdreg s25  }
0x18: {  	v6 =	vimm.f32 $0.0e+00;
	v7 =	vimm.f32 $-Inf;
	v8 =	vimm.f32 $+Inf;
	[dreg:$0x10] =	wrdreg s0;
	s22 =	simm.s32 $0x1900;
	s23 =	simm.s32 $0x2580  }
0x19: {  	v4 =	vor.u32 $0x3FF0, v3;
	v9 =	vor.u32 $0x17F0, v3;
	v0 =	vmov s8;
	s24 =	simm.s32 $0x1;
	s25 =	simm.s32 $0x3200;
	s10 =	simm.s32 $0x3  }
.LBB2_1:
0x1a: {  	[tilespmem:s3], [sflag:$0x1] =	stream.linear.gather [hbm4b:s4+s3], $0xC80, $0x38;
	[tilespmem:$0x1A600] =	vst v63  }
0x1b: {  	s0 =	simm.s32 $0xC80  }
0x1c: {  	[tilespmem:s0], [sflag:$0x1] =	stream.linear.gather [hbm4b:s1+s3], $0xC80, $0x38;
	[tilespmem:$0x1A600] =	vst v63  }
0x1d: {  	s20 =	rddreg [dreg:$0x3]  }
0x1e: {  	[tilespmem:s22], [sflag:$0x2] =	stream.linear.gather [hbm4b:s20+s3], $0xC80, $0x38;
	[tilespmem:$0x1A600] =	vst v63  }
0x1f: {  	s21 =	rddreg [dreg:$0x4];
	s0 =	simm.s32 $0x0  }
0x20: {  	[tilespmem:s23], [sflag:$0x2] =	stream.linear.gather [hbm4b:s21+s3], $0xC80, $0x38;
	[tilespmem:$0x1A600] =	vst v63  }
.LBB2_2:
0x21: {  	p0 =	sne.s32 s0, $0xFFC0  }
.Ltmp0:
0x22: {  	_ = 	snop;
	(pc) =	sbr.rel @p0 .LBB2_2-.Ltmp0, $3  }
0x23: {  	_ =	sdelay $0x1  }
0x24: {  	s2 =	sshra.s32 s0, $0x2  }
0x25: {  	s0 =	sadd.s32 $0x40, s0;
	[tilespmem:s2+$0x3200] =	vst v1  }
0x26: {  	s19 =	simm.s32 $0x0;
	v10 =	vimm.s32 $0x0  }
.LBB2_4:
0x27: {  	_ =	swait.ge [sflag:s24], $0xC80  }
0x28: {  	[sflag:s24] =	ssyncset.done $0x0  }
0x29: {  	[sflag:s24] =	ssyncadd.s32 $0xFFFFF380  }
0x2a: {  	_ =	swait.ge [sflag:s24], $0xC80  }
0x2b: {  	[sflag:s24] =	ssyncset.done $0x0  }
0x2c: {  	s0 =	simm.s32 $0x0;
	[sflag:s24] =	ssyncadd.s32 $0xFFFFF380  }
.LBB2_5:
0x2d: {  	s2 =	sshra.s32 s0, $0x2  }
0x2e: {  	v11 =	vld [tilespmem:s2+$0x0];
	_ =	sdelay $0x4  }
0x2f: {  	v11 =	vsub.s32 v11, v0  }
0x30: {  	vm0 =	vlt.u32 v11, $0x140  }
0x31: {  	v12 =	vsel vm0, $0x1, v2  }
0x32: {  	(xrf0) =	vadd.scan.msk.s32 $0xffff, v12;
	_ =	sdelay $0x5  }
0x33: {  	v12, _, _ =	vpop (xrf0)  }
0x34: {  	v12 =	vadd.s32 v12, v10  }
0x35: {  	v12 =	vadd.s32 $0xFFFFFFFF, v12  }
0x36: {  	vm1 =	vlt.s32 v12, $0x3FEF  }
0x37: {  	v12 =	vnsel vm1, $0x3FEF, v12  }
0x38: {  	v12 =	vsel vm0, v12, v4  }
0x39: {  	v13 =	vld [tilespmem:s2+$0xC80];
	_ =	sdelay $0x3  }
0x3a: {  	[tilespmem:v12+s25+$0x0] =	vst.idx.msk $0xffff, v11  }
0x3b: {  	[tilespmem:v12+s26+$0x0] =	vst.idx.msk $0xffff, v13  }
0x3c: {  	v11 =	vld [tilespmem:s2+$0x10];
	_ =	sdelay $0x4  }
0x3d: {  	v11 =	vsub.s32 v11, v0  }
0x3e: {  	vm10 =	vlt.u32 v11, $0x140  }
0x3f: {  	v55 =	vsel vm10, $0x1, v2  }
0x40: {  	(xrf0) =	vadd.scan.msk.s32 $0xffff, v55;
	_ =	sdelay $0x3  }
0x41: {  	v56 =	vmpcnt.ones.xlane vm0;
	_ =	sdelay $0x1  }
0x42: {  	v10 =	vadd.s32 v10, v56;
	v57, _, _ =	vpop (xrf0)  }
0x43: {  	v12 =	vadd.s32 v57, v10  }
0x44: {  	v12 =	vadd.s32 $0xFFFFFFFF, v12  }
0x45: {  	vm11 =	vlt.s32 v12, $0x3FEF  }
0x46: {  	v12 =	vnsel vm11, $0x3FEF, v12  }
0x47: {  	v12 =	vsel vm10, v12, v4  }
0x48: {  	v13 =	vld [tilespmem:s2+$0xC90];
	_ =	sdelay $0x3  }
0x49: {  	[tilespmem:v12+s25+$0x0] =	vst.idx.msk $0xffff, v11  }
0x4a: {  	[tilespmem:v12+s26+$0x0] =	vst.idx.msk $0xffff, v13  }
0x4b: {  	v11 =	vld [tilespmem:s2+$0x20];
	_ =	sdelay $0x4  }
0x4c: {  	v11 =	vsub.s32 v11, v0  }
0x4d: {  	vm12 =	vlt.u32 v11, $0x140  }
0x4e: {  	v58 =	vsel vm12, $0x1, v2  }
0x4f: {  	(xrf0) =	vadd.scan.msk.s32 $0xffff, v58;
	_ =	sdelay $0x3  }
0x50: {  	v59 =	vmpcnt.ones.xlane vm10;
	_ =	sdelay $0x1  }
0x51: {  	v10 =	vadd.s32 v10, v59;
	v60, _, _ =	vpop (xrf0)  }
0x52: {  	v12 =	vadd.s32 v60, v10  }
0x53: {  	v12 =	vadd.s32 $0xFFFFFFFF, v12  }
0x54: {  	vm13 =	vlt.s32 v12, $0x3FEF  }
0x55: {  	v12 =	vnsel vm13, $0x3FEF, v12  }
0x56: {  	v12 =	vsel vm12, v12, v4  }
0x57: {  	v13 =	vld [tilespmem:s2+$0xCA0];
	_ =	sdelay $0x3  }
0x58: {  	[tilespmem:v12+s25+$0x0] =	vst.idx.msk $0xffff, v11  }
0x59: {  	[tilespmem:v12+s26+$0x0] =	vst.idx.msk $0xffff, v13  }
0x5a: {  	v11 =	vld [tilespmem:s2+$0x30];
	_ =	sdelay $0x4  }
0x5b: {  	v11 =	vsub.s32 v11, v0  }
0x5c: {  	vm14 =	vlt.u32 v11, $0x140  }
0x5d: {  	v61 =	vsel vm14, $0x1, v2  }
0x5e: {  	(xrf0) =	vadd.scan.msk.s32 $0xffff, v61;
	_ =	sdelay $0x3  }
0x5f: {  	v62 =	vmpcnt.ones.xlane vm12;
	_ =	sdelay $0x1  }
0x60: {  	v10 =	vadd.s32 v10, v62;
	v63, _, _ =	vpop (xrf0)  }
0x61: {  	v12 =	vadd.s32 v63, v10  }
0x62: {  	v12 =	vadd.s32 $0xFFFFFFFF, v12  }
0x63: {  	vm15 =	vlt.s32 v12, $0x3FEF  }
0x64: {  	v12 =	vnsel vm15, $0x3FEF, v12  }
0x65: {  	v12 =	vsel vm14, v12, v4  }
0x66: {  	p0 =	sne.s32 s0, $0x3100;
	v13 =	vld [tilespmem:s2+$0xCB0]  }
.Ltmp1:
0x67: {  	_ = 	snop;
	(pc) =	sbr.rel @p0 .LBB2_5-.Ltmp1, $4  }
0x68: {  	_ = 	snop  }
0x69: {  	v14 =	vmpcnt.ones.xlane vm14  }
0x6a: {  	[tilespmem:v12+s25+$0x0] =	vst.idx.msk $0xffff, v11  }
0x6b: {  	s0 =	sadd.s32 $0x100, s0;
	v10 =	vadd.s32 v10, v14;
	[tilespmem:v12+s26+$0x0] =	vst.idx.msk $0xffff, v13  }
0x6c: {  	p0 =	seq.s32 s19, $0x31  }
0x6d: {  	s0 =	smul.u32 @!p0 $0x1900, s19;
	_ =	sdelay $0x1  }
0x6e: {  	s0 =	sshrl.u32 @!p0 s0, $0x3  }
0x6f: {  	s0 =	sadd.s32 @!p0 $0x320, s0  }
0x70: {  	s6 =	simm.s32 @!p0 $0x0;
	s2 =	sadd.s32 @!p0 s4, s0  }
0x71: {  	[tilespmem:s6], [sflag:$0x1] =	stream.linear.gather @!p0 [hbm4b:s2+s6], $0xC80, $0x38;
	[tilespmem:$0x1A600] =	vst v63  }
0x72: {  	s0 =	sadd.s32 @!p0 s1, s0;
	s2 =	simm.s32 @!p0 $0xC80  }
0x73: {  	[tilespmem:s2], [sflag:$0x1] =	stream.linear.gather @!p0 [hbm4b:s0+s6], $0xC80, $0x38;
	[tilespmem:$0x1A600] =	vst v63  }
0x74: {  	_ =	swait.ge [sflag:s28], $0xC80  }
0x75: {  	[sflag:s28] =	ssyncset.done $0x0  }
0x76: {  	[sflag:s28] =	ssyncadd.s32 $0xFFFFF380  }
0x77: {  	_ =	swait.ge [sflag:s28], $0xC80  }
0x78: {  	[sflag:s28] =	ssyncset.done $0x0  }
0x79: {  	s0 =	simm.s32 $0x0;
	[sflag:s28] =	ssyncadd.s32 $0xFFFFF380  }
.LBB2_7:
0x7a: {  	s2 =	sshra.s32 s0, $0x2  }
0x7b: {  	v11 =	vld [tilespmem:s2+$0x1900];
	_ =	sdelay $0x4  }
0x7c: {  	v11 =	vsub.s32 v11, v0  }
0x7d: {  	vm0 =	vlt.u32 v11, $0x140  }
0x7e: {  	v12 =	vsel vm0, $0x1, v2  }
0x7f: {  	(xrf0) =	vadd.scan.msk.s32 $0xffff, v12;
	_ =	sdelay $0x5  }
0x80: {  	v12, _, _ =	vpop (xrf0)  }
0x81: {  	v12 =	vadd.s32 v12, v10  }
0x82: {  	v12 =	vadd.s32 $0xFFFFFFFF, v12  }
0x83: {  	vm1 =	vlt.s32 v12, $0x3FEF  }
0x84: {  	v12 =	vnsel vm1, $0x3FEF, v12  }
0x85: {  	v12 =	vsel vm0, v12, v4  }
0x86: {  	v13 =	vld [tilespmem:s2+$0x2580];
	_ =	sdelay $0x3  }
0x87: {  	[tilespmem:v12+s25+$0x0] =	vst.idx.msk $0xffff, v11  }
0x88: {  	[tilespmem:v12+s26+$0x0] =	vst.idx.msk $0xffff, v13  }
0x89: {  	v11 =	vld [tilespmem:s2+$0x1910];
	_ =	sdelay $0x4  }
0x8a: {  	v11 =	vsub.s32 v11, v0  }
0x8b: {  	vm10 =	vlt.u32 v11, $0x140  }
0x8c: {  	v55 =	vsel vm10, $0x1, v2  }
0x8d: {  	(xrf0) =	vadd.scan.msk.s32 $0xffff, v55;
	_ =	sdelay $0x3  }
0x8e: {  	v56 =	vmpcnt.ones.xlane vm0;
	_ =	sdelay $0x1  }
0x8f: {  	v10 =	vadd.s32 v10, v56;
	v57, _, _ =	vpop (xrf0)  }
0x90: {  	v12 =	vadd.s32 v57, v10  }
0x91: {  	v12 =	vadd.s32 $0xFFFFFFFF, v12  }
0x92: {  	vm11 =	vlt.s32 v12, $0x3FEF  }
0x93: {  	v12 =	vnsel vm11, $0x3FEF, v12  }
0x94: {  	v12 =	vsel vm10, v12, v4  }
0x95: {  	v13 =	vld [tilespmem:s2+$0x2590];
	_ =	sdelay $0x3  }
0x96: {  	[tilespmem:v12+s25+$0x0] =	vst.idx.msk $0xffff, v11  }
0x97: {  	[tilespmem:v12+s26+$0x0] =	vst.idx.msk $0xffff, v13  }
0x98: {  	v11 =	vld [tilespmem:s2+$0x1920];
	_ =	sdelay $0x4  }
0x99: {  	v11 =	vsub.s32 v11, v0  }
0x9a: {  	vm12 =	vlt.u32 v11, $0x140  }
0x9b: {  	v58 =	vsel vm12, $0x1, v2  }
0x9c: {  	(xrf0) =	vadd.scan.msk.s32 $0xffff, v58;
	_ =	sdelay $0x3  }
0x9d: {  	v59 =	vmpcnt.ones.xlane vm10;
	_ =	sdelay $0x1  }
0x9e: {  	v10 =	vadd.s32 v10, v59;
	v60, _, _ =	vpop (xrf0)  }
0x9f: {  	v12 =	vadd.s32 v60, v10  }
0xa0: {  	v12 =	vadd.s32 $0xFFFFFFFF, v12  }
0xa1: {  	vm13 =	vlt.s32 v12, $0x3FEF  }
0xa2: {  	v12 =	vnsel vm13, $0x3FEF, v12  }
0xa3: {  	v12 =	vsel vm12, v12, v4  }
0xa4: {  	v13 =	vld [tilespmem:s2+$0x25A0];
	_ =	sdelay $0x3  }
0xa5: {  	[tilespmem:v12+s25+$0x0] =	vst.idx.msk $0xffff, v11  }
0xa6: {  	[tilespmem:v12+s26+$0x0] =	vst.idx.msk $0xffff, v13  }
0xa7: {  	v11 =	vld [tilespmem:s2+$0x1930];
	_ =	sdelay $0x4  }
0xa8: {  	v11 =	vsub.s32 v11, v0  }
0xa9: {  	vm14 =	vlt.u32 v11, $0x140  }
0xaa: {  	v61 =	vsel vm14, $0x1, v2  }
0xab: {  	(xrf0) =	vadd.scan.msk.s32 $0xffff, v61;
	_ =	sdelay $0x3  }
0xac: {  	v62 =	vmpcnt.ones.xlane vm12;
	_ =	sdelay $0x1  }
0xad: {  	v10 =	vadd.s32 v10, v62;
	v63, _, _ =	vpop (xrf0)  }
0xae: {  	v12 =	vadd.s32 v63, v10  }
0xaf: {  	v12 =	vadd.s32 $0xFFFFFFFF, v12  }
0xb0: {  	vm15 =	vlt.s32 v12, $0x3FEF  }
0xb1: {  	v12 =	vnsel vm15, $0x3FEF, v12  }
0xb2: {  	v12 =	vsel vm14, v12, v4  }
0xb3: {  	p1 =	sne.s32 s0, $0x3100;
	v13 =	vld [tilespmem:s2+$0x25B0]  }
.Ltmp2:
0xb4: {  	_ = 	snop;
	(pc) =	sbr.rel @p1 .LBB2_7-.Ltmp2, $4  }
0xb5: {  	_ = 	snop  }
0xb6: {  	v14 =	vmpcnt.ones.xlane vm14  }
0xb7: {  	[tilespmem:v12+s25+$0x0] =	vst.idx.msk $0xffff, v11  }
0xb8: {  	s0 =	sadd.s32 $0x100, s0;
	v10 =	vadd.s32 v10, v14;
	[tilespmem:v12+s26+$0x0] =	vst.idx.msk $0xffff, v13  }
.Ltmp3:
0xb9: {  	(pc) =	sbr.rel @p0 .LBB2_9-.Ltmp3, $1  }
0xba: {  	_ =	sdelay $0x3  }
0xbb: {  	s0 =	smul.u32 $0x1900, s19;
	_ =	sdelay $0x1  }
0xbc: {  	s0 =	sshrl.u32 s0, $0x3  }
.Ltmp4:
0xbd: {  	s0 =	sadd.s32 $0x4B0, s0;
	(pc) =	sbr.rel .LBB2_4-.Ltmp4, $4  }
0xbe: {  	s2 =	sadd.s32 s4, s0  }
0xbf: {  	[tilespmem:s22], [sflag:$0x2] =	stream.linear.gather [hbm4b:s2+s3], $0xC80, $0x38;
	[tilespmem:$0x1A600] =	vst v63  }
0xc0: {  	s19 =	sadd.s32 $0x1, s19;
	s0 =	sadd.s32 s1, s0  }
0xc1: {  	[tilespmem:s23], [sflag:$0x2] =	stream.linear.gather [hbm4b:s0+s3], $0xC80, $0x38;
	[tilespmem:$0x1A600] =	vst v63  }
.LBB2_9:
0xc2: {  	s2 =	simm.s32 $0x0;
	s6 =	simm.s32 $0xB200  }
0xc3: {  	s0 =	simm.s32 $0xCA00;
	[tilespmem:s6+$0x0] =	vst v5;
	v11 =	vor.u32 s2, v3  }
0xc4: {  	s2 =	simm.s32 $0x10;
	s6 =	simm.s32 $0xB210;
	[tilespmem:s0+$0x0] =	vst v11  }
.LBB2_10:
0xc5: {  	[tilespmem:s6+$0x0] =	vst v5;
	v11 =	vor.u32 s2, v3;
	p0 =	sne.s32 s2, $0x17F0;
	s2 =	sadd.s32 $0x10, s2;
	s0 =	sadd.s32 $0x10, s0  }
.Ltmp5:
0xc6: {  	[tilespmem:s0+$0x0] =	vst v11;
	(pc) =	sbr.rel @p0 .LBB2_10-.Ltmp5, $2  }
0xc7: {  	_ =	sdelay $0x2  }
0xc8: {  	s6 =	sadd.s32 $0x10, s6  }
0xc9: {  	s20 =	simm.s32 $0x0;
	s0 =	simm.s32 $0x200  }
.LBB2_12:
0xca: {  	p0 =	sne.s32 s0, $0xA000;
	[tilespmem:s20+$0x17A70] =	vst v8  }
0xcb: {  	[tilespmem:s20+$0x12200] =	vst v6  }
0xcc: {  	[tilespmem:s20+$0x14E00] =	vst v7  }
0xcd: {  	[tilespmem:s20+$0x17A00] =	vst v8  }
0xce: {  	[tilespmem:s20+$0x12210] =	vst v6  }
0xcf: {  	[tilespmem:s20+$0x14E10] =	vst v7  }
0xd0: {  	[tilespmem:s20+$0x17A10] =	vst v8  }
0xd1: {  	[tilespmem:s20+$0x12220] =	vst v6  }
0xd2: {  	[tilespmem:s20+$0x14E20] =	vst v7  }
0xd3: {  	[tilespmem:s20+$0x17A20] =	vst v8  }
0xd4: {  	[tilespmem:s20+$0x12230] =	vst v6  }
0xd5: {  	[tilespmem:s20+$0x14E30] =	vst v7  }
0xd6: {  	[tilespmem:s20+$0x17A30] =	vst v8  }
0xd7: {  	[tilespmem:s20+$0x12240] =	vst v6  }
0xd8: {  	[tilespmem:s20+$0x14E40] =	vst v7  }
0xd9: {  	[tilespmem:s20+$0x17A40] =	vst v8  }
0xda: {  	[tilespmem:s20+$0x12250] =	vst v6  }
0xdb: {  	[tilespmem:s20+$0x14E50] =	vst v7  }
0xdc: {  	[tilespmem:s20+$0x17A50] =	vst v8  }
.Ltmp6:
0xdd: {  	[tilespmem:s20+$0x12260] =	vst v6;
	(pc) =	sbr.rel @p0 .LBB2_12-.Ltmp6, $4  }
0xde: {  	[tilespmem:s20+$0x14E60] =	vst v7  }
0xdf: {  	[tilespmem:s20+$0x17A60] =	vst v8  }
0xe0: {  	[tilespmem:s20+$0x12270] =	vst v6  }
0xe1: {  	[tilespmem:s20+$0x14E70] =	vst v7;
	s20 =	sshra.s32 s0, $0x2;
	s0 =	sadd.s32 $0x200, s0  }
0xe2: {  	v10 =	vxor.u32 $0x80000000, v10  }
0xe3: {  	(xrf0) =	vmax.scan.msk.u32 $0xffff, v10;
	_ =	sdelay $0x5  }
0xe4: {  	v10, _, _ =	vpop (xrf0)  }
0xe5: {  	(v2sf) =	vpush v10, $0xF;
	_ =	sdelay $0x4  }
0xe6: {  	[tilespmem:s20+$0x17A70] =	vst v8  }
0xe7: {  	[tilespmem:s20+$0x12200] =	vst v6  }
0xe8: {  	[tilespmem:s20+$0x14E00] =	vst v7  }
0xe9: {  	[tilespmem:s20+$0x17A00] =	vst v8  }
0xea: {  	[tilespmem:s20+$0x12210] =	vst v6  }
0xeb: {  	[tilespmem:s20+$0x14E10] =	vst v7  }
0xec: {  	[tilespmem:s20+$0x17A10] =	vst v8  }
0xed: {  	[tilespmem:s20+$0x12220] =	vst v6  }
0xee: {  	[tilespmem:s20+$0x14E20] =	vst v7  }
0xef: {  	[tilespmem:s20+$0x17A20] =	vst v8  }
0xf0: {  	[tilespmem:s20+$0x12230] =	vst v6;
	s0 =	spop (v2sf)  }
0xf1: {  	[tilespmem:s20+$0x14E30] =	vst v7;
	s0 =	sadd.s32 $0x8000000F, s0  }
0xf2: {  	[tilespmem:s20+$0x17A30] =	vst v8;
	s2 =	sand.u32 $0xF, s0  }
0xf3: {  	[tilespmem:s20+$0x12240] =	vst v6;
	s6 =	sshra.s32 s0, $0x1F;
	p0 =	slt.s32 s0, $0x1;
	p1 =	sne.s32 s2, $0x0  }
0xf4: {  	[tilespmem:s20+$0x14E40] =	vst v7;
	s21 =	sshrl.u32 s6, $0x1C;
	p0 =	por !p0, !p1  }
0xf5: {  	[tilespmem:s20+$0x17A40] =	vst v8;
	s2 =	simm.s32 $0x1;
	s0 =	sadd.s32 s21, s0;
	p0 =	por !p0, !p0  }
0xf6: {  	[tilespmem:s20+$0x12250] =	vst v6;
	s0 =	sshra.s32 s0, $0x4;
	s2 =	simm.s32 @!p0 $0x0  }
0xf7: {  	[tilespmem:s20+$0x14E50] =	vst v7;
	s0 =	ssub.s32 s0, s2  }
0xf8: {  	[tilespmem:s20+$0x17A50] =	vst v8;
	p0 =	sgt.s32 s0, $0x1  }
0xf9: {  	[tilespmem:s20+$0x12260] =	vst v6;
	s0 =	simm.s32 @!p0 $0x1  }
0xfa: {  	[tilespmem:s20+$0x14E60] =	vst v7;
	s0 =	smin.u32 s0, $0x3FF  }
0xfb: {  	[tilespmem:s20+$0x17A60] =	vst v8;
	s0 =	sadd.s32 $0x3, s0  }
0xfc: {  	[tilespmem:s20+$0x12270] =	vst v6;
	s19 =	sshrl.u32 s0, $0x2  }
0xfd: {  	[tilespmem:s20+$0x14E70] =	vst v7;
	v10 =	vimm.s32 $0x0;
	s2 =	simm.s32 $0x3220;
	s0 =	simm.s32 $0x7220;
	s6 =	smov.u32 s19  }
.LBB2_14:
0xfe: {  	v11 =	vld [tilespmem:s2+$0xFFFFFFE0];
	_ =	sdelay $0x4  }
0xff: {  	vm0 =	vlt.u32 v11, $0x50  }
0x100: {  	v12 =	vsel vm0, $0x1, v2  }
0x101: {  	(xrf0) =	vadd.scan.msk.s32 $0xffff, v12;
	_ =	sdelay $0x5  }
0x102: {  	v12, _, _ =	vpop (xrf0)  }
0x103: {  	v12 =	vadd.s32 v12, v10  }
0x104: {  	v12 =	vadd.s32 $0xFFFFFFFF, v12  }
0x105: {  	vm1 =	vlt.s32 v12, $0x17EF  }
0x106: {  	v12 =	vnsel vm1, $0x17EF, v12  }
0x107: {  	v12 =	vsel vm0, v12, v9  }
0x108: {  	v13 =	vld [tilespmem:s0+$0xFFFFFFE0];
	_ =	sdelay $0x3  }
0x109: {  	[tilespmem:v12+s29+$0x0] =	vst.idx.msk $0xffff, v11  }
0x10a: {  	[tilespmem:v12+s30+$0x0] =	vst.idx.msk $0xffff, v13  }
0x10b: {  	v11 =	vld [tilespmem:s2+$0xFFFFFFF0];
	_ =	sdelay $0x4  }
0x10c: {  	vm10 =	vlt.u32 v11, $0x50  }
0x10d: {  	v55 =	vsel vm10, $0x1, v2  }
0x10e: {  	(xrf0) =	vadd.scan.msk.s32 $0xffff, v55;
	_ =	sdelay $0x3  }
0x10f: {  	v56 =	vmpcnt.ones.xlane vm0;
	_ =	sdelay $0x1  }
0x110: {  	v10 =	vadd.s32 v10, v56;
	v57, _, _ =	vpop (xrf0)  }
0x111: {  	v12 =	vadd.s32 v57, v10  }
0x112: {  	v12 =	vadd.s32 $0xFFFFFFFF, v12  }
0x113: {  	vm11 =	vlt.s32 v12, $0x17EF  }
0x114: {  	v12 =	vnsel vm11, $0x17EF, v12  }
0x115: {  	v12 =	vsel vm10, v12, v9  }
0x116: {  	v13 =	vld [tilespmem:s0+$0xFFFFFFF0];
	_ =	sdelay $0x3  }
0x117: {  	[tilespmem:v12+s29+$0x0] =	vst.idx.msk $0xffff, v11  }
0x118: {  	[tilespmem:v12+s30+$0x0] =	vst.idx.msk $0xffff, v13  }
0x119: {  	v11 =	vld [tilespmem:s2+$0x0];
	_ =	sdelay $0x4  }
0x11a: {  	vm12 =	vlt.u32 v11, $0x50  }
0x11b: {  	v58 =	vsel vm12, $0x1, v2  }
0x11c: {  	(xrf0) =	vadd.scan.msk.s32 $0xffff, v58;
	_ =	sdelay $0x3  }
0x11d: {  	v59 =	vmpcnt.ones.xlane vm10;
	_ =	sdelay $0x1  }
0x11e: {  	v10 =	vadd.s32 v10, v59;
	v60, _, _ =	vpop (xrf0)  }
0x11f: {  	v12 =	vadd.s32 v60, v10  }
0x120: {  	v12 =	vadd.s32 $0xFFFFFFFF, v12  }
0x121: {  	vm13 =	vlt.s32 v12, $0x17EF  }
0x122: {  	v12 =	vnsel vm13, $0x17EF, v12  }
0x123: {  	v12 =	vsel vm12, v12, v9  }
0x124: {  	v13 =	vld [tilespmem:s0+$0x0];
	_ =	sdelay $0x3  }
0x125: {  	[tilespmem:v12+s29+$0x0] =	vst.idx.msk $0xffff, v11  }
0x126: {  	[tilespmem:v12+s30+$0x0] =	vst.idx.msk $0xffff, v13  }
0x127: {  	v11 =	vld [tilespmem:s2+$0x10];
	_ =	sdelay $0x4  }
0x128: {  	vm14 =	vlt.u32 v11, $0x50  }
0x129: {  	v61 =	vsel vm14, $0x1, v2  }
0x12a: {  	(xrf0) =	vadd.scan.msk.s32 $0xffff, v61;
	_ =	sdelay $0x3  }
0x12b: {  	v62 =	vmpcnt.ones.xlane vm12;
	_ =	sdelay $0x1  }
0x12c: {  	v10 =	vadd.s32 v10, v62;
	v63, _, _ =	vpop (xrf0)  }
0x12d: {  	v12 =	vadd.s32 v63, v10  }
0x12e: {  	v12 =	vadd.s32 $0xFFFFFFFF, v12  }
0x12f: {  	vm15 =	vlt.s32 v12, $0x17EF  }
0x130: {  	v12 =	vnsel vm15, $0x17EF, v12  }
0x131: {  	v12 =	vsel vm14, v12, v9  }
0x132: {  	p0 =	sne.s32 s6, $0x1;
	v13 =	vld [tilespmem:s0+$0x10]  }
.Ltmp7:
0x133: {  	_ = 	snop;
	(pc) =	sbr.rel @p0 .LBB2_14-.Ltmp7, $4  }
0x134: {  	_ = 	snop  }
0x135: {  	v14 =	vmpcnt.ones.xlane vm14  }
0x136: {  	[tilespmem:v12+s29+$0x0] =	vst.idx.msk $0xffff, v11  }
0x137: {  	s6 =	sadd.s32 $0xFFFFFFFF, s6;
	s0 =	sadd.s32 $0x40, s0;
	s2 =	sadd.s32 $0x40, s2;
	v10 =	vadd.s32 v10, v14;
	[tilespmem:v12+s30+$0x0] =	vst.idx.msk $0xffff, v13  }
0x138: {  	v10 =	vxor.u32 $0x80000000, v10  }
0x139: {  	(xrf0) =	vmax.scan.msk.u32 $0xffff, v10;
	_ =	sdelay $0x5  }
0x13a: {  	v10, _, _ =	vpop (xrf0)  }
0x13b: {  	(v2sf) =	vpush v10, $0xF;
	_ =	sdelay $0x6  }
0x13c: {  	s7 =	simm.s32 $0xE200  }
0x13d: {  	[tilespmem:s7], [sflag:$0x3] =	stream.indirect.gather [hbm4b:s5+s31], $0x80, s30, s31, $0xb8;
	[tilespmem:$0x1A600] =	vst v63  }
0x13e: {  	s8 =	simm.s32 $0xCA20;
	s9 =	simm.s32 $0xF200  }
0x13f: {  	[tilespmem:s9], [sflag:$0x4] =	stream.indirect.gather [hbm4b:s5+s31], $0x80, s8, s31, $0xb8;
	[tilespmem:$0x1A600] =	vst v63  }
0x140: {  	s14 =	simm.s32 $0xCA40;
	s16 =	simm.s32 $0x10200  }
0x141: {  	[tilespmem:s16], [sflag:$0x5] =	stream.indirect.gather [hbm4b:s5+s31], $0x80, s14, s31, $0xb8;
	[tilespmem:$0x1A600] =	vst v63  }
0x142: {  	s20 =	simm.s32 $0xCA60;
	s21 =	simm.s32 $0x11200  }
0x143: {  	[tilespmem:s21], [sflag:$0x6] =	stream.indirect.gather [hbm4b:s5+s31], $0x80, s20, s31, $0xb8;
	[tilespmem:$0x1A600] =	vst v63  }
0x144: {  	s0 =	spop (v2sf)  }
0x145: {  	s0 =	sadd.s32 $0x8000007F, s0  }
0x146: {  	s2 =	sand.u32 $0x7F, s0  }
0x147: {  	s6 =	sshra.s32 s0, $0x1F;
	p0 =	slt.s32 s0, $0x1;
	p1 =	sne.s32 s2, $0x0  }
0x148: {  	s6 =	sshrl.u32 s6, $0x19;
	p0 =	por !p0, !p1  }
0x149: {  	s2 =	simm.s32 $0x1;
	s0 =	sadd.s32 s6, s0;
	p0 =	por !p0, !p0  }
0x14a: {  	s0 =	sshra.s32 s0, $0x7;
	s2 =	simm.s32 @!p0 $0x0  }
0x14b: {  	s0 =	ssub.s32 s0, s2  }
0x14c: {  	s0 =	sshll.u32 s0, $0x2  }
0x14d: {  	p0 =	sgt.s32 s0, $0x4  }
0x14e: {  	_ =	swait.ge [sflag:s10], $0x1000;
	s0 =	simm.s32 @!p0 $0x4  }
0x14f: {  	[sflag:s10] =	ssyncset.done $0x0;
	s0 =	smin.u32 s0, $0xBC  }
0x150: {  	[sflag:s10] =	ssyncadd.s32 $0xFFFFF000;
	p0 =	sle.u32 s0, $0x4  }
0x151: {  	s2 =	simm.s32 @!p0 $0xCA80;
	s6 =	simm.s32 @!p0 $0x20;
	s7 =	simm.s32 @!p0 $0xE200  }
0x152: {  	[tilespmem:s7], [sflag:$0x3] =	stream.indirect.gather @!p0 [hbm4b:s5+s6], $0x80, s2, s6, $0xb8;
	[tilespmem:$0x1A600] =	vst v63  }
0x153: {  	p0 =	sle.u32 s0, $0x5;
	_ =	swait.ge [sflag:s11], $0x1000  }
0x154: {  	s6 =	simm.s32 @!p0 $0xF200;
	[sflag:s11] =	ssyncset.done $0x0  }
0x155: {  	s7 =	simm.s32 @!p0 $0xCAA0;
	s8 =	simm.s32 @!p0 $0x20;
	[sflag:s11] =	ssyncadd.s32 $0xFFFFF000  }
0x156: {  	[tilespmem:s6], [sflag:$0x4] =	stream.indirect.gather @!p0 [hbm4b:s5+s8], $0x80, s7, s8, $0xb8;
	[tilespmem:$0x1A600] =	vst v63  }
0x157: {  	p0 =	sle.u32 s0, $0x6;
	_ =	swait.ge [sflag:s12], $0x1000  }
0x158: {  	s2 =	sshll.u32 s0, $0x7;
	s6 =	simm.s32 @!p0 $0x10200;
	[sflag:s12] =	ssyncset.done $0x0  }
0x159: {  	s7 =	simm.s32 @!p0 $0xCAC0;
	s8 =	simm.s32 @!p0 $0x20;
	[sflag:s12] =	ssyncadd.s32 $0xFFFFF000  }
0x15a: {  	[tilespmem:s6], [sflag:$0x5] =	stream.indirect.gather @!p0 [hbm4b:s5+s8], $0x80, s7, s8, $0xb8;
	[tilespmem:$0x1A600] =	vst v63  }
0x15b: {  	p0 =	sne.s32 s2, $0x200  }
.Ltmp8:
0x15c: {  	_ = 	snop;
	(pc) =	sbr.rel @!p0 .LBB2_17-.Ltmp8, $4  }
0x15d: {  	s20 =	simm.s32 $0x0  }
0x15e: {  	s21 =	simm.s32 $0x200;
	p1 =	sle.u32 s0, $0x7;
	_ =	swait.ge [sflag:s13], $0x1000  }
0x15f: {  	s9 =	simm.s32 @!p1 $0x20;
	s6 =	simm.s32 $0x8;
	[sflag:s13] =	ssyncset.done $0x0  }
0x160: {  	s7 =	simm.s32 @!p1 $0x11200;
	s8 =	simm.s32 @!p1 $0xCAE0;
	[sflag:s13] =	ssyncadd.s32 $0xFFFFF000  }
.LBB2_16:
0x161: {  	[tilespmem:s7], [sflag:$0x6] =	stream.indirect.gather @!p1 [hbm4b:s5+s9], $0x80, s8, s9, $0xb8;
	[tilespmem:$0x1A600] =	vst v63  }
0x162: {  	s7 =	smov.u32 s21;
	s21 =	sadd.s32 $0x200, s21;
	_ =	swait.ge [sflag:s10], $0x1000  }
0x163: {  	p0 =	sne.s32 s2, s21;
	[sflag:s10] =	ssyncset.done $0x0  }
0x164: {  	p1 =	sge.u32 s6, s0;
	[sflag:s10] =	ssyncadd.s32 $0xFFFFF000  }
0x165: {  	s9 =	sadd.s32 $0x1, s6;
	s8 =	sshra.s32 @!p1 s7, $0x2  }
0x166: {  	s14 =	simm.s32 @!p1 $0x20;
	s16 =	simm.s32 @!p1 $0xE200;
	s8 =	sadd.s32 @!p1 $0xCA80, s8  }
0x167: {  	[tilespmem:s16], [sflag:$0x3] =	stream.indirect.gather @!p1 [hbm4b:s5+s14], $0x80, s8, s14, $0xb8;
	[tilespmem:$0x1A600] =	vst v63  }
0x168: {  	p1 =	sge.u32 s9, s0;
	s8 =	sadd.s32 $0x2, s6;
	_ =	swait.ge [sflag:s11], $0x1000  }
0x169: {  	s9 =	sshra.s32 @!p1 s7, $0x2;
	s14 =	simm.s32 @!p1 $0xF200;
	[sflag:s11] =	ssyncset.done $0x0  }
0x16a: {  	s16 =	simm.s32 @!p1 $0x20;
	s9 =	sadd.s32 @!p1 $0xCAA0, s9;
	[sflag:s11] =	ssyncadd.s32 $0xFFFFF000  }
0x16b: {  	[tilespmem:s14], [sflag:$0x4] =	stream.indirect.gather @!p1 [hbm4b:s5+s16], $0x80, s9, s16, $0xb8;
	[tilespmem:$0x1A600] =	vst v63  }
0x16c: {  	p1 =	sge.u32 s8, s0  }
0x16d: {  	s8 =	sadd.s32 $0x3, s6;
	_ =	swait.ge [sflag:s12], $0x1000;
	s9 =	sshra.s32 @!p1 s7, $0x2  }
0x16e: {  	s14 =	simm.s32 @!p1 $0x10200;
	s16 =	simm.s32 @!p1 $0x20;
	[sflag:s12] =	ssyncset.done $0x0  }
.Ltmp9:
0x16f: {  	s9 =	sadd.s32 @!p1 $0xCAC0, s9;
	[sflag:s12] =	ssyncadd.s32 $0xFFFFF000;
	(pc) =	sbr.rel @p0 .LBB2_16-.Ltmp9, $4  }
0x170: {  	[tilespmem:s14], [sflag:$0x5] =	stream.indirect.gather @!p1 [hbm4b:s5+s16], $0x80, s9, s16, $0xb8;
	[tilespmem:$0x1A600] =	vst v63  }
0x171: {  	s6 =	sadd.s32 $0x4, s6;
	p1 =	sge.u32 s8, s0;
	_ =	swait.ge [sflag:s13], $0x1000  }
0x172: {  	s8 =	sshra.s32 @!p1 s7, $0x2;
	s7 =	simm.s32 @!p1 $0x11200;
	[sflag:s13] =	ssyncset.done $0x0  }
0x173: {  	s9 =	simm.s32 @!p1 $0x20;
	s8 =	sadd.s32 @!p1 $0xCAE0, s8;
	[sflag:s13] =	ssyncadd.s32 $0xFFFFF000  }
.LBB2_17:
0x174: {  	[tilespmem:s7], [sflag:$0x6] =	stream.indirect.gather @!p1 [hbm4b:s5+s9], $0x80, s8, s9, $0xb8;
	[tilespmem:$0x1A600] =	vst v63  }
0x175: {  	s0 =	rddreg [dreg:$0x5];
	s2 =	simm.s32 $0x12200  }
0x176: {  	[hbm4b:s0+s20] =	stream.linear.scatter [tilespmem:s2], [sflag:$0x7], $0x2800, $0x38;
	[tilespmem:$0x1A600] =	vst v63  }
0x177: {  	_ =	swait.ge [sflag:s15], $0x2800  }
0x178: {  	[sflag:s15] =	ssyncset.done $0x0  }
0x179: {  	s14 =	simm.s32 $0x14E00;
	s9 =	rddreg [dreg:$0x6];
	[sflag:s15] =	ssyncadd.s32 $0xFFFFD800  }
0x17a: {  	[hbm4b:s9+s20] =	stream.linear.scatter [tilespmem:s14], [sflag:$0x7], $0x2800, $0x38;
	[tilespmem:$0x1A600] =	vst v63  }
0x17b: {  	_ =	swait.ge [sflag:s15], $0x2800  }
0x17c: {  	[sflag:s15] =	ssyncset.done $0x0  }
0x17d: {  	s16 =	rddreg [dreg:$0x7];
	[sflag:s15] =	ssyncadd.s32 $0xFFFFD800  }
0x17e: {  	[hbm4b:s16+s20] =	stream.linear.scatter [tilespmem:s17], [sflag:$0x7], $0x2800, $0x38;
	[tilespmem:$0x1A600] =	vst v63  }
0x17f: {  	_ =	swait.ge [sflag:s15], $0x2800  }
0x180: {  	[sflag:s15] =	ssyncset.done $0x0  }
0x181: {  	s21 =	simm.s32 $0xB200;
	[sflag:s15] =	ssyncadd.s32 $0xFFFFD800  }
0x182: {  	v10 =	vor.u32 s20, v3;
	s0 =	simm.s32 $0xCA00;
	[tilespmem:s21+$0x0] =	vst v5  }
0x183: {  	s6 =	simm.s32 $0xB210;
	s2 =	simm.s32 $0x10;
	[tilespmem:s0+$0x0] =	vst v10  }
.LBB2_18:
0x184: {  	[tilespmem:s6+$0x0] =	vst v5;
	v10 =	vor.u32 s2, v3;
	p0 =	sne.s32 s2, $0x17F0;
	s2 =	sadd.s32 $0x10, s2;
	s0 =	sadd.s32 $0x10, s0  }
.Ltmp10:
0x185: {  	[tilespmem:s0+$0x0] =	vst v10;
	(pc) =	sbr.rel @p0 .LBB2_18-.Ltmp10, $2  }
0x186: {  	_ =	sdelay $0x2  }
0x187: {  	s6 =	sadd.s32 $0x10, s6  }
0x188: {  	s0 =	simm.s32 $0x0;
	s2 =	simm.s32 $0x200  }
.LBB2_20:
0x189: {  	p0 =	sne.s32 s2, $0xA000;
	[tilespmem:s0+$0x17A70] =	vst v8  }
0x18a: {  	[tilespmem:s0+$0x12200] =	vst v6  }
0x18b: {  	[tilespmem:s0+$0x14E00] =	vst v7  }
0x18c: {  	[tilespmem:s0+$0x17A00] =	vst v8  }
0x18d: {  	[tilespmem:s0+$0x12210] =	vst v6  }
0x18e: {  	[tilespmem:s0+$0x14E10] =	vst v7  }
0x18f: {  	[tilespmem:s0+$0x17A10] =	vst v8  }
0x190: {  	[tilespmem:s0+$0x12220] =	vst v6  }
0x191: {  	[tilespmem:s0+$0x14E20] =	vst v7  }
0x192: {  	[tilespmem:s0+$0x17A20] =	vst v8  }
0x193: {  	[tilespmem:s0+$0x12230] =	vst v6  }
0x194: {  	[tilespmem:s0+$0x14E30] =	vst v7  }
0x195: {  	[tilespmem:s0+$0x17A30] =	vst v8  }
0x196: {  	[tilespmem:s0+$0x12240] =	vst v6  }
0x197: {  	[tilespmem:s0+$0x14E40] =	vst v7  }
0x198: {  	[tilespmem:s0+$0x17A40] =	vst v8  }
0x199: {  	[tilespmem:s0+$0x12250] =	vst v6  }
0x19a: {  	[tilespmem:s0+$0x14E50] =	vst v7  }
0x19b: {  	[tilespmem:s0+$0x17A50] =	vst v8  }
.Ltmp11:
0x19c: {  	[tilespmem:s0+$0x12260] =	vst v6;
	(pc) =	sbr.rel @p0 .LBB2_20-.Ltmp11, $4  }
0x19d: {  	[tilespmem:s0+$0x14E60] =	vst v7  }
0x19e: {  	[tilespmem:s0+$0x17A60] =	vst v8  }
0x19f: {  	[tilespmem:s0+$0x12270] =	vst v6  }
0x1a0: {  	[tilespmem:s0+$0x14E70] =	vst v7;
	s0 =	sshra.s32 s2, $0x2;
	s2 =	sadd.s32 $0x200, s2  }
0x1a1: {  	[tilespmem:s0+$0x17A70] =	vst v8  }
0x1a2: {  	[tilespmem:s0+$0x12200] =	vst v6  }
0x1a3: {  	[tilespmem:s0+$0x14E00] =	vst v7  }
0x1a4: {  	[tilespmem:s0+$0x17A00] =	vst v8  }
0x1a5: {  	[tilespmem:s0+$0x12210] =	vst v6  }
0x1a6: {  	[tilespmem:s0+$0x14E10] =	vst v7  }
0x1a7: {  	[tilespmem:s0+$0x17A10] =	vst v8  }
0x1a8: {  	[tilespmem:s0+$0x12220] =	vst v6  }
0x1a9: {  	[tilespmem:s0+$0x14E20] =	vst v7  }
0x1aa: {  	[tilespmem:s0+$0x17A20] =	vst v8  }
0x1ab: {  	[tilespmem:s0+$0x12230] =	vst v6  }
0x1ac: {  	[tilespmem:s0+$0x14E30] =	vst v7  }
0x1ad: {  	[tilespmem:s0+$0x17A30] =	vst v8  }
0x1ae: {  	[tilespmem:s0+$0x12240] =	vst v6  }
0x1af: {  	[tilespmem:s0+$0x14E40] =	vst v7  }
0x1b0: {  	[tilespmem:s0+$0x17A40] =	vst v8  }
0x1b1: {  	[tilespmem:s0+$0x12250] =	vst v6  }
0x1b2: {  	[tilespmem:s0+$0x14E50] =	vst v7  }
0x1b3: {  	[tilespmem:s0+$0x17A50] =	vst v8  }
0x1b4: {  	[tilespmem:s0+$0x12260] =	vst v6  }
0x1b5: {  	[tilespmem:s0+$0x14E60] =	vst v7  }
0x1b6: {  	[tilespmem:s0+$0x17A60] =	vst v8  }
0x1b7: {  	[tilespmem:s0+$0x12270] =	vst v6  }
0x1b8: {  	[tilespmem:s0+$0x14E70] =	vst v7;
	v10 =	vimm.s32 $0x0;
	s0 =	simm.s32 $0x7220;
	s2 =	simm.s32 $0x3220;
	s6 =	smov.u32 s19  }
.LBB2_22:
0x1b9: {  	v11 =	vld [tilespmem:s2+$0xFFFFFFE0];
	_ =	sdelay $0x4  }
0x1ba: {  	v11 =	vadd.s32 $0xFFFFFFB0, v11  }
0x1bb: {  	vm0 =	vlt.u32 v11, $0x50  }
0x1bc: {  	v12 =	vsel vm0, $0x1, v2  }
0x1bd: {  	(xrf0) =	vadd.scan.msk.s32 $0xffff, v12;
	_ =	sdelay $0x5  }
0x1be: {  	v12, _, _ =	vpop (xrf0)  }
0x1bf: {  	v12 =	vadd.s32 v12, v10  }
0x1c0: {  	v12 =	vadd.s32 $0xFFFFFFFF, v12  }
0x1c1: {  	vm1 =	vlt.s32 v12, $0x17EF  }
0x1c2: {  	v12 =	vnsel vm1, $0x17EF, v12  }
0x1c3: {  	v12 =	vsel vm0, v12, v9  }
0x1c4: {  	v13 =	vld [tilespmem:s0+$0xFFFFFFE0];
	_ =	sdelay $0x3  }
0x1c5: {  	[tilespmem:v12+s29+$0x0] =	vst.idx.msk $0xffff, v11  }
0x1c6: {  	[tilespmem:v12+s30+$0x0] =	vst.idx.msk $0xffff, v13  }
0x1c7: {  	v11 =	vld [tilespmem:s2+$0xFFFFFFF0];
	_ =	sdelay $0x4  }
0x1c8: {  	v11 =	vadd.s32 $0xFFFFFFB0, v11  }
0x1c9: {  	vm10 =	vlt.u32 v11, $0x50  }
0x1ca: {  	v55 =	vsel vm10, $0x1, v2  }
0x1cb: {  	(xrf0) =	vadd.scan.msk.s32 $0xffff, v55;
	_ =	sdelay $0x3  }
0x1cc: {  	v56 =	vmpcnt.ones.xlane vm0;
	_ =	sdelay $0x1  }
0x1cd: {  	v10 =	vadd.s32 v10, v56;
	v57, _, _ =	vpop (xrf0)  }
0x1ce: {  	v12 =	vadd.s32 v57, v10  }
0x1cf: {  	v12 =	vadd.s32 $0xFFFFFFFF, v12  }
0x1d0: {  	vm11 =	vlt.s32 v12, $0x17EF  }
0x1d1: {  	v12 =	vnsel vm11, $0x17EF, v12  }
0x1d2: {  	v12 =	vsel vm10, v12, v9  }
0x1d3: {  	v13 =	vld [tilespmem:s0+$0xFFFFFFF0];
	_ =	sdelay $0x3  }
0x1d4: {  	[tilespmem:v12+s29+$0x0] =	vst.idx.msk $0xffff, v11  }
0x1d5: {  	[tilespmem:v12+s30+$0x0] =	vst.idx.msk $0xffff, v13  }
0x1d6: {  	v11 =	vld [tilespmem:s2+$0x0];
	_ =	sdelay $0x4  }
0x1d7: {  	v11 =	vadd.s32 $0xFFFFFFB0, v11  }
0x1d8: {  	vm12 =	vlt.u32 v11, $0x50  }
0x1d9: {  	v58 =	vsel vm12, $0x1, v2  }
0x1da: {  	(xrf0) =	vadd.scan.msk.s32 $0xffff, v58;
	_ =	sdelay $0x3  }
0x1db: {  	v59 =	vmpcnt.ones.xlane vm10;
	_ =	sdelay $0x1  }
0x1dc: {  	v10 =	vadd.s32 v10, v59;
	v60, _, _ =	vpop (xrf0)  }
0x1dd: {  	v12 =	vadd.s32 v60, v10  }
0x1de: {  	v12 =	vadd.s32 $0xFFFFFFFF, v12  }
0x1df: {  	vm13 =	vlt.s32 v12, $0x17EF  }
0x1e0: {  	v12 =	vnsel vm13, $0x17EF, v12  }
0x1e1: {  	v12 =	vsel vm12, v12, v9  }
0x1e2: {  	v13 =	vld [tilespmem:s0+$0x0];
	_ =	sdelay $0x3  }
0x1e3: {  	[tilespmem:v12+s29+$0x0] =	vst.idx.msk $0xffff, v11  }
0x1e4: {  	[tilespmem:v12+s30+$0x0] =	vst.idx.msk $0xffff, v13  }
0x1e5: {  	v11 =	vld [tilespmem:s2+$0x10];
	_ =	sdelay $0x4  }
0x1e6: {  	v11 =	vadd.s32 $0xFFFFFFB0, v11  }
0x1e7: {  	vm14 =	vlt.u32 v11, $0x50  }
0x1e8: {  	v61 =	vsel vm14, $0x1, v2  }
0x1e9: {  	(xrf0) =	vadd.scan.msk.s32 $0xffff, v61;
	_ =	sdelay $0x3  }
0x1ea: {  	v62 =	vmpcnt.ones.xlane vm12;
	_ =	sdelay $0x1  }
0x1eb: {  	v10 =	vadd.s32 v10, v62;
	v63, _, _ =	vpop (xrf0)  }
0x1ec: {  	v12 =	vadd.s32 v63, v10  }
0x1ed: {  	v12 =	vadd.s32 $0xFFFFFFFF, v12  }
0x1ee: {  	vm15 =	vlt.s32 v12, $0x17EF  }
0x1ef: {  	v12 =	vnsel vm15, $0x17EF, v12  }
0x1f0: {  	v12 =	vsel vm14, v12, v9  }
0x1f1: {  	p0 =	sne.s32 s6, $0x1;
	v13 =	vld [tilespmem:s0+$0x10]  }
.Ltmp12:
0x1f2: {  	_ = 	snop;
	(pc) =	sbr.rel @p0 .LBB2_22-.Ltmp12, $4  }
0x1f3: {  	_ = 	snop  }
0x1f4: {  	v14 =	vmpcnt.ones.xlane vm14  }
0x1f5: {  	[tilespmem:v12+s29+$0x0] =	vst.idx.msk $0xffff, v11  }
0x1f6: {  	s6 =	sadd.s32 $0xFFFFFFFF, s6;
	s0 =	sadd.s32 $0x40, s0;
	s2 =	sadd.s32 $0x40, s2;
	v10 =	vadd.s32 v10, v14;
	[tilespmem:v12+s30+$0x0] =	vst.idx.msk $0xffff, v13  }
0x1f7: {  	v10 =	vxor.u32 $0x80000000, v10  }
0x1f8: {  	(xrf0) =	vmax.scan.msk.u32 $0xffff, v10;
	_ =	sdelay $0x5  }
0x1f9: {  	v10, _, _ =	vpop (xrf0)  }
0x1fa: {  	(v2sf) =	vpush v10, $0xF;
	_ =	sdelay $0x6  }
0x1fb: {  	s7 =	simm.s32 $0xE200  }
0x1fc: {  	[tilespmem:s7], [sflag:$0x3] =	stream.indirect.gather [hbm4b:s5+s31], $0x80, s30, s31, $0xb8;
	[tilespmem:$0x1A600] =	vst v63  }
0x1fd: {  	s8 =	simm.s32 $0xCA20;
	s9 =	simm.s32 $0xF200  }
0x1fe: {  	[tilespmem:s9], [sflag:$0x4] =	stream.indirect.gather [hbm4b:s5+s31], $0x80, s8, s31, $0xb8;
	[tilespmem:$0x1A600] =	vst v63  }
0x1ff: {  	s14 =	simm.s32 $0xCA40;
	s16 =	simm.s32 $0x10200  }
0x200: {  	[tilespmem:s16], [sflag:$0x5] =	stream.indirect.gather [hbm4b:s5+s31], $0x80, s14, s31, $0xb8;
	[tilespmem:$0x1A600] =	vst v63  }
0x201: {  	s20 =	simm.s32 $0xCA60;
	s21 =	simm.s32 $0x11200  }
0x202: {  	[tilespmem:s21], [sflag:$0x6] =	stream.indirect.gather [hbm4b:s5+s31], $0x80, s20, s31, $0xb8;
	[tilespmem:$0x1A600] =	vst v63  }
0x203: {  	s0 =	spop (v2sf)  }
0x204: {  	s0 =	sadd.s32 $0x8000007F, s0  }
0x205: {  	s2 =	sand.u32 $0x7F, s0  }
0x206: {  	s6 =	sshra.s32 s0, $0x1F;
	p0 =	slt.s32 s0, $0x1;
	p1 =	sne.s32 s2, $0x0  }
0x207: {  	s6 =	sshrl.u32 s6, $0x19;
	p0 =	por !p0, !p1  }
0x208: {  	s2 =	simm.s32 $0x1;
	s0 =	sadd.s32 s6, s0;
	p0 =	por !p0, !p0  }
0x209: {  	s0 =	sshra.s32 s0, $0x7;
	s2 =	simm.s32 @!p0 $0x0  }
0x20a: {  	s0 =	ssub.s32 s0, s2  }
0x20b: {  	s0 =	sshll.u32 s0, $0x2  }
0x20c: {  	p0 =	sgt.s32 s0, $0x4  }
0x20d: {  	_ =	swait.ge [sflag:s10], $0x1000;
	s0 =	simm.s32 @!p0 $0x4  }
0x20e: {  	[sflag:s10] =	ssyncset.done $0x0;
	s0 =	smin.u32 s0, $0xBC  }
0x20f: {  	[sflag:s10] =	ssyncadd.s32 $0xFFFFF000;
	p0 =	sle.u32 s0, $0x4  }
0x210: {  	s2 =	simm.s32 @!p0 $0xCA80;
	s6 =	simm.s32 @!p0 $0x20;
	s7 =	simm.s32 @!p0 $0xE200  }
0x211: {  	[tilespmem:s7], [sflag:$0x3] =	stream.indirect.gather @!p0 [hbm4b:s5+s6], $0x80, s2, s6, $0xb8;
	[tilespmem:$0x1A600] =	vst v63  }
0x212: {  	p0 =	sle.u32 s0, $0x5;
	_ =	swait.ge [sflag:s11], $0x1000  }
0x213: {  	s6 =	simm.s32 @!p0 $0xF200;
	[sflag:s11] =	ssyncset.done $0x0  }
0x214: {  	s7 =	simm.s32 @!p0 $0xCAA0;
	s8 =	simm.s32 @!p0 $0x20;
	[sflag:s11] =	ssyncadd.s32 $0xFFFFF000  }
0x215: {  	[tilespmem:s6], [sflag:$0x4] =	stream.indirect.gather @!p0 [hbm4b:s5+s8], $0x80, s7, s8, $0xb8;
	[tilespmem:$0x1A600] =	vst v63  }
0x216: {  	p0 =	sle.u32 s0, $0x6;
	_ =	swait.ge [sflag:s12], $0x1000  }
0x217: {  	s2 =	sshll.u32 s0, $0x7;
	s6 =	simm.s32 @!p0 $0x10200;
	[sflag:s12] =	ssyncset.done $0x0  }
0x218: {  	s7 =	simm.s32 @!p0 $0xCAC0;
	s8 =	simm.s32 @!p0 $0x20;
	[sflag:s12] =	ssyncadd.s32 $0xFFFFF000  }
0x219: {  	[tilespmem:s6], [sflag:$0x5] =	stream.indirect.gather @!p0 [hbm4b:s5+s8], $0x80, s7, s8, $0xb8;
	[tilespmem:$0x1A600] =	vst v63  }
0x21a: {  	p0 =	sne.s32 s2, $0x200  }
.Ltmp13:
0x21b: {  	_ = 	snop;
	(pc) =	sbr.rel @!p0 .LBB2_25-.Ltmp13, $4  }
0x21c: {  	s20 =	simm.s32 $0x0  }
0x21d: {  	s21 =	simm.s32 $0x200;
	p1 =	sle.u32 s0, $0x7;
	_ =	swait.ge [sflag:s13], $0x1000  }
0x21e: {  	s9 =	simm.s32 @!p1 $0x20;
	s6 =	simm.s32 $0x8;
	[sflag:s13] =	ssyncset.done $0x0  }
0x21f: {  	s7 =	simm.s32 @!p1 $0x11200;
	s8 =	simm.s32 @!p1 $0xCAE0;
	[sflag:s13] =	ssyncadd.s32 $0xFFFFF000  }
.LBB2_24:
0x220: {  	[tilespmem:s7], [sflag:$0x6] =	stream.indirect.gather @!p1 [hbm4b:s5+s9], $0x80, s8, s9, $0xb8;
	[tilespmem:$0x1A600] =	vst v63  }
0x221: {  	s7 =	smov.u32 s21;
	s21 =	sadd.s32 $0x200, s21;
	_ =	swait.ge [sflag:s10], $0x1000  }
0x222: {  	p0 =	sne.s32 s2, s21;
	[sflag:s10] =	ssyncset.done $0x0  }
0x223: {  	p1 =	sge.u32 s6, s0;
	[sflag:s10] =	ssyncadd.s32 $0xFFFFF000  }
0x224: {  	s9 =	sadd.s32 $0x1, s6;
	s8 =	sshra.s32 @!p1 s7, $0x2  }
0x225: {  	s14 =	simm.s32 @!p1 $0x20;
	s16 =	simm.s32 @!p1 $0xE200;
	s8 =	sadd.s32 @!p1 $0xCA80, s8  }
0x226: {  	[tilespmem:s16], [sflag:$0x3] =	stream.indirect.gather @!p1 [hbm4b:s5+s14], $0x80, s8, s14, $0xb8;
	[tilespmem:$0x1A600] =	vst v63  }
0x227: {  	p1 =	sge.u32 s9, s0;
	s8 =	sadd.s32 $0x2, s6;
	_ =	swait.ge [sflag:s11], $0x1000  }
0x228: {  	s9 =	sshra.s32 @!p1 s7, $0x2;
	s14 =	simm.s32 @!p1 $0xF200;
	[sflag:s11] =	ssyncset.done $0x0  }
0x229: {  	s16 =	simm.s32 @!p1 $0x20;
	s9 =	sadd.s32 @!p1 $0xCAA0, s9;
	[sflag:s11] =	ssyncadd.s32 $0xFFFFF000  }
0x22a: {  	[tilespmem:s14], [sflag:$0x4] =	stream.indirect.gather @!p1 [hbm4b:s5+s16], $0x80, s9, s16, $0xb8;
	[tilespmem:$0x1A600] =	vst v63  }
0x22b: {  	p1 =	sge.u32 s8, s0  }
0x22c: {  	s8 =	sadd.s32 $0x3, s6;
	_ =	swait.ge [sflag:s12], $0x1000;
	s9 =	sshra.s32 @!p1 s7, $0x2  }
0x22d: {  	s14 =	simm.s32 @!p1 $0x10200;
	s16 =	simm.s32 @!p1 $0x20;
	[sflag:s12] =	ssyncset.done $0x0  }
.Ltmp14:
0x22e: {  	s9 =	sadd.s32 @!p1 $0xCAC0, s9;
	[sflag:s12] =	ssyncadd.s32 $0xFFFFF000;
	(pc) =	sbr.rel @p0 .LBB2_24-.Ltmp14, $4  }
0x22f: {  	[tilespmem:s14], [sflag:$0x5] =	stream.indirect.gather @!p1 [hbm4b:s5+s16], $0x80, s9, s16, $0xb8;
	[tilespmem:$0x1A600] =	vst v63  }
0x230: {  	s6 =	sadd.s32 $0x4, s6;
	p1 =	sge.u32 s8, s0;
	_ =	swait.ge [sflag:s13], $0x1000  }
0x231: {  	s8 =	sshra.s32 @!p1 s7, $0x2;
	s7 =	simm.s32 @!p1 $0x11200;
	[sflag:s13] =	ssyncset.done $0x0  }
0x232: {  	s9 =	simm.s32 @!p1 $0x20;
	s8 =	sadd.s32 @!p1 $0xCAE0, s8;
	[sflag:s13] =	ssyncadd.s32 $0xFFFFF000  }
.LBB2_25:
0x233: {  	[tilespmem:s7], [sflag:$0x6] =	stream.indirect.gather @!p1 [hbm4b:s5+s9], $0x80, s8, s9, $0xb8;
	[tilespmem:$0x1A600] =	vst v63  }
0x234: {  	s0 =	rddreg [dreg:$0x8];
	s2 =	simm.s32 $0x12200  }
0x235: {  	[hbm4b:s0+s20] =	stream.linear.scatter [tilespmem:s2], [sflag:$0x7], $0x2800, $0x38;
	[tilespmem:$0x1A600] =	vst v63  }
0x236: {  	_ =	swait.ge [sflag:s15], $0x2800  }
0x237: {  	[sflag:s15] =	ssyncset.done $0x0  }
0x238: {  	s14 =	simm.s32 $0x14E00;
	s9 =	rddreg [dreg:$0x9];
	[sflag:s15] =	ssyncadd.s32 $0xFFFFD800  }
0x239: {  	[hbm4b:s9+s20] =	stream.linear.scatter [tilespmem:s14], [sflag:$0x7], $0x2800, $0x38;
	[tilespmem:$0x1A600] =	vst v63  }
0x23a: {  	_ =	swait.ge [sflag:s15], $0x2800  }
0x23b: {  	[sflag:s15] =	ssyncset.done $0x0  }
0x23c: {  	s16 =	rddreg [dreg:$0xa];
	[sflag:s15] =	ssyncadd.s32 $0xFFFFD800  }
0x23d: {  	[hbm4b:s16+s20] =	stream.linear.scatter [tilespmem:s17], [sflag:$0x7], $0x2800, $0x38;
	[tilespmem:$0x1A600] =	vst v63  }
0x23e: {  	_ =	swait.ge [sflag:s15], $0x2800  }
0x23f: {  	[sflag:s15] =	ssyncset.done $0x0  }
0x240: {  	s21 =	simm.s32 $0xB200;
	[sflag:s15] =	ssyncadd.s32 $0xFFFFD800  }
0x241: {  	v10 =	vor.u32 s20, v3;
	s0 =	simm.s32 $0xCA00;
	[tilespmem:s21+$0x0] =	vst v5  }
0x242: {  	s6 =	simm.s32 $0xB210;
	s2 =	simm.s32 $0x10;
	[tilespmem:s0+$0x0] =	vst v10  }
.LBB2_26:
0x243: {  	[tilespmem:s6+$0x0] =	vst v5;
	v10 =	vor.u32 s2, v3;
	p0 =	sne.s32 s2, $0x17F0;
	s2 =	sadd.s32 $0x10, s2;
	s0 =	sadd.s32 $0x10, s0  }
.Ltmp15:
0x244: {  	[tilespmem:s0+$0x0] =	vst v10;
	(pc) =	sbr.rel @p0 .LBB2_26-.Ltmp15, $2  }
0x245: {  	_ =	sdelay $0x2  }
0x246: {  	s6 =	sadd.s32 $0x10, s6  }
0x247: {  	s0 =	simm.s32 $0x0;
	s2 =	simm.s32 $0x200  }
.LBB2_28:
0x248: {  	p0 =	sne.s32 s2, $0xA000;
	[tilespmem:s0+$0x17A70] =	vst v8  }
0x249: {  	[tilespmem:s0+$0x12200] =	vst v6  }
0x24a: {  	[tilespmem:s0+$0x14E00] =	vst v7  }
0x24b: {  	[tilespmem:s0+$0x17A00] =	vst v8  }
0x24c: {  	[tilespmem:s0+$0x12210] =	vst v6  }
0x24d: {  	[tilespmem:s0+$0x14E10] =	vst v7  }
0x24e: {  	[tilespmem:s0+$0x17A10] =	vst v8  }
0x24f: {  	[tilespmem:s0+$0x12220] =	vst v6  }
0x250: {  	[tilespmem:s0+$0x14E20] =	vst v7  }
0x251: {  	[tilespmem:s0+$0x17A20] =	vst v8  }
0x252: {  	[tilespmem:s0+$0x12230] =	vst v6  }
0x253: {  	[tilespmem:s0+$0x14E30] =	vst v7  }
0x254: {  	[tilespmem:s0+$0x17A30] =	vst v8  }
0x255: {  	[tilespmem:s0+$0x12240] =	vst v6  }
0x256: {  	[tilespmem:s0+$0x14E40] =	vst v7  }
0x257: {  	[tilespmem:s0+$0x17A40] =	vst v8  }
0x258: {  	[tilespmem:s0+$0x12250] =	vst v6  }
0x259: {  	[tilespmem:s0+$0x14E50] =	vst v7  }
0x25a: {  	[tilespmem:s0+$0x17A50] =	vst v8  }
.Ltmp16:
0x25b: {  	[tilespmem:s0+$0x12260] =	vst v6;
	(pc) =	sbr.rel @p0 .LBB2_28-.Ltmp16, $4  }
0x25c: {  	[tilespmem:s0+$0x14E60] =	vst v7  }
0x25d: {  	[tilespmem:s0+$0x17A60] =	vst v8  }
0x25e: {  	[tilespmem:s0+$0x12270] =	vst v6  }
0x25f: {  	[tilespmem:s0+$0x14E70] =	vst v7;
	s0 =	sshra.s32 s2, $0x2;
	s2 =	sadd.s32 $0x200, s2  }
0x260: {  	[tilespmem:s0+$0x17A70] =	vst v8  }
0x261: {  	[tilespmem:s0+$0x12200] =	vst v6  }
0x262: {  	[tilespmem:s0+$0x14E00] =	vst v7  }
0x263: {  	[tilespmem:s0+$0x17A00] =	vst v8  }
0x264: {  	[tilespmem:s0+$0x12210] =	vst v6  }
0x265: {  	[tilespmem:s0+$0x14E10] =	vst v7  }
0x266: {  	[tilespmem:s0+$0x17A10] =	vst v8  }
0x267: {  	[tilespmem:s0+$0x12220] =	vst v6  }
0x268: {  	[tilespmem:s0+$0x14E20] =	vst v7  }
0x269: {  	[tilespmem:s0+$0x17A20] =	vst v8  }
0x26a: {  	[tilespmem:s0+$0x12230] =	vst v6  }
0x26b: {  	[tilespmem:s0+$0x14E30] =	vst v7  }
0x26c: {  	[tilespmem:s0+$0x17A30] =	vst v8  }
0x26d: {  	[tilespmem:s0+$0x12240] =	vst v6  }
0x26e: {  	[tilespmem:s0+$0x14E40] =	vst v7  }
0x26f: {  	[tilespmem:s0+$0x17A40] =	vst v8  }
0x270: {  	[tilespmem:s0+$0x12250] =	vst v6  }
0x271: {  	[tilespmem:s0+$0x14E50] =	vst v7  }
0x272: {  	[tilespmem:s0+$0x17A50] =	vst v8  }
0x273: {  	[tilespmem:s0+$0x12260] =	vst v6  }
0x274: {  	[tilespmem:s0+$0x14E60] =	vst v7  }
0x275: {  	[tilespmem:s0+$0x17A60] =	vst v8  }
0x276: {  	[tilespmem:s0+$0x12270] =	vst v6  }
0x277: {  	[tilespmem:s0+$0x14E70] =	vst v7;
	v10 =	vimm.s32 $0x0;
	s0 =	simm.s32 $0x7220;
	s2 =	simm.s32 $0x3220;
	s6 =	smov.u32 s19  }
.LBB2_30:
0x278: {  	v11 =	vld [tilespmem:s2+$0xFFFFFFE0];
	_ =	sdelay $0x4  }
0x279: {  	v11 =	vadd.s32 $0xFFFFFF60, v11  }
0x27a: {  	vm0 =	vlt.u32 v11, $0x50  }
0x27b: {  	v12 =	vsel vm0, $0x1, v2  }
0x27c: {  	(xrf0) =	vadd.scan.msk.s32 $0xffff, v12;
	_ =	sdelay $0x5  }
0x27d: {  	v12, _, _ =	vpop (xrf0)  }
0x27e: {  	v12 =	vadd.s32 v12, v10  }
0x27f: {  	v12 =	vadd.s32 $0xFFFFFFFF, v12  }
0x280: {  	vm1 =	vlt.s32 v12, $0x17EF  }
0x281: {  	v12 =	vnsel vm1, $0x17EF, v12  }
0x282: {  	v12 =	vsel vm0, v12, v9  }
0x283: {  	v13 =	vld [tilespmem:s0+$0xFFFFFFE0];
	_ =	sdelay $0x3  }
0x284: {  	[tilespmem:v12+s29+$0x0] =	vst.idx.msk $0xffff, v11  }
0x285: {  	[tilespmem:v12+s30+$0x0] =	vst.idx.msk $0xffff, v13  }
0x286: {  	v11 =	vld [tilespmem:s2+$0xFFFFFFF0];
	_ =	sdelay $0x4  }
0x287: {  	v11 =	vadd.s32 $0xFFFFFF60, v11  }
0x288: {  	vm10 =	vlt.u32 v11, $0x50  }
0x289: {  	v55 =	vsel vm10, $0x1, v2  }
0x28a: {  	(xrf0) =	vadd.scan.msk.s32 $0xffff, v55;
	_ =	sdelay $0x3  }
0x28b: {  	v56 =	vmpcnt.ones.xlane vm0;
	_ =	sdelay $0x1  }
0x28c: {  	v10 =	vadd.s32 v10, v56;
	v57, _, _ =	vpop (xrf0)  }
0x28d: {  	v12 =	vadd.s32 v57, v10  }
0x28e: {  	v12 =	vadd.s32 $0xFFFFFFFF, v12  }
0x28f: {  	vm11 =	vlt.s32 v12, $0x17EF  }
0x290: {  	v12 =	vnsel vm11, $0x17EF, v12  }
0x291: {  	v12 =	vsel vm10, v12, v9  }
0x292: {  	v13 =	vld [tilespmem:s0+$0xFFFFFFF0];
	_ =	sdelay $0x3  }
0x293: {  	[tilespmem:v12+s29+$0x0] =	vst.idx.msk $0xffff, v11  }
0x294: {  	[tilespmem:v12+s30+$0x0] =	vst.idx.msk $0xffff, v13  }
0x295: {  	v11 =	vld [tilespmem:s2+$0x0];
	_ =	sdelay $0x4  }
0x296: {  	v11 =	vadd.s32 $0xFFFFFF60, v11  }
0x297: {  	vm12 =	vlt.u32 v11, $0x50  }
0x298: {  	v58 =	vsel vm12, $0x1, v2  }
0x299: {  	(xrf0) =	vadd.scan.msk.s32 $0xffff, v58;
	_ =	sdelay $0x3  }
0x29a: {  	v59 =	vmpcnt.ones.xlane vm10;
	_ =	sdelay $0x1  }
0x29b: {  	v10 =	vadd.s32 v10, v59;
	v60, _, _ =	vpop (xrf0)  }
0x29c: {  	v12 =	vadd.s32 v60, v10  }
0x29d: {  	v12 =	vadd.s32 $0xFFFFFFFF, v12  }
0x29e: {  	vm13 =	vlt.s32 v12, $0x17EF  }
0x29f: {  	v12 =	vnsel vm13, $0x17EF, v12  }
0x2a0: {  	v12 =	vsel vm12, v12, v9  }
0x2a1: {  	v13 =	vld [tilespmem:s0+$0x0];
	_ =	sdelay $0x3  }
0x2a2: {  	[tilespmem:v12+s29+$0x0] =	vst.idx.msk $0xffff, v11  }
0x2a3: {  	[tilespmem:v12+s30+$0x0] =	vst.idx.msk $0xffff, v13  }
0x2a4: {  	v11 =	vld [tilespmem:s2+$0x10];
	_ =	sdelay $0x4  }
0x2a5: {  	v11 =	vadd.s32 $0xFFFFFF60, v11  }
0x2a6: {  	vm14 =	vlt.u32 v11, $0x50  }
0x2a7: {  	v61 =	vsel vm14, $0x1, v2  }
0x2a8: {  	(xrf0) =	vadd.scan.msk.s32 $0xffff, v61;
	_ =	sdelay $0x3  }
0x2a9: {  	v62 =	vmpcnt.ones.xlane vm12;
	_ =	sdelay $0x1  }
0x2aa: {  	v10 =	vadd.s32 v10, v62;
	v63, _, _ =	vpop (xrf0)  }
0x2ab: {  	v12 =	vadd.s32 v63, v10  }
0x2ac: {  	v12 =	vadd.s32 $0xFFFFFFFF, v12  }
0x2ad: {  	vm15 =	vlt.s32 v12, $0x17EF  }
0x2ae: {  	v12 =	vnsel vm15, $0x17EF, v12  }
0x2af: {  	v12 =	vsel vm14, v12, v9  }
0x2b0: {  	p0 =	sne.s32 s6, $0x1;
	v13 =	vld [tilespmem:s0+$0x10]  }
.Ltmp17:
0x2b1: {  	_ = 	snop;
	(pc) =	sbr.rel @p0 .LBB2_30-.Ltmp17, $4  }
0x2b2: {  	_ = 	snop  }
0x2b3: {  	v14 =	vmpcnt.ones.xlane vm14  }
0x2b4: {  	[tilespmem:v12+s29+$0x0] =	vst.idx.msk $0xffff, v11  }
0x2b5: {  	s6 =	sadd.s32 $0xFFFFFFFF, s6;
	s0 =	sadd.s32 $0x40, s0;
	s2 =	sadd.s32 $0x40, s2;
	v10 =	vadd.s32 v10, v14;
	[tilespmem:v12+s30+$0x0] =	vst.idx.msk $0xffff, v13  }
0x2b6: {  	v10 =	vxor.u32 $0x80000000, v10  }
0x2b7: {  	(xrf0) =	vmax.scan.msk.u32 $0xffff, v10;
	_ =	sdelay $0x5  }
0x2b8: {  	v10, _, _ =	vpop (xrf0)  }
0x2b9: {  	(v2sf) =	vpush v10, $0xF;
	_ =	sdelay $0x6  }
0x2ba: {  	s7 =	simm.s32 $0xE200  }
0x2bb: {  	[tilespmem:s7], [sflag:$0x3] =	stream.indirect.gather [hbm4b:s5+s31], $0x80, s30, s31, $0xb8;
	[tilespmem:$0x1A600] =	vst v63  }
0x2bc: {  	s8 =	simm.s32 $0xCA20;
	s9 =	simm.s32 $0xF200  }
0x2bd: {  	[tilespmem:s9], [sflag:$0x4] =	stream.indirect.gather [hbm4b:s5+s31], $0x80, s8, s31, $0xb8;
	[tilespmem:$0x1A600] =	vst v63  }
0x2be: {  	s14 =	simm.s32 $0xCA40;
	s16 =	simm.s32 $0x10200  }
0x2bf: {  	[tilespmem:s16], [sflag:$0x5] =	stream.indirect.gather [hbm4b:s5+s31], $0x80, s14, s31, $0xb8;
	[tilespmem:$0x1A600] =	vst v63  }
0x2c0: {  	s20 =	simm.s32 $0xCA60;
	s21 =	simm.s32 $0x11200  }
0x2c1: {  	[tilespmem:s21], [sflag:$0x6] =	stream.indirect.gather [hbm4b:s5+s31], $0x80, s20, s31, $0xb8;
	[tilespmem:$0x1A600] =	vst v63  }
0x2c2: {  	s0 =	spop (v2sf)  }
0x2c3: {  	s0 =	sadd.s32 $0x8000007F, s0  }
0x2c4: {  	s2 =	sand.u32 $0x7F, s0  }
0x2c5: {  	s6 =	sshra.s32 s0, $0x1F;
	p0 =	slt.s32 s0, $0x1;
	p1 =	sne.s32 s2, $0x0  }
0x2c6: {  	s6 =	sshrl.u32 s6, $0x19;
	p0 =	por !p0, !p1  }
0x2c7: {  	s2 =	simm.s32 $0x1;
	s0 =	sadd.s32 s6, s0;
	p0 =	por !p0, !p0  }
0x2c8: {  	s0 =	sshra.s32 s0, $0x7;
	s2 =	simm.s32 @!p0 $0x0  }
0x2c9: {  	s0 =	ssub.s32 s0, s2  }
0x2ca: {  	s0 =	sshll.u32 s0, $0x2  }
0x2cb: {  	p0 =	sgt.s32 s0, $0x4  }
0x2cc: {  	_ =	swait.ge [sflag:s10], $0x1000;
	s0 =	simm.s32 @!p0 $0x4  }
0x2cd: {  	[sflag:s10] =	ssyncset.done $0x0;
	s0 =	smin.u32 s0, $0xBC  }
0x2ce: {  	[sflag:s10] =	ssyncadd.s32 $0xFFFFF000;
	p0 =	sle.u32 s0, $0x4  }
0x2cf: {  	s2 =	simm.s32 @!p0 $0xCA80;
	s6 =	simm.s32 @!p0 $0x20;
	s7 =	simm.s32 @!p0 $0xE200  }
0x2d0: {  	[tilespmem:s7], [sflag:$0x3] =	stream.indirect.gather @!p0 [hbm4b:s5+s6], $0x80, s2, s6, $0xb8;
	[tilespmem:$0x1A600] =	vst v63  }
0x2d1: {  	p0 =	sle.u32 s0, $0x5;
	_ =	swait.ge [sflag:s11], $0x1000  }
0x2d2: {  	s6 =	simm.s32 @!p0 $0xF200;
	[sflag:s11] =	ssyncset.done $0x0  }
0x2d3: {  	s7 =	simm.s32 @!p0 $0xCAA0;
	s8 =	simm.s32 @!p0 $0x20;
	[sflag:s11] =	ssyncadd.s32 $0xFFFFF000  }
0x2d4: {  	[tilespmem:s6], [sflag:$0x4] =	stream.indirect.gather @!p0 [hbm4b:s5+s8], $0x80, s7, s8, $0xb8;
	[tilespmem:$0x1A600] =	vst v63  }
0x2d5: {  	p0 =	sle.u32 s0, $0x6;
	_ =	swait.ge [sflag:s12], $0x1000  }
0x2d6: {  	s2 =	sshll.u32 s0, $0x7;
	s6 =	simm.s32 @!p0 $0x10200;
	[sflag:s12] =	ssyncset.done $0x0  }
0x2d7: {  	s7 =	simm.s32 @!p0 $0xCAC0;
	s8 =	simm.s32 @!p0 $0x20;
	[sflag:s12] =	ssyncadd.s32 $0xFFFFF000  }
0x2d8: {  	[tilespmem:s6], [sflag:$0x5] =	stream.indirect.gather @!p0 [hbm4b:s5+s8], $0x80, s7, s8, $0xb8;
	[tilespmem:$0x1A600] =	vst v63  }
0x2d9: {  	p0 =	sne.s32 s2, $0x200  }
.Ltmp18:
0x2da: {  	_ = 	snop;
	(pc) =	sbr.rel @!p0 .LBB2_33-.Ltmp18, $4  }
0x2db: {  	s20 =	simm.s32 $0x0  }
0x2dc: {  	s21 =	simm.s32 $0x200;
	p1 =	sle.u32 s0, $0x7;
	_ =	swait.ge [sflag:s13], $0x1000  }
0x2dd: {  	s9 =	simm.s32 @!p1 $0x20;
	s6 =	simm.s32 $0x8;
	[sflag:s13] =	ssyncset.done $0x0  }
0x2de: {  	s7 =	simm.s32 @!p1 $0x11200;
	s8 =	simm.s32 @!p1 $0xCAE0;
	[sflag:s13] =	ssyncadd.s32 $0xFFFFF000  }
.LBB2_32:
0x2df: {  	[tilespmem:s7], [sflag:$0x6] =	stream.indirect.gather @!p1 [hbm4b:s5+s9], $0x80, s8, s9, $0xb8;
	[tilespmem:$0x1A600] =	vst v63  }
0x2e0: {  	s7 =	smov.u32 s21;
	s21 =	sadd.s32 $0x200, s21;
	_ =	swait.ge [sflag:s10], $0x1000  }
0x2e1: {  	p0 =	sne.s32 s2, s21;
	[sflag:s10] =	ssyncset.done $0x0  }
0x2e2: {  	p1 =	sge.u32 s6, s0;
	[sflag:s10] =	ssyncadd.s32 $0xFFFFF000  }
0x2e3: {  	s9 =	sadd.s32 $0x1, s6;
	s8 =	sshra.s32 @!p1 s7, $0x2  }
0x2e4: {  	s14 =	simm.s32 @!p1 $0x20;
	s16 =	simm.s32 @!p1 $0xE200;
	s8 =	sadd.s32 @!p1 $0xCA80, s8  }
0x2e5: {  	[tilespmem:s16], [sflag:$0x3] =	stream.indirect.gather @!p1 [hbm4b:s5+s14], $0x80, s8, s14, $0xb8;
	[tilespmem:$0x1A600] =	vst v63  }
0x2e6: {  	p1 =	sge.u32 s9, s0;
	s8 =	sadd.s32 $0x2, s6;
	_ =	swait.ge [sflag:s11], $0x1000  }
0x2e7: {  	s9 =	sshra.s32 @!p1 s7, $0x2;
	s14 =	simm.s32 @!p1 $0xF200;
	[sflag:s11] =	ssyncset.done $0x0  }
0x2e8: {  	s16 =	simm.s32 @!p1 $0x20;
	s9 =	sadd.s32 @!p1 $0xCAA0, s9;
	[sflag:s11] =	ssyncadd.s32 $0xFFFFF000  }
0x2e9: {  	[tilespmem:s14], [sflag:$0x4] =	stream.indirect.gather @!p1 [hbm4b:s5+s16], $0x80, s9, s16, $0xb8;
	[tilespmem:$0x1A600] =	vst v63  }
0x2ea: {  	p1 =	sge.u32 s8, s0  }
0x2eb: {  	s8 =	sadd.s32 $0x3, s6;
	_ =	swait.ge [sflag:s12], $0x1000;
	s9 =	sshra.s32 @!p1 s7, $0x2  }
0x2ec: {  	s14 =	simm.s32 @!p1 $0x10200;
	s16 =	simm.s32 @!p1 $0x20;
	[sflag:s12] =	ssyncset.done $0x0  }
.Ltmp19:
0x2ed: {  	s9 =	sadd.s32 @!p1 $0xCAC0, s9;
	[sflag:s12] =	ssyncadd.s32 $0xFFFFF000;
	(pc) =	sbr.rel @p0 .LBB2_32-.Ltmp19, $4  }
0x2ee: {  	[tilespmem:s14], [sflag:$0x5] =	stream.indirect.gather @!p1 [hbm4b:s5+s16], $0x80, s9, s16, $0xb8;
	[tilespmem:$0x1A600] =	vst v63  }
0x2ef: {  	s6 =	sadd.s32 $0x4, s6;
	p1 =	sge.u32 s8, s0;
	_ =	swait.ge [sflag:s13], $0x1000  }
0x2f0: {  	s8 =	sshra.s32 @!p1 s7, $0x2;
	s7 =	simm.s32 @!p1 $0x11200;
	[sflag:s13] =	ssyncset.done $0x0  }
0x2f1: {  	s9 =	simm.s32 @!p1 $0x20;
	s8 =	sadd.s32 @!p1 $0xCAE0, s8;
	[sflag:s13] =	ssyncadd.s32 $0xFFFFF000  }
.LBB2_33:
0x2f2: {  	[tilespmem:s7], [sflag:$0x6] =	stream.indirect.gather @!p1 [hbm4b:s5+s9], $0x80, s8, s9, $0xb8;
	[tilespmem:$0x1A600] =	vst v63  }
0x2f3: {  	s0 =	rddreg [dreg:$0xb];
	s2 =	simm.s32 $0x12200  }
0x2f4: {  	[hbm4b:s0+s20] =	stream.linear.scatter [tilespmem:s2], [sflag:$0x7], $0x2800, $0x38;
	[tilespmem:$0x1A600] =	vst v63  }
0x2f5: {  	_ =	swait.ge [sflag:s15], $0x2800  }
0x2f6: {  	[sflag:s15] =	ssyncset.done $0x0  }
0x2f7: {  	s14 =	simm.s32 $0x14E00;
	s9 =	rddreg [dreg:$0xc];
	[sflag:s15] =	ssyncadd.s32 $0xFFFFD800  }
0x2f8: {  	[hbm4b:s9+s20] =	stream.linear.scatter [tilespmem:s14], [sflag:$0x7], $0x2800, $0x38;
	[tilespmem:$0x1A600] =	vst v63  }
0x2f9: {  	_ =	swait.ge [sflag:s15], $0x2800  }
0x2fa: {  	[sflag:s15] =	ssyncset.done $0x0  }
0x2fb: {  	s16 =	rddreg [dreg:$0xd];
	[sflag:s15] =	ssyncadd.s32 $0xFFFFD800  }
0x2fc: {  	[hbm4b:s16+s20] =	stream.linear.scatter [tilespmem:s17], [sflag:$0x7], $0x2800, $0x38;
	[tilespmem:$0x1A600] =	vst v63  }
0x2fd: {  	_ =	swait.ge [sflag:s15], $0x2800  }
0x2fe: {  	[sflag:s15] =	ssyncset.done $0x0  }
0x2ff: {  	s21 =	simm.s32 $0xB200;
	[sflag:s15] =	ssyncadd.s32 $0xFFFFD800  }
0x300: {  	v10 =	vor.u32 s20, v3;
	s0 =	simm.s32 $0xCA00;
	[tilespmem:s21+$0x0] =	vst v5  }
0x301: {  	s6 =	simm.s32 $0xB210;
	s2 =	simm.s32 $0x10;
	[tilespmem:s0+$0x0] =	vst v10  }
.LBB2_34:
0x302: {  	[tilespmem:s6+$0x0] =	vst v5;
	v10 =	vor.u32 s2, v3;
	p0 =	sne.s32 s2, $0x17F0;
	s2 =	sadd.s32 $0x10, s2;
	s0 =	sadd.s32 $0x10, s0  }
.Ltmp20:
0x303: {  	[tilespmem:s0+$0x0] =	vst v10;
	(pc) =	sbr.rel @p0 .LBB2_34-.Ltmp20, $2  }
0x304: {  	_ =	sdelay $0x2  }
0x305: {  	s6 =	sadd.s32 $0x10, s6  }
0x306: {  	s0 =	simm.s32 $0x0;
	s2 =	simm.s32 $0x200  }
.LBB2_36:
0x307: {  	p0 =	sne.s32 s2, $0xA000;
	[tilespmem:s0+$0x17A70] =	vst v8  }
0x308: {  	[tilespmem:s0+$0x12200] =	vst v6  }
0x309: {  	[tilespmem:s0+$0x14E00] =	vst v7  }
0x30a: {  	[tilespmem:s0+$0x17A00] =	vst v8  }
0x30b: {  	[tilespmem:s0+$0x12210] =	vst v6  }
0x30c: {  	[tilespmem:s0+$0x14E10] =	vst v7  }
0x30d: {  	[tilespmem:s0+$0x17A10] =	vst v8  }
0x30e: {  	[tilespmem:s0+$0x12220] =	vst v6  }
0x30f: {  	[tilespmem:s0+$0x14E20] =	vst v7  }
0x310: {  	[tilespmem:s0+$0x17A20] =	vst v8  }
0x311: {  	[tilespmem:s0+$0x12230] =	vst v6  }
0x312: {  	[tilespmem:s0+$0x14E30] =	vst v7  }
0x313: {  	[tilespmem:s0+$0x17A30] =	vst v8  }
0x314: {  	[tilespmem:s0+$0x12240] =	vst v6  }
0x315: {  	[tilespmem:s0+$0x14E40] =	vst v7  }
0x316: {  	[tilespmem:s0+$0x17A40] =	vst v8  }
0x317: {  	[tilespmem:s0+$0x12250] =	vst v6  }
0x318: {  	[tilespmem:s0+$0x14E50] =	vst v7  }
0x319: {  	[tilespmem:s0+$0x17A50] =	vst v8  }
.Ltmp21:
0x31a: {  	[tilespmem:s0+$0x12260] =	vst v6;
	(pc) =	sbr.rel @p0 .LBB2_36-.Ltmp21, $4  }
0x31b: {  	[tilespmem:s0+$0x14E60] =	vst v7  }
0x31c: {  	[tilespmem:s0+$0x17A60] =	vst v8  }
0x31d: {  	[tilespmem:s0+$0x12270] =	vst v6  }
0x31e: {  	[tilespmem:s0+$0x14E70] =	vst v7;
	s0 =	sshra.s32 s2, $0x2;
	s2 =	sadd.s32 $0x200, s2  }
0x31f: {  	[tilespmem:s0+$0x17A70] =	vst v8  }
0x320: {  	[tilespmem:s0+$0x12200] =	vst v6  }
0x321: {  	[tilespmem:s0+$0x14E00] =	vst v7  }
0x322: {  	[tilespmem:s0+$0x17A00] =	vst v8  }
0x323: {  	[tilespmem:s0+$0x12210] =	vst v6  }
0x324: {  	[tilespmem:s0+$0x14E10] =	vst v7  }
0x325: {  	[tilespmem:s0+$0x17A10] =	vst v8  }
0x326: {  	[tilespmem:s0+$0x12220] =	vst v6  }
0x327: {  	[tilespmem:s0+$0x14E20] =	vst v7  }
0x328: {  	[tilespmem:s0+$0x17A20] =	vst v8  }
0x329: {  	[tilespmem:s0+$0x12230] =	vst v6  }
0x32a: {  	[tilespmem:s0+$0x14E30] =	vst v7  }
0x32b: {  	[tilespmem:s0+$0x17A30] =	vst v8  }
0x32c: {  	[tilespmem:s0+$0x12240] =	vst v6  }
0x32d: {  	[tilespmem:s0+$0x14E40] =	vst v7  }
0x32e: {  	[tilespmem:s0+$0x17A40] =	vst v8  }
0x32f: {  	[tilespmem:s0+$0x12250] =	vst v6  }
0x330: {  	[tilespmem:s0+$0x14E50] =	vst v7  }
0x331: {  	[tilespmem:s0+$0x17A50] =	vst v8  }
0x332: {  	[tilespmem:s0+$0x12260] =	vst v6  }
0x333: {  	[tilespmem:s0+$0x14E60] =	vst v7  }
0x334: {  	[tilespmem:s0+$0x17A60] =	vst v8  }
0x335: {  	[tilespmem:s0+$0x12270] =	vst v6  }
0x336: {  	[tilespmem:s0+$0x14E70] =	vst v7;
	v10 =	vimm.s32 $0x0;
	s0 =	simm.s32 $0x7220;
	s2 =	simm.s32 $0x3220  }
.LBB2_38:
0x337: {  	v11 =	vld [tilespmem:s2+$0xFFFFFFE0];
	_ =	sdelay $0x4  }
0x338: {  	v11 =	vadd.s32 $0xFFFFFF10, v11  }
0x339: {  	vm0 =	vlt.u32 v11, $0x50  }
0x33a: {  	v12 =	vsel vm0, $0x1, v2  }
0x33b: {  	(xrf0) =	vadd.scan.msk.s32 $0xffff, v12;
	_ =	sdelay $0x5  }
0x33c: {  	v12, _, _ =	vpop (xrf0)  }
0x33d: {  	v12 =	vadd.s32 v12, v10  }
0x33e: {  	v12 =	vadd.s32 $0xFFFFFFFF, v12  }
0x33f: {  	vm1 =	vlt.s32 v12, $0x17EF  }
0x340: {  	v12 =	vnsel vm1, $0x17EF, v12  }
0x341: {  	v12 =	vsel vm0, v12, v9  }
0x342: {  	v13 =	vld [tilespmem:s0+$0xFFFFFFE0];
	_ =	sdelay $0x3  }
0x343: {  	[tilespmem:v12+s29+$0x0] =	vst.idx.msk $0xffff, v11  }
0x344: {  	[tilespmem:v12+s30+$0x0] =	vst.idx.msk $0xffff, v13  }
0x345: {  	v11 =	vld [tilespmem:s2+$0xFFFFFFF0];
	_ =	sdelay $0x4  }
0x346: {  	v11 =	vadd.s32 $0xFFFFFF10, v11  }
0x347: {  	vm10 =	vlt.u32 v11, $0x50  }
0x348: {  	v55 =	vsel vm10, $0x1, v2  }
0x349: {  	(xrf0) =	vadd.scan.msk.s32 $0xffff, v55;
	_ =	sdelay $0x3  }
0x34a: {  	v56 =	vmpcnt.ones.xlane vm0;
	_ =	sdelay $0x1  }
0x34b: {  	v10 =	vadd.s32 v10, v56;
	v57, _, _ =	vpop (xrf0)  }
0x34c: {  	v12 =	vadd.s32 v57, v10  }
0x34d: {  	v12 =	vadd.s32 $0xFFFFFFFF, v12  }
0x34e: {  	vm11 =	vlt.s32 v12, $0x17EF  }
0x34f: {  	v12 =	vnsel vm11, $0x17EF, v12  }
0x350: {  	v12 =	vsel vm10, v12, v9  }
0x351: {  	v13 =	vld [tilespmem:s0+$0xFFFFFFF0];
	_ =	sdelay $0x3  }
0x352: {  	[tilespmem:v12+s29+$0x0] =	vst.idx.msk $0xffff, v11  }
0x353: {  	[tilespmem:v12+s30+$0x0] =	vst.idx.msk $0xffff, v13  }
0x354: {  	v11 =	vld [tilespmem:s2+$0x0];
	_ =	sdelay $0x4  }
0x355: {  	v11 =	vadd.s32 $0xFFFFFF10, v11  }
0x356: {  	vm12 =	vlt.u32 v11, $0x50  }
0x357: {  	v58 =	vsel vm12, $0x1, v2  }
0x358: {  	(xrf0) =	vadd.scan.msk.s32 $0xffff, v58;
	_ =	sdelay $0x3  }
0x359: {  	v59 =	vmpcnt.ones.xlane vm10;
	_ =	sdelay $0x1  }
0x35a: {  	v10 =	vadd.s32 v10, v59;
	v60, _, _ =	vpop (xrf0)  }
0x35b: {  	v12 =	vadd.s32 v60, v10  }
0x35c: {  	v12 =	vadd.s32 $0xFFFFFFFF, v12  }
0x35d: {  	vm13 =	vlt.s32 v12, $0x17EF  }
0x35e: {  	v12 =	vnsel vm13, $0x17EF, v12  }
0x35f: {  	v12 =	vsel vm12, v12, v9  }
0x360: {  	v13 =	vld [tilespmem:s0+$0x0];
	_ =	sdelay $0x3  }
0x361: {  	[tilespmem:v12+s29+$0x0] =	vst.idx.msk $0xffff, v11  }
0x362: {  	[tilespmem:v12+s30+$0x0] =	vst.idx.msk $0xffff, v13  }
0x363: {  	v11 =	vld [tilespmem:s2+$0x10];
	_ =	sdelay $0x4  }
0x364: {  	v11 =	vadd.s32 $0xFFFFFF10, v11  }
0x365: {  	vm14 =	vlt.u32 v11, $0x50  }
0x366: {  	v61 =	vsel vm14, $0x1, v2  }
0x367: {  	(xrf0) =	vadd.scan.msk.s32 $0xffff, v61;
	_ =	sdelay $0x3  }
0x368: {  	v62 =	vmpcnt.ones.xlane vm12;
	_ =	sdelay $0x1  }
0x369: {  	v10 =	vadd.s32 v10, v62;
	v63, _, _ =	vpop (xrf0)  }
0x36a: {  	v12 =	vadd.s32 v63, v10  }
0x36b: {  	v12 =	vadd.s32 $0xFFFFFFFF, v12  }
0x36c: {  	vm15 =	vlt.s32 v12, $0x17EF  }
0x36d: {  	v12 =	vnsel vm15, $0x17EF, v12  }
0x36e: {  	v12 =	vsel vm14, v12, v9  }
0x36f: {  	p0 =	sne.s32 s19, $0x1;
	v13 =	vld [tilespmem:s0+$0x10]  }
.Ltmp22:
0x370: {  	_ = 	snop;
	(pc) =	sbr.rel @p0 .LBB2_38-.Ltmp22, $4  }
0x371: {  	_ = 	snop  }
0x372: {  	v14 =	vmpcnt.ones.xlane vm14  }
0x373: {  	[tilespmem:v12+s29+$0x0] =	vst.idx.msk $0xffff, v11  }
0x374: {  	s19 =	sadd.s32 $0xFFFFFFFF, s19;
	s0 =	sadd.s32 $0x40, s0;
	s2 =	sadd.s32 $0x40, s2;
	v10 =	vadd.s32 v10, v14;
	[tilespmem:v12+s30+$0x0] =	vst.idx.msk $0xffff, v13  }
0x375: {  	v10 =	vxor.u32 $0x80000000, v10  }
0x376: {  	(xrf0) =	vmax.scan.msk.u32 $0xffff, v10;
	_ =	sdelay $0x5  }
0x377: {  	v10, _, _ =	vpop (xrf0)  }
0x378: {  	(v2sf) =	vpush v10, $0xF;
	_ =	sdelay $0x6  }
0x379: {  	s8 =	simm.s32 $0xE200  }
0x37a: {  	[tilespmem:s8], [sflag:$0x3] =	stream.indirect.gather [hbm4b:s5+s31], $0x80, s30, s31, $0xb8;
	[tilespmem:$0x1A600] =	vst v63  }
0x37b: {  	s9 =	simm.s32 $0xCA20;
	s14 =	simm.s32 $0xF200  }
0x37c: {  	[tilespmem:s14], [sflag:$0x4] =	stream.indirect.gather [hbm4b:s5+s31], $0x80, s9, s31, $0xb8;
	[tilespmem:$0x1A600] =	vst v63  }
0x37d: {  	s16 =	simm.s32 $0xCA40;
	s19 =	simm.s32 $0x10200  }
0x37e: {  	[tilespmem:s19], [sflag:$0x5] =	stream.indirect.gather [hbm4b:s5+s31], $0x80, s16, s31, $0xb8;
	[tilespmem:$0x1A600] =	vst v63  }
0x37f: {  	s20 =	simm.s32 $0xCA60;
	s21 =	simm.s32 $0x11200  }
0x380: {  	[tilespmem:s21], [sflag:$0x6] =	stream.indirect.gather [hbm4b:s5+s31], $0x80, s20, s31, $0xb8;
	[tilespmem:$0x1A600] =	vst v63  }
0x381: {  	s0 =	spop (v2sf)  }
0x382: {  	s0 =	sadd.s32 $0x8000007F, s0  }
0x383: {  	s2 =	sand.u32 $0x7F, s0  }
0x384: {  	s6 =	sshra.s32 s0, $0x1F;
	p0 =	slt.s32 s0, $0x1;
	p1 =	sne.s32 s2, $0x0  }
0x385: {  	s7 =	sshrl.u32 s6, $0x19;
	p0 =	por !p0, !p1  }
0x386: {  	s2 =	simm.s32 $0x1;
	s0 =	sadd.s32 s7, s0;
	p0 =	por !p0, !p0  }
0x387: {  	s0 =	sshra.s32 s0, $0x7;
	s2 =	simm.s32 @!p0 $0x0  }
0x388: {  	s0 =	ssub.s32 s0, s2  }
0x389: {  	s0 =	sshll.u32 s0, $0x2  }
0x38a: {  	p0 =	sgt.s32 s0, $0x4  }
0x38b: {  	_ =	swait.ge [sflag:s10], $0x1000;
	s0 =	simm.s32 @!p0 $0x4  }
0x38c: {  	[sflag:s10] =	ssyncset.done $0x0;
	s0 =	smin.u32 s0, $0xBC  }
0x38d: {  	[sflag:s10] =	ssyncadd.s32 $0xFFFFF000;
	p0 =	sle.u32 s0, $0x4  }
0x38e: {  	s2 =	simm.s32 @!p0 $0xCA80;
	s6 =	simm.s32 @!p0 $0x20;
	s7 =	simm.s32 @!p0 $0xE200  }
0x38f: {  	[tilespmem:s7], [sflag:$0x3] =	stream.indirect.gather @!p0 [hbm4b:s5+s6], $0x80, s2, s6, $0xb8;
	[tilespmem:$0x1A600] =	vst v63  }
0x390: {  	p0 =	sle.u32 s0, $0x5;
	_ =	swait.ge [sflag:s11], $0x1000  }
0x391: {  	s2 =	simm.s32 @!p0 $0xF200;
	[sflag:s11] =	ssyncset.done $0x0  }
0x392: {  	s6 =	simm.s32 @!p0 $0xCAA0;
	s7 =	simm.s32 @!p0 $0x20;
	[sflag:s11] =	ssyncadd.s32 $0xFFFFF000  }
0x393: {  	[tilespmem:s2], [sflag:$0x4] =	stream.indirect.gather @!p0 [hbm4b:s5+s7], $0x80, s6, s7, $0xb8;
	[tilespmem:$0x1A600] =	vst v63  }
0x394: {  	p0 =	sle.u32 s0, $0x6;
	_ =	swait.ge [sflag:s12], $0x1000  }
0x395: {  	s2 =	sshll.u32 s0, $0x7;
	s6 =	simm.s32 @!p0 $0x10200;
	[sflag:s12] =	ssyncset.done $0x0  }
0x396: {  	s7 =	simm.s32 @!p0 $0xCAC0;
	s8 =	simm.s32 @!p0 $0x20;
	[sflag:s12] =	ssyncadd.s32 $0xFFFFF000  }
0x397: {  	[tilespmem:s6], [sflag:$0x5] =	stream.indirect.gather @!p0 [hbm4b:s5+s8], $0x80, s7, s8, $0xb8;
	[tilespmem:$0x1A600] =	vst v63  }
0x398: {  	p0 =	sne.s32 s2, $0x200  }
.Ltmp23:
0x399: {  	_ = 	snop;
	(pc) =	sbr.rel @!p0 .LBB2_41-.Ltmp23, $4  }
0x39a: {  	_ = 	snop  }
0x39b: {  	s19 =	simm.s32 $0x200;
	p1 =	sle.u32 s0, $0x7;
	_ =	swait.ge [sflag:s13], $0x1000  }
0x39c: {  	s9 =	simm.s32 @!p1 $0x20;
	s6 =	simm.s32 $0x8;
	[sflag:s13] =	ssyncset.done $0x0  }
0x39d: {  	s7 =	simm.s32 @!p1 $0x11200;
	s8 =	simm.s32 @!p1 $0xCAE0;
	[sflag:s13] =	ssyncadd.s32 $0xFFFFF000  }
.LBB2_40:
0x39e: {  	[tilespmem:s7], [sflag:$0x6] =	stream.indirect.gather @!p1 [hbm4b:s5+s9], $0x80, s8, s9, $0xb8;
	[tilespmem:$0x1A600] =	vst v63  }
0x39f: {  	s7 =	smov.u32 s19;
	s19 =	sadd.s32 $0x200, s19;
	_ =	swait.ge [sflag:s10], $0x1000  }
0x3a0: {  	p0 =	sne.s32 s2, s19;
	[sflag:s10] =	ssyncset.done $0x0  }
0x3a1: {  	p1 =	sge.u32 s6, s0;
	[sflag:s10] =	ssyncadd.s32 $0xFFFFF000  }
0x3a2: {  	s9 =	sadd.s32 $0x1, s6;
	s8 =	sshra.s32 @!p1 s7, $0x2  }
0x3a3: {  	s14 =	simm.s32 @!p1 $0x20;
	s16 =	simm.s32 @!p1 $0xE200;
	s8 =	sadd.s32 @!p1 $0xCA80, s8  }
0x3a4: {  	[tilespmem:s16], [sflag:$0x3] =	stream.indirect.gather @!p1 [hbm4b:s5+s14], $0x80, s8, s14, $0xb8;
	[tilespmem:$0x1A600] =	vst v63  }
0x3a5: {  	p1 =	sge.u32 s9, s0;
	s8 =	sadd.s32 $0x2, s6;
	_ =	swait.ge [sflag:s11], $0x1000  }
0x3a6: {  	s9 =	sshra.s32 @!p1 s7, $0x2;
	s14 =	simm.s32 @!p1 $0xF200;
	[sflag:s11] =	ssyncset.done $0x0  }
0x3a7: {  	s16 =	simm.s32 @!p1 $0x20;
	s9 =	sadd.s32 @!p1 $0xCAA0, s9;
	[sflag:s11] =	ssyncadd.s32 $0xFFFFF000  }
0x3a8: {  	[tilespmem:s14], [sflag:$0x4] =	stream.indirect.gather @!p1 [hbm4b:s5+s16], $0x80, s9, s16, $0xb8;
	[tilespmem:$0x1A600] =	vst v63  }
0x3a9: {  	p1 =	sge.u32 s8, s0  }
0x3aa: {  	s8 =	sadd.s32 $0x3, s6;
	_ =	swait.ge [sflag:s12], $0x1000;
	s9 =	sshra.s32 @!p1 s7, $0x2  }
0x3ab: {  	s14 =	simm.s32 @!p1 $0x10200;
	s16 =	simm.s32 @!p1 $0x20;
	[sflag:s12] =	ssyncset.done $0x0  }
.Ltmp24:
0x3ac: {  	s9 =	sadd.s32 @!p1 $0xCAC0, s9;
	[sflag:s12] =	ssyncadd.s32 $0xFFFFF000;
	(pc) =	sbr.rel @p0 .LBB2_40-.Ltmp24, $4  }
0x3ad: {  	[tilespmem:s14], [sflag:$0x5] =	stream.indirect.gather @!p1 [hbm4b:s5+s16], $0x80, s9, s16, $0xb8;
	[tilespmem:$0x1A600] =	vst v63  }
0x3ae: {  	s6 =	sadd.s32 $0x4, s6;
	p1 =	sge.u32 s8, s0;
	_ =	swait.ge [sflag:s13], $0x1000  }
0x3af: {  	s8 =	sshra.s32 @!p1 s7, $0x2;
	s7 =	simm.s32 @!p1 $0x11200;
	[sflag:s13] =	ssyncset.done $0x0  }
0x3b0: {  	s9 =	simm.s32 @!p1 $0x20;
	s8 =	sadd.s32 @!p1 $0xCAE0, s8;
	[sflag:s13] =	ssyncadd.s32 $0xFFFFF000  }
.LBB2_41:
0x3b1: {  	[tilespmem:s7], [sflag:$0x6] =	stream.indirect.gather @!p1 [hbm4b:s5+s9], $0x80, s8, s9, $0xb8;
	[tilespmem:$0x1A600] =	vst v63  }
0x3b2: {  	s0 =	rddreg [dreg:$0xe];
	s2 =	simm.s32 $0x12200  }
0x3b3: {  	[hbm4b:s0+s3] =	stream.linear.scatter [tilespmem:s2], [sflag:$0x7], $0x2800, $0x38;
	[tilespmem:$0x1A600] =	vst v63  }
0x3b4: {  	_ =	swait.ge [sflag:s15], $0x2800  }
0x3b5: {  	[sflag:s15] =	ssyncset.done $0x0  }
0x3b6: {  	s19 =	simm.s32 $0x14E00;
	s16 =	rddreg [dreg:$0xf];
	[sflag:s15] =	ssyncadd.s32 $0xFFFFD800  }
0x3b7: {  	[hbm4b:s16+s3] =	stream.linear.scatter [tilespmem:s19], [sflag:$0x7], $0x2800, $0x38;
	[tilespmem:$0x1A600] =	vst v63  }
0x3b8: {  	_ =	swait.ge [sflag:s15], $0x2800  }
0x3b9: {  	[sflag:s15] =	ssyncset.done $0x0  }
0x3ba: {  	s20 =	rddreg [dreg:$0x10];
	[sflag:s15] =	ssyncadd.s32 $0xFFFFD800  }
0x3bb: {  	[hbm4b:s20+s3] =	stream.linear.scatter [tilespmem:s17], [sflag:$0x7], $0x2800, $0x38;
	[tilespmem:$0x1A600] =	vst v63  }
0x3bc: {  	_ =	swait.ge [sflag:s15], $0x2800  }
0x3bd: {  	s18 =	sadd.s32 $0x1, s18;
	s21 =	rddreg [dreg:$0x11]  }
0x3be: {  	p0 =	sne.s32 s18, s21  }
.Ltmp25:
0x3bf: {  	_ = 	snop;
	(pc) =	sbr.rel @p0 .LBB2_1-.Ltmp25, $3  }
0x3c0: {  	_ =	sdelay $0x1  }
0x3c1: {  	[sflag:s15] =	ssyncset.done $0x0  }
0x3c2: {  	[sflag:s15] =	ssyncadd.s32 $0xFFFFD800  }
0x3c3: {  	_ =	sfence.sel $0x180000  }
0x3c4: {  	[bflag:$0x0] =	sbarrier.arrive $0xFFFF  }
0x3c5: {  	_ =	strace $0x90000047  }
0x3c6: {  	s0 =	stileid.u32;
	[bflag:$0x2] =	sbarrier.arrive $0xFFFF  }
0x3c7: {  	p0 =	sne.s32 s0, $0x0;
	s0 =	rddreg [dreg:$0x2]  }
0x3c8: {  	s0 =	sadd.s32 @!p0 $0x100000, s0  }
0x3c9: {  	[sflag:s0] =	ssyncadd.tile.s32 @!p0 $0x1;
	_ =	shalt  }
.Lfunc_end2:
_tile_overlayer_lowered:
.L_overlay_start_2:
0x3ca: {  	(tag) =	ssettag $0x2  }
0x3cb: {  	s0 =	rddreg [dreg:$0x0];
	s2 =	stileid.u32  }
0x3cc: {  	s1 =	rddreg [dreg:$0x1];
	p0 =	sne.s32 s2, $0x0  }
0x3cd: {  	s3 =	rddreg [dreg:$0x2];
	[bflag:$0x3] =	sbarrier.arrive $0xFFFF;
	s2 =	simm.s32 @!p0 $0x1C07  }
0x3ce: {  	[timem:s3], [sflag:s2] =	dma.local @!p0 [hbm:s0], s1  }
0x3cf: {  	s0 =	simm.s32 @!p0 $0x7  }
0x3d0: {  	_ =	swait.ge @!p0 [sflag:s0], s1  }
0x3d1: {  	s1 =	ssub.s32 @!p0 $0x0, s1;
	[sflag:s0] =	ssyncset.done @!p0 $0x0  }
0x3d2: {  	[sflag:s0] =	ssyncadd.s32 @!p0 s1  }
0x3d3: {  	[bflag:$0x3] =	sbarrier.arrive $0xFFFF  }
0x3d4: {  	_ =	shalt  }

</sc_bundles>
